<compile_context>
chip_gen: v7x
topology: tpu7x:2x2x1
jax: 0.10.2.dev20260603
libtpu: 0.0.44.dev20260713+nightly
codegen_flags: <defaults>
</compile_context>

<pallas_src>
import functools

import jax
import jax.numpy as jnp
from jax import lax
from jax.experimental import pallas as pl
from jax.experimental.pallas import tpu as pltpu
from jax.experimental.pallas import tpu_sc as plsc

N = 10000
E = 320000
D_EDGE = 16
H = 128
HH = 64

NUM_TILES = 16
CHUNK = 64
CH2 = CHUNK // 2
NCH = 320
IBLK = 8
NIB = NCH // IBLK
E_PAD = NUM_TILES * NCH * CHUNK
N_ACC = 10240
ROWS_PER_TILE = N_ACC // NUM_TILES

def _sc_aggregate_body(htab, e2, src2, dst2, tvec, agg, acc, sidx, didx, g_v,
                       e_v, o_v, tv, gsem, esem, ssem):
    c = lax.axis_index("c")
    s = lax.axis_index("s")

    pltpu.sync_copy(tvec, tv)

    def _zrow(i, _):
        for b in range(2):
            for k in range(8):
                o_v[b, i, pl.ds(16 * k, 16)] = jnp.zeros((16,), jnp.float32)
        return 0

    lax.fori_loop(0, CHUNK, _zrow, 0)

    zbase = s * ROWS_PER_TILE

    def _zcopy(j, _):
        z0 = pl.multiple_of(zbase + j * CHUNK, 8)
        pltpu.sync_copy(o_v.at[0], acc.at[pl.ds(z0, CHUNK)])
        return 0

    lax.fori_loop(0, ROWS_PER_TILE // CHUNK, _zcopy, 0)

    plsc.subcore_barrier()

    wbase = s * NCH * CHUNK
    irow = s * NCH
    e_base = c * E_PAD + wbase
    cb = c * HH
    tvv = tv[...]

    def _fire_in(ci, b):
        q = lax.rem(ci, IBLK)
        s2 = lax.rem(ci // IBLK, 2)
        pltpu.async_copy(htab.at[sidx.at[s2, q]], g_v.at[b], gsem)
        eb = pl.multiple_of(e_base + ci * CHUNK, 8)
        pltpu.async_copy(e2.at[pl.ds(eb, CHUNK)], e_v.at[b], esem)

    pltpu.sync_copy(src2.at[c, pl.ds(pl.multiple_of(irow, 8), IBLK)],
                    sidx.at[0])
    pltpu.sync_copy(dst2.at[pl.ds(pl.multiple_of(irow, 8), IBLK)], didx)
    for b in range(2):
        _fire_in(b, b)

    def _blk(bi, _):
        @pl.when(bi > 0)
        def _():
            for _i in range(2):
                pltpu.make_async_copy(o_v.at[0], acc.at[didx.at[0]], ssem).wait()
            r0 = pl.multiple_of(irow + bi * IBLK, 8)
            pltpu.sync_copy(dst2.at[pl.ds(r0, IBLK)], didx)

        @pl.when(bi < NIB - 1)
        def _():
            r1 = pl.multiple_of(irow + (bi + 1) * IBLK, 8)
            pltpu.sync_copy(src2.at[c, pl.ds(r1, IBLK)],
                            sidx.at[lax.rem(bi + 1, 2)])

        def _pair(cp, _):
            for b in range(2):
                lq = 2 * cp + b
                ci = bi * IBLK + lq
                pltpu.make_async_copy(htab.at[sidx.at[0, 0]], g_v.at[b], gsem).wait()
                pltpu.make_async_copy(e2.at[pl.ds(0, CHUNK)], e_v.at[b], esem).wait()

                @pl.when(cp >= 1)
                def _():
                    pltpu.make_async_copy(o_v.at[0], acc.at[didx.at[0]], ssem).wait()

                @plsc.parallel_loop(0, CHUNK, unroll=2)
                def _edge(i):
                    for k in range(4):
                        g = g_v[b, i, pl.ds(16 * k, 16)]
                        ee = e_v[b, i, pl.ds(16 * k, 16)]
                        m = jnp.maximum(g + ee, 0.0) + 1e-7
                        w = jnp.exp(m * tvv)
                        o_v[b, i, pl.ds(16 * k, 16)] = m * w
                        o_v[b, i, pl.ds(HH + 16 * k, 16)] = w
                pltpu.async_copy(o_v.at[b], acc.at[didx.at[lq]], ssem, add=True)

                @pl.when(ci + 2 < NCH)
                def _():
                    _fire_in(ci + 2, b)
            return 0

        lax.fori_loop(0, IBLK // 2, _pair, 0)
        return 0

    lax.fori_loop(0, NIB, _blk, 0)

    for _i in range(2):
        pltpu.make_async_copy(o_v.at[0], acc.at[didx.at[0]], ssem).wait()

    plsc.subcore_barrier()

    rbase = s * ROWS_PER_TILE

    def _out(j, _):
        r0 = pl.multiple_of(rbase + j * CHUNK, 8)
        pltpu.sync_copy(acc.at[pl.ds(r0, CHUNK)], o_v.at[0])

        @plsc.parallel_loop(0, CHUNK, unroll=2)
        def _row(r):
            for k in range(4):
                num = o_v[0, r, pl.ds(16 * k, 16)]
                den = o_v[0, r, pl.ds(HH + 16 * k, 16)]
                e_v[0, r, pl.ds(16 * k, 16)] = num / (den + 1e-16)
        pltpu.sync_copy(e_v.at[0], agg.at[c, pl.ds(r0, CHUNK)])
        return 0

    lax.fori_loop(0, ROWS_PER_TILE // CHUNK, _out, 0)


@functools.cache
def _sc_aggregate():
    mesh = plsc.VectorSubcoreMesh(
        core_axis_name="c", subcore_axis_name="s", num_cores=2, num_subcores=16
    )
    return pl.kernel(
        _sc_aggregate_body,
        out_type=jax.ShapeDtypeStruct((2, N_ACC, HH), jnp.float32),
        mesh=mesh,
        compiler_params=pltpu.CompilerParams(use_tc_tiling_on_sc=False),
        scratch_types=[
            pltpu.VMEM_SHARED((N_ACC, H), jnp.float32),
            pltpu.VMEM((2, IBLK, CHUNK), jnp.int32),
            pltpu.VMEM((IBLK, CHUNK), jnp.int32),
            pltpu.VMEM((2, CHUNK, HH), jnp.float32),
            pltpu.VMEM((2, CHUNK, HH), jnp.float32),
            pltpu.VMEM((2, CHUNK, H), jnp.float32),
            pltpu.VMEM((16,), jnp.float32),
            pltpu.SemaphoreType.DMA,
            pltpu.SemaphoreType.DMA,
            pltpu.SemaphoreType.DMA,
        ],
    )



_NBLK = 1000
_EBLK = 2048


def _ln(z, g, b):
    mu = jnp.mean(z, axis=-1, keepdims=True)
    var = jnp.mean((z - mu) ** 2, axis=-1, keepdims=True)
    return (z - mu) / jnp.sqrt(var + 1e-5) * g + b


def _enc_node_body(x_ref, w_ref, b_ref, h_ref, hp_ref):
    h = jnp.dot(x_ref[...], w_ref[...], preferred_element_type=jnp.float32)
    h = h + b_ref[...]
    h_ref[...] = h
    hp_ref[...] = jnp.stack([h[:, :HH], h[:, HH:]])


def _enc_edge_body(a_ref, w_ref, b_ref, out_ref):
    z = jnp.dot(a_ref[...], w_ref[...], preferred_element_type=jnp.float32)
    z = jax.nn.sigmoid(z + b_ref[...])
    out_ref[...] = jnp.stack([z[:, :HH], z[:, HH:]])


def _update1_body(agg_ref, h_ref, w1_ref, b1_ref, g1_ref, be1_ref, w2_ref,
                  b2_ref, lng_ref, lnb_ref, h1_ref, r_ref, rp_ref):
    agg = jnp.concatenate([agg_ref[0], agg_ref[1]], axis=1)
    u = h_ref[...] + agg
    z = jnp.dot(u, w1_ref[...], preferred_element_type=jnp.float32) + b1_ref[...]
    z = jax.nn.relu(_ln(z, g1_ref[...], be1_ref[...]))
    h1 = jnp.dot(z, w2_ref[...], preferred_element_type=jnp.float32) + b2_ref[...]
    h1_ref[...] = h1
    r = jax.nn.relu(_ln(h1, lng_ref[...], lnb_ref[...]))
    r_ref[...] = r
    rp_ref[...] = jnp.stack([r[:, :HH], r[:, HH:]])


def _update2_body(agg_ref, r_ref, h1_ref, w1_ref, b1_ref, g1_ref, be1_ref,
                  w2_ref, b2_ref, lng_ref, lnb_ref, ow_ref, ob_ref, out_ref):
    agg = jnp.concatenate([agg_ref[0], agg_ref[1]], axis=1)
    u = r_ref[...] + agg
    z = jnp.dot(u, w1_ref[...], preferred_element_type=jnp.float32) + b1_ref[...]
    z = jax.nn.relu(_ln(z, g1_ref[...], be1_ref[...]))
    h2 = h1_ref[...] + jnp.dot(z, w2_ref[...], preferred_element_type=jnp.float32) + b2_ref[...]
    f = jax.nn.relu(_ln(h2, lng_ref[...], lnb_ref[...]))
    out_ref[...] = jnp.dot(f, ow_ref[...], preferred_element_type=jnp.float32) + ob_ref[...]


def _full(shape):
    return pl.BlockSpec(shape, lambda i: tuple(0 for _ in shape))


def _row(v):
    return v.reshape(1, -1)


def kernel(x, edge_index, edge_attr, node_W, node_b, edge_W, edge_b, t0, W1_0,
           b1_0, g1_0, be1_0, W2_0, b2_0, ln_g0, ln_b0, t1, W1_1, b1_1, g1_1,
           be1_1, W2_1, b2_1, ln_g1, ln_b1, out_W, out_b):
    pad = E_PAD - E
    src_p = jnp.concatenate([edge_index[0], jnp.zeros((pad,), jnp.int32)])
    dst_p = jnp.concatenate([edge_index[1], jnp.full((pad,), N, jnp.int32)])
    ea_p = jnp.concatenate([edge_attr, jnp.zeros((pad, D_EDGE), jnp.float32)])

    h, hp = pl.pallas_call(
        _enc_node_body,
        grid=(N // _NBLK,),
        in_specs=[
            pl.BlockSpec((_NBLK, H), lambda i: (i, 0)),
            _full((H, H)),
            _full((1, H)),
        ],
        out_specs=[
            pl.BlockSpec((_NBLK, H), lambda i: (i, 0)),
            pl.BlockSpec((2, _NBLK, HH), lambda i: (0, i, 0)),
        ],
        out_shape=[
            jax.ShapeDtypeStruct((N, H), jnp.float32),
            jax.ShapeDtypeStruct((2, N, HH), jnp.float32),
        ],
    )(x, node_W, _row(node_b))

    e2 = pl.pallas_call(
        _enc_edge_body,
        grid=(E_PAD // _EBLK,),
        in_specs=[
            pl.BlockSpec((_EBLK, D_EDGE), lambda i: (i, 0)),
            _full((D_EDGE, H)),
            _full((1, H)),
        ],
        out_specs=pl.BlockSpec((2, _EBLK, HH), lambda i: (0, i, 0)),
        out_shape=jax.ShapeDtypeStruct((2, E_PAD, HH), jnp.float32),
    )(ea_p, edge_W, _row(edge_b))

    e2_flat = e2.reshape(2 * E_PAD, HH)

    src2 = src_p.reshape(E_PAD // CHUNK, CHUNK)
    dst2 = dst_p.reshape(E_PAD // CHUNK, CHUNK)
    src3 = jnp.stack([src2, src2 + N])

    agg0 = _sc_aggregate()(hp.reshape(2 * N, HH), e2_flat, src3, dst2,
                           jnp.full((16,), t0, jnp.float32))

    h1, r, rp = pl.pallas_call(
        _update1_body,
        grid=(N // _NBLK,),
        in_specs=[
            pl.BlockSpec((2, _NBLK, HH), lambda i: (0, i, 0)),
            pl.BlockSpec((_NBLK, H), lambda i: (i, 0)),
            _full((H, 2 * H)),
            _full((1, 2 * H)),
            _full((1, 2 * H)),
            _full((1, 2 * H)),
            _full((2 * H, H)),
            _full((1, H)),
            _full((1, H)),
            _full((1, H)),
        ],
        out_specs=[
            pl.BlockSpec((_NBLK, H), lambda i: (i, 0)),
            pl.BlockSpec((_NBLK, H), lambda i: (i, 0)),
            pl.BlockSpec((2, _NBLK, HH), lambda i: (0, i, 0)),
        ],
        out_shape=[
            jax.ShapeDtypeStruct((N, H), jnp.float32),
            jax.ShapeDtypeStruct((N, H), jnp.float32),
            jax.ShapeDtypeStruct((2, N, HH), jnp.float32),
        ],
    )(agg0, h, W1_0, _row(b1_0), _row(g1_0), _row(be1_0), W2_0, _row(b2_0),
      _row(ln_g1), _row(ln_b1))

    agg1 = _sc_aggregate()(rp.reshape(2 * N, HH), e2_flat, src3, dst2,
                           jnp.full((16,), t1, jnp.float32))

    out = pl.pallas_call(
        _update2_body,
        grid=(N // _NBLK,),
        in_specs=[
            pl.BlockSpec((2, _NBLK, HH), lambda i: (0, i, 0)),
            pl.BlockSpec((_NBLK, H), lambda i: (i, 0)),
            pl.BlockSpec((_NBLK, H), lambda i: (i, 0)),
            _full((H, 2 * H)),
            _full((1, 2 * H)),
            _full((1, 2 * H)),
            _full((1, 2 * H)),
            _full((2 * H, H)),
            _full((1, H)),
            _full((1, H)),
            _full((1, H)),
            _full((H, H)),
            _full((1, H)),
        ],
        out_specs=pl.BlockSpec((_NBLK, H), lambda i: (i, 0)),
        out_shape=jax.ShapeDtypeStruct((N, H), jnp.float32),
    )(agg1, r, h1, W1_1, _row(b1_1), _row(g1_1), _row(be1_1), W2_1,
      _row(b2_1), _row(ln_g0), _row(ln_b0), out_W, _row(out_b))

    return out

# --- scband reference (transcript-rebuilt; emitter-appended) ---
"""Pipeline reference for scband-deeper-gcn-29283087025038 (READ-ONLY COPY).

The authoritative reference and input builder live on the scoring server;
editing this copy changes nothing except your own understanding.
"""

import jax, jax.numpy as jnp
import numpy as np

N = 10000
E = 320000
D_NODE = 128
D_EDGE = 16
H = 128
OUT = 128


def layer_norm(x, g, b):
    mu = jnp.mean(x, axis=-1, keepdims=True)
    var = jnp.mean((x - mu) ** 2, axis=-1, keepdims=True)
    return (x - mu) / jnp.sqrt(var + 1e-5) * g + b


def gen_conv(x, src, dst, eattr, t, W1, b1, g1, be1, W2, b2):
    # GENConv message: relu(x_j + edge_attr) + eps
    msg = jax.nn.relu(x[src] + eattr) + 1e-7
    # softmax aggregation with learnable temperature t over edges sharing dst
    a = msg * t
    m = jax.ops.segment_max(a, dst, num_segments=N)
    m = jnp.where(jnp.isfinite(m), m, 0.0)
    e = jnp.exp(a - m[dst])
    s = jax.ops.segment_sum(e, dst, num_segments=N)
    alpha = e / (s[dst] + 1e-16)
    agg = jax.ops.segment_sum(msg * alpha, dst, num_segments=N)
    # update: MLP(x + agg); MLP = Linear(H,2H) -> LayerNorm -> ReLU -> Linear(2H,H)
    h = agg + x
    h1 = jax.nn.relu(layer_norm(h @ W1 + b1, g1, be1))
    return h1 @ W2 + b2


def setup_inputs(seed: int = 0):
    key = jax.random.key(seed)
    ks = jax.random.split(key, 40)
    inp = {}
    inp["x"] = jax.random.normal(ks[0], (N, D_NODE), dtype=jnp.float32)
    inp["edge_index"] = jax.random.randint(ks[1], (2, E), 0, N, dtype=jnp.int32)
    inp["edge_attr"] = jax.random.normal(ks[2], (E, D_EDGE), dtype=jnp.float32)

    def lin(k, fin, fout):
        return jax.random.normal(k, (fin, fout), dtype=jnp.float32) / np.sqrt(fin)

    inp["node_W"] = lin(ks[3], D_NODE, H)
    inp["node_b"] = jnp.zeros((H,), jnp.float32)
    inp["edge_W"] = lin(ks[4], D_EDGE, H)
    inp["edge_b"] = jnp.zeros((H,), jnp.float32)
    for l in range(2):
        inp["t%d" % l] = jnp.float32(1.0)
        inp["W1_%d" % l] = lin(ks[5 + 4 * l], H, 2 * H)
        inp["b1_%d" % l] = jnp.zeros((2 * H,), jnp.float32)
        inp["g1_%d" % l] = jnp.ones((2 * H,), jnp.float32)
        inp["be1_%d" % l] = jnp.zeros((2 * H,), jnp.float32)
        inp["W2_%d" % l] = lin(ks[6 + 4 * l], 2 * H, H)
        inp["b2_%d" % l] = jnp.zeros((H,), jnp.float32)
        inp["ln_g%d" % l] = jnp.ones((H,), jnp.float32)
        inp["ln_b%d" % l] = jnp.zeros((H,), jnp.float32)
    inp["out_W"] = lin(ks[20], H, OUT)
    inp["out_b"] = jnp.zeros((OUT,), jnp.float32)
    return inp


def reference(x, edge_index, edge_attr, node_W, node_b, edge_W, edge_b, t0, W1_0, b1_0, g1_0, be1_0, W2_0, b2_0, ln_g0, ln_b0, t1, W1_1, b1_1, g1_1, be1_1, W2_1, b2_1, ln_g1, ln_b1, out_W, out_b):
    src = edge_index[0]
    dst = edge_index[1]
    # node / edge encoders
    h = x @ node_W + node_b
    e = jax.nn.sigmoid(edge_attr @ edge_W + edge_b)
    # layers[0].conv applied directly
    h = gen_conv(h, src, dst, e, t0, W1_0, b1_0, g1_0, be1_0, W2_0, b2_0)
    # layers[1] res+ block: x + conv(relu(norm(x)))  (dropout is identity in eval)
    r = jax.nn.relu(layer_norm(h, ln_g1, ln_b1))
    r = gen_conv(r, src, dst, e, t1, W1_1, b1_1, g1_1, be1_1, W2_1, b2_1)
    h = h + r
    # final layers[0].act(layers[0].norm(x)); dropout identity in eval
    h = jax.nn.relu(layer_norm(h, ln_g0, ln_b0))
    return h @ out_W + out_b

if __name__ == "__main__":
    import jax
    _d = setup_inputs()
    print(jax.jit(kernel)(*tuple(_d.values())))

</pallas_src>

<mosaic_0001>
#map = affine_map<(d0, d1) -> (0, 0)>
#map1 = affine_map<(d0, d1) -> (0, 0, 0)>
#map2 = affine_map<(d0, d1) -> (0)>
module attributes {stable_mosaic.version = 14 : i64} {
  func.func @_sc_aggregate_body(%arg0: i32, %arg1: i32, %arg2: memref<20000x64xf32, #tpu.memory_space<hbm>>, %arg3: memref<655360x64xf32, #tpu.memory_space<hbm>>, %arg4: memref<2x5120x64xi32, #tpu.memory_space<hbm>>, %arg5: memref<5120x64xi32, #tpu.memory_space<hbm>>, %arg6: memref<16xf32, #tpu.memory_space<hbm>>, %arg7: memref<2x10240x64xf32, #tpu.memory_space<hbm>>, %arg8: memref<10240x128xf32, #tpu.memory_space<vmem_shared>>, %arg9: memref<2x8x64xi32, #tpu.memory_space<vmem>>, %arg10: memref<8x64xi32, #tpu.memory_space<vmem>>, %arg11: memref<2x64x64xf32, #tpu.memory_space<vmem>>, %arg12: memref<2x64x64xf32, #tpu.memory_space<vmem>>, %arg13: memref<2x64x128xf32, #tpu.memory_space<vmem>>, %arg14: memref<16xf32, #tpu.memory_space<vmem>>, %arg15: memref<!tpu.dma_semaphore, #tpu.memory_space<semaphore_mem>>, %arg16: memref<!tpu.dma_semaphore, #tpu.memory_space<semaphore_mem>>, %arg17: memref<!tpu.dma_semaphore, #tpu.memory_space<semaphore_mem>>) attributes {dimension_semantics = [#tpu.dimension_semantics<core_parallel>, #tpu.dimension_semantics<subcore_parallel>], iteration_bounds = array<i64: 2, 16>, scalar_prefetch = 0 : i64, scratch_operands = 10 : i64, tpu.core_type = #tpu.core_type<sc_vector_subcore>, window_params = [{transform_indices = #map}, {transform_indices = #map}, {transform_indices = #map1}, {transform_indices = #map}, {transform_indices = #map2}, {transform_indices = #map1}]} {
    "tpu.region"() ({
      %run_scoped3A_131 = tpu.sem_alloc : memref<!tpu.dma_semaphore, #tpu.memory_space<semaphore_mem>>
      tpu.enqueue_dma source(%arg6 : memref<16xf32, #tpu.memory_space<hbm>>) target(%arg14 : memref<16xf32, #tpu.memory_space<vmem>>) target_semaphore(%run_scoped3A_131 : memref<!tpu.dma_semaphore, #tpu.memory_space<semaphore_mem>>)
      tpu.wait_dma2 semaphore(%run_scoped3A_131 : memref<!tpu.dma_semaphore, #tpu.memory_space<semaphore_mem>>) src(%arg6 : memref<16xf32, #tpu.memory_space<hbm>>) dst(%arg14 : memref<16xf32, #tpu.memory_space<vmem>>)
      tpu.yield
    }) : () -> ()
    %scan3A = arith.constant 0 : i32
    %scan3A_0 = arith.constant 0 : i32
    %scan3A_1 = arith.constant 64 : i32
    %scan3A_2 = arith.addi %scan3A_0, %scan3A_1 : i32
    %scan3A_3 = arith.constant 1 : i32
    %scan3A_4 = scf.for %scan3A_131 = %scan3A_0 to %scan3A_2 step %scan3A_3 iter_args(%scan3A_132 = %scan3A) -> (i32)  : i32 {
      %broadcast_in_dim3A = arith.constant 0.000000e+00 : f32
      %broadcast_in_dim3A_133 = vector.broadcast %broadcast_in_dim3A : f32 to vector<16xf32>
      %swap3A = arith.constant 0 : i32
      %swap3A_134 = arith.index_cast %swap3A : i32 to index
      %swap3A_135 = arith.index_cast %scan3A_131 : i32 to index
      %swap3A_136 = arith.constant 0 : index
      %swap3A_137 = tpu.vector_load %arg13[%swap3A_134, %swap3A_135, %swap3A_136] {strides = array<i32>} : memref<2x64x128xf32, #tpu.memory_space<vmem>>, vector<1x1x16xf32>,
      %swap3A_138 = vector.shape_cast %swap3A_137 : vector<1x1x16xf32> to vector<16xf32>
      %swap3A_139 = vector.shape_cast %broadcast_in_dim3A_133 : vector<16xf32> to vector<1x1x16xf32>
      tpu.vector_store %arg13[%swap3A_134, %swap3A_135, %swap3A_136], %swap3A_139 {strides = array<i32>} : memref<2x64x128xf32, #tpu.memory_space<vmem>>, vector<1x1x16xf32>,
      %broadcast_in_dim3A_140 = arith.constant 0.000000e+00 : f32
      %broadcast_in_dim3A_141 = vector.broadcast %broadcast_in_dim3A_140 : f32 to vector<16xf32>
      %swap3A_142 = arith.constant 0 : i32
      %swap3A_143 = arith.index_cast %swap3A_142 : i32 to index
      %swap3A_144 = arith.index_cast %scan3A_131 : i32 to index
      %swap3A_145 = arith.constant 16 : index
      %swap3A_146 = tpu.vector_load %arg13[%swap3A_143, %swap3A_144, %swap3A_145] {strides = array<i32>} : memref<2x64x128xf32, #tpu.memory_space<vmem>>, vector<1x1x16xf32>,
      %swap3A_147 = vector.shape_cast %swap3A_146 : vector<1x1x16xf32> to vector<16xf32>
      %swap3A_148 = vector.shape_cast %broadcast_in_dim3A_141 : vector<16xf32> to vector<1x1x16xf32>
      tpu.vector_store %arg13[%swap3A_143, %swap3A_144, %swap3A_145], %swap3A_148 {strides = array<i32>} : memref<2x64x128xf32, #tpu.memory_space<vmem>>, vector<1x1x16xf32>,
      %broadcast_in_dim3A_149 = arith.constant 0.000000e+00 : f32
      %broadcast_in_dim3A_150 = vector.broadcast %broadcast_in_dim3A_149 : f32 to vector<16xf32>
      %swap3A_151 = arith.constant 0 : i32
      %swap3A_152 = arith.index_cast %swap3A_151 : i32 to index
      %swap3A_153 = arith.index_cast %scan3A_131 : i32 to index
      %swap3A_154 = arith.constant 32 : index
      %swap3A_155 = tpu.vector_load %arg13[%swap3A_152, %swap3A_153, %swap3A_154] {strides = array<i32>} : memref<2x64x128xf32, #tpu.memory_space<vmem>>, vector<1x1x16xf32>,
      %swap3A_156 = vector.shape_cast %swap3A_155 : vector<1x1x16xf32> to vector<16xf32>
      %swap3A_157 = vector.shape_cast %broadcast_in_dim3A_150 : vector<16xf32> to vector<1x1x16xf32>
      tpu.vector_store %arg13[%swap3A_152, %swap3A_153, %swap3A_154], %swap3A_157 {strides = array<i32>} : memref<2x64x128xf32, #tpu.memory_space<vmem>>, vector<1x1x16xf32>,
      %broadcast_in_dim3A_158 = arith.constant 0.000000e+00 : f32
      %broadcast_in_dim3A_159 = vector.broadcast %broadcast_in_dim3A_158 : f32 to vector<16xf32>
      %swap3A_160 = arith.constant 0 : i32
      %swap3A_161 = arith.index_cast %swap3A_160 : i32 to index
      %swap3A_162 = arith.index_cast %scan3A_131 : i32 to index
      %swap3A_163 = arith.constant 48 : index
      %swap3A_164 = tpu.vector_load %arg13[%swap3A_161, %swap3A_162, %swap3A_163] {strides = array<i32>} : memref<2x64x128xf32, #tpu.memory_space<vmem>>, vector<1x1x16xf32>,
      %swap3A_165 = vector.shape_cast %swap3A_164 : vector<1x1x16xf32> to vector<16xf32>
      %swap3A_166 = vector.shape_cast %broadcast_in_dim3A_159 : vector<16xf32> to vector<1x1x16xf32>
      tpu.vector_store %arg13[%swap3A_161, %swap3A_162, %swap3A_163], %swap3A_166 {strides = array<i32>} : memref<2x64x128xf32, #tpu.memory_space<vmem>>, vector<1x1x16xf32>,
      %broadcast_in_dim3A_167 = arith.constant 0.000000e+00 : f32
      %broadcast_in_dim3A_168 = vector.broadcast %broadcast_in_dim3A_167 : f32 to vector<16xf32>
      %swap3A_169 = arith.constant 0 : i32
      %swap3A_170 = arith.index_cast %swap3A_169 : i32 to index
      %swap3A_171 = arith.index_cast %scan3A_131 : i32 to index
      %swap3A_172 = arith.constant 64 : index
      %swap3A_173 = tpu.vector_load %arg13[%swap3A_170, %swap3A_171, %swap3A_172] {strides = array<i32>} : memref<2x64x128xf32, #tpu.memory_space<vmem>>, vector<1x1x16xf32>,
      %swap3A_174 = vector.shape_cast %swap3A_173 : vector<1x1x16xf32> to vector<16xf32>
      %swap3A_175 = vector.shape_cast %broadcast_in_dim3A_168 : vector<16xf32> to vector<1x1x16xf32>
      tpu.vector_store %arg13[%swap3A_170, %swap3A_171, %swap3A_172], %swap3A_175 {strides = array<i32>} : memref<2x64x128xf32, #tpu.memory_space<vmem>>, vector<1x1x16xf32>,
      %broadcast_in_dim3A_176 = arith.constant 0.000000e+00 : f32
      %broadcast_in_dim3A_177 = vector.broadcast %broadcast_in_dim3A_176 : f32 to vector<16xf32>
      %swap3A_178 = arith.constant 0 : i32
      %swap3A_179 = arith.index_cast %swap3A_178 : i32 to index
      %swap3A_180 = arith.index_cast %scan3A_131 : i32 to index
      %swap3A_181 = arith.constant 80 : index
      %swap3A_182 = tpu.vector_load %arg13[%swap3A_179, %swap3A_180, %swap3A_181] {strides = array<i32>} : memref<2x64x128xf32, #tpu.memory_space<vmem>>, vector<1x1x16xf32>,
      %swap3A_183 = vector.shape_cast %swap3A_182 : vector<1x1x16xf32> to vector<16xf32>
      %swap3A_184 = vector.shape_cast %broadcast_in_dim3A_177 : vector<16xf32> to vector<1x1x16xf32>
      tpu.vector_store %arg13[%swap3A_179, %swap3A_180, %swap3A_181], %swap3A_184 {strides = array<i32>} : memref<2x64x128xf32, #tpu.memory_space<vmem>>, vector<1x1x16xf32>,
      %broadcast_in_dim3A_185 = arith.constant 0.000000e+00 : f32
      %broadcast_in_dim3A_186 = vector.broadcast %broadcast_in_dim3A_185 : f32 to vector<16xf32>
      %swap3A_187 = arith.constant 0 : i32
      %swap3A_188 = arith.index_cast %swap3A_187 : i32 to index
      %swap3A_189 = arith.index_cast %scan3A_131 : i32 to index
      %swap3A_190 = arith.constant 96 : index
      %swap3A_191 = tpu.vector_load %arg13[%swap3A_188, %swap3A_189, %swap3A_190] {strides = array<i32>} : memref<2x64x128xf32, #tpu.memory_space<vmem>>, vector<1x1x16xf32>,
      %swap3A_192 = vector.shape_cast %swap3A_191 : vector<1x1x16xf32> to vector<16xf32>
      %swap3A_193 = vector.shape_cast %broadcast_in_dim3A_186 : vector<16xf32> to vector<1x1x16xf32>
      tpu.vector_store %arg13[%swap3A_188, %swap3A_189, %swap3A_190], %swap3A_193 {strides = array<i32>} : memref<2x64x128xf32, #tpu.memory_space<vmem>>, vector<1x1x16xf32>,
      %broadcast_in_dim3A_194 = arith.constant 0.000000e+00 : f32
      %broadcast_in_dim3A_195 = vector.broadcast %broadcast_in_dim3A_194 : f32 to vector<16xf32>
      %swap3A_196 = arith.constant 0 : i32
      %swap3A_197 = arith.index_cast %swap3A_196 : i32 to index
      %swap3A_198 = arith.index_cast %scan3A_131 : i32 to index
      %swap3A_199 = arith.constant 112 : index
      %swap3A_200 = tpu.vector_load %arg13[%swap3A_197, %swap3A_198, %swap3A_199] {strides = array<i32>} : memref<2x64x128xf32, #tpu.memory_space<vmem>>, vector<1x1x16xf32>,
      %swap3A_201 = vector.shape_cast %swap3A_200 : vector<1x1x16xf32> to vector<16xf32>
      %swap3A_202 = vector.shape_cast %broadcast_in_dim3A_195 : vector<16xf32> to vector<1x1x16xf32>
      tpu.vector_store %arg13[%swap3A_197, %swap3A_198, %swap3A_199], %swap3A_202 {strides = array<i32>} : memref<2x64x128xf32, #tpu.memory_space<vmem>>, vector<1x1x16xf32>,
      %broadcast_in_dim3A_203 = arith.constant 0.000000e+00 : f32
      %broadcast_in_dim3A_204 = vector.broadcast %broadcast_in_dim3A_203 : f32 to vector<16xf32>
      %swap3A_205 = arith.constant 1 : i32
      %swap3A_206 = arith.index_cast %swap3A_205 : i32 to index
      %swap3A_207 = arith.index_cast %scan3A_131 : i32 to index
      %swap3A_208 = arith.constant 0 : index
      %swap3A_209 = tpu.vector_load %arg13[%swap3A_206, %swap3A_207, %swap3A_208] {strides = array<i32>} : memref<2x64x128xf32, #tpu.memory_space<vmem>>, vector<1x1x16xf32>,
      %swap3A_210 = vector.shape_cast %swap3A_209 : vector<1x1x16xf32> to vector<16xf32>
      %swap3A_211 = vector.shape_cast %broadcast_in_dim3A_204 : vector<16xf32> to vector<1x1x16xf32>
      tpu.vector_store %arg13[%swap3A_206, %swap3A_207, %swap3A_208], %swap3A_211 {strides = array<i32>} : memref<2x64x128xf32, #tpu.memory_space<vmem>>, vector<1x1x16xf32>,
      %broadcast_in_dim3A_212 = arith.constant 0.000000e+00 : f32
      %broadcast_in_dim3A_213 = vector.broadcast %broadcast_in_dim3A_212 : f32 to vector<16xf32>
      %swap3A_214 = arith.constant 1 : i32
      %swap3A_215 = arith.index_cast %swap3A_214 : i32 to index
      %swap3A_216 = arith.index_cast %scan3A_131 : i32 to index
      %swap3A_217 = arith.constant 16 : index
      %swap3A_218 = tpu.vector_load %arg13[%swap3A_215, %swap3A_216, %swap3A_217] {strides = array<i32>} : memref<2x64x128xf32, #tpu.memory_space<vmem>>, vector<1x1x16xf32>,
      %swap3A_219 = vector.shape_cast %swap3A_218 : vector<1x1x16xf32> to vector<16xf32>
      %swap3A_220 = vector.shape_cast %broadcast_in_dim3A_213 : vector<16xf32> to vector<1x1x16xf32>
      tpu.vector_store %arg13[%swap3A_215, %swap3A_216, %swap3A_217], %swap3A_220 {strides = array<i32>} : memref<2x64x128xf32, #tpu.memory_space<vmem>>, vector<1x1x16xf32>,
      %broadcast_in_dim3A_221 = arith.constant 0.000000e+00 : f32
      %broadcast_in_dim3A_222 = vector.broadcast %broadcast_in_dim3A_221 : f32 to vector<16xf32>
      %swap3A_223 = arith.constant 1 : i32
      %swap3A_224 = arith.index_cast %swap3A_223 : i32 to index
      %swap3A_225 = arith.index_cast %scan3A_131 : i32 to index
      %swap3A_226 = arith.constant 32 : index
      %swap3A_227 = tpu.vector_load %arg13[%swap3A_224, %swap3A_225, %swap3A_226] {strides = array<i32>} : memref<2x64x128xf32, #tpu.memory_space<vmem>>, vector<1x1x16xf32>,
      %swap3A_228 = vector.shape_cast %swap3A_227 : vector<1x1x16xf32> to vector<16xf32>
      %swap3A_229 = vector.shape_cast %broadcast_in_dim3A_222 : vector<16xf32> to vector<1x1x16xf32>
      tpu.vector_store %arg13[%swap3A_224, %swap3A_225, %swap3A_226], %swap3A_229 {strides = array<i32>} : memref<2x64x128xf32, #tpu.memory_space<vmem>>, vector<1x1x16xf32>,
      %broadcast_in_dim3A_230 = arith.constant 0.000000e+00 : f32
      %broadcast_in_dim3A_231 = vector.broadcast %broadcast_in_dim3A_230 : f32 to vector<16xf32>
      %swap3A_232 = arith.constant 1 : i32
      %swap3A_233 = arith.index_cast %swap3A_232 : i32 to index
      %swap3A_234 = arith.index_cast %scan3A_131 : i32 to index
      %swap3A_235 = arith.constant 48 : index
      %swap3A_236 = tpu.vector_load %arg13[%swap3A_233, %swap3A_234, %swap3A_235] {strides = array<i32>} : memref<2x64x128xf32, #tpu.memory_space<vmem>>, vector<1x1x16xf32>,
      %swap3A_237 = vector.shape_cast %swap3A_236 : vector<1x1x16xf32> to vector<16xf32>
      %swap3A_238 = vector.shape_cast %broadcast_in_dim3A_231 : vector<16xf32> to vector<1x1x16xf32>
      tpu.vector_store %arg13[%swap3A_233, %swap3A_234, %swap3A_235], %swap3A_238 {strides = array<i32>} : memref<2x64x128xf32, #tpu.memory_space<vmem>>, vector<1x1x16xf32>,
      %broadcast_in_dim3A_239 = arith.constant 0.000000e+00 : f32
      %broadcast_in_dim3A_240 = vector.broadcast %broadcast_in_dim3A_239 : f32 to vector<16xf32>
      %swap3A_241 = arith.constant 1 : i32
      %swap3A_242 = arith.index_cast %swap3A_241 : i32 to index
      %swap3A_243 = arith.index_cast %scan3A_131 : i32 to index
      %swap3A_244 = arith.constant 64 : index
      %swap3A_245 = tpu.vector_load %arg13[%swap3A_242, %swap3A_243, %swap3A_244] {strides = array<i32>} : memref<2x64x128xf32, #tpu.memory_space<vmem>>, vector<1x1x16xf32>,
      %swap3A_246 = vector.shape_cast %swap3A_245 : vector<1x1x16xf32> to vector<16xf32>
      %swap3A_247 = vector.shape_cast %broadcast_in_dim3A_240 : vector<16xf32> to vector<1x1x16xf32>
      tpu.vector_store %arg13[%swap3A_242, %swap3A_243, %swap3A_244], %swap3A_247 {strides = array<i32>} : memref<2x64x128xf32, #tpu.memory_space<vmem>>, vector<1x1x16xf32>,
      %broadcast_in_dim3A_248 = arith.constant 0.000000e+00 : f32
      %broadcast_in_dim3A_249 = vector.broadcast %broadcast_in_dim3A_248 : f32 to vector<16xf32>
      %swap3A_250 = arith.constant 1 : i32
      %swap3A_251 = arith.index_cast %swap3A_250 : i32 to index
      %swap3A_252 = arith.index_cast %scan3A_131 : i32 to index
      %swap3A_253 = arith.constant 80 : index
      %swap3A_254 = tpu.vector_load %arg13[%swap3A_251, %swap3A_252, %swap3A_253] {strides = array<i32>} : memref<2x64x128xf32, #tpu.memory_space<vmem>>, vector<1x1x16xf32>,
      %swap3A_255 = vector.shape_cast %swap3A_254 : vector<1x1x16xf32> to vector<16xf32>
      %swap3A_256 = vector.shape_cast %broadcast_in_dim3A_249 : vector<16xf32> to vector<1x1x16xf32>
      tpu.vector_store %arg13[%swap3A_251, %swap3A_252, %swap3A_253], %swap3A_256 {strides = array<i32>} : memref<2x64x128xf32, #tpu.memory_space<vmem>>, vector<1x1x16xf32>,
      %broadcast_in_dim3A_257 = arith.constant 0.000000e+00 : f32
      %broadcast_in_dim3A_258 = vector.broadcast %broadcast_in_dim3A_257 : f32 to vector<16xf32>
      %swap3A_259 = arith.constant 1 : i32
      %swap3A_260 = arith.index_cast %swap3A_259 : i32 to index
      %swap3A_261 = arith.index_cast %scan3A_131 : i32 to index
      %swap3A_262 = arith.constant 96 : index
      %swap3A_263 = tpu.vector_load %arg13[%swap3A_260, %swap3A_261, %swap3A_262] {strides = array<i32>} : memref<2x64x128xf32, #tpu.memory_space<vmem>>, vector<1x1x16xf32>,
      %swap3A_264 = vector.shape_cast %swap3A_263 : vector<1x1x16xf32> to vector<16xf32>
      %swap3A_265 = vector.shape_cast %broadcast_in_dim3A_258 : vector<16xf32> to vector<1x1x16xf32>
      tpu.vector_store %arg13[%swap3A_260, %swap3A_261, %swap3A_262], %swap3A_265 {strides = array<i32>} : memref<2x64x128xf32, #tpu.memory_space<vmem>>, vector<1x1x16xf32>,
      %broadcast_in_dim3A_266 = arith.constant 0.000000e+00 : f32
      %broadcast_in_dim3A_267 = vector.broadcast %broadcast_in_dim3A_266 : f32 to vector<16xf32>
      %swap3A_268 = arith.constant 1 : i32
      %swap3A_269 = arith.index_cast %swap3A_268 : i32 to index
      %swap3A_270 = arith.index_cast %scan3A_131 : i32 to index
      %swap3A_271 = arith.constant 112 : index
      %swap3A_272 = tpu.vector_load %arg13[%swap3A_269, %swap3A_270, %swap3A_271] {strides = array<i32>} : memref<2x64x128xf32, #tpu.memory_space<vmem>>, vector<1x1x16xf32>,
      %swap3A_273 = vector.shape_cast %swap3A_272 : vector<1x1x16xf32> to vector<16xf32>
      %swap3A_274 = vector.shape_cast %broadcast_in_dim3A_267 : vector<16xf32> to vector<1x1x16xf32>
      tpu.vector_store %arg13[%swap3A_269, %swap3A_270, %swap3A_271], %swap3A_274 {strides = array<i32>} : memref<2x64x128xf32, #tpu.memory_space<vmem>>, vector<1x1x16xf32>,
      %scan3A_275 = arith.constant 0 : i32
      scf.yield %scan3A_275 : i32
    }
    %scan3A_5 = arith.constant 64 : i32
    %mul3A = arith.constant 640 : i32
    %mul3A_6 = arith.muli %arg1, %mul3A : i32
    %scan3A_7 = arith.constant 0 : i32
    %scan3A_8 = arith.constant 0 : i32
    %scan3A_9 = arith.constant 10 : i32
    %scan3A_10 = arith.addi %scan3A_8, %scan3A_9 : i32
    %scan3A_11 = arith.constant 1 : i32
    %scan3A_12 = scf.for %scan3A_131 = %scan3A_8 to %scan3A_10 step %scan3A_11 iter_args(%scan3A_132 = %scan3A_7) -> (i32)  : i32 {
      %mul3A_133 = arith.constant 64 : i32
      %mul3A_134 = arith.muli %scan3A_131, %mul3A_133 : i32
      %add3A_135 = arith.addi %mul3A_6, %mul3A_134 : i32
      %multiple_of3A_136 = tpu.assume_multiple %add3A_135, 8 : i32
      %run_scoped3A_137 = arith.constant 0 : i32
      "tpu.region"() ({
        %run_scoped3A_139 = tpu.sem_alloc : memref<!tpu.dma_semaphore, #tpu.memory_space<semaphore_mem>>
        %dma_start3A_140 = arith.constant 0 : i32
        %dma_start3A_141 = arith.constant 0 : i32
        %dma_start3A_142 = tpu.memref_slice %arg13[%run_scoped3A_137, %dma_start3A_140, %dma_start3A_141] : memref<2x64x128xf32, #tpu.memory_space<vmem>> -> memref<1x64x128xf32, #tpu.memory_space<vmem>>
        %dma_start3A_143 = tpu.memref_squeeze %dma_start3A_142 : memref<1x64x128xf32, #tpu.memory_space<vmem>> -> memref<64x128xf32, #tpu.memory_space<vmem>>
        %dma_start3A_144 = arith.constant 0 : i32
        %dma_start3A_145 = tpu.memref_slice %arg8[%multiple_of3A_136, %dma_start3A_144] : memref<10240x128xf32, #tpu.memory_space<vmem_shared>> -> memref<64x128xf32, #tpu.memory_space<vmem_shared>>
        %dma_start3A_146 = arith.constant 0 : i32
        %dma_start3A_147 = tpu.memref_slice %arg8[%multiple_of3A_136, %dma_start3A_146] : memref<10240x128xf32, #tpu.memory_space<vmem_shared>> -> memref<64x128xf32, #tpu.memory_space<vmem_shared>>
        %dma_start3A_148 = arith.constant 0 : i32
        %dma_start3A_149 = arith.constant 0 : i32
        %dma_start3A_150 = tpu.memref_slice %arg13[%run_scoped3A_137, %dma_start3A_148, %dma_start3A_149] : memref<2x64x128xf32, #tpu.memory_space<vmem>> -> memref<1x64x128xf32, #tpu.memory_space<vmem>>
        %dma_start3A_151 = tpu.memref_squeeze %dma_start3A_150 : memref<1x64x128xf32, #tpu.memory_space<vmem>> -> memref<64x128xf32, #tpu.memory_space<vmem>>
        tpu.enqueue_dma source(%dma_start3A_151 : memref<64x128xf32, #tpu.memory_space<vmem>>) target(%dma_start3A_147 : memref<64x128xf32, #tpu.memory_space<vmem_shared>>) target_semaphore(%run_scoped3A_139 : memref<!tpu.dma_semaphore, #tpu.memory_space<semaphore_mem>>)
        %dma_wait3A_152 = arith.constant 0 : i32
        %dma_wait3A_153 = arith.constant 0 : i32
        %dma_wait3A_154 = tpu.memref_slice %arg13[%run_scoped3A_137, %dma_wait3A_152, %dma_wait3A_153] : memref<2x64x128xf32, #tpu.memory_space<vmem>> -> memref<1x64x128xf32, #tpu.memory_space<vmem>>
        %dma_wait3A_155 = tpu.memref_squeeze %dma_wait3A_154 : memref<1x64x128xf32, #tpu.memory_space<vmem>> -> memref<64x128xf32, #tpu.memory_space<vmem>>
        %dma_wait3A_156 = arith.constant 0 : i32
        %dma_wait3A_157 = tpu.memref_slice %arg8[%multiple_of3A_136, %dma_wait3A_156] : memref<10240x128xf32, #tpu.memory_space<vmem_shared>> -> memref<64x128xf32, #tpu.memory_space<vmem_shared>>
        %dma_wait3A_158 = arith.constant 0 : i32
        %dma_wait3A_159 = tpu.memref_slice %arg8[%multiple_of3A_136, %dma_wait3A_158] : memref<10240x128xf32, #tpu.memory_space<vmem_shared>> -> memref<64x128xf32, #tpu.memory_space<vmem_shared>>
        %dma_wait3A_160 = arith.constant 0 : i32
        %dma_wait3A_161 = arith.constant 0 : i32
        %dma_wait3A_162 = tpu.memref_slice %arg13[%run_scoped3A_137, %dma_wait3A_160, %dma_wait3A_161] : memref<2x64x128xf32, #tpu.memory_space<vmem>> -> memref<1x64x128xf32, #tpu.memory_space<vmem>>
        %dma_wait3A_163 = tpu.memref_squeeze %dma_wait3A_162 : memref<1x64x128xf32, #tpu.memory_space<vmem>> -> memref<64x128xf32, #tpu.memory_space<vmem>>
        tpu.wait_dma2 semaphore(%run_scoped3A_139 : memref<!tpu.dma_semaphore, #tpu.memory_space<semaphore_mem>>) src(%dma_wait3A_163 : memref<64x128xf32, #tpu.memory_space<vmem>>) dst(%dma_wait3A_159 : memref<64x128xf32, #tpu.memory_space<vmem_shared>>)
        tpu.yield
      }) : () -> ()
      %scan3A_138 = arith.constant 0 : i32
      scf.yield %scan3A_138 : i32
    }
    %scan3A_13 = arith.constant 10 : i32
    %barrier3A = arith.constant 0 : index
    tpu.barrier barrier_id(%barrier3A)
    %mul3A_14 = arith.constant 320 : i32
    %mul3A_15 = arith.muli %arg1, %mul3A_14 : i32
    %mul3A_16 = arith.constant 64 : i32
    %mul3A_17 = arith.muli %mul3A_15, %mul3A_16 : i32
    %mul3A_18 = arith.constant 320 : i32
    %mul3A_19 = arith.muli %arg1, %mul3A_18 : i32
    %mul3A_20 = arith.constant 327680 : i32
    %mul3A_21 = arith.muli %arg0, %mul3A_20 : i32
    %add3A = arith.addi %mul3A_21, %mul3A_17 : i32
    %mul3A_22 = arith.constant 64 : i32
    %mul3A_23 = arith.muli %arg0, %mul3A_22 : i32
    %get3A = arith.constant 0 : index
    %get3A_24 = tpu.vector_load %arg14[%get3A] {strides = array<i32>} : memref<16xf32, #tpu.memory_space<vmem>>, vector<16xf32>,
    %get3A_25 = vector.shape_cast %get3A_24 : vector<16xf32> to vector<16xf32>
    %multiple_of3A = tpu.assume_multiple %mul3A_19, 8 : i32
    %run_scoped3A = arith.constant 0 : i32
    "tpu.region"() ({
      %run_scoped3A_131 = tpu.sem_alloc : memref<!tpu.dma_semaphore, #tpu.memory_space<semaphore_mem>>
      %dma_start3A_132 = arith.constant 0 : i32
      %dma_start3A_133 = arith.constant 0 : i32
      %dma_start3A_134 = tpu.memref_slice %arg9[%run_scoped3A, %dma_start3A_132, %dma_start3A_133] : memref<2x8x64xi32, #tpu.memory_space<vmem>> -> memref<1x8x64xi32, #tpu.memory_space<vmem>>
      %dma_start3A_135 = tpu.memref_squeeze %dma_start3A_134 : memref<1x8x64xi32, #tpu.memory_space<vmem>> -> memref<8x64xi32, #tpu.memory_space<vmem>>
      %dma_start3A_136 = arith.constant 0 : i32
      %dma_start3A_137 = tpu.memref_slice %arg4[%arg0, %multiple_of3A, %dma_start3A_136] : memref<2x5120x64xi32, #tpu.memory_space<hbm>> -> memref<1x8x64xi32, #tpu.memory_space<hbm>>
      %dma_start3A_138 = tpu.memref_squeeze %dma_start3A_137 : memref<1x8x64xi32, #tpu.memory_space<hbm>> -> memref<8x64xi32, #tpu.memory_space<hbm>>
      %dma_start3A_139 = arith.constant 0 : i32
      %dma_start3A_140 = arith.constant 0 : i32
      %dma_start3A_141 = tpu.memref_slice %arg9[%run_scoped3A, %dma_start3A_139, %dma_start3A_140] : memref<2x8x64xi32, #tpu.memory_space<vmem>> -> memref<1x8x64xi32, #tpu.memory_space<vmem>>
      %dma_start3A_142 = tpu.memref_squeeze %dma_start3A_141 : memref<1x8x64xi32, #tpu.memory_space<vmem>> -> memref<8x64xi32, #tpu.memory_space<vmem>>
      %dma_start3A_143 = arith.constant 0 : i32
      %dma_start3A_144 = tpu.memref_slice %arg4[%arg0, %multiple_of3A, %dma_start3A_143] : memref<2x5120x64xi32, #tpu.memory_space<hbm>> -> memref<1x8x64xi32, #tpu.memory_space<hbm>>
      %dma_start3A_145 = tpu.memref_squeeze %dma_start3A_144 : memref<1x8x64xi32, #tpu.memory_space<hbm>> -> memref<8x64xi32, #tpu.memory_space<hbm>>
      tpu.enqueue_dma source(%dma_start3A_145 : memref<8x64xi32, #tpu.memory_space<hbm>>) target(%dma_start3A_142 : memref<8x64xi32, #tpu.memory_space<vmem>>) target_semaphore(%run_scoped3A_131 : memref<!tpu.dma_semaphore, #tpu.memory_space<semaphore_mem>>)
      %dma_wait3A_146 = arith.constant 0 : i32
      %dma_wait3A_147 = arith.constant 0 : i32
      %dma_wait3A_148 = tpu.memref_slice %arg9[%run_scoped3A, %dma_wait3A_146, %dma_wait3A_147] : memref<2x8x64xi32, #tpu.memory_space<vmem>> -> memref<1x8x64xi32, #tpu.memory_space<vmem>>
      %dma_wait3A_149 = tpu.memref_squeeze %dma_wait3A_148 : memref<1x8x64xi32, #tpu.memory_space<vmem>> -> memref<8x64xi32, #tpu.memory_space<vmem>>
      %dma_wait3A_150 = arith.constant 0 : i32
      %dma_wait3A_151 = tpu.memref_slice %arg4[%arg0, %multiple_of3A, %dma_wait3A_150] : memref<2x5120x64xi32, #tpu.memory_space<hbm>> -> memref<1x8x64xi32, #tpu.memory_space<hbm>>
      %dma_wait3A_152 = tpu.memref_squeeze %dma_wait3A_151 : memref<1x8x64xi32, #tpu.memory_space<hbm>> -> memref<8x64xi32, #tpu.memory_space<hbm>>
      %dma_wait3A_153 = arith.constant 0 : i32
      %dma_wait3A_154 = arith.constant 0 : i32
      %dma_wait3A_155 = tpu.memref_slice %arg9[%run_scoped3A, %dma_wait3A_153, %dma_wait3A_154] : memref<2x8x64xi32, #tpu.memory_space<vmem>> -> memref<1x8x64xi32, #tpu.memory_space<vmem>>
      %dma_wait3A_156 = tpu.memref_squeeze %dma_wait3A_155 : memref<1x8x64xi32, #tpu.memory_space<vmem>> -> memref<8x64xi32, #tpu.memory_space<vmem>>
      %dma_wait3A_157 = arith.constant 0 : i32
      %dma_wait3A_158 = tpu.memref_slice %arg4[%arg0, %multiple_of3A, %dma_wait3A_157] : memref<2x5120x64xi32, #tpu.memory_space<hbm>> -> memref<1x8x64xi32, #tpu.memory_space<hbm>>
      %dma_wait3A_159 = tpu.memref_squeeze %dma_wait3A_158 : memref<1x8x64xi32, #tpu.memory_space<hbm>> -> memref<8x64xi32, #tpu.memory_space<hbm>>
      tpu.wait_dma2 semaphore(%run_scoped3A_131 : memref<!tpu.dma_semaphore, #tpu.memory_space<semaphore_mem>>) src(%dma_wait3A_159 : memref<8x64xi32, #tpu.memory_space<hbm>>) dst(%dma_wait3A_156 : memref<8x64xi32, #tpu.memory_space<vmem>>)
      tpu.yield
    }) : () -> ()
    %multiple_of3A_26 = tpu.assume_multiple %mul3A_19, 8 : i32
    "tpu.region"() ({
      %run_scoped3A_131 = tpu.sem_alloc : memref<!tpu.dma_semaphore, #tpu.memory_space<semaphore_mem>>
      %dma_start3A_132 = arith.constant 0 : i32
      %dma_start3A_133 = tpu.memref_slice %arg5[%multiple_of3A_26, %dma_start3A_132] : memref<5120x64xi32, #tpu.memory_space<hbm>> -> memref<8x64xi32, #tpu.memory_space<hbm>>
      %dma_start3A_134 = arith.constant 0 : i32
      %dma_start3A_135 = tpu.memref_slice %arg5[%multiple_of3A_26, %dma_start3A_134] : memref<5120x64xi32, #tpu.memory_space<hbm>> -> memref<8x64xi32, #tpu.memory_space<hbm>>
      tpu.enqueue_dma source(%dma_start3A_135 : memref<8x64xi32, #tpu.memory_space<hbm>>) target(%arg10 : memref<8x64xi32, #tpu.memory_space<vmem>>) target_semaphore(%run_scoped3A_131 : memref<!tpu.dma_semaphore, #tpu.memory_space<semaphore_mem>>)
      %dma_wait3A_136 = arith.constant 0 : i32
      %dma_wait3A_137 = tpu.memref_slice %arg5[%multiple_of3A_26, %dma_wait3A_136] : memref<5120x64xi32, #tpu.memory_space<hbm>> -> memref<8x64xi32, #tpu.memory_space<hbm>>
      %dma_wait3A_138 = arith.constant 0 : i32
      %dma_wait3A_139 = tpu.memref_slice %arg5[%multiple_of3A_26, %dma_wait3A_138] : memref<5120x64xi32, #tpu.memory_space<hbm>> -> memref<8x64xi32, #tpu.memory_space<hbm>>
      tpu.wait_dma2 semaphore(%run_scoped3A_131 : memref<!tpu.dma_semaphore, #tpu.memory_space<semaphore_mem>>) src(%dma_wait3A_139 : memref<8x64xi32, #tpu.memory_space<hbm>>) dst(%arg10 : memref<8x64xi32, #tpu.memory_space<vmem>>)
      tpu.yield
    }) : () -> ()
    %rem3A = arith.constant 0 : i32
    %rem3A_27 = arith.constant 8 : i32
    %rem3A_28 = arith.remsi %rem3A, %rem3A_27 : i32
    %rem3A_29 = arith.constant 0 : i32
    %rem3A_30 = arith.constant 2 : i32
    %rem3A_31 = arith.remsi %rem3A_29, %rem3A_30 : i32
    %dma_start3A = arith.constant 0 : i32
    %dma_start3A_32 = arith.constant 0 : i32
    %dma_start3A_33 = arith.constant 0 : i32
    %dma_start3A_34 = tpu.memref_slice %arg11[%dma_start3A, %dma_start3A_32, %dma_start3A_33] : memref<2x64x64xf32, #tpu.memory_space<vmem>> -> memref<1x64x64xf32, #tpu.memory_space<vmem>>
    %dma_start3A_35 = tpu.memref_squeeze %dma_start3A_34 : memref<1x64x64xf32, #tpu.memory_space<vmem>> -> memref<64x64xf32, #tpu.memory_space<vmem>>
    %dma_start3A_36 = arith.constant 0 : i32
    %dma_start3A_37 = tpu.memref_slice %arg9[%rem3A_31, %rem3A_28, %dma_start3A_36] : memref<2x8x64xi32, #tpu.memory_space<vmem>> -> memref<1x1x64xi32, #tpu.memory_space<vmem>>
    %dma_start3A_38 = tpu.memref_squeeze %dma_start3A_37 : memref<1x1x64xi32, #tpu.memory_space<vmem>> -> memref<64xi32, #tpu.memory_space<vmem>>
    %dma_start3A_39 = arith.constant 0 : i32
    %dma_start3A_40 = arith.constant 0 : i32
    %dma_start3A_41 = tpu.memref_slice %arg2[%dma_start3A_39, %dma_start3A_40] : memref<20000x64xf32, #tpu.memory_space<hbm>> -> memref<20000x64xf32, #tpu.memory_space<hbm>>
    tpu.enqueue_indirect_dma source(%dma_start3A_41 : memref<20000x64xf32, #tpu.memory_space<hbm>>) target(%dma_start3A_35 : memref<64x64xf32, #tpu.memory_space<vmem>>) offsets(%dma_start3A_38 : memref<64xi32, #tpu.memory_space<vmem>>) semaphore(%arg15 : memref<!tpu.dma_semaphore, #tpu.memory_space<semaphore_mem>>)
    %add3A_42 = arith.constant 0 : i32
    %add3A_43 = arith.addi %add3A, %add3A_42 : i32
    %multiple_of3A_44 = tpu.assume_multiple %add3A_43, 8 : i32
    %dma_start3A_45 = arith.constant 0 : i32
    %dma_start3A_46 = arith.constant 0 : i32
    %dma_start3A_47 = arith.constant 0 : i32
    %dma_start3A_48 = tpu.memref_slice %arg12[%dma_start3A_45, %dma_start3A_46, %dma_start3A_47] : memref<2x64x64xf32, #tpu.memory_space<vmem>> -> memref<1x64x64xf32, #tpu.memory_space<vmem>>
    %dma_start3A_49 = tpu.memref_squeeze %dma_start3A_48 : memref<1x64x64xf32, #tpu.memory_space<vmem>> -> memref<64x64xf32, #tpu.memory_space<vmem>>
    %dma_start3A_50 = arith.constant 0 : i32
    %dma_start3A_51 = tpu.memref_slice %arg3[%multiple_of3A_44, %dma_start3A_50] : memref<655360x64xf32, #tpu.memory_space<hbm>> -> memref<64x64xf32, #tpu.memory_space<hbm>>
    %dma_start3A_52 = arith.constant 0 : i32
    %dma_start3A_53 = arith.constant 0 : i32
    %dma_start3A_54 = tpu.memref_slice %arg12[%dma_start3A_45, %dma_start3A_52, %dma_start3A_53] : memref<2x64x64xf32, #tpu.memory_space<vmem>> -> memref<1x64x64xf32, #tpu.memory_space<vmem>>
    %dma_start3A_55 = tpu.memref_squeeze %dma_start3A_54 : memref<1x64x64xf32, #tpu.memory_space<vmem>> -> memref<64x64xf32, #tpu.memory_space<vmem>>
    %dma_start3A_56 = arith.constant 0 : i32
    %dma_start3A_57 = tpu.memref_slice %arg3[%multiple_of3A_44, %dma_start3A_56] : memref<655360x64xf32, #tpu.memory_space<hbm>> -> memref<64x64xf32, #tpu.memory_space<hbm>>
    tpu.enqueue_dma source(%dma_start3A_57 : memref<64x64xf32, #tpu.memory_space<hbm>>) target(%dma_start3A_55 : memref<64x64xf32, #tpu.memory_space<vmem>>) target_semaphore(%arg16 : memref<!tpu.dma_semaphore, #tpu.memory_space<semaphore_mem>>)
    %rem3A_58 = arith.constant 1 : i32
    %rem3A_59 = arith.constant 8 : i32
    %rem3A_60 = arith.remsi %rem3A_58, %rem3A_59 : i32
    %rem3A_61 = arith.constant 0 : i32
    %rem3A_62 = arith.constant 2 : i32
    %rem3A_63 = arith.remsi %rem3A_61, %rem3A_62 : i32
    %dma_start3A_64 = arith.constant 1 : i32
    %dma_start3A_65 = arith.constant 0 : i32
    %dma_start3A_66 = arith.constant 0 : i32
    %dma_start3A_67 = tpu.memref_slice %arg11[%dma_start3A_64, %dma_start3A_65, %dma_start3A_66] : memref<2x64x64xf32, #tpu.memory_space<vmem>> -> memref<1x64x64xf32, #tpu.memory_space<vmem>>
    %dma_start3A_68 = tpu.memref_squeeze %dma_start3A_67 : memref<1x64x64xf32, #tpu.memory_space<vmem>> -> memref<64x64xf32, #tpu.memory_space<vmem>>
    %dma_start3A_69 = arith.constant 0 : i32
    %dma_start3A_70 = tpu.memref_slice %arg9[%rem3A_63, %rem3A_60, %dma_start3A_69] : memref<2x8x64xi32, #tpu.memory_space<vmem>> -> memref<1x1x64xi32, #tpu.memory_space<vmem>>
    %dma_start3A_71 = tpu.memref_squeeze %dma_start3A_70 : memref<1x1x64xi32, #tpu.memory_space<vmem>> -> memref<64xi32, #tpu.memory_space<vmem>>
    %dma_start3A_72 = arith.constant 0 : i32
    %dma_start3A_73 = arith.constant 0 : i32
    %dma_start3A_74 = tpu.memref_slice %arg2[%dma_start3A_72, %dma_start3A_73] : memref<20000x64xf32, #tpu.memory_space<hbm>> -> memref<20000x64xf32, #tpu.memory_space<hbm>>
    tpu.enqueue_indirect_dma source(%dma_start3A_74 : memref<20000x64xf32, #tpu.memory_space<hbm>>) target(%dma_start3A_68 : memref<64x64xf32, #tpu.memory_space<vmem>>) offsets(%dma_start3A_71 : memref<64xi32, #tpu.memory_space<vmem>>) semaphore(%arg15 : memref<!tpu.dma_semaphore, #tpu.memory_space<semaphore_mem>>)
    %add3A_75 = arith.constant 64 : i32
    %add3A_76 = arith.addi %add3A, %add3A_75 : i32
    %multiple_of3A_77 = tpu.assume_multiple %add3A_76, 8 : i32
    %dma_start3A_78 = arith.constant 1 : i32
    %dma_start3A_79 = arith.constant 0 : i32
    %dma_start3A_80 = arith.constant 0 : i32
    %dma_start3A_81 = tpu.memref_slice %arg12[%dma_start3A_78, %dma_start3A_79, %dma_start3A_80] : memref<2x64x64xf32, #tpu.memory_space<vmem>> -> memref<1x64x64xf32, #tpu.memory_space<vmem>>
    %dma_start3A_82 = tpu.memref_squeeze %dma_start3A_81 : memref<1x64x64xf32, #tpu.memory_space<vmem>> -> memref<64x64xf32, #tpu.memory_space<vmem>>
    %dma_start3A_83 = arith.constant 0 : i32
    %dma_start3A_84 = tpu.memref_slice %arg3[%multiple_of3A_77, %dma_start3A_83] : memref<655360x64xf32, #tpu.memory_space<hbm>> -> memref<64x64xf32, #tpu.memory_space<hbm>>
    %dma_start3A_85 = arith.constant 0 : i32
    %dma_start3A_86 = arith.constant 0 : i32
    %dma_start3A_87 = tpu.memref_slice %arg12[%dma_start3A_78, %dma_start3A_85, %dma_start3A_86] : memref<2x64x64xf32, #tpu.memory_space<vmem>> -> memref<1x64x64xf32, #tpu.memory_space<vmem>>
    %dma_start3A_88 = tpu.memref_squeeze %dma_start3A_87 : memref<1x64x64xf32, #tpu.memory_space<vmem>> -> memref<64x64xf32, #tpu.memory_space<vmem>>
    %dma_start3A_89 = arith.constant 0 : i32
    %dma_start3A_90 = tpu.memref_slice %arg3[%multiple_of3A_77, %dma_start3A_89] : memref<655360x64xf32, #tpu.memory_space<hbm>> -> memref<64x64xf32, #tpu.memory_space<hbm>>
    tpu.enqueue_dma source(%dma_start3A_90 : memref<64x64xf32, #tpu.memory_space<hbm>>) target(%dma_start3A_88 : memref<64x64xf32, #tpu.memory_space<vmem>>) target_semaphore(%arg16 : memref<!tpu.dma_semaphore, #tpu.memory_space<semaphore_mem>>)
    %scan3A_91 = arith.constant 0 : i32
    %scan3A_92 = arith.constant 0 : i32
    %scan3A_93 = arith.constant 40 : i32
    %scan3A_94 = arith.addi %scan3A_92, %scan3A_93 : i32
    %scan3A_95 = arith.constant 1 : i32
    %scan3A_96 = scf.for %scan3A_131 = %scan3A_92 to %scan3A_94 step %scan3A_95 iter_args(%scan3A_132 = %scan3A_91) -> (i32)  : i32 {
      %gt3A = arith.constant 0 : i32
      %gt3A_133 = arith.cmpi sgt, %scan3A_131, %gt3A : i32
      %convert_element_type3A = arith.extui %gt3A_133 : i1 to i32
      %cond3A = arith.constant 0 : i32
      %cond3A_134 = arith.cmpi ne, %convert_element_type3A, %cond3A : i32
      scf.if %cond3A_134 {
        %dma_wait3A_147 = arith.constant 0 : i32
        %dma_wait3A_148 = arith.constant 0 : i32
        %dma_wait3A_149 = arith.constant 0 : i32
        %dma_wait3A_150 = arith.constant 0 : i32
        %dma_wait3A_151 = tpu.memref_slice %arg13[%dma_wait3A_147, %dma_wait3A_149, %dma_wait3A_150] : memref<2x64x128xf32, #tpu.memory_space<vmem>> -> memref<1x64x128xf32, #tpu.memory_space<vmem>>
        %dma_wait3A_152 = tpu.memref_squeeze %dma_wait3A_151 : memref<1x64x128xf32, #tpu.memory_space<vmem>> -> memref<64x128xf32, #tpu.memory_space<vmem>>
        %dma_wait3A_153 = arith.constant 0 : i32
        %dma_wait3A_154 = tpu.memref_slice %arg10[%dma_wait3A_148, %dma_wait3A_153] : memref<8x64xi32, #tpu.memory_space<vmem>> -> memref<1x64xi32, #tpu.memory_space<vmem>>
        %dma_wait3A_155 = tpu.memref_squeeze %dma_wait3A_154 : memref<1x64xi32, #tpu.memory_space<vmem>> -> memref<64xi32, #tpu.memory_space<vmem>>
        %dma_wait3A_156 = arith.constant 0 : i32
        %dma_wait3A_157 = arith.constant 0 : i32
        %dma_wait3A_158 = tpu.memref_slice %arg8[%dma_wait3A_156, %dma_wait3A_157] : memref<10240x128xf32, #tpu.memory_space<vmem_shared>> -> memref<10240x128xf32, #tpu.memory_space<vmem_shared>>
        tpu.wait_indirect_dma semaphore(%arg17 : memref<!tpu.dma_semaphore, #tpu.memory_space<semaphore_mem>>) src(%dma_wait3A_152 : memref<64x128xf32, #tpu.memory_space<vmem>>) dst(%dma_wait3A_158 : memref<10240x128xf32, #tpu.memory_space<vmem_shared>>)
        %dma_wait3A_159 = arith.constant 0 : i32
        %dma_wait3A_160 = arith.constant 0 : i32
        %dma_wait3A_161 = arith.constant 0 : i32
        %dma_wait3A_162 = arith.constant 0 : i32
        %dma_wait3A_163 = tpu.memref_slice %arg13[%dma_wait3A_159, %dma_wait3A_161, %dma_wait3A_162] : memref<2x64x128xf32, #tpu.memory_space<vmem>> -> memref<1x64x128xf32, #tpu.memory_space<vmem>>
        %dma_wait3A_164 = tpu.memref_squeeze %dma_wait3A_163 : memref<1x64x128xf32, #tpu.memory_space<vmem>> -> memref<64x128xf32, #tpu.memory_space<vmem>>
        %dma_wait3A_165 = arith.constant 0 : i32
        %dma_wait3A_166 = tpu.memref_slice %arg10[%dma_wait3A_160, %dma_wait3A_165] : memref<8x64xi32, #tpu.memory_space<vmem>> -> memref<1x64xi32, #tpu.memory_space<vmem>>
        %dma_wait3A_167 = tpu.memref_squeeze %dma_wait3A_166 : memref<1x64xi32, #tpu.memory_space<vmem>> -> memref<64xi32, #tpu.memory_space<vmem>>
        %dma_wait3A_168 = arith.constant 0 : i32
        %dma_wait3A_169 = arith.constant 0 : i32
        %dma_wait3A_170 = tpu.memref_slice %arg8[%dma_wait3A_168, %dma_wait3A_169] : memref<10240x128xf32, #tpu.memory_space<vmem_shared>> -> memref<10240x128xf32, #tpu.memory_space<vmem_shared>>
        tpu.wait_indirect_dma semaphore(%arg17 : memref<!tpu.dma_semaphore, #tpu.memory_space<semaphore_mem>>) src(%dma_wait3A_164 : memref<64x128xf32, #tpu.memory_space<vmem>>) dst(%dma_wait3A_170 : memref<10240x128xf32, #tpu.memory_space<vmem_shared>>)
        %mul3A_171 = arith.constant 8 : i32
        %mul3A_172 = arith.muli %scan3A_131, %mul3A_171 : i32
        %add3A_173 = arith.addi %mul3A_19, %mul3A_172 : i32
        %multiple_of3A_174 = tpu.assume_multiple %add3A_173, 8 : i32
        "tpu.region"() ({
          %run_scoped3A_175 = tpu.sem_alloc : memref<!tpu.dma_semaphore, #tpu.memory_space<semaphore_mem>>
          %dma_start3A_176 = arith.constant 0 : i32
          %dma_start3A_177 = tpu.memref_slice %arg5[%multiple_of3A_174, %dma_start3A_176] : memref<5120x64xi32, #tpu.memory_space<hbm>> -> memref<8x64xi32, #tpu.memory_space<hbm>>
          %dma_start3A_178 = arith.constant 0 : i32
          %dma_start3A_179 = tpu.memref_slice %arg5[%multiple_of3A_174, %dma_start3A_178] : memref<5120x64xi32, #tpu.memory_space<hbm>> -> memref<8x64xi32, #tpu.memory_space<hbm>>
          tpu.enqueue_dma source(%dma_start3A_179 : memref<8x64xi32, #tpu.memory_space<hbm>>) target(%arg10 : memref<8x64xi32, #tpu.memory_space<vmem>>) target_semaphore(%run_scoped3A_175 : memref<!tpu.dma_semaphore, #tpu.memory_space<semaphore_mem>>)
          %dma_wait3A_180 = arith.constant 0 : i32
          %dma_wait3A_181 = tpu.memref_slice %arg5[%multiple_of3A_174, %dma_wait3A_180] : memref<5120x64xi32, #tpu.memory_space<hbm>> -> memref<8x64xi32, #tpu.memory_space<hbm>>
          %dma_wait3A_182 = arith.constant 0 : i32
          %dma_wait3A_183 = tpu.memref_slice %arg5[%multiple_of3A_174, %dma_wait3A_182] : memref<5120x64xi32, #tpu.memory_space<hbm>> -> memref<8x64xi32, #tpu.memory_space<hbm>>
          tpu.wait_dma2 semaphore(%run_scoped3A_175 : memref<!tpu.dma_semaphore, #tpu.memory_space<semaphore_mem>>) src(%dma_wait3A_183 : memref<8x64xi32, #tpu.memory_space<hbm>>) dst(%arg10 : memref<8x64xi32, #tpu.memory_space<vmem>>)
          tpu.yield
        }) : () -> ()
      } else {
      }
      %lt3A = arith.constant 39 : i32
      %lt3A_135 = arith.cmpi slt, %scan3A_131, %lt3A : i32
      %convert_element_type3A_136 = arith.extui %lt3A_135 : i1 to i32
      %cond3A_137 = arith.constant 0 : i32
      %cond3A_138 = arith.cmpi ne, %convert_element_type3A_136, %cond3A_137 : i32
      scf.if %cond3A_138 {
        %add3A_147 = arith.constant 1 : i32
        %add3A_148 = arith.addi %scan3A_131, %add3A_147 : i32
        %mul3A_149 = arith.constant 8 : i32
        %mul3A_150 = arith.muli %add3A_148, %mul3A_149 : i32
        %add3A_151 = arith.addi %mul3A_19, %mul3A_150 : i32
        %multiple_of3A_152 = tpu.assume_multiple %add3A_151, 8 : i32
        %add3A_153 = arith.constant 1 : i32
        %add3A_154 = arith.addi %scan3A_131, %add3A_153 : i32
        %rem3A_155 = arith.constant 2 : i32
        %rem3A_156 = arith.remsi %add3A_154, %rem3A_155 : i32
        "tpu.region"() ({
          %run_scoped3A_157 = tpu.sem_alloc : memref<!tpu.dma_semaphore, #tpu.memory_space<semaphore_mem>>
          %dma_start3A_158 = arith.constant 0 : i32
          %dma_start3A_159 = arith.constant 0 : i32
          %dma_start3A_160 = tpu.memref_slice %arg9[%rem3A_156, %dma_start3A_158, %dma_start3A_159] : memref<2x8x64xi32, #tpu.memory_space<vmem>> -> memref<1x8x64xi32, #tpu.memory_space<vmem>>
          %dma_start3A_161 = tpu.memref_squeeze %dma_start3A_160 : memref<1x8x64xi32, #tpu.memory_space<vmem>> -> memref<8x64xi32, #tpu.memory_space<vmem>>
          %dma_start3A_162 = arith.constant 0 : i32
          %dma_start3A_163 = tpu.memref_slice %arg4[%arg0, %multiple_of3A_152, %dma_start3A_162] : memref<2x5120x64xi32, #tpu.memory_space<hbm>> -> memref<1x8x64xi32, #tpu.memory_space<hbm>>
          %dma_start3A_164 = tpu.memref_squeeze %dma_start3A_163 : memref<1x8x64xi32, #tpu.memory_space<hbm>> -> memref<8x64xi32, #tpu.memory_space<hbm>>
          %dma_start3A_165 = arith.constant 0 : i32
          %dma_start3A_166 = arith.constant 0 : i32
          %dma_start3A_167 = tpu.memref_slice %arg9[%rem3A_156, %dma_start3A_165, %dma_start3A_166] : memref<2x8x64xi32, #tpu.memory_space<vmem>> -> memref<1x8x64xi32, #tpu.memory_space<vmem>>
          %dma_start3A_168 = tpu.memref_squeeze %dma_start3A_167 : memref<1x8x64xi32, #tpu.memory_space<vmem>> -> memref<8x64xi32, #tpu.memory_space<vmem>>
          %dma_start3A_169 = arith.constant 0 : i32
          %dma_start3A_170 = tpu.memref_slice %arg4[%arg0, %multiple_of3A_152, %dma_start3A_169] : memref<2x5120x64xi32, #tpu.memory_space<hbm>> -> memref<1x8x64xi32, #tpu.memory_space<hbm>>
          %dma_start3A_171 = tpu.memref_squeeze %dma_start3A_170 : memref<1x8x64xi32, #tpu.memory_space<hbm>> -> memref<8x64xi32, #tpu.memory_space<hbm>>
          tpu.enqueue_dma source(%dma_start3A_171 : memref<8x64xi32, #tpu.memory_space<hbm>>) target(%dma_start3A_168 : memref<8x64xi32, #tpu.memory_space<vmem>>) target_semaphore(%run_scoped3A_157 : memref<!tpu.dma_semaphore, #tpu.memory_space<semaphore_mem>>)
          %dma_wait3A_172 = arith.constant 0 : i32
          %dma_wait3A_173 = arith.constant 0 : i32
          %dma_wait3A_174 = tpu.memref_slice %arg9[%rem3A_156, %dma_wait3A_172, %dma_wait3A_173] : memref<2x8x64xi32, #tpu.memory_space<vmem>> -> memref<1x8x64xi32, #tpu.memory_space<vmem>>
          %dma_wait3A_175 = tpu.memref_squeeze %dma_wait3A_174 : memref<1x8x64xi32, #tpu.memory_space<vmem>> -> memref<8x64xi32, #tpu.memory_space<vmem>>
          %dma_wait3A_176 = arith.constant 0 : i32
          %dma_wait3A_177 = tpu.memref_slice %arg4[%arg0, %multiple_of3A_152, %dma_wait3A_176] : memref<2x5120x64xi32, #tpu.memory_space<hbm>> -> memref<1x8x64xi32, #tpu.memory_space<hbm>>
          %dma_wait3A_178 = tpu.memref_squeeze %dma_wait3A_177 : memref<1x8x64xi32, #tpu.memory_space<hbm>> -> memref<8x64xi32, #tpu.memory_space<hbm>>
          %dma_wait3A_179 = arith.constant 0 : i32
          %dma_wait3A_180 = arith.constant 0 : i32
          %dma_wait3A_181 = tpu.memref_slice %arg9[%rem3A_156, %dma_wait3A_179, %dma_wait3A_180] : memref<2x8x64xi32, #tpu.memory_space<vmem>> -> memref<1x8x64xi32, #tpu.memory_space<vmem>>
          %dma_wait3A_182 = tpu.memref_squeeze %dma_wait3A_181 : memref<1x8x64xi32, #tpu.memory_space<vmem>> -> memref<8x64xi32, #tpu.memory_space<vmem>>
          %dma_wait3A_183 = arith.constant 0 : i32
          %dma_wait3A_184 = tpu.memref_slice %arg4[%arg0, %multiple_of3A_152, %dma_wait3A_183] : memref<2x5120x64xi32, #tpu.memory_space<hbm>> -> memref<1x8x64xi32, #tpu.memory_space<hbm>>
          %dma_wait3A_185 = tpu.memref_squeeze %dma_wait3A_184 : memref<1x8x64xi32, #tpu.memory_space<hbm>> -> memref<8x64xi32, #tpu.memory_space<hbm>>
          tpu.wait_dma2 semaphore(%run_scoped3A_157 : memref<!tpu.dma_semaphore, #tpu.memory_space<semaphore_mem>>) src(%dma_wait3A_185 : memref<8x64xi32, #tpu.memory_space<hbm>>) dst(%dma_wait3A_182 : memref<8x64xi32, #tpu.memory_space<vmem>>)
          tpu.yield
        }) : () -> ()
      } else {
      }
      %scan3A_139 = arith.constant 0 : i32
      %scan3A_140 = arith.constant 0 : i32
      %scan3A_141 = arith.constant 4 : i32
      %scan3A_142 = arith.addi %scan3A_140, %scan3A_141 : i32
      %scan3A_143 = arith.constant 1 : i32
      %scan3A_144 = scf.for %scan3A_147 = %scan3A_140 to %scan3A_142 step %scan3A_143 iter_args(%scan3A_148 = %scan3A_139) -> (i32)  : i32 {
        %mul3A_149 = arith.constant 2 : i32
        %mul3A_150 = arith.muli %mul3A_149, %scan3A_147 : i32
        %add3A_151 = arith.constant 0 : i32
        %add3A_152 = arith.addi %mul3A_150, %add3A_151 : i32
        %mul3A_153 = arith.constant 8 : i32
        %mul3A_154 = arith.muli %scan3A_131, %mul3A_153 : i32
        %add3A_155 = arith.addi %mul3A_154, %add3A_152 : i32
        %dma_wait3A_156 = arith.constant 0 : i32
        %dma_wait3A_157 = arith.constant 0 : i32
        %dma_wait3A_158 = arith.constant 0 : i32
        %dma_wait3A_159 = arith.constant 0 : i32
        %dma_wait3A_160 = arith.constant 0 : i32
        %dma_wait3A_161 = tpu.memref_slice %arg11[%dma_wait3A_158, %dma_wait3A_159, %dma_wait3A_160] : memref<2x64x64xf32, #tpu.memory_space<vmem>> -> memref<1x64x64xf32, #tpu.memory_space<vmem>>
        %dma_wait3A_162 = tpu.memref_squeeze %dma_wait3A_161 : memref<1x64x64xf32, #tpu.memory_space<vmem>> -> memref<64x64xf32, #tpu.memory_space<vmem>>
        %dma_wait3A_163 = arith.constant 0 : i32
        %dma_wait3A_164 = tpu.memref_slice %arg9[%dma_wait3A_156, %dma_wait3A_157, %dma_wait3A_163] : memref<2x8x64xi32, #tpu.memory_space<vmem>> -> memref<1x1x64xi32, #tpu.memory_space<vmem>>
        %dma_wait3A_165 = tpu.memref_squeeze %dma_wait3A_164 : memref<1x1x64xi32, #tpu.memory_space<vmem>> -> memref<64xi32, #tpu.memory_space<vmem>>
        %dma_wait3A_166 = arith.constant 0 : i32
        %dma_wait3A_167 = arith.constant 0 : i32
        %dma_wait3A_168 = tpu.memref_slice %arg2[%dma_wait3A_166, %dma_wait3A_167] : memref<20000x64xf32, #tpu.memory_space<hbm>> -> memref<20000x64xf32, #tpu.memory_space<hbm>>
        tpu.wait_indirect_dma semaphore(%arg15 : memref<!tpu.dma_semaphore, #tpu.memory_space<semaphore_mem>>) src(%dma_wait3A_168 : memref<20000x64xf32, #tpu.memory_space<hbm>>) dst(%dma_wait3A_162 : memref<64x64xf32, #tpu.memory_space<vmem>>)
        %dma_wait3A_169 = arith.constant 0 : i32
        %dma_wait3A_170 = arith.constant 0 : i32
        %dma_wait3A_171 = arith.constant 0 : i32
        %dma_wait3A_172 = tpu.memref_slice %arg12[%dma_wait3A_169, %dma_wait3A_170, %dma_wait3A_171] : memref<2x64x64xf32, #tpu.memory_space<vmem>> -> memref<1x64x64xf32, #tpu.memory_space<vmem>>
        %dma_wait3A_173 = tpu.memref_squeeze %dma_wait3A_172 : memref<1x64x64xf32, #tpu.memory_space<vmem>> -> memref<64x64xf32, #tpu.memory_space<vmem>>
        %dma_wait3A_174 = arith.constant 0 : i32
        %dma_wait3A_175 = arith.constant 0 : i32
        %dma_wait3A_176 = tpu.memref_slice %arg3[%dma_wait3A_174, %dma_wait3A_175] : memref<655360x64xf32, #tpu.memory_space<hbm>> -> memref<64x64xf32, #tpu.memory_space<hbm>>
        %dma_wait3A_177 = arith.constant 0 : i32
        %dma_wait3A_178 = arith.constant 0 : i32
        %dma_wait3A_179 = tpu.memref_slice %arg12[%dma_wait3A_169, %dma_wait3A_177, %dma_wait3A_178] : memref<2x64x64xf32, #tpu.memory_space<vmem>> -> memref<1x64x64xf32, #tpu.memory_space<vmem>>
        %dma_wait3A_180 = tpu.memref_squeeze %dma_wait3A_179 : memref<1x64x64xf32, #tpu.memory_space<vmem>> -> memref<64x64xf32, #tpu.memory_space<vmem>>
        %dma_wait3A_181 = arith.constant 0 : i32
        %dma_wait3A_182 = arith.constant 0 : i32
        %dma_wait3A_183 = tpu.memref_slice %arg3[%dma_wait3A_181, %dma_wait3A_182] : memref<655360x64xf32, #tpu.memory_space<hbm>> -> memref<64x64xf32, #tpu.memory_space<hbm>>
        tpu.wait_dma2 semaphore(%arg16 : memref<!tpu.dma_semaphore, #tpu.memory_space<semaphore_mem>>) src(%dma_wait3A_183 : memref<64x64xf32, #tpu.memory_space<hbm>>) dst(%dma_wait3A_180 : memref<64x64xf32, #tpu.memory_space<vmem>>)
        %ge3A = arith.constant 1 : i32
        %ge3A_184 = arith.cmpi sge, %scan3A_147, %ge3A : i32
        %convert_element_type3A_185 = arith.extui %ge3A_184 : i1 to i32
        %cond3A_186 = arith.constant 0 : i32
        %cond3A_187 = arith.cmpi ne, %convert_element_type3A_185, %cond3A_186 : i32
        scf.if %cond3A_187 {
          %dma_wait3A_270 = arith.constant 0 : i32
          %dma_wait3A_271 = arith.constant 0 : i32
          %dma_wait3A_272 = arith.constant 0 : i32
          %dma_wait3A_273 = arith.constant 0 : i32
          %dma_wait3A_274 = tpu.memref_slice %arg13[%dma_wait3A_270, %dma_wait3A_272, %dma_wait3A_273] : memref<2x64x128xf32, #tpu.memory_space<vmem>> -> memref<1x64x128xf32, #tpu.memory_space<vmem>>
          %dma_wait3A_275 = tpu.memref_squeeze %dma_wait3A_274 : memref<1x64x128xf32, #tpu.memory_space<vmem>> -> memref<64x128xf32, #tpu.memory_space<vmem>>
          %dma_wait3A_276 = arith.constant 0 : i32
          %dma_wait3A_277 = tpu.memref_slice %arg10[%dma_wait3A_271, %dma_wait3A_276] : memref<8x64xi32, #tpu.memory_space<vmem>> -> memref<1x64xi32, #tpu.memory_space<vmem>>
          %dma_wait3A_278 = tpu.memref_squeeze %dma_wait3A_277 : memref<1x64xi32, #tpu.memory_space<vmem>> -> memref<64xi32, #tpu.memory_space<vmem>>
          %dma_wait3A_279 = arith.constant 0 : i32
          %dma_wait3A_280 = arith.constant 0 : i32
          %dma_wait3A_281 = tpu.memref_slice %arg8[%dma_wait3A_279, %dma_wait3A_280] : memref<10240x128xf32, #tpu.memory_space<vmem_shared>> -> memref<10240x128xf32, #tpu.memory_space<vmem_shared>>
          tpu.wait_indirect_dma semaphore(%arg17 : memref<!tpu.dma_semaphore, #tpu.memory_space<semaphore_mem>>) src(%dma_wait3A_275 : memref<64x128xf32, #tpu.memory_space<vmem>>) dst(%dma_wait3A_281 : memref<10240x128xf32, #tpu.memory_space<vmem_shared>>)
        } else {
        }
        %parallel_loop3A = arith.constant 0 : i32
        %parallel_loop3A_188 = arith.constant 64 : i32
        %parallel_loop3A_189 = arith.constant 1 : i32
        scf.for %parallel_loop3A_270 = %parallel_loop3A to %parallel_loop3A_188 step %parallel_loop3A_189  : i32 {
          %parallel_loop3A_271 = arith.constant 0 : i32
          %parallel_loop3A_272 = arith.index_cast %parallel_loop3A_271 : i32 to index
          %parallel_loop3A_273 = arith.index_cast %parallel_loop3A_270 : i32 to index
          %parallel_loop3A_274 = arith.constant 0 : index
          %parallel_loop3A_275 = tpu.vector_load %arg11[%parallel_loop3A_272, %parallel_loop3A_273, %parallel_loop3A_274] {strides = array<i32>} : memref<2x64x64xf32, #tpu.memory_space<vmem>>, vector<1x1x16xf32>,
          %parallel_loop3A_276 = vector.shape_cast %parallel_loop3A_275 : vector<1x1x16xf32> to vector<16xf32>
          %parallel_loop3A_277 = arith.constant 0 : i32
          %parallel_loop3A_278 = arith.index_cast %parallel_loop3A_277 : i32 to index
          %parallel_loop3A_279 = arith.index_cast %parallel_loop3A_270 : i32 to index
          %parallel_loop3A_280 = arith.constant 0 : index
          %parallel_loop3A_281 = tpu.vector_load %arg12[%parallel_loop3A_278, %parallel_loop3A_279, %parallel_loop3A_280] {strides = array<i32>} : memref<2x64x64xf32, #tpu.memory_space<vmem>>, vector<1x1x16xf32>,
          %parallel_loop3A_282 = vector.shape_cast %parallel_loop3A_281 : vector<1x1x16xf32> to vector<16xf32>
          %parallel_loop3A_283 = arith.addf %parallel_loop3A_276, %parallel_loop3A_282 : vector<16xf32>
          %parallel_loop3A_284 = arith.constant 0.000000e+00 : f32
          %parallel_loop3A_285 = vector.broadcast %parallel_loop3A_284 : f32 to vector<16xf32>
          %parallel_loop3A_286 = arith.maximumf %parallel_loop3A_283, %parallel_loop3A_285 : vector<16xf32>
          %parallel_loop3A_287 = arith.constant 1.000000e-07 : f32
          %parallel_loop3A_288 = vector.broadcast %parallel_loop3A_287 : f32 to vector<16xf32>
          %parallel_loop3A_289 = arith.addf %parallel_loop3A_286, %parallel_loop3A_288 : vector<16xf32>
          %parallel_loop3A_290 = arith.mulf %parallel_loop3A_289, %get3A_25 : vector<16xf32>
          %parallel_loop3A_291 = math.exp %parallel_loop3A_290 : vector<16xf32>
          %parallel_loop3A_292 = arith.mulf %parallel_loop3A_289, %parallel_loop3A_291 : vector<16xf32>
          %parallel_loop3A_293 = arith.constant 0 : i32
          %parallel_loop3A_294 = arith.index_cast %parallel_loop3A_293 : i32 to index
          %parallel_loop3A_295 = arith.index_cast %parallel_loop3A_270 : i32 to index
          %parallel_loop3A_296 = arith.constant 0 : index
          %parallel_loop3A_297 = tpu.vector_load %arg13[%parallel_loop3A_294, %parallel_loop3A_295, %parallel_loop3A_296] {strides = array<i32>} : memref<2x64x128xf32, #tpu.memory_space<vmem>>, vector<1x1x16xf32>,
          %parallel_loop3A_298 = vector.shape_cast %parallel_loop3A_297 : vector<1x1x16xf32> to vector<16xf32>
          %parallel_loop3A_299 = vector.shape_cast %parallel_loop3A_292 : vector<16xf32> to vector<1x1x16xf32>
          tpu.vector_store %arg13[%parallel_loop3A_294, %parallel_loop3A_295, %parallel_loop3A_296], %parallel_loop3A_299 {strides = array<i32>} : memref<2x64x128xf32, #tpu.memory_space<vmem>>, vector<1x1x16xf32>,
          %parallel_loop3A_300 = arith.constant 0 : i32
          %parallel_loop3A_301 = arith.index_cast %parallel_loop3A_300 : i32 to index
          %parallel_loop3A_302 = arith.index_cast %parallel_loop3A_270 : i32 to index
          %parallel_loop3A_303 = arith.constant 64 : index
          %parallel_loop3A_304 = tpu.vector_load %arg13[%parallel_loop3A_301, %parallel_loop3A_302, %parallel_loop3A_303] {strides = array<i32>} : memref<2x64x128xf32, #tpu.memory_space<vmem>>, vector<1x1x16xf32>,
          %parallel_loop3A_305 = vector.shape_cast %parallel_loop3A_304 : vector<1x1x16xf32> to vector<16xf32>
          %parallel_loop3A_306 = vector.shape_cast %parallel_loop3A_291 : vector<16xf32> to vector<1x1x16xf32>
          tpu.vector_store %arg13[%parallel_loop3A_301, %parallel_loop3A_302, %parallel_loop3A_303], %parallel_loop3A_306 {strides = array<i32>} : memref<2x64x128xf32, #tpu.memory_space<vmem>>, vector<1x1x16xf32>,
          %parallel_loop3A_307 = arith.constant 0 : i32
          %parallel_loop3A_308 = arith.index_cast %parallel_loop3A_307 : i32 to index
          %parallel_loop3A_309 = arith.index_cast %parallel_loop3A_270 : i32 to index
          %parallel_loop3A_310 = arith.constant 16 : index
          %parallel_loop3A_311 = tpu.vector_load %arg11[%parallel_loop3A_308, %parallel_loop3A_309, %parallel_loop3A_310] {strides = array<i32>} : memref<2x64x64xf32, #tpu.memory_space<vmem>>, vector<1x1x16xf32>,
          %parallel_loop3A_312 = vector.shape_cast %parallel_loop3A_311 : vector<1x1x16xf32> to vector<16xf32>
          %parallel_loop3A_313 = arith.constant 0 : i32
          %parallel_loop3A_314 = arith.index_cast %parallel_loop3A_313 : i32 to index
          %parallel_loop3A_315 = arith.index_cast %parallel_loop3A_270 : i32 to index
          %parallel_loop3A_316 = arith.constant 16 : index
          %parallel_loop3A_317 = tpu.vector_load %arg12[%parallel_loop3A_314, %parallel_loop3A_315, %parallel_loop3A_316] {strides = array<i32>} : memref<2x64x64xf32, #tpu.memory_space<vmem>>, vector<1x1x16xf32>,
          %parallel_loop3A_318 = vector.shape_cast %parallel_loop3A_317 : vector<1x1x16xf32> to vector<16xf32>
          %parallel_loop3A_319 = arith.addf %parallel_loop3A_312, %parallel_loop3A_318 : vector<16xf32>
          %parallel_loop3A_320 = arith.constant 0.000000e+00 : f32
          %parallel_loop3A_321 = vector.broadcast %parallel_loop3A_320 : f32 to vector<16xf32>
          %parallel_loop3A_322 = arith.maximumf %parallel_loop3A_319, %parallel_loop3A_321 : vector<16xf32>
          %parallel_loop3A_323 = arith.constant 1.000000e-07 : f32
          %parallel_loop3A_324 = vector.broadcast %parallel_loop3A_323 : f32 to vector<16xf32>
          %parallel_loop3A_325 = arith.addf %parallel_loop3A_322, %parallel_loop3A_324 : vector<16xf32>
          %parallel_loop3A_326 = arith.mulf %parallel_loop3A_325, %get3A_25 : vector<16xf32>
          %parallel_loop3A_327 = math.exp %parallel_loop3A_326 : vector<16xf32>
          %parallel_loop3A_328 = arith.mulf %parallel_loop3A_325, %parallel_loop3A_327 : vector<16xf32>
          %parallel_loop3A_329 = arith.constant 0 : i32
          %parallel_loop3A_330 = arith.index_cast %parallel_loop3A_329 : i32 to index
          %parallel_loop3A_331 = arith.index_cast %parallel_loop3A_270 : i32 to index
          %parallel_loop3A_332 = arith.constant 16 : index
          %parallel_loop3A_333 = tpu.vector_load %arg13[%parallel_loop3A_330, %parallel_loop3A_331, %parallel_loop3A_332] {strides = array<i32>} : memref<2x64x128xf32, #tpu.memory_space<vmem>>, vector<1x1x16xf32>,
          %parallel_loop3A_334 = vector.shape_cast %parallel_loop3A_333 : vector<1x1x16xf32> to vector<16xf32>
          %parallel_loop3A_335 = vector.shape_cast %parallel_loop3A_328 : vector<16xf32> to vector<1x1x16xf32>
          tpu.vector_store %arg13[%parallel_loop3A_330, %parallel_loop3A_331, %parallel_loop3A_332], %parallel_loop3A_335 {strides = array<i32>} : memref<2x64x128xf32, #tpu.memory_space<vmem>>, vector<1x1x16xf32>,
          %parallel_loop3A_336 = arith.constant 0 : i32
          %parallel_loop3A_337 = arith.index_cast %parallel_loop3A_336 : i32 to index
          %parallel_loop3A_338 = arith.index_cast %parallel_loop3A_270 : i32 to index
          %parallel_loop3A_339 = arith.constant 80 : index
          %parallel_loop3A_340 = tpu.vector_load %arg13[%parallel_loop3A_337, %parallel_loop3A_338, %parallel_loop3A_339] {strides = array<i32>} : memref<2x64x128xf32, #tpu.memory_space<vmem>>, vector<1x1x16xf32>,
          %parallel_loop3A_341 = vector.shape_cast %parallel_loop3A_340 : vector<1x1x16xf32> to vector<16xf32>
          %parallel_loop3A_342 = vector.shape_cast %parallel_loop3A_327 : vector<16xf32> to vector<1x1x16xf32>
          tpu.vector_store %arg13[%parallel_loop3A_337, %parallel_loop3A_338, %parallel_loop3A_339], %parallel_loop3A_342 {strides = array<i32>} : memref<2x64x128xf32, #tpu.memory_space<vmem>>, vector<1x1x16xf32>,
          %parallel_loop3A_343 = arith.constant 0 : i32
          %parallel_loop3A_344 = arith.index_cast %parallel_loop3A_343 : i32 to index
          %parallel_loop3A_345 = arith.index_cast %parallel_loop3A_270 : i32 to index
          %parallel_loop3A_346 = arith.constant 32 : index
          %parallel_loop3A_347 = tpu.vector_load %arg11[%parallel_loop3A_344, %parallel_loop3A_345, %parallel_loop3A_346] {strides = array<i32>} : memref<2x64x64xf32, #tpu.memory_space<vmem>>, vector<1x1x16xf32>,
          %parallel_loop3A_348 = vector.shape_cast %parallel_loop3A_347 : vector<1x1x16xf32> to vector<16xf32>
          %parallel_loop3A_349 = arith.constant 0 : i32
          %parallel_loop3A_350 = arith.index_cast %parallel_loop3A_349 : i32 to index
          %parallel_loop3A_351 = arith.index_cast %parallel_loop3A_270 : i32 to index
          %parallel_loop3A_352 = arith.constant 32 : index
          %parallel_loop3A_353 = tpu.vector_load %arg12[%parallel_loop3A_350, %parallel_loop3A_351, %parallel_loop3A_352] {strides = array<i32>} : memref<2x64x64xf32, #tpu.memory_space<vmem>>, vector<1x1x16xf32>,
          %parallel_loop3A_354 = vector.shape_cast %parallel_loop3A_353 : vector<1x1x16xf32> to vector<16xf32>
          %parallel_loop3A_355 = arith.addf %parallel_loop3A_348, %parallel_loop3A_354 : vector<16xf32>
          %parallel_loop3A_356 = arith.constant 0.000000e+00 : f32
          %parallel_loop3A_357 = vector.broadcast %parallel_loop3A_356 : f32 to vector<16xf32>
          %parallel_loop3A_358 = arith.maximumf %parallel_loop3A_355, %parallel_loop3A_357 : vector<16xf32>
          %parallel_loop3A_359 = arith.constant 1.000000e-07 : f32
          %parallel_loop3A_360 = vector.broadcast %parallel_loop3A_359 : f32 to vector<16xf32>
          %parallel_loop3A_361 = arith.addf %parallel_loop3A_358, %parallel_loop3A_360 : vector<16xf32>
          %parallel_loop3A_362 = arith.mulf %parallel_loop3A_361, %get3A_25 : vector<16xf32>
          %parallel_loop3A_363 = math.exp %parallel_loop3A_362 : vector<16xf32>
          %parallel_loop3A_364 = arith.mulf %parallel_loop3A_361, %parallel_loop3A_363 : vector<16xf32>
          %parallel_loop3A_365 = arith.constant 0 : i32
          %parallel_loop3A_366 = arith.index_cast %parallel_loop3A_365 : i32 to index
          %parallel_loop3A_367 = arith.index_cast %parallel_loop3A_270 : i32 to index
          %parallel_loop3A_368 = arith.constant 32 : index
          %parallel_loop3A_369 = tpu.vector_load %arg13[%parallel_loop3A_366, %parallel_loop3A_367, %parallel_loop3A_368] {strides = array<i32>} : memref<2x64x128xf32, #tpu.memory_space<vmem>>, vector<1x1x16xf32>,
          %parallel_loop3A_370 = vector.shape_cast %parallel_loop3A_369 : vector<1x1x16xf32> to vector<16xf32>
          %parallel_loop3A_371 = vector.shape_cast %parallel_loop3A_364 : vector<16xf32> to vector<1x1x16xf32>
          tpu.vector_store %arg13[%parallel_loop3A_366, %parallel_loop3A_367, %parallel_loop3A_368], %parallel_loop3A_371 {strides = array<i32>} : memref<2x64x128xf32, #tpu.memory_space<vmem>>, vector<1x1x16xf32>,
          %parallel_loop3A_372 = arith.constant 0 : i32
          %parallel_loop3A_373 = arith.index_cast %parallel_loop3A_372 : i32 to index
          %parallel_loop3A_374 = arith.index_cast %parallel_loop3A_270 : i32 to index
          %parallel_loop3A_375 = arith.constant 96 : index
          %parallel_loop3A_376 = tpu.vector_load %arg13[%parallel_loop3A_373, %parallel_loop3A_374, %parallel_loop3A_375] {strides = array<i32>} : memref<2x64x128xf32, #tpu.memory_space<vmem>>, vector<1x1x16xf32>,
          %parallel_loop3A_377 = vector.shape_cast %parallel_loop3A_376 : vector<1x1x16xf32> to vector<16xf32>
          %parallel_loop3A_378 = vector.shape_cast %parallel_loop3A_363 : vector<16xf32> to vector<1x1x16xf32>
          tpu.vector_store %arg13[%parallel_loop3A_373, %parallel_loop3A_374, %parallel_loop3A_375], %parallel_loop3A_378 {strides = array<i32>} : memref<2x64x128xf32, #tpu.memory_space<vmem>>, vector<1x1x16xf32>,
          %parallel_loop3A_379 = arith.constant 0 : i32
          %parallel_loop3A_380 = arith.index_cast %parallel_loop3A_379 : i32 to index
          %parallel_loop3A_381 = arith.index_cast %parallel_loop3A_270 : i32 to index
          %parallel_loop3A_382 = arith.constant 48 : index
          %parallel_loop3A_383 = tpu.vector_load %arg11[%parallel_loop3A_380, %parallel_loop3A_381, %parallel_loop3A_382] {strides = array<i32>} : memref<2x64x64xf32, #tpu.memory_space<vmem>>, vector<1x1x16xf32>,
          %parallel_loop3A_384 = vector.shape_cast %parallel_loop3A_383 : vector<1x1x16xf32> to vector<16xf32>
          %parallel_loop3A_385 = arith.constant 0 : i32
          %parallel_loop3A_386 = arith.index_cast %parallel_loop3A_385 : i32 to index
          %parallel_loop3A_387 = arith.index_cast %parallel_loop3A_270 : i32 to index
          %parallel_loop3A_388 = arith.constant 48 : index
          %parallel_loop3A_389 = tpu.vector_load %arg12[%parallel_loop3A_386, %parallel_loop3A_387, %parallel_loop3A_388] {strides = array<i32>} : memref<2x64x64xf32, #tpu.memory_space<vmem>>, vector<1x1x16xf32>,
          %parallel_loop3A_390 = vector.shape_cast %parallel_loop3A_389 : vector<1x1x16xf32> to vector<16xf32>
          %parallel_loop3A_391 = arith.addf %parallel_loop3A_384, %parallel_loop3A_390 : vector<16xf32>
          %parallel_loop3A_392 = arith.constant 0.000000e+00 : f32
          %parallel_loop3A_393 = vector.broadcast %parallel_loop3A_392 : f32 to vector<16xf32>
          %parallel_loop3A_394 = arith.maximumf %parallel_loop3A_391, %parallel_loop3A_393 : vector<16xf32>
          %parallel_loop3A_395 = arith.constant 1.000000e-07 : f32
          %parallel_loop3A_396 = vector.broadcast %parallel_loop3A_395 : f32 to vector<16xf32>
          %parallel_loop3A_397 = arith.addf %parallel_loop3A_394, %parallel_loop3A_396 : vector<16xf32>
          %parallel_loop3A_398 = arith.mulf %parallel_loop3A_397, %get3A_25 : vector<16xf32>
          %parallel_loop3A_399 = math.exp %parallel_loop3A_398 : vector<16xf32>
          %parallel_loop3A_400 = arith.mulf %parallel_loop3A_397, %parallel_loop3A_399 : vector<16xf32>
          %parallel_loop3A_401 = arith.constant 0 : i32
          %parallel_loop3A_402 = arith.index_cast %parallel_loop3A_401 : i32 to index
          %parallel_loop3A_403 = arith.index_cast %parallel_loop3A_270 : i32 to index
          %parallel_loop3A_404 = arith.constant 48 : index
          %parallel_loop3A_405 = tpu.vector_load %arg13[%parallel_loop3A_402, %parallel_loop3A_403, %parallel_loop3A_404] {strides = array<i32>} : memref<2x64x128xf32, #tpu.memory_space<vmem>>, vector<1x1x16xf32>,
          %parallel_loop3A_406 = vector.shape_cast %parallel_loop3A_405 : vector<1x1x16xf32> to vector<16xf32>
          %parallel_loop3A_407 = vector.shape_cast %parallel_loop3A_400 : vector<16xf32> to vector<1x1x16xf32>
          tpu.vector_store %arg13[%parallel_loop3A_402, %parallel_loop3A_403, %parallel_loop3A_404], %parallel_loop3A_407 {strides = array<i32>} : memref<2x64x128xf32, #tpu.memory_space<vmem>>, vector<1x1x16xf32>,
          %parallel_loop3A_408 = arith.constant 0 : i32
          %parallel_loop3A_409 = arith.index_cast %parallel_loop3A_408 : i32 to index
          %parallel_loop3A_410 = arith.index_cast %parallel_loop3A_270 : i32 to index
          %parallel_loop3A_411 = arith.constant 112 : index
          %parallel_loop3A_412 = tpu.vector_load %arg13[%parallel_loop3A_409, %parallel_loop3A_410, %parallel_loop3A_411] {strides = array<i32>} : memref<2x64x128xf32, #tpu.memory_space<vmem>>, vector<1x1x16xf32>,
          %parallel_loop3A_413 = vector.shape_cast %parallel_loop3A_412 : vector<1x1x16xf32> to vector<16xf32>
          %parallel_loop3A_414 = vector.shape_cast %parallel_loop3A_399 : vector<16xf32> to vector<1x1x16xf32>
          tpu.vector_store %arg13[%parallel_loop3A_409, %parallel_loop3A_410, %parallel_loop3A_411], %parallel_loop3A_414 {strides = array<i32>} : memref<2x64x128xf32, #tpu.memory_space<vmem>>, vector<1x1x16xf32>,
        } {sc.loop_unroll_factor = 2 : i64, sc.parallel_access}
        %dma_start3A_190 = arith.constant 0 : i32
        %dma_start3A_191 = arith.constant 0 : i32
        %dma_start3A_192 = arith.constant 0 : i32
        %dma_start3A_193 = tpu.memref_slice %arg13[%dma_start3A_190, %dma_start3A_191, %dma_start3A_192] : memref<2x64x128xf32, #tpu.memory_space<vmem>> -> memref<1x64x128xf32, #tpu.memory_space<vmem>>
        %dma_start3A_194 = tpu.memref_squeeze %dma_start3A_193 : memref<1x64x128xf32, #tpu.memory_space<vmem>> -> memref<64x128xf32, #tpu.memory_space<vmem>>
        %dma_start3A_195 = arith.constant 0 : i32
        %dma_start3A_196 = tpu.memref_slice %arg10[%add3A_152, %dma_start3A_195] : memref<8x64xi32, #tpu.memory_space<vmem>> -> memref<1x64xi32, #tpu.memory_space<vmem>>
        %dma_start3A_197 = tpu.memref_squeeze %dma_start3A_196 : memref<1x64xi32, #tpu.memory_space<vmem>> -> memref<64xi32, #tpu.memory_space<vmem>>
        %dma_start3A_198 = arith.constant 0 : i32
        %dma_start3A_199 = arith.constant 0 : i32
        %dma_start3A_200 = tpu.memref_slice %arg8[%dma_start3A_198, %dma_start3A_199] : memref<10240x128xf32, #tpu.memory_space<vmem_shared>> -> memref<10240x128xf32, #tpu.memory_space<vmem_shared>>
        tpu.enqueue_indirect_dma source(%dma_start3A_194 : memref<64x128xf32, #tpu.memory_space<vmem>>) target(%dma_start3A_200 : memref<10240x128xf32, #tpu.memory_space<vmem_shared>>) offsets(%dma_start3A_197 : memref<64xi32, #tpu.memory_space<vmem>>) semaphore(%arg17 : memref<!tpu.dma_semaphore, #tpu.memory_space<semaphore_mem>>) {add = true}
        %add3A_201 = arith.constant 2 : i32
        %add3A_202 = arith.addi %add3A_155, %add3A_201 : i32
        %lt3A_203 = arith.constant 320 : i32
        %lt3A_204 = arith.cmpi slt, %add3A_202, %lt3A_203 : i32
        %convert_element_type3A_205 = arith.extui %lt3A_204 : i1 to i32
        %cond3A_206 = arith.constant 0 : i32
        %cond3A_207 = arith.cmpi ne, %convert_element_type3A_205, %cond3A_206 : i32
        scf.if %cond3A_207 {
          %add3A_270 = arith.constant 2 : i32
          %add3A_271 = arith.addi %add3A_155, %add3A_270 : i32
          %rem3A_272 = arith.constant 8 : i32
          %rem3A_273 = arith.remsi %add3A_271, %rem3A_272 : i32
          %jit3A = arith.constant 8 : i32
          %div3A = arith.divsi %add3A_271, %jit3A : i32
          %sign3A = arith.constant 0 : i32
          %sign3A_274 = arith.cmpi sgt, %add3A_271, %sign3A : i32
          %sign3A_275 = arith.extui %sign3A_274 : i1 to i32
          %sign3A_276 = arith.constant 0 : i32
          %sign3A_277 = arith.cmpi slt, %add3A_271, %sign3A_276 : i32
          %sign3A_278 = arith.extui %sign3A_277 : i1 to i32
          %sign3A_279 = arith.subi %sign3A_275, %sign3A_278 : i32
          %sign3A_280 = arith.constant 0 : i32
          %sign3A_281 = arith.cmpi sgt, %jit3A, %sign3A_280 : i32
          %sign3A_282 = arith.extui %sign3A_281 : i1 to i32
          %sign3A_283 = arith.constant 0 : i32
          %sign3A_284 = arith.cmpi slt, %jit3A, %sign3A_283 : i32
          %sign3A_285 = arith.extui %sign3A_284 : i1 to i32
          %sign3A_286 = arith.subi %sign3A_282, %sign3A_285 : i32
          %ne3A = arith.cmpi ne, %sign3A_279, %sign3A_286 : i32
          %rem3A_287 = arith.remsi %add3A_271, %jit3A : i32
          %ne3A_288 = arith.constant 0 : i32
          %ne3A_289 = arith.cmpi ne, %rem3A_287, %ne3A_288 : i32
          %and3A = arith.andi %ne3A, %ne3A_289 : i1
          %sub3A = arith.constant 1 : i32
          %sub3A_290 = arith.subi %div3A, %sub3A : i32
          %select_n3A = arith.select %and3A, %sub3A_290, %div3A : i32
          %rem3A_291 = arith.constant 2 : i32
          %rem3A_292 = arith.remsi %select_n3A, %rem3A_291 : i32
          %dma_start3A_293 = arith.constant 0 : i32
          %dma_start3A_294 = arith.constant 0 : i32
          %dma_start3A_295 = arith.constant 0 : i32
          %dma_start3A_296 = tpu.memref_slice %arg11[%dma_start3A_293, %dma_start3A_294, %dma_start3A_295] : memref<2x64x64xf32, #tpu.memory_space<vmem>> -> memref<1x64x64xf32, #tpu.memory_space<vmem>>
          %dma_start3A_297 = tpu.memref_squeeze %dma_start3A_296 : memref<1x64x64xf32, #tpu.memory_space<vmem>> -> memref<64x64xf32, #tpu.memory_space<vmem>>
          %dma_start3A_298 = arith.constant 0 : i32
          %dma_start3A_299 = tpu.memref_slice %arg9[%rem3A_292, %rem3A_273, %dma_start3A_298] : memref<2x8x64xi32, #tpu.memory_space<vmem>> -> memref<1x1x64xi32, #tpu.memory_space<vmem>>
          %dma_start3A_300 = tpu.memref_squeeze %dma_start3A_299 : memref<1x1x64xi32, #tpu.memory_space<vmem>> -> memref<64xi32, #tpu.memory_space<vmem>>
          %dma_start3A_301 = arith.constant 0 : i32
          %dma_start3A_302 = arith.constant 0 : i32
          %dma_start3A_303 = tpu.memref_slice %arg2[%dma_start3A_301, %dma_start3A_302] : memref<20000x64xf32, #tpu.memory_space<hbm>> -> memref<20000x64xf32, #tpu.memory_space<hbm>>
          tpu.enqueue_indirect_dma source(%dma_start3A_303 : memref<20000x64xf32, #tpu.memory_space<hbm>>) target(%dma_start3A_297 : memref<64x64xf32, #tpu.memory_space<vmem>>) offsets(%dma_start3A_300 : memref<64xi32, #tpu.memory_space<vmem>>) semaphore(%arg15 : memref<!tpu.dma_semaphore, #tpu.memory_space<semaphore_mem>>)
          %mul3A_304 = arith.constant 64 : i32
          %mul3A_305 = arith.muli %add3A_271, %mul3A_304 : i32
          %add3A_306 = arith.addi %add3A, %mul3A_305 : i32
          %multiple_of3A_307 = tpu.assume_multiple %add3A_306, 8 : i32
          %dma_start3A_308 = arith.constant 0 : i32
          %dma_start3A_309 = arith.constant 0 : i32
          %dma_start3A_310 = arith.constant 0 : i32
          %dma_start3A_311 = tpu.memref_slice %arg12[%dma_start3A_308, %dma_start3A_309, %dma_start3A_310] : memref<2x64x64xf32, #tpu.memory_space<vmem>> -> memref<1x64x64xf32, #tpu.memory_space<vmem>>
          %dma_start3A_312 = tpu.memref_squeeze %dma_start3A_311 : memref<1x64x64xf32, #tpu.memory_space<vmem>> -> memref<64x64xf32, #tpu.memory_space<vmem>>
          %dma_start3A_313 = arith.constant 0 : i32
          %dma_start3A_314 = tpu.memref_slice %arg3[%multiple_of3A_307, %dma_start3A_313] : memref<655360x64xf32, #tpu.memory_space<hbm>> -> memref<64x64xf32, #tpu.memory_space<hbm>>
          %dma_start3A_315 = arith.constant 0 : i32
          %dma_start3A_316 = arith.constant 0 : i32
          %dma_start3A_317 = tpu.memref_slice %arg12[%dma_start3A_308, %dma_start3A_315, %dma_start3A_316] : memref<2x64x64xf32, #tpu.memory_space<vmem>> -> memref<1x64x64xf32, #tpu.memory_space<vmem>>
          %dma_start3A_318 = tpu.memref_squeeze %dma_start3A_317 : memref<1x64x64xf32, #tpu.memory_space<vmem>> -> memref<64x64xf32, #tpu.memory_space<vmem>>
          %dma_start3A_319 = arith.constant 0 : i32
          %dma_start3A_320 = tpu.memref_slice %arg3[%multiple_of3A_307, %dma_start3A_319] : memref<655360x64xf32, #tpu.memory_space<hbm>> -> memref<64x64xf32, #tpu.memory_space<hbm>>
          tpu.enqueue_dma source(%dma_start3A_320 : memref<64x64xf32, #tpu.memory_space<hbm>>) target(%dma_start3A_318 : memref<64x64xf32, #tpu.memory_space<vmem>>) target_semaphore(%arg16 : memref<!tpu.dma_semaphore, #tpu.memory_space<semaphore_mem>>)
        } else {
        }
        %mul3A_208 = arith.constant 2 : i32
        %mul3A_209 = arith.muli %mul3A_208, %scan3A_147 : i32
        %add3A_210 = arith.constant 1 : i32
        %add3A_211 = arith.addi %mul3A_209, %add3A_210 : i32
        %mul3A_212 = arith.constant 8 : i32
        %mul3A_213 = arith.muli %scan3A_131, %mul3A_212 : i32
        %add3A_214 = arith.addi %mul3A_213, %add3A_211 : i32
        %dma_wait3A_215 = arith.constant 0 : i32
        %dma_wait3A_216 = arith.constant 0 : i32
        %dma_wait3A_217 = arith.constant 1 : i32
        %dma_wait3A_218 = arith.constant 0 : i32
        %dma_wait3A_219 = arith.constant 0 : i32
        %dma_wait3A_220 = tpu.memref_slice %arg11[%dma_wait3A_217, %dma_wait3A_218, %dma_wait3A_219] : memref<2x64x64xf32, #tpu.memory_space<vmem>> -> memref<1x64x64xf32, #tpu.memory_space<vmem>>
        %dma_wait3A_221 = tpu.memref_squeeze %dma_wait3A_220 : memref<1x64x64xf32, #tpu.memory_space<vmem>> -> memref<64x64xf32, #tpu.memory_space<vmem>>
        %dma_wait3A_222 = arith.constant 0 : i32
        %dma_wait3A_223 = tpu.memref_slice %arg9[%dma_wait3A_215, %dma_wait3A_216, %dma_wait3A_222] : memref<2x8x64xi32, #tpu.memory_space<vmem>> -> memref<1x1x64xi32, #tpu.memory_space<vmem>>
        %dma_wait3A_224 = tpu.memref_squeeze %dma_wait3A_223 : memref<1x1x64xi32, #tpu.memory_space<vmem>> -> memref<64xi32, #tpu.memory_space<vmem>>
        %dma_wait3A_225 = arith.constant 0 : i32
        %dma_wait3A_226 = arith.constant 0 : i32
        %dma_wait3A_227 = tpu.memref_slice %arg2[%dma_wait3A_225, %dma_wait3A_226] : memref<20000x64xf32, #tpu.memory_space<hbm>> -> memref<20000x64xf32, #tpu.memory_space<hbm>>
        tpu.wait_indirect_dma semaphore(%arg15 : memref<!tpu.dma_semaphore, #tpu.memory_space<semaphore_mem>>) src(%dma_wait3A_227 : memref<20000x64xf32, #tpu.memory_space<hbm>>) dst(%dma_wait3A_221 : memref<64x64xf32, #tpu.memory_space<vmem>>)
        %dma_wait3A_228 = arith.constant 1 : i32
        %dma_wait3A_229 = arith.constant 0 : i32
        %dma_wait3A_230 = arith.constant 0 : i32
        %dma_wait3A_231 = tpu.memref_slice %arg12[%dma_wait3A_228, %dma_wait3A_229, %dma_wait3A_230] : memref<2x64x64xf32, #tpu.memory_space<vmem>> -> memref<1x64x64xf32, #tpu.memory_space<vmem>>
        %dma_wait3A_232 = tpu.memref_squeeze %dma_wait3A_231 : memref<1x64x64xf32, #tpu.memory_space<vmem>> -> memref<64x64xf32, #tpu.memory_space<vmem>>
        %dma_wait3A_233 = arith.constant 0 : i32
        %dma_wait3A_234 = arith.constant 0 : i32
        %dma_wait3A_235 = tpu.memref_slice %arg3[%dma_wait3A_233, %dma_wait3A_234] : memref<655360x64xf32, #tpu.memory_space<hbm>> -> memref<64x64xf32, #tpu.memory_space<hbm>>
        %dma_wait3A_236 = arith.constant 0 : i32
        %dma_wait3A_237 = arith.constant 0 : i32
        %dma_wait3A_238 = tpu.memref_slice %arg12[%dma_wait3A_228, %dma_wait3A_236, %dma_wait3A_237] : memref<2x64x64xf32, #tpu.memory_space<vmem>> -> memref<1x64x64xf32, #tpu.memory_space<vmem>>
        %dma_wait3A_239 = tpu.memref_squeeze %dma_wait3A_238 : memref<1x64x64xf32, #tpu.memory_space<vmem>> -> memref<64x64xf32, #tpu.memory_space<vmem>>
        %dma_wait3A_240 = arith.constant 0 : i32
        %dma_wait3A_241 = arith.constant 0 : i32
        %dma_wait3A_242 = tpu.memref_slice %arg3[%dma_wait3A_240, %dma_wait3A_241] : memref<655360x64xf32, #tpu.memory_space<hbm>> -> memref<64x64xf32, #tpu.memory_space<hbm>>
        tpu.wait_dma2 semaphore(%arg16 : memref<!tpu.dma_semaphore, #tpu.memory_space<semaphore_mem>>) src(%dma_wait3A_242 : memref<64x64xf32, #tpu.memory_space<hbm>>) dst(%dma_wait3A_239 : memref<64x64xf32, #tpu.memory_space<vmem>>)
        %ge3A_243 = arith.constant 1 : i32
        %ge3A_244 = arith.cmpi sge, %scan3A_147, %ge3A_243 : i32
        %convert_element_type3A_245 = arith.extui %ge3A_244 : i1 to i32
        %cond3A_246 = arith.constant 0 : i32
        %cond3A_247 = arith.cmpi ne, %convert_element_type3A_245, %cond3A_246 : i32
        scf.if %cond3A_247 {
          %dma_wait3A_270 = arith.constant 0 : i32
          %dma_wait3A_271 = arith.constant 0 : i32
          %dma_wait3A_272 = arith.constant 0 : i32
          %dma_wait3A_273 = arith.constant 0 : i32
          %dma_wait3A_274 = tpu.memref_slice %arg13[%dma_wait3A_270, %dma_wait3A_272, %dma_wait3A_273] : memref<2x64x128xf32, #tpu.memory_space<vmem>> -> memref<1x64x128xf32, #tpu.memory_space<vmem>>
          %dma_wait3A_275 = tpu.memref_squeeze %dma_wait3A_274 : memref<1x64x128xf32, #tpu.memory_space<vmem>> -> memref<64x128xf32, #tpu.memory_space<vmem>>
          %dma_wait3A_276 = arith.constant 0 : i32
          %dma_wait3A_277 = tpu.memref_slice %arg10[%dma_wait3A_271, %dma_wait3A_276] : memref<8x64xi32, #tpu.memory_space<vmem>> -> memref<1x64xi32, #tpu.memory_space<vmem>>
          %dma_wait3A_278 = tpu.memref_squeeze %dma_wait3A_277 : memref<1x64xi32, #tpu.memory_space<vmem>> -> memref<64xi32, #tpu.memory_space<vmem>>
          %dma_wait3A_279 = arith.constant 0 : i32
          %dma_wait3A_280 = arith.constant 0 : i32
          %dma_wait3A_281 = tpu.memref_slice %arg8[%dma_wait3A_279, %dma_wait3A_280] : memref<10240x128xf32, #tpu.memory_space<vmem_shared>> -> memref<10240x128xf32, #tpu.memory_space<vmem_shared>>
          tpu.wait_indirect_dma semaphore(%arg17 : memref<!tpu.dma_semaphore, #tpu.memory_space<semaphore_mem>>) src(%dma_wait3A_275 : memref<64x128xf32, #tpu.memory_space<vmem>>) dst(%dma_wait3A_281 : memref<10240x128xf32, #tpu.memory_space<vmem_shared>>)
        } else {
        }
        %parallel_loop3A_248 = arith.constant 0 : i32
        %parallel_loop3A_249 = arith.constant 64 : i32
        %parallel_loop3A_250 = arith.constant 1 : i32
        scf.for %parallel_loop3A_270 = %parallel_loop3A_248 to %parallel_loop3A_249 step %parallel_loop3A_250  : i32 {
          %parallel_loop3A_271 = arith.constant 1 : i32
          %parallel_loop3A_272 = arith.index_cast %parallel_loop3A_271 : i32 to index
          %parallel_loop3A_273 = arith.index_cast %parallel_loop3A_270 : i32 to index
          %parallel_loop3A_274 = arith.constant 0 : index
          %parallel_loop3A_275 = tpu.vector_load %arg11[%parallel_loop3A_272, %parallel_loop3A_273, %parallel_loop3A_274] {strides = array<i32>} : memref<2x64x64xf32, #tpu.memory_space<vmem>>, vector<1x1x16xf32>,
          %parallel_loop3A_276 = vector.shape_cast %parallel_loop3A_275 : vector<1x1x16xf32> to vector<16xf32>
          %parallel_loop3A_277 = arith.constant 1 : i32
          %parallel_loop3A_278 = arith.index_cast %parallel_loop3A_277 : i32 to index
          %parallel_loop3A_279 = arith.index_cast %parallel_loop3A_270 : i32 to index
          %parallel_loop3A_280 = arith.constant 0 : index
          %parallel_loop3A_281 = tpu.vector_load %arg12[%parallel_loop3A_278, %parallel_loop3A_279, %parallel_loop3A_280] {strides = array<i32>} : memref<2x64x64xf32, #tpu.memory_space<vmem>>, vector<1x1x16xf32>,
          %parallel_loop3A_282 = vector.shape_cast %parallel_loop3A_281 : vector<1x1x16xf32> to vector<16xf32>
          %parallel_loop3A_283 = arith.addf %parallel_loop3A_276, %parallel_loop3A_282 : vector<16xf32>
          %parallel_loop3A_284 = arith.constant 0.000000e+00 : f32
          %parallel_loop3A_285 = vector.broadcast %parallel_loop3A_284 : f32 to vector<16xf32>
          %parallel_loop3A_286 = arith.maximumf %parallel_loop3A_283, %parallel_loop3A_285 : vector<16xf32>
          %parallel_loop3A_287 = arith.constant 1.000000e-07 : f32
          %parallel_loop3A_288 = vector.broadcast %parallel_loop3A_287 : f32 to vector<16xf32>
          %parallel_loop3A_289 = arith.addf %parallel_loop3A_286, %parallel_loop3A_288 : vector<16xf32>
          %parallel_loop3A_290 = arith.mulf %parallel_loop3A_289, %get3A_25 : vector<16xf32>
          %parallel_loop3A_291 = math.exp %parallel_loop3A_290 : vector<16xf32>
          %parallel_loop3A_292 = arith.mulf %parallel_loop3A_289, %parallel_loop3A_291 : vector<16xf32>
          %parallel_loop3A_293 = arith.constant 1 : i32
          %parallel_loop3A_294 = arith.index_cast %parallel_loop3A_293 : i32 to index
          %parallel_loop3A_295 = arith.index_cast %parallel_loop3A_270 : i32 to index
          %parallel_loop3A_296 = arith.constant 0 : index
          %parallel_loop3A_297 = tpu.vector_load %arg13[%parallel_loop3A_294, %parallel_loop3A_295, %parallel_loop3A_296] {strides = array<i32>} : memref<2x64x128xf32, #tpu.memory_space<vmem>>, vector<1x1x16xf32>,
          %parallel_loop3A_298 = vector.shape_cast %parallel_loop3A_297 : vector<1x1x16xf32> to vector<16xf32>
          %parallel_loop3A_299 = vector.shape_cast %parallel_loop3A_292 : vector<16xf32> to vector<1x1x16xf32>
          tpu.vector_store %arg13[%parallel_loop3A_294, %parallel_loop3A_295, %parallel_loop3A_296], %parallel_loop3A_299 {strides = array<i32>} : memref<2x64x128xf32, #tpu.memory_space<vmem>>, vector<1x1x16xf32>,
          %parallel_loop3A_300 = arith.constant 1 : i32
          %parallel_loop3A_301 = arith.index_cast %parallel_loop3A_300 : i32 to index
          %parallel_loop3A_302 = arith.index_cast %parallel_loop3A_270 : i32 to index
          %parallel_loop3A_303 = arith.constant 64 : index
          %parallel_loop3A_304 = tpu.vector_load %arg13[%parallel_loop3A_301, %parallel_loop3A_302, %parallel_loop3A_303] {strides = array<i32>} : memref<2x64x128xf32, #tpu.memory_space<vmem>>, vector<1x1x16xf32>,
          %parallel_loop3A_305 = vector.shape_cast %parallel_loop3A_304 : vector<1x1x16xf32> to vector<16xf32>
          %parallel_loop3A_306 = vector.shape_cast %parallel_loop3A_291 : vector<16xf32> to vector<1x1x16xf32>
          tpu.vector_store %arg13[%parallel_loop3A_301, %parallel_loop3A_302, %parallel_loop3A_303], %parallel_loop3A_306 {strides = array<i32>} : memref<2x64x128xf32, #tpu.memory_space<vmem>>, vector<1x1x16xf32>,
          %parallel_loop3A_307 = arith.constant 1 : i32
          %parallel_loop3A_308 = arith.index_cast %parallel_loop3A_307 : i32 to index
          %parallel_loop3A_309 = arith.index_cast %parallel_loop3A_270 : i32 to index
          %parallel_loop3A_310 = arith.constant 16 : index
          %parallel_loop3A_311 = tpu.vector_load %arg11[%parallel_loop3A_308, %parallel_loop3A_309, %parallel_loop3A_310] {strides = array<i32>} : memref<2x64x64xf32, #tpu.memory_space<vmem>>, vector<1x1x16xf32>,
          %parallel_loop3A_312 = vector.shape_cast %parallel_loop3A_311 : vector<1x1x16xf32> to vector<16xf32>
          %parallel_loop3A_313 = arith.constant 1 : i32
          %parallel_loop3A_314 = arith.index_cast %parallel_loop3A_313 : i32 to index
          %parallel_loop3A_315 = arith.index_cast %parallel_loop3A_270 : i32 to index
          %parallel_loop3A_316 = arith.constant 16 : index
          %parallel_loop3A_317 = tpu.vector_load %arg12[%parallel_loop3A_314, %parallel_loop3A_315, %parallel_loop3A_316] {strides = array<i32>} : memref<2x64x64xf32, #tpu.memory_space<vmem>>, vector<1x1x16xf32>,
          %parallel_loop3A_318 = vector.shape_cast %parallel_loop3A_317 : vector<1x1x16xf32> to vector<16xf32>
          %parallel_loop3A_319 = arith.addf %parallel_loop3A_312, %parallel_loop3A_318 : vector<16xf32>
          %parallel_loop3A_320 = arith.constant 0.000000e+00 : f32
          %parallel_loop3A_321 = vector.broadcast %parallel_loop3A_320 : f32 to vector<16xf32>
          %parallel_loop3A_322 = arith.maximumf %parallel_loop3A_319, %parallel_loop3A_321 : vector<16xf32>
          %parallel_loop3A_323 = arith.constant 1.000000e-07 : f32
          %parallel_loop3A_324 = vector.broadcast %parallel_loop3A_323 : f32 to vector<16xf32>
          %parallel_loop3A_325 = arith.addf %parallel_loop3A_322, %parallel_loop3A_324 : vector<16xf32>
          %parallel_loop3A_326 = arith.mulf %parallel_loop3A_325, %get3A_25 : vector<16xf32>
          %parallel_loop3A_327 = math.exp %parallel_loop3A_326 : vector<16xf32>
          %parallel_loop3A_328 = arith.mulf %parallel_loop3A_325, %parallel_loop3A_327 : vector<16xf32>
          %parallel_loop3A_329 = arith.constant 1 : i32
          %parallel_loop3A_330 = arith.index_cast %parallel_loop3A_329 : i32 to index
          %parallel_loop3A_331 = arith.index_cast %parallel_loop3A_270 : i32 to index
          %parallel_loop3A_332 = arith.constant 16 : index
          %parallel_loop3A_333 = tpu.vector_load %arg13[%parallel_loop3A_330, %parallel_loop3A_331, %parallel_loop3A_332] {strides = array<i32>} : memref<2x64x128xf32, #tpu.memory_space<vmem>>, vector<1x1x16xf32>,
          %parallel_loop3A_334 = vector.shape_cast %parallel_loop3A_333 : vector<1x1x16xf32> to vector<16xf32>
          %parallel_loop3A_335 = vector.shape_cast %parallel_loop3A_328 : vector<16xf32> to vector<1x1x16xf32>
          tpu.vector_store %arg13[%parallel_loop3A_330, %parallel_loop3A_331, %parallel_loop3A_332], %parallel_loop3A_335 {strides = array<i32>} : memref<2x64x128xf32, #tpu.memory_space<vmem>>, vector<1x1x16xf32>,
          %parallel_loop3A_336 = arith.constant 1 : i32
          %parallel_loop3A_337 = arith.index_cast %parallel_loop3A_336 : i32 to index
          %parallel_loop3A_338 = arith.index_cast %parallel_loop3A_270 : i32 to index
          %parallel_loop3A_339 = arith.constant 80 : index
          %parallel_loop3A_340 = tpu.vector_load %arg13[%parallel_loop3A_337, %parallel_loop3A_338, %parallel_loop3A_339] {strides = array<i32>} : memref<2x64x128xf32, #tpu.memory_space<vmem>>, vector<1x1x16xf32>,
          %parallel_loop3A_341 = vector.shape_cast %parallel_loop3A_340 : vector<1x1x16xf32> to vector<16xf32>
          %parallel_loop3A_342 = vector.shape_cast %parallel_loop3A_327 : vector<16xf32> to vector<1x1x16xf32>
          tpu.vector_store %arg13[%parallel_loop3A_337, %parallel_loop3A_338, %parallel_loop3A_339], %parallel_loop3A_342 {strides = array<i32>} : memref<2x64x128xf32, #tpu.memory_space<vmem>>, vector<1x1x16xf32>,
          %parallel_loop3A_343 = arith.constant 1 : i32
          %parallel_loop3A_344 = arith.index_cast %parallel_loop3A_343 : i32 to index
          %parallel_loop3A_345 = arith.index_cast %parallel_loop3A_270 : i32 to index
          %parallel_loop3A_346 = arith.constant 32 : index
          %parallel_loop3A_347 = tpu.vector_load %arg11[%parallel_loop3A_344, %parallel_loop3A_345, %parallel_loop3A_346] {strides = array<i32>} : memref<2x64x64xf32, #tpu.memory_space<vmem>>, vector<1x1x16xf32>,
          %parallel_loop3A_348 = vector.shape_cast %parallel_loop3A_347 : vector<1x1x16xf32> to vector<16xf32>
          %parallel_loop3A_349 = arith.constant 1 : i32
          %parallel_loop3A_350 = arith.index_cast %parallel_loop3A_349 : i32 to index
          %parallel_loop3A_351 = arith.index_cast %parallel_loop3A_270 : i32 to index
          %parallel_loop3A_352 = arith.constant 32 : index
          %parallel_loop3A_353 = tpu.vector_load %arg12[%parallel_loop3A_350, %parallel_loop3A_351, %parallel_loop3A_352] {strides = array<i32>} : memref<2x64x64xf32, #tpu.memory_space<vmem>>, vector<1x1x16xf32>,
          %parallel_loop3A_354 = vector.shape_cast %parallel_loop3A_353 : vector<1x1x16xf32> to vector<16xf32>
          %parallel_loop3A_355 = arith.addf %parallel_loop3A_348, %parallel_loop3A_354 : vector<16xf32>
          %parallel_loop3A_356 = arith.constant 0.000000e+00 : f32
          %parallel_loop3A_357 = vector.broadcast %parallel_loop3A_356 : f32 to vector<16xf32>
          %parallel_loop3A_358 = arith.maximumf %parallel_loop3A_355, %parallel_loop3A_357 : vector<16xf32>
          %parallel_loop3A_359 = arith.constant 1.000000e-07 : f32
          %parallel_loop3A_360 = vector.broadcast %parallel_loop3A_359 : f32 to vector<16xf32>
          %parallel_loop3A_361 = arith.addf %parallel_loop3A_358, %parallel_loop3A_360 : vector<16xf32>
          %parallel_loop3A_362 = arith.mulf %parallel_loop3A_361, %get3A_25 : vector<16xf32>
          %parallel_loop3A_363 = math.exp %parallel_loop3A_362 : vector<16xf32>
          %parallel_loop3A_364 = arith.mulf %parallel_loop3A_361, %parallel_loop3A_363 : vector<16xf32>
          %parallel_loop3A_365 = arith.constant 1 : i32
          %parallel_loop3A_366 = arith.index_cast %parallel_loop3A_365 : i32 to index
          %parallel_loop3A_367 = arith.index_cast %parallel_loop3A_270 : i32 to index
          %parallel_loop3A_368 = arith.constant 32 : index
          %parallel_loop3A_369 = tpu.vector_load %arg13[%parallel_loop3A_366, %parallel_loop3A_367, %parallel_loop3A_368] {strides = array<i32>} : memref<2x64x128xf32, #tpu.memory_space<vmem>>, vector<1x1x16xf32>,
          %parallel_loop3A_370 = vector.shape_cast %parallel_loop3A_369 : vector<1x1x16xf32> to vector<16xf32>
          %parallel_loop3A_371 = vector.shape_cast %parallel_loop3A_364 : vector<16xf32> to vector<1x1x16xf32>
          tpu.vector_store %arg13[%parallel_loop3A_366, %parallel_loop3A_367, %parallel_loop3A_368], %parallel_loop3A_371 {strides = array<i32>} : memref<2x64x128xf32, #tpu.memory_space<vmem>>, vector<1x1x16xf32>,
          %parallel_loop3A_372 = arith.constant 1 : i32
          %parallel_loop3A_373 = arith.index_cast %parallel_loop3A_372 : i32 to index
          %parallel_loop3A_374 = arith.index_cast %parallel_loop3A_270 : i32 to index
          %parallel_loop3A_375 = arith.constant 96 : index
          %parallel_loop3A_376 = tpu.vector_load %arg13[%parallel_loop3A_373, %parallel_loop3A_374, %parallel_loop3A_375] {strides = array<i32>} : memref<2x64x128xf32, #tpu.memory_space<vmem>>, vector<1x1x16xf32>,
          %parallel_loop3A_377 = vector.shape_cast %parallel_loop3A_376 : vector<1x1x16xf32> to vector<16xf32>
          %parallel_loop3A_378 = vector.shape_cast %parallel_loop3A_363 : vector<16xf32> to vector<1x1x16xf32>
          tpu.vector_store %arg13[%parallel_loop3A_373, %parallel_loop3A_374, %parallel_loop3A_375], %parallel_loop3A_378 {strides = array<i32>} : memref<2x64x128xf32, #tpu.memory_space<vmem>>, vector<1x1x16xf32>,
          %parallel_loop3A_379 = arith.constant 1 : i32
          %parallel_loop3A_380 = arith.index_cast %parallel_loop3A_379 : i32 to index
          %parallel_loop3A_381 = arith.index_cast %parallel_loop3A_270 : i32 to index
          %parallel_loop3A_382 = arith.constant 48 : index
          %parallel_loop3A_383 = tpu.vector_load %arg11[%parallel_loop3A_380, %parallel_loop3A_381, %parallel_loop3A_382] {strides = array<i32>} : memref<2x64x64xf32, #tpu.memory_space<vmem>>, vector<1x1x16xf32>,
          %parallel_loop3A_384 = vector.shape_cast %parallel_loop3A_383 : vector<1x1x16xf32> to vector<16xf32>
          %parallel_loop3A_385 = arith.constant 1 : i32
          %parallel_loop3A_386 = arith.index_cast %parallel_loop3A_385 : i32 to index
          %parallel_loop3A_387 = arith.index_cast %parallel_loop3A_270 : i32 to index
          %parallel_loop3A_388 = arith.constant 48 : index
          %parallel_loop3A_389 = tpu.vector_load %arg12[%parallel_loop3A_386, %parallel_loop3A_387, %parallel_loop3A_388] {strides = array<i32>} : memref<2x64x64xf32, #tpu.memory_space<vmem>>, vector<1x1x16xf32>,
          %parallel_loop3A_390 = vector.shape_cast %parallel_loop3A_389 : vector<1x1x16xf32> to vector<16xf32>
          %parallel_loop3A_391 = arith.addf %parallel_loop3A_384, %parallel_loop3A_390 : vector<16xf32>
          %parallel_loop3A_392 = arith.constant 0.000000e+00 : f32
          %parallel_loop3A_393 = vector.broadcast %parallel_loop3A_392 : f32 to vector<16xf32>
          %parallel_loop3A_394 = arith.maximumf %parallel_loop3A_391, %parallel_loop3A_393 : vector<16xf32>
          %parallel_loop3A_395 = arith.constant 1.000000e-07 : f32
          %parallel_loop3A_396 = vector.broadcast %parallel_loop3A_395 : f32 to vector<16xf32>
          %parallel_loop3A_397 = arith.addf %parallel_loop3A_394, %parallel_loop3A_396 : vector<16xf32>
          %parallel_loop3A_398 = arith.mulf %parallel_loop3A_397, %get3A_25 : vector<16xf32>
          %parallel_loop3A_399 = math.exp %parallel_loop3A_398 : vector<16xf32>
          %parallel_loop3A_400 = arith.mulf %parallel_loop3A_397, %parallel_loop3A_399 : vector<16xf32>
          %parallel_loop3A_401 = arith.constant 1 : i32
          %parallel_loop3A_402 = arith.index_cast %parallel_loop3A_401 : i32 to index
          %parallel_loop3A_403 = arith.index_cast %parallel_loop3A_270 : i32 to index
          %parallel_loop3A_404 = arith.constant 48 : index
          %parallel_loop3A_405 = tpu.vector_load %arg13[%parallel_loop3A_402, %parallel_loop3A_403, %parallel_loop3A_404] {strides = array<i32>} : memref<2x64x128xf32, #tpu.memory_space<vmem>>, vector<1x1x16xf32>,
          %parallel_loop3A_406 = vector.shape_cast %parallel_loop3A_405 : vector<1x1x16xf32> to vector<16xf32>
          %parallel_loop3A_407 = vector.shape_cast %parallel_loop3A_400 : vector<16xf32> to vector<1x1x16xf32>
          tpu.vector_store %arg13[%parallel_loop3A_402, %parallel_loop3A_403, %parallel_loop3A_404], %parallel_loop3A_407 {strides = array<i32>} : memref<2x64x128xf32, #tpu.memory_space<vmem>>, vector<1x1x16xf32>,
          %parallel_loop3A_408 = arith.constant 1 : i32
          %parallel_loop3A_409 = arith.index_cast %parallel_loop3A_408 : i32 to index
          %parallel_loop3A_410 = arith.index_cast %parallel_loop3A_270 : i32 to index
          %parallel_loop3A_411 = arith.constant 112 : index
          %parallel_loop3A_412 = tpu.vector_load %arg13[%parallel_loop3A_409, %parallel_loop3A_410, %parallel_loop3A_411] {strides = array<i32>} : memref<2x64x128xf32, #tpu.memory_space<vmem>>, vector<1x1x16xf32>,
          %parallel_loop3A_413 = vector.shape_cast %parallel_loop3A_412 : vector<1x1x16xf32> to vector<16xf32>
          %parallel_loop3A_414 = vector.shape_cast %parallel_loop3A_399 : vector<16xf32> to vector<1x1x16xf32>
          tpu.vector_store %arg13[%parallel_loop3A_409, %parallel_loop3A_410, %parallel_loop3A_411], %parallel_loop3A_414 {strides = array<i32>} : memref<2x64x128xf32, #tpu.memory_space<vmem>>, vector<1x1x16xf32>,
        } {sc.loop_unroll_factor = 2 : i64, sc.parallel_access}
        %dma_start3A_251 = arith.constant 1 : i32
        %dma_start3A_252 = arith.constant 0 : i32
        %dma_start3A_253 = arith.constant 0 : i32
        %dma_start3A_254 = tpu.memref_slice %arg13[%dma_start3A_251, %dma_start3A_252, %dma_start3A_253] : memref<2x64x128xf32, #tpu.memory_space<vmem>> -> memref<1x64x128xf32, #tpu.memory_space<vmem>>
        %dma_start3A_255 = tpu.memref_squeeze %dma_start3A_254 : memref<1x64x128xf32, #tpu.memory_space<vmem>> -> memref<64x128xf32, #tpu.memory_space<vmem>>
        %dma_start3A_256 = arith.constant 0 : i32
        %dma_start3A_257 = tpu.memref_slice %arg10[%add3A_211, %dma_start3A_256] : memref<8x64xi32, #tpu.memory_space<vmem>> -> memref<1x64xi32, #tpu.memory_space<vmem>>
        %dma_start3A_258 = tpu.memref_squeeze %dma_start3A_257 : memref<1x64xi32, #tpu.memory_space<vmem>> -> memref<64xi32, #tpu.memory_space<vmem>>
        %dma_start3A_259 = arith.constant 0 : i32
        %dma_start3A_260 = arith.constant 0 : i32
        %dma_start3A_261 = tpu.memref_slice %arg8[%dma_start3A_259, %dma_start3A_260] : memref<10240x128xf32, #tpu.memory_space<vmem_shared>> -> memref<10240x128xf32, #tpu.memory_space<vmem_shared>>
        tpu.enqueue_indirect_dma source(%dma_start3A_255 : memref<64x128xf32, #tpu.memory_space<vmem>>) target(%dma_start3A_261 : memref<10240x128xf32, #tpu.memory_space<vmem_shared>>) offsets(%dma_start3A_258 : memref<64xi32, #tpu.memory_space<vmem>>) semaphore(%arg17 : memref<!tpu.dma_semaphore, #tpu.memory_space<semaphore_mem>>) {add = true}
        %add3A_262 = arith.constant 2 : i32
        %add3A_263 = arith.addi %add3A_214, %add3A_262 : i32
        %lt3A_264 = arith.constant 320 : i32
        %lt3A_265 = arith.cmpi slt, %add3A_263, %lt3A_264 : i32
        %convert_element_type3A_266 = arith.extui %lt3A_265 : i1 to i32
        %cond3A_267 = arith.constant 0 : i32
        %cond3A_268 = arith.cmpi ne, %convert_element_type3A_266, %cond3A_267 : i32
        scf.if %cond3A_268 {
          %add3A_270 = arith.constant 2 : i32
          %add3A_271 = arith.addi %add3A_214, %add3A_270 : i32
          %rem3A_272 = arith.constant 8 : i32
          %rem3A_273 = arith.remsi %add3A_271, %rem3A_272 : i32
          %jit3A = arith.constant 8 : i32
          %div3A = arith.divsi %add3A_271, %jit3A : i32
          %sign3A = arith.constant 0 : i32
          %sign3A_274 = arith.cmpi sgt, %add3A_271, %sign3A : i32
          %sign3A_275 = arith.extui %sign3A_274 : i1 to i32
          %sign3A_276 = arith.constant 0 : i32
          %sign3A_277 = arith.cmpi slt, %add3A_271, %sign3A_276 : i32
          %sign3A_278 = arith.extui %sign3A_277 : i1 to i32
          %sign3A_279 = arith.subi %sign3A_275, %sign3A_278 : i32
          %sign3A_280 = arith.constant 0 : i32
          %sign3A_281 = arith.cmpi sgt, %jit3A, %sign3A_280 : i32
          %sign3A_282 = arith.extui %sign3A_281 : i1 to i32
          %sign3A_283 = arith.constant 0 : i32
          %sign3A_284 = arith.cmpi slt, %jit3A, %sign3A_283 : i32
          %sign3A_285 = arith.extui %sign3A_284 : i1 to i32
          %sign3A_286 = arith.subi %sign3A_282, %sign3A_285 : i32
          %ne3A = arith.cmpi ne, %sign3A_279, %sign3A_286 : i32
          %rem3A_287 = arith.remsi %add3A_271, %jit3A : i32
          %ne3A_288 = arith.constant 0 : i32
          %ne3A_289 = arith.cmpi ne, %rem3A_287, %ne3A_288 : i32
          %and3A = arith.andi %ne3A, %ne3A_289 : i1
          %sub3A = arith.constant 1 : i32
          %sub3A_290 = arith.subi %div3A, %sub3A : i32
          %select_n3A = arith.select %and3A, %sub3A_290, %div3A : i32
          %rem3A_291 = arith.constant 2 : i32
          %rem3A_292 = arith.remsi %select_n3A, %rem3A_291 : i32
          %dma_start3A_293 = arith.constant 1 : i32
          %dma_start3A_294 = arith.constant 0 : i32
          %dma_start3A_295 = arith.constant 0 : i32
          %dma_start3A_296 = tpu.memref_slice %arg11[%dma_start3A_293, %dma_start3A_294, %dma_start3A_295] : memref<2x64x64xf32, #tpu.memory_space<vmem>> -> memref<1x64x64xf32, #tpu.memory_space<vmem>>
          %dma_start3A_297 = tpu.memref_squeeze %dma_start3A_296 : memref<1x64x64xf32, #tpu.memory_space<vmem>> -> memref<64x64xf32, #tpu.memory_space<vmem>>
          %dma_start3A_298 = arith.constant 0 : i32
          %dma_start3A_299 = tpu.memref_slice %arg9[%rem3A_292, %rem3A_273, %dma_start3A_298] : memref<2x8x64xi32, #tpu.memory_space<vmem>> -> memref<1x1x64xi32, #tpu.memory_space<vmem>>
          %dma_start3A_300 = tpu.memref_squeeze %dma_start3A_299 : memref<1x1x64xi32, #tpu.memory_space<vmem>> -> memref<64xi32, #tpu.memory_space<vmem>>
          %dma_start3A_301 = arith.constant 0 : i32
          %dma_start3A_302 = arith.constant 0 : i32
          %dma_start3A_303 = tpu.memref_slice %arg2[%dma_start3A_301, %dma_start3A_302] : memref<20000x64xf32, #tpu.memory_space<hbm>> -> memref<20000x64xf32, #tpu.memory_space<hbm>>
          tpu.enqueue_indirect_dma source(%dma_start3A_303 : memref<20000x64xf32, #tpu.memory_space<hbm>>) target(%dma_start3A_297 : memref<64x64xf32, #tpu.memory_space<vmem>>) offsets(%dma_start3A_300 : memref<64xi32, #tpu.memory_space<vmem>>) semaphore(%arg15 : memref<!tpu.dma_semaphore, #tpu.memory_space<semaphore_mem>>)
          %mul3A_304 = arith.constant 64 : i32
          %mul3A_305 = arith.muli %add3A_271, %mul3A_304 : i32
          %add3A_306 = arith.addi %add3A, %mul3A_305 : i32
          %multiple_of3A_307 = tpu.assume_multiple %add3A_306, 8 : i32
          %dma_start3A_308 = arith.constant 1 : i32
          %dma_start3A_309 = arith.constant 0 : i32
          %dma_start3A_310 = arith.constant 0 : i32
          %dma_start3A_311 = tpu.memref_slice %arg12[%dma_start3A_308, %dma_start3A_309, %dma_start3A_310] : memref<2x64x64xf32, #tpu.memory_space<vmem>> -> memref<1x64x64xf32, #tpu.memory_space<vmem>>
          %dma_start3A_312 = tpu.memref_squeeze %dma_start3A_311 : memref<1x64x64xf32, #tpu.memory_space<vmem>> -> memref<64x64xf32, #tpu.memory_space<vmem>>
          %dma_start3A_313 = arith.constant 0 : i32
          %dma_start3A_314 = tpu.memref_slice %arg3[%multiple_of3A_307, %dma_start3A_313] : memref<655360x64xf32, #tpu.memory_space<hbm>> -> memref<64x64xf32, #tpu.memory_space<hbm>>
          %dma_start3A_315 = arith.constant 0 : i32
          %dma_start3A_316 = arith.constant 0 : i32
          %dma_start3A_317 = tpu.memref_slice %arg12[%dma_start3A_308, %dma_start3A_315, %dma_start3A_316] : memref<2x64x64xf32, #tpu.memory_space<vmem>> -> memref<1x64x64xf32, #tpu.memory_space<vmem>>
          %dma_start3A_318 = tpu.memref_squeeze %dma_start3A_317 : memref<1x64x64xf32, #tpu.memory_space<vmem>> -> memref<64x64xf32, #tpu.memory_space<vmem>>
          %dma_start3A_319 = arith.constant 0 : i32
          %dma_start3A_320 = tpu.memref_slice %arg3[%multiple_of3A_307, %dma_start3A_319] : memref<655360x64xf32, #tpu.memory_space<hbm>> -> memref<64x64xf32, #tpu.memory_space<hbm>>
          tpu.enqueue_dma source(%dma_start3A_320 : memref<64x64xf32, #tpu.memory_space<hbm>>) target(%dma_start3A_318 : memref<64x64xf32, #tpu.memory_space<vmem>>) target_semaphore(%arg16 : memref<!tpu.dma_semaphore, #tpu.memory_space<semaphore_mem>>)
        } else {
        }
        %scan3A_269 = arith.constant 0 : i32
        scf.yield %scan3A_269 : i32
      }
      %scan3A_145 = arith.constant 4 : i32
      %scan3A_146 = arith.constant 0 : i32
      scf.yield %scan3A_146 : i32
    }
    %scan3A_97 = arith.constant 40 : i32
    %dma_wait3A = arith.constant 0 : i32
    %dma_wait3A_98 = arith.constant 0 : i32
    %dma_wait3A_99 = arith.constant 0 : i32
    %dma_wait3A_100 = arith.constant 0 : i32
    %dma_wait3A_101 = tpu.memref_slice %arg13[%dma_wait3A, %dma_wait3A_99, %dma_wait3A_100] : memref<2x64x128xf32, #tpu.memory_space<vmem>> -> memref<1x64x128xf32, #tpu.memory_space<vmem>>
    %dma_wait3A_102 = tpu.memref_squeeze %dma_wait3A_101 : memref<1x64x128xf32, #tpu.memory_space<vmem>> -> memref<64x128xf32, #tpu.memory_space<vmem>>
    %dma_wait3A_103 = arith.constant 0 : i32
    %dma_wait3A_104 = tpu.memref_slice %arg10[%dma_wait3A_98, %dma_wait3A_103] : memref<8x64xi32, #tpu.memory_space<vmem>> -> memref<1x64xi32, #tpu.memory_space<vmem>>
    %dma_wait3A_105 = tpu.memref_squeeze %dma_wait3A_104 : memref<1x64xi32, #tpu.memory_space<vmem>> -> memref<64xi32, #tpu.memory_space<vmem>>
    %dma_wait3A_106 = arith.constant 0 : i32
    %dma_wait3A_107 = arith.constant 0 : i32
    %dma_wait3A_108 = tpu.memref_slice %arg8[%dma_wait3A_106, %dma_wait3A_107] : memref<10240x128xf32, #tpu.memory_space<vmem_shared>> -> memref<10240x128xf32, #tpu.memory_space<vmem_shared>>
    tpu.wait_indirect_dma semaphore(%arg17 : memref<!tpu.dma_semaphore, #tpu.memory_space<semaphore_mem>>) src(%dma_wait3A_102 : memref<64x128xf32, #tpu.memory_space<vmem>>) dst(%dma_wait3A_108 : memref<10240x128xf32, #tpu.memory_space<vmem_shared>>)
    %dma_wait3A_109 = arith.constant 0 : i32
    %dma_wait3A_110 = arith.constant 0 : i32
    %dma_wait3A_111 = arith.constant 0 : i32
    %dma_wait3A_112 = arith.constant 0 : i32
    %dma_wait3A_113 = tpu.memref_slice %arg13[%dma_wait3A_109, %dma_wait3A_111, %dma_wait3A_112] : memref<2x64x128xf32, #tpu.memory_space<vmem>> -> memref<1x64x128xf32, #tpu.memory_space<vmem>>
    %dma_wait3A_114 = tpu.memref_squeeze %dma_wait3A_113 : memref<1x64x128xf32, #tpu.memory_space<vmem>> -> memref<64x128xf32, #tpu.memory_space<vmem>>
    %dma_wait3A_115 = arith.constant 0 : i32
    %dma_wait3A_116 = tpu.memref_slice %arg10[%dma_wait3A_110, %dma_wait3A_115] : memref<8x64xi32, #tpu.memory_space<vmem>> -> memref<1x64xi32, #tpu.memory_space<vmem>>
    %dma_wait3A_117 = tpu.memref_squeeze %dma_wait3A_116 : memref<1x64xi32, #tpu.memory_space<vmem>> -> memref<64xi32, #tpu.memory_space<vmem>>
    %dma_wait3A_118 = arith.constant 0 : i32
    %dma_wait3A_119 = arith.constant 0 : i32
    %dma_wait3A_120 = tpu.memref_slice %arg8[%dma_wait3A_118, %dma_wait3A_119] : memref<10240x128xf32, #tpu.memory_space<vmem_shared>> -> memref<10240x128xf32, #tpu.memory_space<vmem_shared>>
    tpu.wait_indirect_dma semaphore(%arg17 : memref<!tpu.dma_semaphore, #tpu.memory_space<semaphore_mem>>) src(%dma_wait3A_114 : memref<64x128xf32, #tpu.memory_space<vmem>>) dst(%dma_wait3A_120 : memref<10240x128xf32, #tpu.memory_space<vmem_shared>>)
    %barrier3A_121 = arith.constant 0 : index
    tpu.barrier barrier_id(%barrier3A_121)
    %mul3A_122 = arith.constant 640 : i32
    %mul3A_123 = arith.muli %arg1, %mul3A_122 : i32
    %scan3A_124 = arith.constant 0 : i32
    %scan3A_125 = arith.constant 0 : i32
    %scan3A_126 = arith.constant 10 : i32
    %scan3A_127 = arith.addi %scan3A_125, %scan3A_126 : i32
    %scan3A_128 = arith.constant 1 : i32
    %scan3A_129 = scf.for %scan3A_131 = %scan3A_125 to %scan3A_127 step %scan3A_128 iter_args(%scan3A_132 = %scan3A_124) -> (i32)  : i32 {
      %mul3A_133 = arith.constant 64 : i32
      %mul3A_134 = arith.muli %scan3A_131, %mul3A_133 : i32
      %add3A_135 = arith.addi %mul3A_123, %mul3A_134 : i32
      %multiple_of3A_136 = tpu.assume_multiple %add3A_135, 8 : i32
      %run_scoped3A_137 = arith.constant 0 : i32
      "tpu.region"() ({
        %run_scoped3A_142 = tpu.sem_alloc : memref<!tpu.dma_semaphore, #tpu.memory_space<semaphore_mem>>
        %dma_start3A_143 = arith.constant 0 : i32
        %dma_start3A_144 = arith.constant 0 : i32
        %dma_start3A_145 = tpu.memref_slice %arg13[%run_scoped3A_137, %dma_start3A_143, %dma_start3A_144] : memref<2x64x128xf32, #tpu.memory_space<vmem>> -> memref<1x64x128xf32, #tpu.memory_space<vmem>>
        %dma_start3A_146 = tpu.memref_squeeze %dma_start3A_145 : memref<1x64x128xf32, #tpu.memory_space<vmem>> -> memref<64x128xf32, #tpu.memory_space<vmem>>
        %dma_start3A_147 = arith.constant 0 : i32
        %dma_start3A_148 = tpu.memref_slice %arg8[%multiple_of3A_136, %dma_start3A_147] : memref<10240x128xf32, #tpu.memory_space<vmem_shared>> -> memref<64x128xf32, #tpu.memory_space<vmem_shared>>
        %dma_start3A_149 = arith.constant 0 : i32
        %dma_start3A_150 = arith.constant 0 : i32
        %dma_start3A_151 = tpu.memref_slice %arg13[%run_scoped3A_137, %dma_start3A_149, %dma_start3A_150] : memref<2x64x128xf32, #tpu.memory_space<vmem>> -> memref<1x64x128xf32, #tpu.memory_space<vmem>>
        %dma_start3A_152 = tpu.memref_squeeze %dma_start3A_151 : memref<1x64x128xf32, #tpu.memory_space<vmem>> -> memref<64x128xf32, #tpu.memory_space<vmem>>
        %dma_start3A_153 = arith.constant 0 : i32
        %dma_start3A_154 = tpu.memref_slice %arg8[%multiple_of3A_136, %dma_start3A_153] : memref<10240x128xf32, #tpu.memory_space<vmem_shared>> -> memref<64x128xf32, #tpu.memory_space<vmem_shared>>
        tpu.enqueue_dma source(%dma_start3A_154 : memref<64x128xf32, #tpu.memory_space<vmem_shared>>) target(%dma_start3A_152 : memref<64x128xf32, #tpu.memory_space<vmem>>) target_semaphore(%run_scoped3A_142 : memref<!tpu.dma_semaphore, #tpu.memory_space<semaphore_mem>>)
        %dma_wait3A_155 = arith.constant 0 : i32
        %dma_wait3A_156 = arith.constant 0 : i32
        %dma_wait3A_157 = tpu.memref_slice %arg13[%run_scoped3A_137, %dma_wait3A_155, %dma_wait3A_156] : memref<2x64x128xf32, #tpu.memory_space<vmem>> -> memref<1x64x128xf32, #tpu.memory_space<vmem>>
        %dma_wait3A_158 = tpu.memref_squeeze %dma_wait3A_157 : memref<1x64x128xf32, #tpu.memory_space<vmem>> -> memref<64x128xf32, #tpu.memory_space<vmem>>
        %dma_wait3A_159 = arith.constant 0 : i32
        %dma_wait3A_160 = tpu.memref_slice %arg8[%multiple_of3A_136, %dma_wait3A_159] : memref<10240x128xf32, #tpu.memory_space<vmem_shared>> -> memref<64x128xf32, #tpu.memory_space<vmem_shared>>
        %dma_wait3A_161 = arith.constant 0 : i32
        %dma_wait3A_162 = arith.constant 0 : i32
        %dma_wait3A_163 = tpu.memref_slice %arg13[%run_scoped3A_137, %dma_wait3A_161, %dma_wait3A_162] : memref<2x64x128xf32, #tpu.memory_space<vmem>> -> memref<1x64x128xf32, #tpu.memory_space<vmem>>
        %dma_wait3A_164 = tpu.memref_squeeze %dma_wait3A_163 : memref<1x64x128xf32, #tpu.memory_space<vmem>> -> memref<64x128xf32, #tpu.memory_space<vmem>>
        %dma_wait3A_165 = arith.constant 0 : i32
        %dma_wait3A_166 = tpu.memref_slice %arg8[%multiple_of3A_136, %dma_wait3A_165] : memref<10240x128xf32, #tpu.memory_space<vmem_shared>> -> memref<64x128xf32, #tpu.memory_space<vmem_shared>>
        tpu.wait_dma2 semaphore(%run_scoped3A_142 : memref<!tpu.dma_semaphore, #tpu.memory_space<semaphore_mem>>) src(%dma_wait3A_166 : memref<64x128xf32, #tpu.memory_space<vmem_shared>>) dst(%dma_wait3A_164 : memref<64x128xf32, #tpu.memory_space<vmem>>)
        tpu.yield
      }) : () -> ()
      %parallel_loop3A = arith.constant 0 : i32
      %parallel_loop3A_138 = arith.constant 64 : i32
      %parallel_loop3A_139 = arith.constant 1 : i32
      scf.for %parallel_loop3A_142 = %parallel_loop3A to %parallel_loop3A_138 step %parallel_loop3A_139  : i32 {
        %parallel_loop3A_143 = arith.constant 0 : i32
        %parallel_loop3A_144 = arith.index_cast %parallel_loop3A_143 : i32 to index
        %parallel_loop3A_145 = arith.index_cast %parallel_loop3A_142 : i32 to index
        %parallel_loop3A_146 = arith.constant 0 : index
        %parallel_loop3A_147 = tpu.vector_load %arg13[%parallel_loop3A_144, %parallel_loop3A_145, %parallel_loop3A_146] {strides = array<i32>} : memref<2x64x128xf32, #tpu.memory_space<vmem>>, vector<1x1x16xf32>,
        %parallel_loop3A_148 = vector.shape_cast %parallel_loop3A_147 : vector<1x1x16xf32> to vector<16xf32>
        %parallel_loop3A_149 = arith.constant 0 : i32
        %parallel_loop3A_150 = arith.index_cast %parallel_loop3A_149 : i32 to index
        %parallel_loop3A_151 = arith.index_cast %parallel_loop3A_142 : i32 to index
        %parallel_loop3A_152 = arith.constant 64 : index
        %parallel_loop3A_153 = tpu.vector_load %arg13[%parallel_loop3A_150, %parallel_loop3A_151, %parallel_loop3A_152] {strides = array<i32>} : memref<2x64x128xf32, #tpu.memory_space<vmem>>, vector<1x1x16xf32>,
        %parallel_loop3A_154 = vector.shape_cast %parallel_loop3A_153 : vector<1x1x16xf32> to vector<16xf32>
        %parallel_loop3A_155 = arith.constant 1.000000e-16 : f32
        %parallel_loop3A_156 = vector.broadcast %parallel_loop3A_155 : f32 to vector<16xf32>
        %parallel_loop3A_157 = arith.addf %parallel_loop3A_154, %parallel_loop3A_156 : vector<16xf32>
        %parallel_loop3A_158 = arith.divf %parallel_loop3A_148, %parallel_loop3A_157 : vector<16xf32>
        %parallel_loop3A_159 = arith.constant 0 : i32
        %parallel_loop3A_160 = arith.index_cast %parallel_loop3A_159 : i32 to index
        %parallel_loop3A_161 = arith.index_cast %parallel_loop3A_142 : i32 to index
        %parallel_loop3A_162 = arith.constant 0 : index
        %parallel_loop3A_163 = tpu.vector_load %arg12[%parallel_loop3A_160, %parallel_loop3A_161, %parallel_loop3A_162] {strides = array<i32>} : memref<2x64x64xf32, #tpu.memory_space<vmem>>, vector<1x1x16xf32>,
        %parallel_loop3A_164 = vector.shape_cast %parallel_loop3A_163 : vector<1x1x16xf32> to vector<16xf32>
        %parallel_loop3A_165 = vector.shape_cast %parallel_loop3A_158 : vector<16xf32> to vector<1x1x16xf32>
        tpu.vector_store %arg12[%parallel_loop3A_160, %parallel_loop3A_161, %parallel_loop3A_162], %parallel_loop3A_165 {strides = array<i32>} : memref<2x64x64xf32, #tpu.memory_space<vmem>>, vector<1x1x16xf32>,
        %parallel_loop3A_166 = arith.constant 0 : i32
        %parallel_loop3A_167 = arith.index_cast %parallel_loop3A_166 : i32 to index
        %parallel_loop3A_168 = arith.index_cast %parallel_loop3A_142 : i32 to index
        %parallel_loop3A_169 = arith.constant 16 : index
        %parallel_loop3A_170 = tpu.vector_load %arg13[%parallel_loop3A_167, %parallel_loop3A_168, %parallel_loop3A_169] {strides = array<i32>} : memref<2x64x128xf32, #tpu.memory_space<vmem>>, vector<1x1x16xf32>,
        %parallel_loop3A_171 = vector.shape_cast %parallel_loop3A_170 : vector<1x1x16xf32> to vector<16xf32>
        %parallel_loop3A_172 = arith.constant 0 : i32
        %parallel_loop3A_173 = arith.index_cast %parallel_loop3A_172 : i32 to index
        %parallel_loop3A_174 = arith.index_cast %parallel_loop3A_142 : i32 to index
        %parallel_loop3A_175 = arith.constant 80 : index
        %parallel_loop3A_176 = tpu.vector_load %arg13[%parallel_loop3A_173, %parallel_loop3A_174, %parallel_loop3A_175] {strides = array<i32>} : memref<2x64x128xf32, #tpu.memory_space<vmem>>, vector<1x1x16xf32>,
        %parallel_loop3A_177 = vector.shape_cast %parallel_loop3A_176 : vector<1x1x16xf32> to vector<16xf32>
        %parallel_loop3A_178 = arith.constant 1.000000e-16 : f32
        %parallel_loop3A_179 = vector.broadcast %parallel_loop3A_178 : f32 to vector<16xf32>
        %parallel_loop3A_180 = arith.addf %parallel_loop3A_177, %parallel_loop3A_179 : vector<16xf32>
        %parallel_loop3A_181 = arith.divf %parallel_loop3A_171, %parallel_loop3A_180 : vector<16xf32>
        %parallel_loop3A_182 = arith.constant 0 : i32
        %parallel_loop3A_183 = arith.index_cast %parallel_loop3A_182 : i32 to index
        %parallel_loop3A_184 = arith.index_cast %parallel_loop3A_142 : i32 to index
        %parallel_loop3A_185 = arith.constant 16 : index
        %parallel_loop3A_186 = tpu.vector_load %arg12[%parallel_loop3A_183, %parallel_loop3A_184, %parallel_loop3A_185] {strides = array<i32>} : memref<2x64x64xf32, #tpu.memory_space<vmem>>, vector<1x1x16xf32>,
        %parallel_loop3A_187 = vector.shape_cast %parallel_loop3A_186 : vector<1x1x16xf32> to vector<16xf32>
        %parallel_loop3A_188 = vector.shape_cast %parallel_loop3A_181 : vector<16xf32> to vector<1x1x16xf32>
        tpu.vector_store %arg12[%parallel_loop3A_183, %parallel_loop3A_184, %parallel_loop3A_185], %parallel_loop3A_188 {strides = array<i32>} : memref<2x64x64xf32, #tpu.memory_space<vmem>>, vector<1x1x16xf32>,
        %parallel_loop3A_189 = arith.constant 0 : i32
        %parallel_loop3A_190 = arith.index_cast %parallel_loop3A_189 : i32 to index
        %parallel_loop3A_191 = arith.index_cast %parallel_loop3A_142 : i32 to index
        %parallel_loop3A_192 = arith.constant 32 : index
        %parallel_loop3A_193 = tpu.vector_load %arg13[%parallel_loop3A_190, %parallel_loop3A_191, %parallel_loop3A_192] {strides = array<i32>} : memref<2x64x128xf32, #tpu.memory_space<vmem>>, vector<1x1x16xf32>,
        %parallel_loop3A_194 = vector.shape_cast %parallel_loop3A_193 : vector<1x1x16xf32> to vector<16xf32>
        %parallel_loop3A_195 = arith.constant 0 : i32
        %parallel_loop3A_196 = arith.index_cast %parallel_loop3A_195 : i32 to index
        %parallel_loop3A_197 = arith.index_cast %parallel_loop3A_142 : i32 to index
        %parallel_loop3A_198 = arith.constant 96 : index
        %parallel_loop3A_199 = tpu.vector_load %arg13[%parallel_loop3A_196, %parallel_loop3A_197, %parallel_loop3A_198] {strides = array<i32>} : memref<2x64x128xf32, #tpu.memory_space<vmem>>, vector<1x1x16xf32>,
        %parallel_loop3A_200 = vector.shape_cast %parallel_loop3A_199 : vector<1x1x16xf32> to vector<16xf32>
        %parallel_loop3A_201 = arith.constant 1.000000e-16 : f32
        %parallel_loop3A_202 = vector.broadcast %parallel_loop3A_201 : f32 to vector<16xf32>
        %parallel_loop3A_203 = arith.addf %parallel_loop3A_200, %parallel_loop3A_202 : vector<16xf32>
        %parallel_loop3A_204 = arith.divf %parallel_loop3A_194, %parallel_loop3A_203 : vector<16xf32>
        %parallel_loop3A_205 = arith.constant 0 : i32
        %parallel_loop3A_206 = arith.index_cast %parallel_loop3A_205 : i32 to index
        %parallel_loop3A_207 = arith.index_cast %parallel_loop3A_142 : i32 to index
        %parallel_loop3A_208 = arith.constant 32 : index
        %parallel_loop3A_209 = tpu.vector_load %arg12[%parallel_loop3A_206, %parallel_loop3A_207, %parallel_loop3A_208] {strides = array<i32>} : memref<2x64x64xf32, #tpu.memory_space<vmem>>, vector<1x1x16xf32>,
        %parallel_loop3A_210 = vector.shape_cast %parallel_loop3A_209 : vector<1x1x16xf32> to vector<16xf32>
        %parallel_loop3A_211 = vector.shape_cast %parallel_loop3A_204 : vector<16xf32> to vector<1x1x16xf32>
        tpu.vector_store %arg12[%parallel_loop3A_206, %parallel_loop3A_207, %parallel_loop3A_208], %parallel_loop3A_211 {strides = array<i32>} : memref<2x64x64xf32, #tpu.memory_space<vmem>>, vector<1x1x16xf32>,
        %parallel_loop3A_212 = arith.constant 0 : i32
        %parallel_loop3A_213 = arith.index_cast %parallel_loop3A_212 : i32 to index
        %parallel_loop3A_214 = arith.index_cast %parallel_loop3A_142 : i32 to index
        %parallel_loop3A_215 = arith.constant 48 : index
        %parallel_loop3A_216 = tpu.vector_load %arg13[%parallel_loop3A_213, %parallel_loop3A_214, %parallel_loop3A_215] {strides = array<i32>} : memref<2x64x128xf32, #tpu.memory_space<vmem>>, vector<1x1x16xf32>,
        %parallel_loop3A_217 = vector.shape_cast %parallel_loop3A_216 : vector<1x1x16xf32> to vector<16xf32>
        %parallel_loop3A_218 = arith.constant 0 : i32
        %parallel_loop3A_219 = arith.index_cast %parallel_loop3A_218 : i32 to index
        %parallel_loop3A_220 = arith.index_cast %parallel_loop3A_142 : i32 to index
        %parallel_loop3A_221 = arith.constant 112 : index
        %parallel_loop3A_222 = tpu.vector_load %arg13[%parallel_loop3A_219, %parallel_loop3A_220, %parallel_loop3A_221] {strides = array<i32>} : memref<2x64x128xf32, #tpu.memory_space<vmem>>, vector<1x1x16xf32>,
        %parallel_loop3A_223 = vector.shape_cast %parallel_loop3A_222 : vector<1x1x16xf32> to vector<16xf32>
        %parallel_loop3A_224 = arith.constant 1.000000e-16 : f32
        %parallel_loop3A_225 = vector.broadcast %parallel_loop3A_224 : f32 to vector<16xf32>
        %parallel_loop3A_226 = arith.addf %parallel_loop3A_223, %parallel_loop3A_225 : vector<16xf32>
        %parallel_loop3A_227 = arith.divf %parallel_loop3A_217, %parallel_loop3A_226 : vector<16xf32>
        %parallel_loop3A_228 = arith.constant 0 : i32
        %parallel_loop3A_229 = arith.index_cast %parallel_loop3A_228 : i32 to index
        %parallel_loop3A_230 = arith.index_cast %parallel_loop3A_142 : i32 to index
        %parallel_loop3A_231 = arith.constant 48 : index
        %parallel_loop3A_232 = tpu.vector_load %arg12[%parallel_loop3A_229, %parallel_loop3A_230, %parallel_loop3A_231] {strides = array<i32>} : memref<2x64x64xf32, #tpu.memory_space<vmem>>, vector<1x1x16xf32>,
        %parallel_loop3A_233 = vector.shape_cast %parallel_loop3A_232 : vector<1x1x16xf32> to vector<16xf32>
        %parallel_loop3A_234 = vector.shape_cast %parallel_loop3A_227 : vector<16xf32> to vector<1x1x16xf32>
        tpu.vector_store %arg12[%parallel_loop3A_229, %parallel_loop3A_230, %parallel_loop3A_231], %parallel_loop3A_234 {strides = array<i32>} : memref<2x64x64xf32, #tpu.memory_space<vmem>>, vector<1x1x16xf32>,
      } {sc.loop_unroll_factor = 2 : i64, sc.parallel_access}
      %run_scoped3A_140 = arith.constant 0 : i32
      "tpu.region"() ({
        %run_scoped3A_142 = tpu.sem_alloc : memref<!tpu.dma_semaphore, #tpu.memory_space<semaphore_mem>>
        %dma_start3A_143 = arith.constant 0 : i32
        %dma_start3A_144 = arith.constant 0 : i32
        %dma_start3A_145 = tpu.memref_slice %arg12[%run_scoped3A_140, %dma_start3A_143, %dma_start3A_144] : memref<2x64x64xf32, #tpu.memory_space<vmem>> -> memref<1x64x64xf32, #tpu.memory_space<vmem>>
        %dma_start3A_146 = tpu.memref_squeeze %dma_start3A_145 : memref<1x64x64xf32, #tpu.memory_space<vmem>> -> memref<64x64xf32, #tpu.memory_space<vmem>>
        %dma_start3A_147 = arith.constant 0 : i32
        %dma_start3A_148 = tpu.memref_slice %arg7[%arg0, %multiple_of3A_136, %dma_start3A_147] : memref<2x10240x64xf32, #tpu.memory_space<hbm>> -> memref<1x64x64xf32, #tpu.memory_space<hbm>>
        %dma_start3A_149 = tpu.memref_squeeze %dma_start3A_148 : memref<1x64x64xf32, #tpu.memory_space<hbm>> -> memref<64x64xf32, #tpu.memory_space<hbm>>
        %dma_start3A_150 = arith.constant 0 : i32
        %dma_start3A_151 = tpu.memref_slice %arg7[%arg0, %multiple_of3A_136, %dma_start3A_150] : memref<2x10240x64xf32, #tpu.memory_space<hbm>> -> memref<1x64x64xf32, #tpu.memory_space<hbm>>
        %dma_start3A_152 = tpu.memref_squeeze %dma_start3A_151 : memref<1x64x64xf32, #tpu.memory_space<hbm>> -> memref<64x64xf32, #tpu.memory_space<hbm>>
        %dma_start3A_153 = arith.constant 0 : i32
        %dma_start3A_154 = arith.constant 0 : i32
        %dma_start3A_155 = tpu.memref_slice %arg12[%run_scoped3A_140, %dma_start3A_153, %dma_start3A_154] : memref<2x64x64xf32, #tpu.memory_space<vmem>> -> memref<1x64x64xf32, #tpu.memory_space<vmem>>
        %dma_start3A_156 = tpu.memref_squeeze %dma_start3A_155 : memref<1x64x64xf32, #tpu.memory_space<vmem>> -> memref<64x64xf32, #tpu.memory_space<vmem>>
        tpu.enqueue_dma source(%dma_start3A_156 : memref<64x64xf32, #tpu.memory_space<vmem>>) target(%dma_start3A_152 : memref<64x64xf32, #tpu.memory_space<hbm>>) target_semaphore(%run_scoped3A_142 : memref<!tpu.dma_semaphore, #tpu.memory_space<semaphore_mem>>)
        %dma_wait3A_157 = arith.constant 0 : i32
        %dma_wait3A_158 = arith.constant 0 : i32
        %dma_wait3A_159 = tpu.memref_slice %arg12[%run_scoped3A_140, %dma_wait3A_157, %dma_wait3A_158] : memref<2x64x64xf32, #tpu.memory_space<vmem>> -> memref<1x64x64xf32, #tpu.memory_space<vmem>>
        %dma_wait3A_160 = tpu.memref_squeeze %dma_wait3A_159 : memref<1x64x64xf32, #tpu.memory_space<vmem>> -> memref<64x64xf32, #tpu.memory_space<vmem>>
        %dma_wait3A_161 = arith.constant 0 : i32
        %dma_wait3A_162 = tpu.memref_slice %arg7[%arg0, %multiple_of3A_136, %dma_wait3A_161] : memref<2x10240x64xf32, #tpu.memory_space<hbm>> -> memref<1x64x64xf32, #tpu.memory_space<hbm>>
        %dma_wait3A_163 = tpu.memref_squeeze %dma_wait3A_162 : memref<1x64x64xf32, #tpu.memory_space<hbm>> -> memref<64x64xf32, #tpu.memory_space<hbm>>
        %dma_wait3A_164 = arith.constant 0 : i32
        %dma_wait3A_165 = tpu.memref_slice %arg7[%arg0, %multiple_of3A_136, %dma_wait3A_164] : memref<2x10240x64xf32, #tpu.memory_space<hbm>> -> memref<1x64x64xf32, #tpu.memory_space<hbm>>
        %dma_wait3A_166 = tpu.memref_squeeze %dma_wait3A_165 : memref<1x64x64xf32, #tpu.memory_space<hbm>> -> memref<64x64xf32, #tpu.memory_space<hbm>>
        %dma_wait3A_167 = arith.constant 0 : i32
        %dma_wait3A_168 = arith.constant 0 : i32
        %dma_wait3A_169 = tpu.memref_slice %arg12[%run_scoped3A_140, %dma_wait3A_167, %dma_wait3A_168] : memref<2x64x64xf32, #tpu.memory_space<vmem>> -> memref<1x64x64xf32, #tpu.memory_space<vmem>>
        %dma_wait3A_170 = tpu.memref_squeeze %dma_wait3A_169 : memref<1x64x64xf32, #tpu.memory_space<vmem>> -> memref<64x64xf32, #tpu.memory_space<vmem>>
        tpu.wait_dma2 semaphore(%run_scoped3A_142 : memref<!tpu.dma_semaphore, #tpu.memory_space<semaphore_mem>>) src(%dma_wait3A_170 : memref<64x64xf32, #tpu.memory_space<vmem>>) dst(%dma_wait3A_166 : memref<64x64xf32, #tpu.memory_space<hbm>>)
        tpu.yield
      }) : () -> ()
      %scan3A_141 = arith.constant 0 : i32
      scf.yield %scan3A_141 : i32
    }
    %scan3A_130 = arith.constant 10 : i32
    return
  }
}

#map = affine_map<(d0, d1) -> (0, 0)>
#map1 = affine_map<(d0, d1) -> (0, 0, 0)>
#map2 = affine_map<(d0, d1) -> (0)>
module attributes {stable_mosaic.version = 14 : i64} {
  func.func @_sc_aggregate_body(%arg0: i32, %arg1: i32, %arg2: memref<20000x64xf32, #tpu.memory_space<hbm>>, %arg3: memref<655360x64xf32, #tpu.memory_space<hbm>>, %arg4: memref<2x5120x64xi32, #tpu.memory_space<hbm>>, %arg5: memref<5120x64xi32, #tpu.memory_space<hbm>>, %arg6: memref<16xf32, #tpu.memory_space<hbm>>, %arg7: memref<2x10240x64xf32, #tpu.memory_space<hbm>>, %arg8: memref<10240x128xf32, #tpu.memory_space<vmem_shared>>, %arg9: memref<2x8x64xi32, #tpu.memory_space<vmem>>, %arg10: memref<8x64xi32, #tpu.memory_space<vmem>>, %arg11: memref<2x64x64xf32, #tpu.memory_space<vmem>>, %arg12: memref<2x64x64xf32, #tpu.memory_space<vmem>>, %arg13: memref<2x64x128xf32, #tpu.memory_space<vmem>>, %arg14: memref<16xf32, #tpu.memory_space<vmem>>, %arg15: memref<!tpu.dma_semaphore, #tpu.memory_space<semaphore_mem>>, %arg16: memref<!tpu.dma_semaphore, #tpu.memory_space<semaphore_mem>>, %arg17: memref<!tpu.dma_semaphore, #tpu.memory_space<semaphore_mem>>) attributes {dimension_semantics = [#tpu.dimension_semantics<core_parallel>, #tpu.dimension_semantics<subcore_parallel>], iteration_bounds = array<i64: 2, 16>, scalar_prefetch = 0 : i64, scratch_operands = 10 : i64, tpu.core_type = #tpu.core_type<sc_vector_subcore>, window_params = [{transform_indices = #map}, {transform_indices = #map}, {transform_indices = #map1}, {transform_indices = #map}, {transform_indices = #map2}, {transform_indices = #map1}]} {
    "tpu.region"() ({
      %run_scoped3A_131 = tpu.sem_alloc : memref<!tpu.dma_semaphore, #tpu.memory_space<semaphore_mem>>
      tpu.enqueue_dma source(%arg6 : memref<16xf32, #tpu.memory_space<hbm>>) target(%arg14 : memref<16xf32, #tpu.memory_space<vmem>>) target_semaphore(%run_scoped3A_131 : memref<!tpu.dma_semaphore, #tpu.memory_space<semaphore_mem>>)
      tpu.wait_dma2 semaphore(%run_scoped3A_131 : memref<!tpu.dma_semaphore, #tpu.memory_space<semaphore_mem>>) src(%arg6 : memref<16xf32, #tpu.memory_space<hbm>>) dst(%arg14 : memref<16xf32, #tpu.memory_space<vmem>>)
      tpu.yield
    }) : () -> ()
    %scan3A = arith.constant 0 : i32
    %scan3A_0 = arith.constant 0 : i32
    %scan3A_1 = arith.constant 64 : i32
    %scan3A_2 = arith.addi %scan3A_0, %scan3A_1 : i32
    %scan3A_3 = arith.constant 1 : i32
    %scan3A_4 = scf.for %scan3A_131 = %scan3A_0 to %scan3A_2 step %scan3A_3 iter_args(%scan3A_132 = %scan3A) -> (i32)  : i32 {
      %broadcast_in_dim3A = arith.constant 0.000000e+00 : f32
      %broadcast_in_dim3A_133 = vector.broadcast %broadcast_in_dim3A : f32 to vector<16xf32>
      %swap3A = arith.constant 0 : i32
      %swap3A_134 = arith.index_cast %swap3A : i32 to index
      %swap3A_135 = arith.index_cast %scan3A_131 : i32 to index
      %swap3A_136 = arith.constant 0 : index
      %swap3A_137 = tpu.vector_load %arg13[%swap3A_134, %swap3A_135, %swap3A_136] {strides = array<i32>} : memref<2x64x128xf32, #tpu.memory_space<vmem>>, vector<1x1x16xf32>,
      %swap3A_138 = vector.shape_cast %swap3A_137 : vector<1x1x16xf32> to vector<16xf32>
      %swap3A_139 = vector.shape_cast %broadcast_in_dim3A_133 : vector<16xf32> to vector<1x1x16xf32>
      tpu.vector_store %arg13[%swap3A_134, %swap3A_135, %swap3A_136], %swap3A_139 {strides = array<i32>} : memref<2x64x128xf32, #tpu.memory_space<vmem>>, vector<1x1x16xf32>,
      %broadcast_in_dim3A_140 = arith.constant 0.000000e+00 : f32
      %broadcast_in_dim3A_141 = vector.broadcast %broadcast_in_dim3A_140 : f32 to vector<16xf32>
      %swap3A_142 = arith.constant 0 : i32
      %swap3A_143 = arith.index_cast %swap3A_142 : i32 to index
      %swap3A_144 = arith.index_cast %scan3A_131 : i32 to index
      %swap3A_145 = arith.constant 16 : index
      %swap3A_146 = tpu.vector_load %arg13[%swap3A_143, %swap3A_144, %swap3A_145] {strides = array<i32>} : memref<2x64x128xf32, #tpu.memory_space<vmem>>, vector<1x1x16xf32>,
      %swap3A_147 = vector.shape_cast %swap3A_146 : vector<1x1x16xf32> to vector<16xf32>
      %swap3A_148 = vector.shape_cast %broadcast_in_dim3A_141 : vector<16xf32> to vector<1x1x16xf32>
      tpu.vector_store %arg13[%swap3A_143, %swap3A_144, %swap3A_145], %swap3A_148 {strides = array<i32>} : memref<2x64x128xf32, #tpu.memory_space<vmem>>, vector<1x1x16xf32>,
      %broadcast_in_dim3A_149 = arith.constant 0.000000e+00 : f32
      %broadcast_in_dim3A_150 = vector.broadcast %broadcast_in_dim3A_149 : f32 to vector<16xf32>
      %swap3A_151 = arith.constant 0 : i32
      %swap3A_152 = arith.index_cast %swap3A_151 : i32 to index
      %swap3A_153 = arith.index_cast %scan3A_131 : i32 to index
      %swap3A_154 = arith.constant 32 : index
      %swap3A_155 = tpu.vector_load %arg13[%swap3A_152, %swap3A_153, %swap3A_154] {strides = array<i32>} : memref<2x64x128xf32, #tpu.memory_space<vmem>>, vector<1x1x16xf32>,
      %swap3A_156 = vector.shape_cast %swap3A_155 : vector<1x1x16xf32> to vector<16xf32>
      %swap3A_157 = vector.shape_cast %broadcast_in_dim3A_150 : vector<16xf32> to vector<1x1x16xf32>
      tpu.vector_store %arg13[%swap3A_152, %swap3A_153, %swap3A_154], %swap3A_157 {strides = array<i32>} : memref<2x64x128xf32, #tpu.memory_space<vmem>>, vector<1x1x16xf32>,
      %broadcast_in_dim3A_158 = arith.constant 0.000000e+00 : f32
      %broadcast_in_dim3A_159 = vector.broadcast %broadcast_in_dim3A_158 : f32 to vector<16xf32>
      %swap3A_160 = arith.constant 0 : i32
      %swap3A_161 = arith.index_cast %swap3A_160 : i32 to index
      %swap3A_162 = arith.index_cast %scan3A_131 : i32 to index
      %swap3A_163 = arith.constant 48 : index
      %swap3A_164 = tpu.vector_load %arg13[%swap3A_161, %swap3A_162, %swap3A_163] {strides = array<i32>} : memref<2x64x128xf32, #tpu.memory_space<vmem>>, vector<1x1x16xf32>,
      %swap3A_165 = vector.shape_cast %swap3A_164 : vector<1x1x16xf32> to vector<16xf32>
      %swap3A_166 = vector.shape_cast %broadcast_in_dim3A_159 : vector<16xf32> to vector<1x1x16xf32>
      tpu.vector_store %arg13[%swap3A_161, %swap3A_162, %swap3A_163], %swap3A_166 {strides = array<i32>} : memref<2x64x128xf32, #tpu.memory_space<vmem>>, vector<1x1x16xf32>,
      %broadcast_in_dim3A_167 = arith.constant 0.000000e+00 : f32
      %broadcast_in_dim3A_168 = vector.broadcast %broadcast_in_dim3A_167 : f32 to vector<16xf32>
      %swap3A_169 = arith.constant 0 : i32
      %swap3A_170 = arith.index_cast %swap3A_169 : i32 to index
      %swap3A_171 = arith.index_cast %scan3A_131 : i32 to index
      %swap3A_172 = arith.constant 64 : index
      %swap3A_173 = tpu.vector_load %arg13[%swap3A_170, %swap3A_171, %swap3A_172] {strides = array<i32>} : memref<2x64x128xf32, #tpu.memory_space<vmem>>, vector<1x1x16xf32>,
      %swap3A_174 = vector.shape_cast %swap3A_173 : vector<1x1x16xf32> to vector<16xf32>
      %swap3A_175 = vector.shape_cast %broadcast_in_dim3A_168 : vector<16xf32> to vector<1x1x16xf32>
      tpu.vector_store %arg13[%swap3A_170, %swap3A_171, %swap3A_172], %swap3A_175 {strides = array<i32>} : memref<2x64x128xf32, #tpu.memory_space<vmem>>, vector<1x1x16xf32>,
      %broadcast_in_dim3A_176 = arith.constant 0.000000e+00 : f32
      %broadcast_in_dim3A_177 = vector.broadcast %broadcast_in_dim3A_176 : f32 to vector<16xf32>
      %swap3A_178 = arith.constant 0 : i32
      %swap3A_179 = arith.index_cast %swap3A_178 : i32 to index
      %swap3A_180 = arith.index_cast %scan3A_131 : i32 to index
      %swap3A_181 = arith.constant 80 : index
      %swap3A_182 = tpu.vector_load %arg13[%swap3A_179, %swap3A_180, %swap3A_181] {strides = array<i32>} : memref<2x64x128xf32, #tpu.memory_space<vmem>>, vector<1x1x16xf32>,
      %swap3A_183 = vector.shape_cast %swap3A_182 : vector<1x1x16xf32> to vector<16xf32>
      %swap3A_184 = vector.shape_cast %broadcast_in_dim3A_177 : vector<16xf32> to vector<1x1x16xf32>
      tpu.vector_store %arg13[%swap3A_179, %swap3A_180, %swap3A_181], %swap3A_184 {strides = array<i32>} : memref<2x64x128xf32, #tpu.memory_space<vmem>>, vector<1x1x16xf32>,
      %broadcast_in_dim3A_185 = arith.constant 0.000000e+00 : f32
      %broadcast_in_dim3A_186 = vector.broadcast %broadcast_in_dim3A_185 : f32 to vector<16xf32>
      %swap3A_187 = arith.constant 0 : i32
      %swap3A_188 = arith.index_cast %swap3A_187 : i32 to index
      %swap3A_189 = arith.index_cast %scan3A_131 : i32 to index
      %swap3A_190 = arith.constant 96 : index
      %swap3A_191 = tpu.vector_load %arg13[%swap3A_188, %swap3A_189, %swap3A_190] {strides = array<i32>} : memref<2x64x128xf32, #tpu.memory_space<vmem>>, vector<1x1x16xf32>,
      %swap3A_192 = vector.shape_cast %swap3A_191 : vector<1x1x16xf32> to vector<16xf32>
      %swap3A_193 = vector.shape_cast %broadcast_in_dim3A_186 : vector<16xf32> to vector<1x1x16xf32>
      tpu.vector_store %arg13[%swap3A_188, %swap3A_189, %swap3A_190], %swap3A_193 {strides = array<i32>} : memref<2x64x128xf32, #tpu.memory_space<vmem>>, vector<1x1x16xf32>,
      %broadcast_in_dim3A_194 = arith.constant 0.000000e+00 : f32
      %broadcast_in_dim3A_195 = vector.broadcast %broadcast_in_dim3A_194 : f32 to vector<16xf32>
      %swap3A_196 = arith.constant 0 : i32
      %swap3A_197 = arith.index_cast %swap3A_196 : i32 to index
      %swap3A_198 = arith.index_cast %scan3A_131 : i32 to index
      %swap3A_199 = arith.constant 112 : index
      %swap3A_200 = tpu.vector_load %arg13[%swap3A_197, %swap3A_198, %swap3A_199] {strides = array<i32>} : memref<2x64x128xf32, #tpu.memory_space<vmem>>, vector<1x1x16xf32>,
      %swap3A_201 = vector.shape_cast %swap3A_200 : vector<1x1x16xf32> to vector<16xf32>
      %swap3A_202 = vector.shape_cast %broadcast_in_dim3A_195 : vector<16xf32> to vector<1x1x16xf32>
      tpu.vector_store %arg13[%swap3A_197, %swap3A_198, %swap3A_199], %swap3A_202 {strides = array<i32>} : memref<2x64x128xf32, #tpu.memory_space<vmem>>, vector<1x1x16xf32>,
      %broadcast_in_dim3A_203 = arith.constant 0.000000e+00 : f32
      %broadcast_in_dim3A_204 = vector.broadcast %broadcast_in_dim3A_203 : f32 to vector<16xf32>
      %swap3A_205 = arith.constant 1 : i32
      %swap3A_206 = arith.index_cast %swap3A_205 : i32 to index
      %swap3A_207 = arith.index_cast %scan3A_131 : i32 to index
      %swap3A_208 = arith.constant 0 : index
      %swap3A_209 = tpu.vector_load %arg13[%swap3A_206, %swap3A_207, %swap3A_208] {strides = array<i32>} : memref<2x64x128xf32, #tpu.memory_space<vmem>>, vector<1x1x16xf32>,
      %swap3A_210 = vector.shape_cast %swap3A_209 : vector<1x1x16xf32> to vector<16xf32>
      %swap3A_211 = vector.shape_cast %broadcast_in_dim3A_204 : vector<16xf32> to vector<1x1x16xf32>
      tpu.vector_store %arg13[%swap3A_206, %swap3A_207, %swap3A_208], %swap3A_211 {strides = array<i32>} : memref<2x64x128xf32, #tpu.memory_space<vmem>>, vector<1x1x16xf32>,
      %broadcast_in_dim3A_212 = arith.constant 0.000000e+00 : f32
      %broadcast_in_dim3A_213 = vector.broadcast %broadcast_in_dim3A_212 : f32 to vector<16xf32>
      %swap3A_214 = arith.constant 1 : i32
      %swap3A_215 = arith.index_cast %swap3A_214 : i32 to index
      %swap3A_216 = arith.index_cast %scan3A_131 : i32 to index
      %swap3A_217 = arith.constant 16 : index
      %swap3A_218 = tpu.vector_load %arg13[%swap3A_215, %swap3A_216, %swap3A_217] {strides = array<i32>} : memref<2x64x128xf32, #tpu.memory_space<vmem>>, vector<1x1x16xf32>,
      %swap3A_219 = vector.shape_cast %swap3A_218 : vector<1x1x16xf32> to vector<16xf32>
      %swap3A_220 = vector.shape_cast %broadcast_in_dim3A_213 : vector<16xf32> to vector<1x1x16xf32>
      tpu.vector_store %arg13[%swap3A_215, %swap3A_216, %swap3A_217], %swap3A_220 {strides = array<i32>} : memref<2x64x128xf32, #tpu.memory_space<vmem>>, vector<1x1x16xf32>,
      %broadcast_in_dim3A_221 = arith.constant 0.000000e+00 : f32
      %broadcast_in_dim3A_222 = vector.broadcast %broadcast_in_dim3A_221 : f32 to vector<16xf32>
      %swap3A_223 = arith.constant 1 : i32
      %swap3A_224 = arith.index_cast %swap3A_223 : i32 to index
      %swap3A_225 = arith.index_cast %scan3A_131 : i32 to index
      %swap3A_226 = arith.constant 32 : index
      %swap3A_227 = tpu.vector_load %arg13[%swap3A_224, %swap3A_225, %swap3A_226] {strides = array<i32>} : memref<2x64x128xf32, #tpu.memory_space<vmem>>, vector<1x1x16xf32>,
      %swap3A_228 = vector.shape_cast %swap3A_227 : vector<1x1x16xf32> to vector<16xf32>
      %swap3A_229 = vector.shape_cast %broadcast_in_dim3A_222 : vector<16xf32> to vector<1x1x16xf32>
      tpu.vector_store %arg13[%swap3A_224, %swap3A_225, %swap3A_226], %swap3A_229 {strides = array<i32>} : memref<2x64x128xf32, #tpu.memory_space<vmem>>, vector<1x1x16xf32>,
      %broadcast_in_dim3A_230 = arith.constant 0.000000e+00 : f32
      %broadcast_in_dim3A_231 = vector.broadcast %broadcast_in_dim3A_230 : f32 to vector<16xf32>
      %swap3A_232 = arith.constant 1 : i32
      %swap3A_233 = arith.index_cast %swap3A_232 : i32 to index
      %swap3A_234 = arith.index_cast %scan3A_131 : i32 to index
      %swap3A_235 = arith.constant 48 : index
      %swap3A_236 = tpu.vector_load %arg13[%swap3A_233, %swap3A_234, %swap3A_235] {strides = array<i32>} : memref<2x64x128xf32, #tpu.memory_space<vmem>>, vector<1x1x16xf32>,
      %swap3A_237 = vector.shape_cast %swap3A_236 : vector<1x1x16xf32> to vector<16xf32>
      %swap3A_238 = vector.shape_cast %broadcast_in_dim3A_231 : vector<16xf32> to vector<1x1x16xf32>
      tpu.vector_store %arg13[%swap3A_233, %swap3A_234, %swap3A_235], %swap3A_238 {strides = array<i32>} : memref<2x64x128xf32, #tpu.memory_space<vmem>>, vector<1x1x16xf32>,
      %broadcast_in_dim3A_239 = arith.constant 0.000000e+00 : f32
      %broadcast_in_dim3A_240 = vector.broadcast %broadcast_in_dim3A_239 : f32 to vector<16xf32>
      %swap3A_241 = arith.constant 1 : i32
      %swap3A_242 = arith.index_cast %swap3A_241 : i32 to index
      %swap3A_243 = arith.index_cast %scan3A_131 : i32 to index
      %swap3A_244 = arith.constant 64 : index
      %swap3A_245 = tpu.vector_load %arg13[%swap3A_242, %swap3A_243, %swap3A_244] {strides = array<i32>} : memref<2x64x128xf32, #tpu.memory_space<vmem>>, vector<1x1x16xf32>,
      %swap3A_246 = vector.shape_cast %swap3A_245 : vector<1x1x16xf32> to vector<16xf32>
      %swap3A_247 = vector.shape_cast %broadcast_in_dim3A_240 : vector<16xf32> to vector<1x1x16xf32>
      tpu.vector_store %arg13[%swap3A_242, %swap3A_243, %swap3A_244], %swap3A_247 {strides = array<i32>} : memref<2x64x128xf32, #tpu.memory_space<vmem>>, vector<1x1x16xf32>,
      %broadcast_in_dim3A_248 = arith.constant 0.000000e+00 : f32
      %broadcast_in_dim3A_249 = vector.broadcast %broadcast_in_dim3A_248 : f32 to vector<16xf32>
      %swap3A_250 = arith.constant 1 : i32
      %swap3A_251 = arith.index_cast %swap3A_250 : i32 to index
      %swap3A_252 = arith.index_cast %scan3A_131 : i32 to index
      %swap3A_253 = arith.constant 80 : index
      %swap3A_254 = tpu.vector_load %arg13[%swap3A_251, %swap3A_252, %swap3A_253] {strides = array<i32>} : memref<2x64x128xf32, #tpu.memory_space<vmem>>, vector<1x1x16xf32>,
      %swap3A_255 = vector.shape_cast %swap3A_254 : vector<1x1x16xf32> to vector<16xf32>
      %swap3A_256 = vector.shape_cast %broadcast_in_dim3A_249 : vector<16xf32> to vector<1x1x16xf32>
      tpu.vector_store %arg13[%swap3A_251, %swap3A_252, %swap3A_253], %swap3A_256 {strides = array<i32>} : memref<2x64x128xf32, #tpu.memory_space<vmem>>, vector<1x1x16xf32>,
      %broadcast_in_dim3A_257 = arith.constant 0.000000e+00 : f32
      %broadcast_in_dim3A_258 = vector.broadcast %broadcast_in_dim3A_257 : f32 to vector<16xf32>
      %swap3A_259 = arith.constant 1 : i32
      %swap3A_260 = arith.index_cast %swap3A_259 : i32 to index
      %swap3A_261 = arith.index_cast %scan3A_131 : i32 to index
      %swap3A_262 = arith.constant 96 : index
      %swap3A_263 = tpu.vector_load %arg13[%swap3A_260, %swap3A_261, %swap3A_262] {strides = array<i32>} : memref<2x64x128xf32, #tpu.memory_space<vmem>>, vector<1x1x16xf32>,
      %swap3A_264 = vector.shape_cast %swap3A_263 : vector<1x1x16xf32> to vector<16xf32>
      %swap3A_265 = vector.shape_cast %broadcast_in_dim3A_258 : vector<16xf32> to vector<1x1x16xf32>
      tpu.vector_store %arg13[%swap3A_260, %swap3A_261, %swap3A_262], %swap3A_265 {strides = array<i32>} : memref<2x64x128xf32, #tpu.memory_space<vmem>>, vector<1x1x16xf32>,
      %broadcast_in_dim3A_266 = arith.constant 0.000000e+00 : f32
      %broadcast_in_dim3A_267 = vector.broadcast %broadcast_in_dim3A_266 : f32 to vector<16xf32>
      %swap3A_268 = arith.constant 1 : i32
      %swap3A_269 = arith.index_cast %swap3A_268 : i32 to index
      %swap3A_270 = arith.index_cast %scan3A_131 : i32 to index
      %swap3A_271 = arith.constant 112 : index
      %swap3A_272 = tpu.vector_load %arg13[%swap3A_269, %swap3A_270, %swap3A_271] {strides = array<i32>} : memref<2x64x128xf32, #tpu.memory_space<vmem>>, vector<1x1x16xf32>,
      %swap3A_273 = vector.shape_cast %swap3A_272 : vector<1x1x16xf32> to vector<16xf32>
      %swap3A_274 = vector.shape_cast %broadcast_in_dim3A_267 : vector<16xf32> to vector<1x1x16xf32>
      tpu.vector_store %arg13[%swap3A_269, %swap3A_270, %swap3A_271], %swap3A_274 {strides = array<i32>} : memref<2x64x128xf32, #tpu.memory_space<vmem>>, vector<1x1x16xf32>,
      %scan3A_275 = arith.constant 0 : i32
      scf.yield %scan3A_275 : i32
    }
    %scan3A_5 = arith.constant 64 : i32
    %mul3A = arith.constant 640 : i32
    %mul3A_6 = arith.muli %arg1, %mul3A : i32
    %scan3A_7 = arith.constant 0 : i32
    %scan3A_8 = arith.constant 0 : i32
    %scan3A_9 = arith.constant 10 : i32
    %scan3A_10 = arith.addi %scan3A_8, %scan3A_9 : i32
    %scan3A_11 = arith.constant 1 : i32
    %scan3A_12 = scf.for %scan3A_131 = %scan3A_8 to %scan3A_10 step %scan3A_11 iter_args(%scan3A_132 = %scan3A_7) -> (i32)  : i32 {
      %mul3A_133 = arith.constant 64 : i32
      %mul3A_134 = arith.muli %scan3A_131, %mul3A_133 : i32
      %add3A_135 = arith.addi %mul3A_6, %mul3A_134 : i32
      %multiple_of3A_136 = tpu.assume_multiple %add3A_135, 8 : i32
      %run_scoped3A_137 = arith.constant 0 : i32
      "tpu.region"() ({
        %run_scoped3A_139 = tpu.sem_alloc : memref<!tpu.dma_semaphore, #tpu.memory_space<semaphore_mem>>
        %dma_start3A_140 = arith.constant 0 : i32
        %dma_start3A_141 = arith.constant 0 : i32
        %dma_start3A_142 = tpu.memref_slice %arg13[%run_scoped3A_137, %dma_start3A_140, %dma_start3A_141] : memref<2x64x128xf32, #tpu.memory_space<vmem>> -> memref<1x64x128xf32, #tpu.memory_space<vmem>>
        %dma_start3A_143 = tpu.memref_squeeze %dma_start3A_142 : memref<1x64x128xf32, #tpu.memory_space<vmem>> -> memref<64x128xf32, #tpu.memory_space<vmem>>
        %dma_start3A_144 = arith.constant 0 : i32
        %dma_start3A_145 = tpu.memref_slice %arg8[%multiple_of3A_136, %dma_start3A_144] : memref<10240x128xf32, #tpu.memory_space<vmem_shared>> -> memref<64x128xf32, #tpu.memory_space<vmem_shared>>
        %dma_start3A_146 = arith.constant 0 : i32
        %dma_start3A_147 = tpu.memref_slice %arg8[%multiple_of3A_136, %dma_start3A_146] : memref<10240x128xf32, #tpu.memory_space<vmem_shared>> -> memref<64x128xf32, #tpu.memory_space<vmem_shared>>
        %dma_start3A_148 = arith.constant 0 : i32
        %dma_start3A_149 = arith.constant 0 : i32
        %dma_start3A_150 = tpu.memref_slice %arg13[%run_scoped3A_137, %dma_start3A_148, %dma_start3A_149] : memref<2x64x128xf32, #tpu.memory_space<vmem>> -> memref<1x64x128xf32, #tpu.memory_space<vmem>>
        %dma_start3A_151 = tpu.memref_squeeze %dma_start3A_150 : memref<1x64x128xf32, #tpu.memory_space<vmem>> -> memref<64x128xf32, #tpu.memory_space<vmem>>
        tpu.enqueue_dma source(%dma_start3A_151 : memref<64x128xf32, #tpu.memory_space<vmem>>) target(%dma_start3A_147 : memref<64x128xf32, #tpu.memory_space<vmem_shared>>) target_semaphore(%run_scoped3A_139 : memref<!tpu.dma_semaphore, #tpu.memory_space<semaphore_mem>>)
        %dma_wait3A_152 = arith.constant 0 : i32
        %dma_wait3A_153 = arith.constant 0 : i32
        %dma_wait3A_154 = tpu.memref_slice %arg13[%run_scoped3A_137, %dma_wait3A_152, %dma_wait3A_153] : memref<2x64x128xf32, #tpu.memory_space<vmem>> -> memref<1x64x128xf32, #tpu.memory_space<vmem>>
        %dma_wait3A_155 = tpu.memref_squeeze %dma_wait3A_154 : memref<1x64x128xf32, #tpu.memory_space<vmem>> -> memref<64x128xf32, #tpu.memory_space<vmem>>
        %dma_wait3A_156 = arith.constant 0 : i32
        %dma_wait3A_157 = tpu.memref_slice %arg8[%multiple_of3A_136, %dma_wait3A_156] : memref<10240x128xf32, #tpu.memory_space<vmem_shared>> -> memref<64x128xf32, #tpu.memory_space<vmem_shared>>
        %dma_wait3A_158 = arith.constant 0 : i32
        %dma_wait3A_159 = tpu.memref_slice %arg8[%multiple_of3A_136, %dma_wait3A_158] : memref<10240x128xf32, #tpu.memory_space<vmem_shared>> -> memref<64x128xf32, #tpu.memory_space<vmem_shared>>
        %dma_wait3A_160 = arith.constant 0 : i32
        %dma_wait3A_161 = arith.constant 0 : i32
        %dma_wait3A_162 = tpu.memref_slice %arg13[%run_scoped3A_137, %dma_wait3A_160, %dma_wait3A_161] : memref<2x64x128xf32, #tpu.memory_space<vmem>> -> memref<1x64x128xf32, #tpu.memory_space<vmem>>
        %dma_wait3A_163 = tpu.memref_squeeze %dma_wait3A_162 : memref<1x64x128xf32, #tpu.memory_space<vmem>> -> memref<64x128xf32, #tpu.memory_space<vmem>>
        tpu.wait_dma2 semaphore(%run_scoped3A_139 : memref<!tpu.dma_semaphore, #tpu.memory_space<semaphore_mem>>) src(%dma_wait3A_163 : memref<64x128xf32, #tpu.memory_space<vmem>>) dst(%dma_wait3A_159 : memref<64x128xf32, #tpu.memory_space<vmem_shared>>)
        tpu.yield
      }) : () -> ()
      %scan3A_138 = arith.constant 0 : i32
      scf.yield %scan3A_138 : i32
    }
    %scan3A_13 = arith.constant 10 : i32
    %barrier3A = arith.constant 0 : index
    tpu.barrier barrier_id(%barrier3A)
    %mul3A_14 = arith.constant 320 : i32
    %mul3A_15 = arith.muli %arg1, %mul3A_14 : i32
    %mul3A_16 = arith.constant 64 : i32
    %mul3A_17 = arith.muli %mul3A_15, %mul3A_16 : i32
    %mul3A_18 = arith.constant 320 : i32
    %mul3A_19 = arith.muli %arg1, %mul3A_18 : i32
    %mul3A_20 = arith.constant 327680 : i32
    %mul3A_21 = arith.muli %arg0, %mul3A_20 : i32
    %add3A = arith.addi %mul3A_21, %mul3A_17 : i32
    %mul3A_22 = arith.constant 64 : i32
    %mul3A_23 = arith.muli %arg0, %mul3A_22 : i32
    %get3A = arith.constant 0 : index
    %get3A_24 = tpu.vector_load %arg14[%get3A] {strides = array<i32>} : memref<16xf32, #tpu.memory_space<vmem>>, vector<16xf32>,
    %get3A_25 = vector.shape_cast %get3A_24 : vector<16xf32> to vector<16xf32>
    %multiple_of3A = tpu.assume_multiple %mul3A_19, 8 : i32
    %run_scoped3A = arith.constant 0 : i32
    "tpu.region"() ({
      %run_scoped3A_131 = tpu.sem_alloc : memref<!tpu.dma_semaphore, #tpu.memory_space<semaphore_mem>>
      %dma_start3A_132 = arith.constant 0 : i32
      %dma_start3A_133 = arith.constant 0 : i32
      %dma_start3A_134 = tpu.memref_slice %arg9[%run_scoped3A, %dma_start3A_132, %dma_start3A_133] : memref<2x8x64xi32, #tpu.memory_space<vmem>> -> memref<1x8x64xi32, #tpu.memory_space<vmem>>
      %dma_start3A_135 = tpu.memref_squeeze %dma_start3A_134 : memref<1x8x64xi32, #tpu.memory_space<vmem>> -> memref<8x64xi32, #tpu.memory_space<vmem>>
      %dma_start3A_136 = arith.constant 0 : i32
      %dma_start3A_137 = tpu.memref_slice %arg4[%arg0, %multiple_of3A, %dma_start3A_136] : memref<2x5120x64xi32, #tpu.memory_space<hbm>> -> memref<1x8x64xi32, #tpu.memory_space<hbm>>
      %dma_start3A_138 = tpu.memref_squeeze %dma_start3A_137 : memref<1x8x64xi32, #tpu.memory_space<hbm>> -> memref<8x64xi32, #tpu.memory_space<hbm>>
      %dma_start3A_139 = arith.constant 0 : i32
      %dma_start3A_140 = arith.constant 0 : i32
      %dma_start3A_141 = tpu.memref_slice %arg9[%run_scoped3A, %dma_start3A_139, %dma_start3A_140] : memref<2x8x64xi32, #tpu.memory_space<vmem>> -> memref<1x8x64xi32, #tpu.memory_space<vmem>>
      %dma_start3A_142 = tpu.memref_squeeze %dma_start3A_141 : memref<1x8x64xi32, #tpu.memory_space<vmem>> -> memref<8x64xi32, #tpu.memory_space<vmem>>
      %dma_start3A_143 = arith.constant 0 : i32
      %dma_start3A_144 = tpu.memref_slice %arg4[%arg0, %multiple_of3A, %dma_start3A_143] : memref<2x5120x64xi32, #tpu.memory_space<hbm>> -> memref<1x8x64xi32, #tpu.memory_space<hbm>>
      %dma_start3A_145 = tpu.memref_squeeze %dma_start3A_144 : memref<1x8x64xi32, #tpu.memory_space<hbm>> -> memref<8x64xi32, #tpu.memory_space<hbm>>
      tpu.enqueue_dma source(%dma_start3A_145 : memref<8x64xi32, #tpu.memory_space<hbm>>) target(%dma_start3A_142 : memref<8x64xi32, #tpu.memory_space<vmem>>) target_semaphore(%run_scoped3A_131 : memref<!tpu.dma_semaphore, #tpu.memory_space<semaphore_mem>>)
      %dma_wait3A_146 = arith.constant 0 : i32
      %dma_wait3A_147 = arith.constant 0 : i32
      %dma_wait3A_148 = tpu.memref_slice %arg9[%run_scoped3A, %dma_wait3A_146, %dma_wait3A_147] : memref<2x8x64xi32, #tpu.memory_space<vmem>> -> memref<1x8x64xi32, #tpu.memory_space<vmem>>
      %dma_wait3A_149 = tpu.memref_squeeze %dma_wait3A_148 : memref<1x8x64xi32, #tpu.memory_space<vmem>> -> memref<8x64xi32, #tpu.memory_space<vmem>>
      %dma_wait3A_150 = arith.constant 0 : i32
      %dma_wait3A_151 = tpu.memref_slice %arg4[%arg0, %multiple_of3A, %dma_wait3A_150] : memref<2x5120x64xi32, #tpu.memory_space<hbm>> -> memref<1x8x64xi32, #tpu.memory_space<hbm>>
      %dma_wait3A_152 = tpu.memref_squeeze %dma_wait3A_151 : memref<1x8x64xi32, #tpu.memory_space<hbm>> -> memref<8x64xi32, #tpu.memory_space<hbm>>
      %dma_wait3A_153 = arith.constant 0 : i32
      %dma_wait3A_154 = arith.constant 0 : i32
      %dma_wait3A_155 = tpu.memref_slice %arg9[%run_scoped3A, %dma_wait3A_153, %dma_wait3A_154] : memref<2x8x64xi32, #tpu.memory_space<vmem>> -> memref<1x8x64xi32, #tpu.memory_space<vmem>>
      %dma_wait3A_156 = tpu.memref_squeeze %dma_wait3A_155 : memref<1x8x64xi32, #tpu.memory_space<vmem>> -> memref<8x64xi32, #tpu.memory_space<vmem>>
      %dma_wait3A_157 = arith.constant 0 : i32
      %dma_wait3A_158 = tpu.memref_slice %arg4[%arg0, %multiple_of3A, %dma_wait3A_157] : memref<2x5120x64xi32, #tpu.memory_space<hbm>> -> memref<1x8x64xi32, #tpu.memory_space<hbm>>
      %dma_wait3A_159 = tpu.memref_squeeze %dma_wait3A_158 : memref<1x8x64xi32, #tpu.memory_space<hbm>> -> memref<8x64xi32, #tpu.memory_space<hbm>>
      tpu.wait_dma2 semaphore(%run_scoped3A_131 : memref<!tpu.dma_semaphore, #tpu.memory_space<semaphore_mem>>) src(%dma_wait3A_159 : memref<8x64xi32, #tpu.memory_space<hbm>>) dst(%dma_wait3A_156 : memref<8x64xi32, #tpu.memory_space<vmem>>)
      tpu.yield
    }) : () -> ()
    %multiple_of3A_26 = tpu.assume_multiple %mul3A_19, 8 : i32
    "tpu.region"() ({
      %run_scoped3A_131 = tpu.sem_alloc : memref<!tpu.dma_semaphore, #tpu.memory_space<semaphore_mem>>
      %dma_start3A_132 = arith.constant 0 : i32
      %dma_start3A_133 = tpu.memref_slice %arg5[%multiple_of3A_26, %dma_start3A_132] : memref<5120x64xi32, #tpu.memory_space<hbm>> -> memref<8x64xi32, #tpu.memory_space<hbm>>
      %dma_start3A_134 = arith.constant 0 : i32
      %dma_start3A_135 = tpu.memref_slice %arg5[%multiple_of3A_26, %dma_start3A_134] : memref<5120x64xi32, #tpu.memory_space<hbm>> -> memref<8x64xi32, #tpu.memory_space<hbm>>
      tpu.enqueue_dma source(%dma_start3A_135 : memref<8x64xi32, #tpu.memory_space<hbm>>) target(%arg10 : memref<8x64xi32, #tpu.memory_space<vmem>>) target_semaphore(%run_scoped3A_131 : memref<!tpu.dma_semaphore, #tpu.memory_space<semaphore_mem>>)
      %dma_wait3A_136 = arith.constant 0 : i32
      %dma_wait3A_137 = tpu.memref_slice %arg5[%multiple_of3A_26, %dma_wait3A_136] : memref<5120x64xi32, #tpu.memory_space<hbm>> -> memref<8x64xi32, #tpu.memory_space<hbm>>
      %dma_wait3A_138 = arith.constant 0 : i32
      %dma_wait3A_139 = tpu.memref_slice %arg5[%multiple_of3A_26, %dma_wait3A_138] : memref<5120x64xi32, #tpu.memory_space<hbm>> -> memref<8x64xi32, #tpu.memory_space<hbm>>
      tpu.wait_dma2 semaphore(%run_scoped3A_131 : memref<!tpu.dma_semaphore, #tpu.memory_space<semaphore_mem>>) src(%dma_wait3A_139 : memref<8x64xi32, #tpu.memory_space<hbm>>) dst(%arg10 : memref<8x64xi32, #tpu.memory_space<vmem>>)
      tpu.yield
    }) : () -> ()
    %rem3A = arith.constant 0 : i32
    %rem3A_27 = arith.constant 8 : i32
    %rem3A_28 = arith.remsi %rem3A, %rem3A_27 : i32
    %rem3A_29 = arith.constant 0 : i32
    %rem3A_30 = arith.constant 2 : i32
    %rem3A_31 = arith.remsi %rem3A_29, %rem3A_30 : i32
    %dma_start3A = arith.constant 0 : i32
    %dma_start3A_32 = arith.constant 0 : i32
    %dma_start3A_33 = arith.constant 0 : i32
    %dma_start3A_34 = tpu.memref_slice %arg11[%dma_start3A, %dma_start3A_32, %dma_start3A_33] : memref<2x64x64xf32, #tpu.memory_space<vmem>> -> memref<1x64x64xf32, #tpu.memory_space<vmem>>
    %dma_start3A_35 = tpu.memref_squeeze %dma_start3A_34 : memref<1x64x64xf32, #tpu.memory_space<vmem>> -> memref<64x64xf32, #tpu.memory_space<vmem>>
    %dma_start3A_36 = arith.constant 0 : i32
    %dma_start3A_37 = tpu.memref_slice %arg9[%rem3A_31, %rem3A_28, %dma_start3A_36] : memref<2x8x64xi32, #tpu.memory_space<vmem>> -> memref<1x1x64xi32, #tpu.memory_space<vmem>>
    %dma_start3A_38 = tpu.memref_squeeze %dma_start3A_37 : memref<1x1x64xi32, #tpu.memory_space<vmem>> -> memref<64xi32, #tpu.memory_space<vmem>>
    %dma_start3A_39 = arith.constant 0 : i32
    %dma_start3A_40 = arith.constant 0 : i32
    %dma_start3A_41 = tpu.memref_slice %arg2[%dma_start3A_39, %dma_start3A_40] : memref<20000x64xf32, #tpu.memory_space<hbm>> -> memref<20000x64xf32, #tpu.memory_space<hbm>>
    tpu.enqueue_indirect_dma source(%dma_start3A_41 : memref<20000x64xf32, #tpu.memory_space<hbm>>) target(%dma_start3A_35 : memref<64x64xf32, #tpu.memory_space<vmem>>) offsets(%dma_start3A_38 : memref<64xi32, #tpu.memory_space<vmem>>) semaphore(%arg15 : memref<!tpu.dma_semaphore, #tpu.memory_space<semaphore_mem>>)
    %add3A_42 = arith.constant 0 : i32
    %add3A_43 = arith.addi %add3A, %add3A_42 : i32
    %multiple_of3A_44 = tpu.assume_multiple %add3A_43, 8 : i32
    %dma_start3A_45 = arith.constant 0 : i32
    %dma_start3A_46 = arith.constant 0 : i32
    %dma_start3A_47 = arith.constant 0 : i32
    %dma_start3A_48 = tpu.memref_slice %arg12[%dma_start3A_45, %dma_start3A_46, %dma_start3A_47] : memref<2x64x64xf32, #tpu.memory_space<vmem>> -> memref<1x64x64xf32, #tpu.memory_space<vmem>>
    %dma_start3A_49 = tpu.memref_squeeze %dma_start3A_48 : memref<1x64x64xf32, #tpu.memory_space<vmem>> -> memref<64x64xf32, #tpu.memory_space<vmem>>
    %dma_start3A_50 = arith.constant 0 : i32
    %dma_start3A_51 = tpu.memref_slice %arg3[%multiple_of3A_44, %dma_start3A_50] : memref<655360x64xf32, #tpu.memory_space<hbm>> -> memref<64x64xf32, #tpu.memory_space<hbm>>
    %dma_start3A_52 = arith.constant 0 : i32
    %dma_start3A_53 = arith.constant 0 : i32
    %dma_start3A_54 = tpu.memref_slice %arg12[%dma_start3A_45, %dma_start3A_52, %dma_start3A_53] : memref<2x64x64xf32, #tpu.memory_space<vmem>> -> memref<1x64x64xf32, #tpu.memory_space<vmem>>
    %dma_start3A_55 = tpu.memref_squeeze %dma_start3A_54 : memref<1x64x64xf32, #tpu.memory_space<vmem>> -> memref<64x64xf32, #tpu.memory_space<vmem>>
    %dma_start3A_56 = arith.constant 0 : i32
    %dma_start3A_57 = tpu.memref_slice %arg3[%multiple_of3A_44, %dma_start3A_56] : memref<655360x64xf32, #tpu.memory_space<hbm>> -> memref<64x64xf32, #tpu.memory_space<hbm>>
    tpu.enqueue_dma source(%dma_start3A_57 : memref<64x64xf32, #tpu.memory_space<hbm>>) target(%dma_start3A_55 : memref<64x64xf32, #tpu.memory_space<vmem>>) target_semaphore(%arg16 : memref<!tpu.dma_semaphore, #tpu.memory_space<semaphore_mem>>)
    %rem3A_58 = arith.constant 1 : i32
    %rem3A_59 = arith.constant 8 : i32
    %rem3A_60 = arith.remsi %rem3A_58, %rem3A_59 : i32
    %rem3A_61 = arith.constant 0 : i32
    %rem3A_62 = arith.constant 2 : i32
    %rem3A_63 = arith.remsi %rem3A_61, %rem3A_62 : i32
    %dma_start3A_64 = arith.constant 1 : i32
    %dma_start3A_65 = arith.constant 0 : i32
    %dma_start3A_66 = arith.constant 0 : i32
    %dma_start3A_67 = tpu.memref_slice %arg11[%dma_start3A_64, %dma_start3A_65, %dma_start3A_66] : memref<2x64x64xf32, #tpu.memory_space<vmem>> -> memref<1x64x64xf32, #tpu.memory_space<vmem>>
    %dma_start3A_68 = tpu.memref_squeeze %dma_start3A_67 : memref<1x64x64xf32, #tpu.memory_space<vmem>> -> memref<64x64xf32, #tpu.memory_space<vmem>>
    %dma_start3A_69 = arith.constant 0 : i32
    %dma_start3A_70 = tpu.memref_slice %arg9[%rem3A_63, %rem3A_60, %dma_start3A_69] : memref<2x8x64xi32, #tpu.memory_space<vmem>> -> memref<1x1x64xi32, #tpu.memory_space<vmem>>
    %dma_start3A_71 = tpu.memref_squeeze %dma_start3A_70 : memref<1x1x64xi32, #tpu.memory_space<vmem>> -> memref<64xi32, #tpu.memory_space<vmem>>
    %dma_start3A_72 = arith.constant 0 : i32
    %dma_start3A_73 = arith.constant 0 : i32
    %dma_start3A_74 = tpu.memref_slice %arg2[%dma_start3A_72, %dma_start3A_73] : memref<20000x64xf32, #tpu.memory_space<hbm>> -> memref<20000x64xf32, #tpu.memory_space<hbm>>
    tpu.enqueue_indirect_dma source(%dma_start3A_74 : memref<20000x64xf32, #tpu.memory_space<hbm>>) target(%dma_start3A_68 : memref<64x64xf32, #tpu.memory_space<vmem>>) offsets(%dma_start3A_71 : memref<64xi32, #tpu.memory_space<vmem>>) semaphore(%arg15 : memref<!tpu.dma_semaphore, #tpu.memory_space<semaphore_mem>>)
    %add3A_75 = arith.constant 64 : i32
    %add3A_76 = arith.addi %add3A, %add3A_75 : i32
    %multiple_of3A_77 = tpu.assume_multiple %add3A_76, 8 : i32
    %dma_start3A_78 = arith.constant 1 : i32
    %dma_start3A_79 = arith.constant 0 : i32
    %dma_start3A_80 = arith.constant 0 : i32
    %dma_start3A_81 = tpu.memref_slice %arg12[%dma_start3A_78, %dma_start3A_79, %dma_start3A_80] : memref<2x64x64xf32, #tpu.memory_space<vmem>> -> memref<1x64x64xf32, #tpu.memory_space<vmem>>
    %dma_start3A_82 = tpu.memref_squeeze %dma_start3A_81 : memref<1x64x64xf32, #tpu.memory_space<vmem>> -> memref<64x64xf32, #tpu.memory_space<vmem>>
    %dma_start3A_83 = arith.constant 0 : i32
    %dma_start3A_84 = tpu.memref_slice %arg3[%multiple_of3A_77, %dma_start3A_83] : memref<655360x64xf32, #tpu.memory_space<hbm>> -> memref<64x64xf32, #tpu.memory_space<hbm>>
    %dma_start3A_85 = arith.constant 0 : i32
    %dma_start3A_86 = arith.constant 0 : i32
    %dma_start3A_87 = tpu.memref_slice %arg12[%dma_start3A_78, %dma_start3A_85, %dma_start3A_86] : memref<2x64x64xf32, #tpu.memory_space<vmem>> -> memref<1x64x64xf32, #tpu.memory_space<vmem>>
    %dma_start3A_88 = tpu.memref_squeeze %dma_start3A_87 : memref<1x64x64xf32, #tpu.memory_space<vmem>> -> memref<64x64xf32, #tpu.memory_space<vmem>>
    %dma_start3A_89 = arith.constant 0 : i32
    %dma_start3A_90 = tpu.memref_slice %arg3[%multiple_of3A_77, %dma_start3A_89] : memref<655360x64xf32, #tpu.memory_space<hbm>> -> memref<64x64xf32, #tpu.memory_space<hbm>>
    tpu.enqueue_dma source(%dma_start3A_90 : memref<64x64xf32, #tpu.memory_space<hbm>>) target(%dma_start3A_88 : memref<64x64xf32, #tpu.memory_space<vmem>>) target_semaphore(%arg16 : memref<!tpu.dma_semaphore, #tpu.memory_space<semaphore_mem>>)
    %scan3A_91 = arith.constant 0 : i32
    %scan3A_92 = arith.constant 0 : i32
    %scan3A_93 = arith.constant 40 : i32
    %scan3A_94 = arith.addi %scan3A_92, %scan3A_93 : i32
    %scan3A_95 = arith.constant 1 : i32
    %scan3A_96 = scf.for %scan3A_131 = %scan3A_92 to %scan3A_94 step %scan3A_95 iter_args(%scan3A_132 = %scan3A_91) -> (i32)  : i32 {
      %gt3A = arith.constant 0 : i32
      %gt3A_133 = arith.cmpi sgt, %scan3A_131, %gt3A : i32
      %convert_element_type3A = arith.extui %gt3A_133 : i1 to i32
      %cond3A = arith.constant 0 : i32
      %cond3A_134 = arith.cmpi ne, %convert_element_type3A, %cond3A : i32
      scf.if %cond3A_134 {
        %dma_wait3A_147 = arith.constant 0 : i32
        %dma_wait3A_148 = arith.constant 0 : i32
        %dma_wait3A_149 = arith.constant 0 : i32
        %dma_wait3A_150 = arith.constant 0 : i32
        %dma_wait3A_151 = tpu.memref_slice %arg13[%dma_wait3A_147, %dma_wait3A_149, %dma_wait3A_150] : memref<2x64x128xf32, #tpu.memory_space<vmem>> -> memref<1x64x128xf32, #tpu.memory_space<vmem>>
        %dma_wait3A_152 = tpu.memref_squeeze %dma_wait3A_151 : memref<1x64x128xf32, #tpu.memory_space<vmem>> -> memref<64x128xf32, #tpu.memory_space<vmem>>
        %dma_wait3A_153 = arith.constant 0 : i32
        %dma_wait3A_154 = tpu.memref_slice %arg10[%dma_wait3A_148, %dma_wait3A_153] : memref<8x64xi32, #tpu.memory_space<vmem>> -> memref<1x64xi32, #tpu.memory_space<vmem>>
        %dma_wait3A_155 = tpu.memref_squeeze %dma_wait3A_154 : memref<1x64xi32, #tpu.memory_space<vmem>> -> memref<64xi32, #tpu.memory_space<vmem>>
        %dma_wait3A_156 = arith.constant 0 : i32
        %dma_wait3A_157 = arith.constant 0 : i32
        %dma_wait3A_158 = tpu.memref_slice %arg8[%dma_wait3A_156, %dma_wait3A_157] : memref<10240x128xf32, #tpu.memory_space<vmem_shared>> -> memref<10240x128xf32, #tpu.memory_space<vmem_shared>>
        tpu.wait_indirect_dma semaphore(%arg17 : memref<!tpu.dma_semaphore, #tpu.memory_space<semaphore_mem>>) src(%dma_wait3A_152 : memref<64x128xf32, #tpu.memory_space<vmem>>) dst(%dma_wait3A_158 : memref<10240x128xf32, #tpu.memory_space<vmem_shared>>)
        %dma_wait3A_159 = arith.constant 0 : i32
        %dma_wait3A_160 = arith.constant 0 : i32
        %dma_wait3A_161 = arith.constant 0 : i32
        %dma_wait3A_162 = arith.constant 0 : i32
        %dma_wait3A_163 = tpu.memref_slice %arg13[%dma_wait3A_159, %dma_wait3A_161, %dma_wait3A_162] : memref<2x64x128xf32, #tpu.memory_space<vmem>> -> memref<1x64x128xf32, #tpu.memory_space<vmem>>
        %dma_wait3A_164 = tpu.memref_squeeze %dma_wait3A_163 : memref<1x64x128xf32, #tpu.memory_space<vmem>> -> memref<64x128xf32, #tpu.memory_space<vmem>>
        %dma_wait3A_165 = arith.constant 0 : i32
        %dma_wait3A_166 = tpu.memref_slice %arg10[%dma_wait3A_160, %dma_wait3A_165] : memref<8x64xi32, #tpu.memory_space<vmem>> -> memref<1x64xi32, #tpu.memory_space<vmem>>
        %dma_wait3A_167 = tpu.memref_squeeze %dma_wait3A_166 : memref<1x64xi32, #tpu.memory_space<vmem>> -> memref<64xi32, #tpu.memory_space<vmem>>
        %dma_wait3A_168 = arith.constant 0 : i32
        %dma_wait3A_169 = arith.constant 0 : i32
        %dma_wait3A_170 = tpu.memref_slice %arg8[%dma_wait3A_168, %dma_wait3A_169] : memref<10240x128xf32, #tpu.memory_space<vmem_shared>> -> memref<10240x128xf32, #tpu.memory_space<vmem_shared>>
        tpu.wait_indirect_dma semaphore(%arg17 : memref<!tpu.dma_semaphore, #tpu.memory_space<semaphore_mem>>) src(%dma_wait3A_164 : memref<64x128xf32, #tpu.memory_space<vmem>>) dst(%dma_wait3A_170 : memref<10240x128xf32, #tpu.memory_space<vmem_shared>>)
        %mul3A_171 = arith.constant 8 : i32
        %mul3A_172 = arith.muli %scan3A_131, %mul3A_171 : i32
        %add3A_173 = arith.addi %mul3A_19, %mul3A_172 : i32
        %multiple_of3A_174 = tpu.assume_multiple %add3A_173, 8 : i32
        "tpu.region"() ({
          %run_scoped3A_175 = tpu.sem_alloc : memref<!tpu.dma_semaphore, #tpu.memory_space<semaphore_mem>>
          %dma_start3A_176 = arith.constant 0 : i32
          %dma_start3A_177 = tpu.memref_slice %arg5[%multiple_of3A_174, %dma_start3A_176] : memref<5120x64xi32, #tpu.memory_space<hbm>> -> memref<8x64xi32, #tpu.memory_space<hbm>>
          %dma_start3A_178 = arith.constant 0 : i32
          %dma_start3A_179 = tpu.memref_slice %arg5[%multiple_of3A_174, %dma_start3A_178] : memref<5120x64xi32, #tpu.memory_space<hbm>> -> memref<8x64xi32, #tpu.memory_space<hbm>>
          tpu.enqueue_dma source(%dma_start3A_179 : memref<8x64xi32, #tpu.memory_space<hbm>>) target(%arg10 : memref<8x64xi32, #tpu.memory_space<vmem>>) target_semaphore(%run_scoped3A_175 : memref<!tpu.dma_semaphore, #tpu.memory_space<semaphore_mem>>)
          %dma_wait3A_180 = arith.constant 0 : i32
          %dma_wait3A_181 = tpu.memref_slice %arg5[%multiple_of3A_174, %dma_wait3A_180] : memref<5120x64xi32, #tpu.memory_space<hbm>> -> memref<8x64xi32, #tpu.memory_space<hbm>>
          %dma_wait3A_182 = arith.constant 0 : i32
          %dma_wait3A_183 = tpu.memref_slice %arg5[%multiple_of3A_174, %dma_wait3A_182] : memref<5120x64xi32, #tpu.memory_space<hbm>> -> memref<8x64xi32, #tpu.memory_space<hbm>>
          tpu.wait_dma2 semaphore(%run_scoped3A_175 : memref<!tpu.dma_semaphore, #tpu.memory_space<semaphore_mem>>) src(%dma_wait3A_183 : memref<8x64xi32, #tpu.memory_space<hbm>>) dst(%arg10 : memref<8x64xi32, #tpu.memory_space<vmem>>)
          tpu.yield
        }) : () -> ()
      } else {
      }
      %lt3A = arith.constant 39 : i32
      %lt3A_135 = arith.cmpi slt, %scan3A_131, %lt3A : i32
      %convert_element_type3A_136 = arith.extui %lt3A_135 : i1 to i32
      %cond3A_137 = arith.constant 0 : i32
      %cond3A_138 = arith.cmpi ne, %convert_element_type3A_136, %cond3A_137 : i32
      scf.if %cond3A_138 {
        %add3A_147 = arith.constant 1 : i32
        %add3A_148 = arith.addi %scan3A_131, %add3A_147 : i32
        %mul3A_149 = arith.constant 8 : i32
        %mul3A_150 = arith.muli %add3A_148, %mul3A_149 : i32
        %add3A_151 = arith.addi %mul3A_19, %mul3A_150 : i32
        %multiple_of3A_152 = tpu.assume_multiple %add3A_151, 8 : i32
        %add3A_153 = arith.constant 1 : i32
        %add3A_154 = arith.addi %scan3A_131, %add3A_153 : i32
        %rem3A_155 = arith.constant 2 : i32
        %rem3A_156 = arith.remsi %add3A_154, %rem3A_155 : i32
        "tpu.region"() ({
          %run_scoped3A_157 = tpu.sem_alloc : memref<!tpu.dma_semaphore, #tpu.memory_space<semaphore_mem>>
          %dma_start3A_158 = arith.constant 0 : i32
          %dma_start3A_159 = arith.constant 0 : i32
          %dma_start3A_160 = tpu.memref_slice %arg9[%rem3A_156, %dma_start3A_158, %dma_start3A_159] : memref<2x8x64xi32, #tpu.memory_space<vmem>> -> memref<1x8x64xi32, #tpu.memory_space<vmem>>
          %dma_start3A_161 = tpu.memref_squeeze %dma_start3A_160 : memref<1x8x64xi32, #tpu.memory_space<vmem>> -> memref<8x64xi32, #tpu.memory_space<vmem>>
          %dma_start3A_162 = arith.constant 0 : i32
          %dma_start3A_163 = tpu.memref_slice %arg4[%arg0, %multiple_of3A_152, %dma_start3A_162] : memref<2x5120x64xi32, #tpu.memory_space<hbm>> -> memref<1x8x64xi32, #tpu.memory_space<hbm>>
          %dma_start3A_164 = tpu.memref_squeeze %dma_start3A_163 : memref<1x8x64xi32, #tpu.memory_space<hbm>> -> memref<8x64xi32, #tpu.memory_space<hbm>>
          %dma_start3A_165 = arith.constant 0 : i32
          %dma_start3A_166 = arith.constant 0 : i32
          %dma_start3A_167 = tpu.memref_slice %arg9[%rem3A_156, %dma_start3A_165, %dma_start3A_166] : memref<2x8x64xi32, #tpu.memory_space<vmem>> -> memref<1x8x64xi32, #tpu.memory_space<vmem>>
          %dma_start3A_168 = tpu.memref_squeeze %dma_start3A_167 : memref<1x8x64xi32, #tpu.memory_space<vmem>> -> memref<8x64xi32, #tpu.memory_space<vmem>>
          %dma_start3A_169 = arith.constant 0 : i32
          %dma_start3A_170 = tpu.memref_slice %arg4[%arg0, %multiple_of3A_152, %dma_start3A_169] : memref<2x5120x64xi32, #tpu.memory_space<hbm>> -> memref<1x8x64xi32, #tpu.memory_space<hbm>>
          %dma_start3A_171 = tpu.memref_squeeze %dma_start3A_170 : memref<1x8x64xi32, #tpu.memory_space<hbm>> -> memref<8x64xi32, #tpu.memory_space<hbm>>
          tpu.enqueue_dma source(%dma_start3A_171 : memref<8x64xi32, #tpu.memory_space<hbm>>) target(%dma_start3A_168 : memref<8x64xi32, #tpu.memory_space<vmem>>) target_semaphore(%run_scoped3A_157 : memref<!tpu.dma_semaphore, #tpu.memory_space<semaphore_mem>>)
          %dma_wait3A_172 = arith.constant 0 : i32
          %dma_wait3A_173 = arith.constant 0 : i32
          %dma_wait3A_174 = tpu.memref_slice %arg9[%rem3A_156, %dma_wait3A_172, %dma_wait3A_173] : memref<2x8x64xi32, #tpu.memory_space<vmem>> -> memref<1x8x64xi32, #tpu.memory_space<vmem>>
          %dma_wait3A_175 = tpu.memref_squeeze %dma_wait3A_174 : memref<1x8x64xi32, #tpu.memory_space<vmem>> -> memref<8x64xi32, #tpu.memory_space<vmem>>
          %dma_wait3A_176 = arith.constant 0 : i32
          %dma_wait3A_177 = tpu.memref_slice %arg4[%arg0, %multiple_of3A_152, %dma_wait3A_176] : memref<2x5120x64xi32, #tpu.memory_space<hbm>> -> memref<1x8x64xi32, #tpu.memory_space<hbm>>
          %dma_wait3A_178 = tpu.memref_squeeze %dma_wait3A_177 : memref<1x8x64xi32, #tpu.memory_space<hbm>> -> memref<8x64xi32, #tpu.memory_space<hbm>>
          %dma_wait3A_179 = arith.constant 0 : i32
          %dma_wait3A_180 = arith.constant 0 : i32
          %dma_wait3A_181 = tpu.memref_slice %arg9[%rem3A_156, %dma_wait3A_179, %dma_wait3A_180] : memref<2x8x64xi32, #tpu.memory_space<vmem>> -> memref<1x8x64xi32, #tpu.memory_space<vmem>>
          %dma_wait3A_182 = tpu.memref_squeeze %dma_wait3A_181 : memref<1x8x64xi32, #tpu.memory_space<vmem>> -> memref<8x64xi32, #tpu.memory_space<vmem>>
          %dma_wait3A_183 = arith.constant 0 : i32
          %dma_wait3A_184 = tpu.memref_slice %arg4[%arg0, %multiple_of3A_152, %dma_wait3A_183] : memref<2x5120x64xi32, #tpu.memory_space<hbm>> -> memref<1x8x64xi32, #tpu.memory_space<hbm>>
          %dma_wait3A_185 = tpu.memref_squeeze %dma_wait3A_184 : memref<1x8x64xi32, #tpu.memory_space<hbm>> -> memref<8x64xi32, #tpu.memory_space<hbm>>
          tpu.wait_dma2 semaphore(%run_scoped3A_157 : memref<!tpu.dma_semaphore, #tpu.memory_space<semaphore_mem>>) src(%dma_wait3A_185 : memref<8x64xi32, #tpu.memory_space<hbm>>) dst(%dma_wait3A_182 : memref<8x64xi32, #tpu.memory_space<vmem>>)
          tpu.yield
        }) : () -> ()
      } else {
      }
      %scan3A_139 = arith.constant 0 : i32
      %scan3A_140 = arith.constant 0 : i32
      %scan3A_141 = arith.constant 4 : i32
      %scan3A_142 = arith.addi %scan3A_140, %scan3A_141 : i32
      %scan3A_143 = arith.constant 1 : i32
      %scan3A_144 = scf.for %scan3A_147 = %scan3A_140 to %scan3A_142 step %scan3A_143 iter_args(%scan3A_148 = %scan3A_139) -> (i32)  : i32 {
        %mul3A_149 = arith.constant 2 : i32
        %mul3A_150 = arith.muli %mul3A_149, %scan3A_147 : i32
        %add3A_151 = arith.constant 0 : i32
        %add3A_152 = arith.addi %mul3A_150, %add3A_151 : i32
        %mul3A_153 = arith.constant 8 : i32
        %mul3A_154 = arith.muli %scan3A_131, %mul3A_153 : i32
        %add3A_155 = arith.addi %mul3A_154, %add3A_152 : i32
        %dma_wait3A_156 = arith.constant 0 : i32
        %dma_wait3A_157 = arith.constant 0 : i32
        %dma_wait3A_158 = arith.constant 0 : i32
        %dma_wait3A_159 = arith.constant 0 : i32
        %dma_wait3A_160 = arith.constant 0 : i32
        %dma_wait3A_161 = tpu.memref_slice %arg11[%dma_wait3A_158, %dma_wait3A_159, %dma_wait3A_160] : memref<2x64x64xf32, #tpu.memory_space<vmem>> -> memref<1x64x64xf32, #tpu.memory_space<vmem>>
        %dma_wait3A_162 = tpu.memref_squeeze %dma_wait3A_161 : memref<1x64x64xf32, #tpu.memory_space<vmem>> -> memref<64x64xf32, #tpu.memory_space<vmem>>
        %dma_wait3A_163 = arith.constant 0 : i32
        %dma_wait3A_164 = tpu.memref_slice %arg9[%dma_wait3A_156, %dma_wait3A_157, %dma_wait3A_163] : memref<2x8x64xi32, #tpu.memory_space<vmem>> -> memref<1x1x64xi32, #tpu.memory_space<vmem>>
        %dma_wait3A_165 = tpu.memref_squeeze %dma_wait3A_164 : memref<1x1x64xi32, #tpu.memory_space<vmem>> -> memref<64xi32, #tpu.memory_space<vmem>>
        %dma_wait3A_166 = arith.constant 0 : i32
        %dma_wait3A_167 = arith.constant 0 : i32
        %dma_wait3A_168 = tpu.memref_slice %arg2[%dma_wait3A_166, %dma_wait3A_167] : memref<20000x64xf32, #tpu.memory_space<hbm>> -> memref<20000x64xf32, #tpu.memory_space<hbm>>
        tpu.wait_indirect_dma semaphore(%arg15 : memref<!tpu.dma_semaphore, #tpu.memory_space<semaphore_mem>>) src(%dma_wait3A_168 : memref<20000x64xf32, #tpu.memory_space<hbm>>) dst(%dma_wait3A_162 : memref<64x64xf32, #tpu.memory_space<vmem>>)
        %dma_wait3A_169 = arith.constant 0 : i32
        %dma_wait3A_170 = arith.constant 0 : i32
        %dma_wait3A_171 = arith.constant 0 : i32
        %dma_wait3A_172 = tpu.memref_slice %arg12[%dma_wait3A_169, %dma_wait3A_170, %dma_wait3A_171] : memref<2x64x64xf32, #tpu.memory_space<vmem>> -> memref<1x64x64xf32, #tpu.memory_space<vmem>>
        %dma_wait3A_173 = tpu.memref_squeeze %dma_wait3A_172 : memref<1x64x64xf32, #tpu.memory_space<vmem>> -> memref<64x64xf32, #tpu.memory_space<vmem>>
        %dma_wait3A_174 = arith.constant 0 : i32
        %dma_wait3A_175 = arith.constant 0 : i32
        %dma_wait3A_176 = tpu.memref_slice %arg3[%dma_wait3A_174, %dma_wait3A_175] : memref<655360x64xf32, #tpu.memory_space<hbm>> -> memref<64x64xf32, #tpu.memory_space<hbm>>
        %dma_wait3A_177 = arith.constant 0 : i32
        %dma_wait3A_178 = arith.constant 0 : i32
        %dma_wait3A_179 = tpu.memref_slice %arg12[%dma_wait3A_169, %dma_wait3A_177, %dma_wait3A_178] : memref<2x64x64xf32, #tpu.memory_space<vmem>> -> memref<1x64x64xf32, #tpu.memory_space<vmem>>
        %dma_wait3A_180 = tpu.memref_squeeze %dma_wait3A_179 : memref<1x64x64xf32, #tpu.memory_space<vmem>> -> memref<64x64xf32, #tpu.memory_space<vmem>>
        %dma_wait3A_181 = arith.constant 0 : i32
        %dma_wait3A_182 = arith.constant 0 : i32
        %dma_wait3A_183 = tpu.memref_slice %arg3[%dma_wait3A_181, %dma_wait3A_182] : memref<655360x64xf32, #tpu.memory_space<hbm>> -> memref<64x64xf32, #tpu.memory_space<hbm>>
        tpu.wait_dma2 semaphore(%arg16 : memref<!tpu.dma_semaphore, #tpu.memory_space<semaphore_mem>>) src(%dma_wait3A_183 : memref<64x64xf32, #tpu.memory_space<hbm>>) dst(%dma_wait3A_180 : memref<64x64xf32, #tpu.memory_space<vmem>>)
        %ge3A = arith.constant 1 : i32
        %ge3A_184 = arith.cmpi sge, %scan3A_147, %ge3A : i32
        %convert_element_type3A_185 = arith.extui %ge3A_184 : i1 to i32
        %cond3A_186 = arith.constant 0 : i32
        %cond3A_187 = arith.cmpi ne, %convert_element_type3A_185, %cond3A_186 : i32
        scf.if %cond3A_187 {
          %dma_wait3A_270 = arith.constant 0 : i32
          %dma_wait3A_271 = arith.constant 0 : i32
          %dma_wait3A_272 = arith.constant 0 : i32
          %dma_wait3A_273 = arith.constant 0 : i32
          %dma_wait3A_274 = tpu.memref_slice %arg13[%dma_wait3A_270, %dma_wait3A_272, %dma_wait3A_273] : memref<2x64x128xf32, #tpu.memory_space<vmem>> -> memref<1x64x128xf32, #tpu.memory_space<vmem>>
          %dma_wait3A_275 = tpu.memref_squeeze %dma_wait3A_274 : memref<1x64x128xf32, #tpu.memory_space<vmem>> -> memref<64x128xf32, #tpu.memory_space<vmem>>
          %dma_wait3A_276 = arith.constant 0 : i32
          %dma_wait3A_277 = tpu.memref_slice %arg10[%dma_wait3A_271, %dma_wait3A_276] : memref<8x64xi32, #tpu.memory_space<vmem>> -> memref<1x64xi32, #tpu.memory_space<vmem>>
          %dma_wait3A_278 = tpu.memref_squeeze %dma_wait3A_277 : memref<1x64xi32, #tpu.memory_space<vmem>> -> memref<64xi32, #tpu.memory_space<vmem>>
          %dma_wait3A_279 = arith.constant 0 : i32
          %dma_wait3A_280 = arith.constant 0 : i32
          %dma_wait3A_281 = tpu.memref_slice %arg8[%dma_wait3A_279, %dma_wait3A_280] : memref<10240x128xf32, #tpu.memory_space<vmem_shared>> -> memref<10240x128xf32, #tpu.memory_space<vmem_shared>>
          tpu.wait_indirect_dma semaphore(%arg17 : memref<!tpu.dma_semaphore, #tpu.memory_space<semaphore_mem>>) src(%dma_wait3A_275 : memref<64x128xf32, #tpu.memory_space<vmem>>) dst(%dma_wait3A_281 : memref<10240x128xf32, #tpu.memory_space<vmem_shared>>)
        } else {
        }
        %parallel_loop3A = arith.constant 0 : i32
        %parallel_loop3A_188 = arith.constant 64 : i32
        %parallel_loop3A_189 = arith.constant 1 : i32
        scf.for %parallel_loop3A_270 = %parallel_loop3A to %parallel_loop3A_188 step %parallel_loop3A_189  : i32 {
          %parallel_loop3A_271 = arith.constant 0 : i32
          %parallel_loop3A_272 = arith.index_cast %parallel_loop3A_271 : i32 to index
          %parallel_loop3A_273 = arith.index_cast %parallel_loop3A_270 : i32 to index
          %parallel_loop3A_274 = arith.constant 0 : index
          %parallel_loop3A_275 = tpu.vector_load %arg11[%parallel_loop3A_272, %parallel_loop3A_273, %parallel_loop3A_274] {strides = array<i32>} : memref<2x64x64xf32, #tpu.memory_space<vmem>>, vector<1x1x16xf32>,
          %parallel_loop3A_276 = vector.shape_cast %parallel_loop3A_275 : vector<1x1x16xf32> to vector<16xf32>
          %parallel_loop3A_277 = arith.constant 0 : i32
          %parallel_loop3A_278 = arith.index_cast %parallel_loop3A_277 : i32 to index
          %parallel_loop3A_279 = arith.index_cast %parallel_loop3A_270 : i32 to index
          %parallel_loop3A_280 = arith.constant 0 : index
          %parallel_loop3A_281 = tpu.vector_load %arg12[%parallel_loop3A_278, %parallel_loop3A_279, %parallel_loop3A_280] {strides = array<i32>} : memref<2x64x64xf32, #tpu.memory_space<vmem>>, vector<1x1x16xf32>,
          %parallel_loop3A_282 = vector.shape_cast %parallel_loop3A_281 : vector<1x1x16xf32> to vector<16xf32>
          %parallel_loop3A_283 = arith.addf %parallel_loop3A_276, %parallel_loop3A_282 : vector<16xf32>
          %parallel_loop3A_284 = arith.constant 0.000000e+00 : f32
          %parallel_loop3A_285 = vector.broadcast %parallel_loop3A_284 : f32 to vector<16xf32>
          %parallel_loop3A_286 = arith.maximumf %parallel_loop3A_283, %parallel_loop3A_285 : vector<16xf32>
          %parallel_loop3A_287 = arith.constant 1.000000e-07 : f32
          %parallel_loop3A_288 = vector.broadcast %parallel_loop3A_287 : f32 to vector<16xf32>
          %parallel_loop3A_289 = arith.addf %parallel_loop3A_286, %parallel_loop3A_288 : vector<16xf32>
          %parallel_loop3A_290 = arith.mulf %parallel_loop3A_289, %get3A_25 : vector<16xf32>
          %parallel_loop3A_291 = math.exp %parallel_loop3A_290 : vector<16xf32>
          %parallel_loop3A_292 = arith.mulf %parallel_loop3A_289, %parallel_loop3A_291 : vector<16xf32>
          %parallel_loop3A_293 = arith.constant 0 : i32
          %parallel_loop3A_294 = arith.index_cast %parallel_loop3A_293 : i32 to index
          %parallel_loop3A_295 = arith.index_cast %parallel_loop3A_270 : i32 to index
          %parallel_loop3A_296 = arith.constant 0 : index
          %parallel_loop3A_297 = tpu.vector_load %arg13[%parallel_loop3A_294, %parallel_loop3A_295, %parallel_loop3A_296] {strides = array<i32>} : memref<2x64x128xf32, #tpu.memory_space<vmem>>, vector<1x1x16xf32>,
          %parallel_loop3A_298 = vector.shape_cast %parallel_loop3A_297 : vector<1x1x16xf32> to vector<16xf32>
          %parallel_loop3A_299 = vector.shape_cast %parallel_loop3A_292 : vector<16xf32> to vector<1x1x16xf32>
          tpu.vector_store %arg13[%parallel_loop3A_294, %parallel_loop3A_295, %parallel_loop3A_296], %parallel_loop3A_299 {strides = array<i32>} : memref<2x64x128xf32, #tpu.memory_space<vmem>>, vector<1x1x16xf32>,
          %parallel_loop3A_300 = arith.constant 0 : i32
          %parallel_loop3A_301 = arith.index_cast %parallel_loop3A_300 : i32 to index
          %parallel_loop3A_302 = arith.index_cast %parallel_loop3A_270 : i32 to index
          %parallel_loop3A_303 = arith.constant 64 : index
          %parallel_loop3A_304 = tpu.vector_load %arg13[%parallel_loop3A_301, %parallel_loop3A_302, %parallel_loop3A_303] {strides = array<i32>} : memref<2x64x128xf32, #tpu.memory_space<vmem>>, vector<1x1x16xf32>,
          %parallel_loop3A_305 = vector.shape_cast %parallel_loop3A_304 : vector<1x1x16xf32> to vector<16xf32>
          %parallel_loop3A_306 = vector.shape_cast %parallel_loop3A_291 : vector<16xf32> to vector<1x1x16xf32>
          tpu.vector_store %arg13[%parallel_loop3A_301, %parallel_loop3A_302, %parallel_loop3A_303], %parallel_loop3A_306 {strides = array<i32>} : memref<2x64x128xf32, #tpu.memory_space<vmem>>, vector<1x1x16xf32>,
          %parallel_loop3A_307 = arith.constant 0 : i32
          %parallel_loop3A_308 = arith.index_cast %parallel_loop3A_307 : i32 to index
          %parallel_loop3A_309 = arith.index_cast %parallel_loop3A_270 : i32 to index
          %parallel_loop3A_310 = arith.constant 16 : index
          %parallel_loop3A_311 = tpu.vector_load %arg11[%parallel_loop3A_308, %parallel_loop3A_309, %parallel_loop3A_310] {strides = array<i32>} : memref<2x64x64xf32, #tpu.memory_space<vmem>>, vector<1x1x16xf32>,
          %parallel_loop3A_312 = vector.shape_cast %parallel_loop3A_311 : vector<1x1x16xf32> to vector<16xf32>
          %parallel_loop3A_313 = arith.constant 0 : i32
          %parallel_loop3A_314 = arith.index_cast %parallel_loop3A_313 : i32 to index
          %parallel_loop3A_315 = arith.index_cast %parallel_loop3A_270 : i32 to index
          %parallel_loop3A_316 = arith.constant 16 : index
          %parallel_loop3A_317 = tpu.vector_load %arg12[%parallel_loop3A_314, %parallel_loop3A_315, %parallel_loop3A_316] {strides = array<i32>} : memref<2x64x64xf32, #tpu.memory_space<vmem>>, vector<1x1x16xf32>,
          %parallel_loop3A_318 = vector.shape_cast %parallel_loop3A_317 : vector<1x1x16xf32> to vector<16xf32>
          %parallel_loop3A_319 = arith.addf %parallel_loop3A_312, %parallel_loop3A_318 : vector<16xf32>
          %parallel_loop3A_320 = arith.constant 0.000000e+00 : f32
          %parallel_loop3A_321 = vector.broadcast %parallel_loop3A_320 : f32 to vector<16xf32>
          %parallel_loop3A_322 = arith.maximumf %parallel_loop3A_319, %parallel_loop3A_321 : vector<16xf32>
          %parallel_loop3A_323 = arith.constant 1.000000e-07 : f32
          %parallel_loop3A_324 = vector.broadcast %parallel_loop3A_323 : f32 to vector<16xf32>
          %parallel_loop3A_325 = arith.addf %parallel_loop3A_322, %parallel_loop3A_324 : vector<16xf32>
          %parallel_loop3A_326 = arith.mulf %parallel_loop3A_325, %get3A_25 : vector<16xf32>
          %parallel_loop3A_327 = math.exp %parallel_loop3A_326 : vector<16xf32>
          %parallel_loop3A_328 = arith.mulf %parallel_loop3A_325, %parallel_loop3A_327 : vector<16xf32>
          %parallel_loop3A_329 = arith.constant 0 : i32
          %parallel_loop3A_330 = arith.index_cast %parallel_loop3A_329 : i32 to index
          %parallel_loop3A_331 = arith.index_cast %parallel_loop3A_270 : i32 to index
          %parallel_loop3A_332 = arith.constant 16 : index
          %parallel_loop3A_333 = tpu.vector_load %arg13[%parallel_loop3A_330, %parallel_loop3A_331, %parallel_loop3A_332] {strides = array<i32>} : memref<2x64x128xf32, #tpu.memory_space<vmem>>, vector<1x1x16xf32>,
          %parallel_loop3A_334 = vector.shape_cast %parallel_loop3A_333 : vector<1x1x16xf32> to vector<16xf32>
          %parallel_loop3A_335 = vector.shape_cast %parallel_loop3A_328 : vector<16xf32> to vector<1x1x16xf32>
          tpu.vector_store %arg13[%parallel_loop3A_330, %parallel_loop3A_331, %parallel_loop3A_332], %parallel_loop3A_335 {strides = array<i32>} : memref<2x64x128xf32, #tpu.memory_space<vmem>>, vector<1x1x16xf32>,
          %parallel_loop3A_336 = arith.constant 0 : i32
          %parallel_loop3A_337 = arith.index_cast %parallel_loop3A_336 : i32 to index
          %parallel_loop3A_338 = arith.index_cast %parallel_loop3A_270 : i32 to index
          %parallel_loop3A_339 = arith.constant 80 : index
          %parallel_loop3A_340 = tpu.vector_load %arg13[%parallel_loop3A_337, %parallel_loop3A_338, %parallel_loop3A_339] {strides = array<i32>} : memref<2x64x128xf32, #tpu.memory_space<vmem>>, vector<1x1x16xf32>,
          %parallel_loop3A_341 = vector.shape_cast %parallel_loop3A_340 : vector<1x1x16xf32> to vector<16xf32>
          %parallel_loop3A_342 = vector.shape_cast %parallel_loop3A_327 : vector<16xf32> to vector<1x1x16xf32>
          tpu.vector_store %arg13[%parallel_loop3A_337, %parallel_loop3A_338, %parallel_loop3A_339], %parallel_loop3A_342 {strides = array<i32>} : memref<2x64x128xf32, #tpu.memory_space<vmem>>, vector<1x1x16xf32>,
          %parallel_loop3A_343 = arith.constant 0 : i32
          %parallel_loop3A_344 = arith.index_cast %parallel_loop3A_343 : i32 to index
          %parallel_loop3A_345 = arith.index_cast %parallel_loop3A_270 : i32 to index
          %parallel_loop3A_346 = arith.constant 32 : index
          %parallel_loop3A_347 = tpu.vector_load %arg11[%parallel_loop3A_344, %parallel_loop3A_345, %parallel_loop3A_346] {strides = array<i32>} : memref<2x64x64xf32, #tpu.memory_space<vmem>>, vector<1x1x16xf32>,
          %parallel_loop3A_348 = vector.shape_cast %parallel_loop3A_347 : vector<1x1x16xf32> to vector<16xf32>
          %parallel_loop3A_349 = arith.constant 0 : i32
          %parallel_loop3A_350 = arith.index_cast %parallel_loop3A_349 : i32 to index
          %parallel_loop3A_351 = arith.index_cast %parallel_loop3A_270 : i32 to index
          %parallel_loop3A_352 = arith.constant 32 : index
          %parallel_loop3A_353 = tpu.vector_load %arg12[%parallel_loop3A_350, %parallel_loop3A_351, %parallel_loop3A_352] {strides = array<i32>} : memref<2x64x64xf32, #tpu.memory_space<vmem>>, vector<1x1x16xf32>,
          %parallel_loop3A_354 = vector.shape_cast %parallel_loop3A_353 : vector<1x1x16xf32> to vector<16xf32>
          %parallel_loop3A_355 = arith.addf %parallel_loop3A_348, %parallel_loop3A_354 : vector<16xf32>
          %parallel_loop3A_356 = arith.constant 0.000000e+00 : f32
          %parallel_loop3A_357 = vector.broadcast %parallel_loop3A_356 : f32 to vector<16xf32>
          %parallel_loop3A_358 = arith.maximumf %parallel_loop3A_355, %parallel_loop3A_357 : vector<16xf32>
          %parallel_loop3A_359 = arith.constant 1.000000e-07 : f32
          %parallel_loop3A_360 = vector.broadcast %parallel_loop3A_359 : f32 to vector<16xf32>
          %parallel_loop3A_361 = arith.addf %parallel_loop3A_358, %parallel_loop3A_360 : vector<16xf32>
          %parallel_loop3A_362 = arith.mulf %parallel_loop3A_361, %get3A_25 : vector<16xf32>
          %parallel_loop3A_363 = math.exp %parallel_loop3A_362 : vector<16xf32>
          %parallel_loop3A_364 = arith.mulf %parallel_loop3A_361, %parallel_loop3A_363 : vector<16xf32>
          %parallel_loop3A_365 = arith.constant 0 : i32
          %parallel_loop3A_366 = arith.index_cast %parallel_loop3A_365 : i32 to index
          %parallel_loop3A_367 = arith.index_cast %parallel_loop3A_270 : i32 to index
          %parallel_loop3A_368 = arith.constant 32 : index
          %parallel_loop3A_369 = tpu.vector_load %arg13[%parallel_loop3A_366, %parallel_loop3A_367, %parallel_loop3A_368] {strides = array<i32>} : memref<2x64x128xf32, #tpu.memory_space<vmem>>, vector<1x1x16xf32>,
          %parallel_loop3A_370 = vector.shape_cast %parallel_loop3A_369 : vector<1x1x16xf32> to vector<16xf32>
          %parallel_loop3A_371 = vector.shape_cast %parallel_loop3A_364 : vector<16xf32> to vector<1x1x16xf32>
          tpu.vector_store %arg13[%parallel_loop3A_366, %parallel_loop3A_367, %parallel_loop3A_368], %parallel_loop3A_371 {strides = array<i32>} : memref<2x64x128xf32, #tpu.memory_space<vmem>>, vector<1x1x16xf32>,
          %parallel_loop3A_372 = arith.constant 0 : i32
          %parallel_loop3A_373 = arith.index_cast %parallel_loop3A_372 : i32 to index
          %parallel_loop3A_374 = arith.index_cast %parallel_loop3A_270 : i32 to index
          %parallel_loop3A_375 = arith.constant 96 : index
          %parallel_loop3A_376 = tpu.vector_load %arg13[%parallel_loop3A_373, %parallel_loop3A_374, %parallel_loop3A_375] {strides = array<i32>} : memref<2x64x128xf32, #tpu.memory_space<vmem>>, vector<1x1x16xf32>,
          %parallel_loop3A_377 = vector.shape_cast %parallel_loop3A_376 : vector<1x1x16xf32> to vector<16xf32>
          %parallel_loop3A_378 = vector.shape_cast %parallel_loop3A_363 : vector<16xf32> to vector<1x1x16xf32>
          tpu.vector_store %arg13[%parallel_loop3A_373, %parallel_loop3A_374, %parallel_loop3A_375], %parallel_loop3A_378 {strides = array<i32>} : memref<2x64x128xf32, #tpu.memory_space<vmem>>, vector<1x1x16xf32>,
          %parallel_loop3A_379 = arith.constant 0 : i32
          %parallel_loop3A_380 = arith.index_cast %parallel_loop3A_379 : i32 to index
          %parallel_loop3A_381 = arith.index_cast %parallel_loop3A_270 : i32 to index
          %parallel_loop3A_382 = arith.constant 48 : index
          %parallel_loop3A_383 = tpu.vector_load %arg11[%parallel_loop3A_380, %parallel_loop3A_381, %parallel_loop3A_382] {strides = array<i32>} : memref<2x64x64xf32, #tpu.memory_space<vmem>>, vector<1x1x16xf32>,
          %parallel_loop3A_384 = vector.shape_cast %parallel_loop3A_383 : vector<1x1x16xf32> to vector<16xf32>
          %parallel_loop3A_385 = arith.constant 0 : i32
          %parallel_loop3A_386 = arith.index_cast %parallel_loop3A_385 : i32 to index
          %parallel_loop3A_387 = arith.index_cast %parallel_loop3A_270 : i32 to index
          %parallel_loop3A_388 = arith.constant 48 : index
          %parallel_loop3A_389 = tpu.vector_load %arg12[%parallel_loop3A_386, %parallel_loop3A_387, %parallel_loop3A_388] {strides = array<i32>} : memref<2x64x64xf32, #tpu.memory_space<vmem>>, vector<1x1x16xf32>,
          %parallel_loop3A_390 = vector.shape_cast %parallel_loop3A_389 : vector<1x1x16xf32> to vector<16xf32>
          %parallel_loop3A_391 = arith.addf %parallel_loop3A_384, %parallel_loop3A_390 : vector<16xf32>
          %parallel_loop3A_392 = arith.constant 0.000000e+00 : f32
          %parallel_loop3A_393 = vector.broadcast %parallel_loop3A_392 : f32 to vector<16xf32>
          %parallel_loop3A_394 = arith.maximumf %parallel_loop3A_391, %parallel_loop3A_393 : vector<16xf32>
          %parallel_loop3A_395 = arith.constant 1.000000e-07 : f32
          %parallel_loop3A_396 = vector.broadcast %parallel_loop3A_395 : f32 to vector<16xf32>
          %parallel_loop3A_397 = arith.addf %parallel_loop3A_394, %parallel_loop3A_396 : vector<16xf32>
          %parallel_loop3A_398 = arith.mulf %parallel_loop3A_397, %get3A_25 : vector<16xf32>
          %parallel_loop3A_399 = math.exp %parallel_loop3A_398 : vector<16xf32>
          %parallel_loop3A_400 = arith.mulf %parallel_loop3A_397, %parallel_loop3A_399 : vector<16xf32>
          %parallel_loop3A_401 = arith.constant 0 : i32
          %parallel_loop3A_402 = arith.index_cast %parallel_loop3A_401 : i32 to index
          %parallel_loop3A_403 = arith.index_cast %parallel_loop3A_270 : i32 to index
          %parallel_loop3A_404 = arith.constant 48 : index
          %parallel_loop3A_405 = tpu.vector_load %arg13[%parallel_loop3A_402, %parallel_loop3A_403, %parallel_loop3A_404] {strides = array<i32>} : memref<2x64x128xf32, #tpu.memory_space<vmem>>, vector<1x1x16xf32>,
          %parallel_loop3A_406 = vector.shape_cast %parallel_loop3A_405 : vector<1x1x16xf32> to vector<16xf32>
          %parallel_loop3A_407 = vector.shape_cast %parallel_loop3A_400 : vector<16xf32> to vector<1x1x16xf32>
          tpu.vector_store %arg13[%parallel_loop3A_402, %parallel_loop3A_403, %parallel_loop3A_404], %parallel_loop3A_407 {strides = array<i32>} : memref<2x64x128xf32, #tpu.memory_space<vmem>>, vector<1x1x16xf32>,
          %parallel_loop3A_408 = arith.constant 0 : i32
          %parallel_loop3A_409 = arith.index_cast %parallel_loop3A_408 : i32 to index
          %parallel_loop3A_410 = arith.index_cast %parallel_loop3A_270 : i32 to index
          %parallel_loop3A_411 = arith.constant 112 : index
          %parallel_loop3A_412 = tpu.vector_load %arg13[%parallel_loop3A_409, %parallel_loop3A_410, %parallel_loop3A_411] {strides = array<i32>} : memref<2x64x128xf32, #tpu.memory_space<vmem>>, vector<1x1x16xf32>,
          %parallel_loop3A_413 = vector.shape_cast %parallel_loop3A_412 : vector<1x1x16xf32> to vector<16xf32>
          %parallel_loop3A_414 = vector.shape_cast %parallel_loop3A_399 : vector<16xf32> to vector<1x1x16xf32>
          tpu.vector_store %arg13[%parallel_loop3A_409, %parallel_loop3A_410, %parallel_loop3A_411], %parallel_loop3A_414 {strides = array<i32>} : memref<2x64x128xf32, #tpu.memory_space<vmem>>, vector<1x1x16xf32>,
        } {sc.loop_unroll_factor = 2 : i64, sc.parallel_access}
        %dma_start3A_190 = arith.constant 0 : i32
        %dma_start3A_191 = arith.constant 0 : i32
        %dma_start3A_192 = arith.constant 0 : i32
        %dma_start3A_193 = tpu.memref_slice %arg13[%dma_start3A_190, %dma_start3A_191, %dma_start3A_192] : memref<2x64x128xf32, #tpu.memory_space<vmem>> -> memref<1x64x128xf32, #tpu.memory_space<vmem>>
        %dma_start3A_194 = tpu.memref_squeeze %dma_start3A_193 : memref<1x64x128xf32, #tpu.memory_space<vmem>> -> memref<64x128xf32, #tpu.memory_space<vmem>>
        %dma_start3A_195 = arith.constant 0 : i32
        %dma_start3A_196 = tpu.memref_slice %arg10[%add3A_152, %dma_start3A_195] : memref<8x64xi32, #tpu.memory_space<vmem>> -> memref<1x64xi32, #tpu.memory_space<vmem>>
        %dma_start3A_197 = tpu.memref_squeeze %dma_start3A_196 : memref<1x64xi32, #tpu.memory_space<vmem>> -> memref<64xi32, #tpu.memory_space<vmem>>
        %dma_start3A_198 = arith.constant 0 : i32
        %dma_start3A_199 = arith.constant 0 : i32
        %dma_start3A_200 = tpu.memref_slice %arg8[%dma_start3A_198, %dma_start3A_199] : memref<10240x128xf32, #tpu.memory_space<vmem_shared>> -> memref<10240x128xf32, #tpu.memory_space<vmem_shared>>
        tpu.enqueue_indirect_dma source(%dma_start3A_194 : memref<64x128xf32, #tpu.memory_space<vmem>>) target(%dma_start3A_200 : memref<10240x128xf32, #tpu.memory_space<vmem_shared>>) offsets(%dma_start3A_197 : memref<64xi32, #tpu.memory_space<vmem>>) semaphore(%arg17 : memref<!tpu.dma_semaphore, #tpu.memory_space<semaphore_mem>>) {add = true}
        %add3A_201 = arith.constant 2 : i32
        %add3A_202 = arith.addi %add3A_155, %add3A_201 : i32
        %lt3A_203 = arith.constant 320 : i32
        %lt3A_204 = arith.cmpi slt, %add3A_202, %lt3A_203 : i32
        %convert_element_type3A_205 = arith.extui %lt3A_204 : i1 to i32
        %cond3A_206 = arith.constant 0 : i32
        %cond3A_207 = arith.cmpi ne, %convert_element_type3A_205, %cond3A_206 : i32
        scf.if %cond3A_207 {
          %add3A_270 = arith.constant 2 : i32
          %add3A_271 = arith.addi %add3A_155, %add3A_270 : i32
          %rem3A_272 = arith.constant 8 : i32
          %rem3A_273 = arith.remsi %add3A_271, %rem3A_272 : i32
          %jit3A = arith.constant 8 : i32
          %div3A = arith.divsi %add3A_271, %jit3A : i32
          %sign3A = arith.constant 0 : i32
          %sign3A_274 = arith.cmpi sgt, %add3A_271, %sign3A : i32
          %sign3A_275 = arith.extui %sign3A_274 : i1 to i32
          %sign3A_276 = arith.constant 0 : i32
          %sign3A_277 = arith.cmpi slt, %add3A_271, %sign3A_276 : i32
          %sign3A_278 = arith.extui %sign3A_277 : i1 to i32
          %sign3A_279 = arith.subi %sign3A_275, %sign3A_278 : i32
          %sign3A_280 = arith.constant 0 : i32
          %sign3A_281 = arith.cmpi sgt, %jit3A, %sign3A_280 : i32
          %sign3A_282 = arith.extui %sign3A_281 : i1 to i32
          %sign3A_283 = arith.constant 0 : i32
          %sign3A_284 = arith.cmpi slt, %jit3A, %sign3A_283 : i32
          %sign3A_285 = arith.extui %sign3A_284 : i1 to i32
          %sign3A_286 = arith.subi %sign3A_282, %sign3A_285 : i32
          %ne3A = arith.cmpi ne, %sign3A_279, %sign3A_286 : i32
          %rem3A_287 = arith.remsi %add3A_271, %jit3A : i32
          %ne3A_288 = arith.constant 0 : i32
          %ne3A_289 = arith.cmpi ne, %rem3A_287, %ne3A_288 : i32
          %and3A = arith.andi %ne3A, %ne3A_289 : i1
          %sub3A = arith.constant 1 : i32
          %sub3A_290 = arith.subi %div3A, %sub3A : i32
          %select_n3A = arith.select %and3A, %sub3A_290, %div3A : i32
          %rem3A_291 = arith.constant 2 : i32
          %rem3A_292 = arith.remsi %select_n3A, %rem3A_291 : i32
          %dma_start3A_293 = arith.constant 0 : i32
          %dma_start3A_294 = arith.constant 0 : i32
          %dma_start3A_295 = arith.constant 0 : i32
          %dma_start3A_296 = tpu.memref_slice %arg11[%dma_start3A_293, %dma_start3A_294, %dma_start3A_295] : memref<2x64x64xf32, #tpu.memory_space<vmem>> -> memref<1x64x64xf32, #tpu.memory_space<vmem>>
          %dma_start3A_297 = tpu.memref_squeeze %dma_start3A_296 : memref<1x64x64xf32, #tpu.memory_space<vmem>> -> memref<64x64xf32, #tpu.memory_space<vmem>>
          %dma_start3A_298 = arith.constant 0 : i32
          %dma_start3A_299 = tpu.memref_slice %arg9[%rem3A_292, %rem3A_273, %dma_start3A_298] : memref<2x8x64xi32, #tpu.memory_space<vmem>> -> memref<1x1x64xi32, #tpu.memory_space<vmem>>
          %dma_start3A_300 = tpu.memref_squeeze %dma_start3A_299 : memref<1x1x64xi32, #tpu.memory_space<vmem>> -> memref<64xi32, #tpu.memory_space<vmem>>
          %dma_start3A_301 = arith.constant 0 : i32
          %dma_start3A_302 = arith.constant 0 : i32
          %dma_start3A_303 = tpu.memref_slice %arg2[%dma_start3A_301, %dma_start3A_302] : memref<20000x64xf32, #tpu.memory_space<hbm>> -> memref<20000x64xf32, #tpu.memory_space<hbm>>
          tpu.enqueue_indirect_dma source(%dma_start3A_303 : memref<20000x64xf32, #tpu.memory_space<hbm>>) target(%dma_start3A_297 : memref<64x64xf32, #tpu.memory_space<vmem>>) offsets(%dma_start3A_300 : memref<64xi32, #tpu.memory_space<vmem>>) semaphore(%arg15 : memref<!tpu.dma_semaphore, #tpu.memory_space<semaphore_mem>>)
          %mul3A_304 = arith.constant 64 : i32
          %mul3A_305 = arith.muli %add3A_271, %mul3A_304 : i32
          %add3A_306 = arith.addi %add3A, %mul3A_305 : i32
          %multiple_of3A_307 = tpu.assume_multiple %add3A_306, 8 : i32
          %dma_start3A_308 = arith.constant 0 : i32
          %dma_start3A_309 = arith.constant 0 : i32
          %dma_start3A_310 = arith.constant 0 : i32
          %dma_start3A_311 = tpu.memref_slice %arg12[%dma_start3A_308, %dma_start3A_309, %dma_start3A_310] : memref<2x64x64xf32, #tpu.memory_space<vmem>> -> memref<1x64x64xf32, #tpu.memory_space<vmem>>
          %dma_start3A_312 = tpu.memref_squeeze %dma_start3A_311 : memref<1x64x64xf32, #tpu.memory_space<vmem>> -> memref<64x64xf32, #tpu.memory_space<vmem>>
          %dma_start3A_313 = arith.constant 0 : i32
          %dma_start3A_314 = tpu.memref_slice %arg3[%multiple_of3A_307, %dma_start3A_313] : memref<655360x64xf32, #tpu.memory_space<hbm>> -> memref<64x64xf32, #tpu.memory_space<hbm>>
          %dma_start3A_315 = arith.constant 0 : i32
          %dma_start3A_316 = arith.constant 0 : i32
          %dma_start3A_317 = tpu.memref_slice %arg12[%dma_start3A_308, %dma_start3A_315, %dma_start3A_316] : memref<2x64x64xf32, #tpu.memory_space<vmem>> -> memref<1x64x64xf32, #tpu.memory_space<vmem>>
          %dma_start3A_318 = tpu.memref_squeeze %dma_start3A_317 : memref<1x64x64xf32, #tpu.memory_space<vmem>> -> memref<64x64xf32, #tpu.memory_space<vmem>>
          %dma_start3A_319 = arith.constant 0 : i32
          %dma_start3A_320 = tpu.memref_slice %arg3[%multiple_of3A_307, %dma_start3A_319] : memref<655360x64xf32, #tpu.memory_space<hbm>> -> memref<64x64xf32, #tpu.memory_space<hbm>>
          tpu.enqueue_dma source(%dma_start3A_320 : memref<64x64xf32, #tpu.memory_space<hbm>>) target(%dma_start3A_318 : memref<64x64xf32, #tpu.memory_space<vmem>>) target_semaphore(%arg16 : memref<!tpu.dma_semaphore, #tpu.memory_space<semaphore_mem>>)
        } else {
        }
        %mul3A_208 = arith.constant 2 : i32
        %mul3A_209 = arith.muli %mul3A_208, %scan3A_147 : i32
        %add3A_210 = arith.constant 1 : i32
        %add3A_211 = arith.addi %mul3A_209, %add3A_210 : i32
        %mul3A_212 = arith.constant 8 : i32
        %mul3A_213 = arith.muli %scan3A_131, %mul3A_212 : i32
        %add3A_214 = arith.addi %mul3A_213, %add3A_211 : i32
        %dma_wait3A_215 = arith.constant 0 : i32
        %dma_wait3A_216 = arith.constant 0 : i32
        %dma_wait3A_217 = arith.constant 1 : i32
        %dma_wait3A_218 = arith.constant 0 : i32
        %dma_wait3A_219 = arith.constant 0 : i32
        %dma_wait3A_220 = tpu.memref_slice %arg11[%dma_wait3A_217, %dma_wait3A_218, %dma_wait3A_219] : memref<2x64x64xf32, #tpu.memory_space<vmem>> -> memref<1x64x64xf32, #tpu.memory_space<vmem>>
        %dma_wait3A_221 = tpu.memref_squeeze %dma_wait3A_220 : memref<1x64x64xf32, #tpu.memory_space<vmem>> -> memref<64x64xf32, #tpu.memory_space<vmem>>
        %dma_wait3A_222 = arith.constant 0 : i32
        %dma_wait3A_223 = tpu.memref_slice %arg9[%dma_wait3A_215, %dma_wait3A_216, %dma_wait3A_222] : memref<2x8x64xi32, #tpu.memory_space<vmem>> -> memref<1x1x64xi32, #tpu.memory_space<vmem>>
        %dma_wait3A_224 = tpu.memref_squeeze %dma_wait3A_223 : memref<1x1x64xi32, #tpu.memory_space<vmem>> -> memref<64xi32, #tpu.memory_space<vmem>>
        %dma_wait3A_225 = arith.constant 0 : i32
        %dma_wait3A_226 = arith.constant 0 : i32
        %dma_wait3A_227 = tpu.memref_slice %arg2[%dma_wait3A_225, %dma_wait3A_226] : memref<20000x64xf32, #tpu.memory_space<hbm>> -> memref<20000x64xf32, #tpu.memory_space<hbm>>
        tpu.wait_indirect_dma semaphore(%arg15 : memref<!tpu.dma_semaphore, #tpu.memory_space<semaphore_mem>>) src(%dma_wait3A_227 : memref<20000x64xf32, #tpu.memory_space<hbm>>) dst(%dma_wait3A_221 : memref<64x64xf32, #tpu.memory_space<vmem>>)
        %dma_wait3A_228 = arith.constant 1 : i32
        %dma_wait3A_229 = arith.constant 0 : i32
        %dma_wait3A_230 = arith.constant 0 : i32
        %dma_wait3A_231 = tpu.memref_slice %arg12[%dma_wait3A_228, %dma_wait3A_229, %dma_wait3A_230] : memref<2x64x64xf32, #tpu.memory_space<vmem>> -> memref<1x64x64xf32, #tpu.memory_space<vmem>>
        %dma_wait3A_232 = tpu.memref_squeeze %dma_wait3A_231 : memref<1x64x64xf32, #tpu.memory_space<vmem>> -> memref<64x64xf32, #tpu.memory_space<vmem>>
        %dma_wait3A_233 = arith.constant 0 : i32
        %dma_wait3A_234 = arith.constant 0 : i32
        %dma_wait3A_235 = tpu.memref_slice %arg3[%dma_wait3A_233, %dma_wait3A_234] : memref<655360x64xf32, #tpu.memory_space<hbm>> -> memref<64x64xf32, #tpu.memory_space<hbm>>
        %dma_wait3A_236 = arith.constant 0 : i32
        %dma_wait3A_237 = arith.constant 0 : i32
        %dma_wait3A_238 = tpu.memref_slice %arg12[%dma_wait3A_228, %dma_wait3A_236, %dma_wait3A_237] : memref<2x64x64xf32, #tpu.memory_space<vmem>> -> memref<1x64x64xf32, #tpu.memory_space<vmem>>
        %dma_wait3A_239 = tpu.memref_squeeze %dma_wait3A_238 : memref<1x64x64xf32, #tpu.memory_space<vmem>> -> memref<64x64xf32, #tpu.memory_space<vmem>>
        %dma_wait3A_240 = arith.constant 0 : i32
        %dma_wait3A_241 = arith.constant 0 : i32
        %dma_wait3A_242 = tpu.memref_slice %arg3[%dma_wait3A_240, %dma_wait3A_241] : memref<655360x64xf32, #tpu.memory_space<hbm>> -> memref<64x64xf32, #tpu.memory_space<hbm>>
        tpu.wait_dma2 semaphore(%arg16 : memref<!tpu.dma_semaphore, #tpu.memory_space<semaphore_mem>>) src(%dma_wait3A_242 : memref<64x64xf32, #tpu.memory_space<hbm>>) dst(%dma_wait3A_239 : memref<64x64xf32, #tpu.memory_space<vmem>>)
        %ge3A_243 = arith.constant 1 : i32
        %ge3A_244 = arith.cmpi sge, %scan3A_147, %ge3A_243 : i32
        %convert_element_type3A_245 = arith.extui %ge3A_244 : i1 to i32
        %cond3A_246 = arith.constant 0 : i32
        %cond3A_247 = arith.cmpi ne, %convert_element_type3A_245, %cond3A_246 : i32
        scf.if %cond3A_247 {
          %dma_wait3A_270 = arith.constant 0 : i32
          %dma_wait3A_271 = arith.constant 0 : i32
          %dma_wait3A_272 = arith.constant 0 : i32
          %dma_wait3A_273 = arith.constant 0 : i32
          %dma_wait3A_274 = tpu.memref_slice %arg13[%dma_wait3A_270, %dma_wait3A_272, %dma_wait3A_273] : memref<2x64x128xf32, #tpu.memory_space<vmem>> -> memref<1x64x128xf32, #tpu.memory_space<vmem>>
          %dma_wait3A_275 = tpu.memref_squeeze %dma_wait3A_274 : memref<1x64x128xf32, #tpu.memory_space<vmem>> -> memref<64x128xf32, #tpu.memory_space<vmem>>
          %dma_wait3A_276 = arith.constant 0 : i32
          %dma_wait3A_277 = tpu.memref_slice %arg10[%dma_wait3A_271, %dma_wait3A_276] : memref<8x64xi32, #tpu.memory_space<vmem>> -> memref<1x64xi32, #tpu.memory_space<vmem>>
          %dma_wait3A_278 = tpu.memref_squeeze %dma_wait3A_277 : memref<1x64xi32, #tpu.memory_space<vmem>> -> memref<64xi32, #tpu.memory_space<vmem>>
          %dma_wait3A_279 = arith.constant 0 : i32
          %dma_wait3A_280 = arith.constant 0 : i32
          %dma_wait3A_281 = tpu.memref_slice %arg8[%dma_wait3A_279, %dma_wait3A_280] : memref<10240x128xf32, #tpu.memory_space<vmem_shared>> -> memref<10240x128xf32, #tpu.memory_space<vmem_shared>>
          tpu.wait_indirect_dma semaphore(%arg17 : memref<!tpu.dma_semaphore, #tpu.memory_space<semaphore_mem>>) src(%dma_wait3A_275 : memref<64x128xf32, #tpu.memory_space<vmem>>) dst(%dma_wait3A_281 : memref<10240x128xf32, #tpu.memory_space<vmem_shared>>)
        } else {
        }
        %parallel_loop3A_248 = arith.constant 0 : i32
        %parallel_loop3A_249 = arith.constant 64 : i32
        %parallel_loop3A_250 = arith.constant 1 : i32
        scf.for %parallel_loop3A_270 = %parallel_loop3A_248 to %parallel_loop3A_249 step %parallel_loop3A_250  : i32 {
          %parallel_loop3A_271 = arith.constant 1 : i32
          %parallel_loop3A_272 = arith.index_cast %parallel_loop3A_271 : i32 to index
          %parallel_loop3A_273 = arith.index_cast %parallel_loop3A_270 : i32 to index
          %parallel_loop3A_274 = arith.constant 0 : index
          %parallel_loop3A_275 = tpu.vector_load %arg11[%parallel_loop3A_272, %parallel_loop3A_273, %parallel_loop3A_274] {strides = array<i32>} : memref<2x64x64xf32, #tpu.memory_space<vmem>>, vector<1x1x16xf32>,
          %parallel_loop3A_276 = vector.shape_cast %parallel_loop3A_275 : vector<1x1x16xf32> to vector<16xf32>
          %parallel_loop3A_277 = arith.constant 1 : i32
          %parallel_loop3A_278 = arith.index_cast %parallel_loop3A_277 : i32 to index
          %parallel_loop3A_279 = arith.index_cast %parallel_loop3A_270 : i32 to index
          %parallel_loop3A_280 = arith.constant 0 : index
          %parallel_loop3A_281 = tpu.vector_load %arg12[%parallel_loop3A_278, %parallel_loop3A_279, %parallel_loop3A_280] {strides = array<i32>} : memref<2x64x64xf32, #tpu.memory_space<vmem>>, vector<1x1x16xf32>,
          %parallel_loop3A_282 = vector.shape_cast %parallel_loop3A_281 : vector<1x1x16xf32> to vector<16xf32>
          %parallel_loop3A_283 = arith.addf %parallel_loop3A_276, %parallel_loop3A_282 : vector<16xf32>
          %parallel_loop3A_284 = arith.constant 0.000000e+00 : f32
          %parallel_loop3A_285 = vector.broadcast %parallel_loop3A_284 : f32 to vector<16xf32>
          %parallel_loop3A_286 = arith.maximumf %parallel_loop3A_283, %parallel_loop3A_285 : vector<16xf32>
          %parallel_loop3A_287 = arith.constant 1.000000e-07 : f32
          %parallel_loop3A_288 = vector.broadcast %parallel_loop3A_287 : f32 to vector<16xf32>
          %parallel_loop3A_289 = arith.addf %parallel_loop3A_286, %parallel_loop3A_288 : vector<16xf32>
          %parallel_loop3A_290 = arith.mulf %parallel_loop3A_289, %get3A_25 : vector<16xf32>
          %parallel_loop3A_291 = math.exp %parallel_loop3A_290 : vector<16xf32>
          %parallel_loop3A_292 = arith.mulf %parallel_loop3A_289, %parallel_loop3A_291 : vector<16xf32>
          %parallel_loop3A_293 = arith.constant 1 : i32
          %parallel_loop3A_294 = arith.index_cast %parallel_loop3A_293 : i32 to index
          %parallel_loop3A_295 = arith.index_cast %parallel_loop3A_270 : i32 to index
          %parallel_loop3A_296 = arith.constant 0 : index
          %parallel_loop3A_297 = tpu.vector_load %arg13[%parallel_loop3A_294, %parallel_loop3A_295, %parallel_loop3A_296] {strides = array<i32>} : memref<2x64x128xf32, #tpu.memory_space<vmem>>, vector<1x1x16xf32>,
          %parallel_loop3A_298 = vector.shape_cast %parallel_loop3A_297 : vector<1x1x16xf32> to vector<16xf32>
          %parallel_loop3A_299 = vector.shape_cast %parallel_loop3A_292 : vector<16xf32> to vector<1x1x16xf32>
          tpu.vector_store %arg13[%parallel_loop3A_294, %parallel_loop3A_295, %parallel_loop3A_296], %parallel_loop3A_299 {strides = array<i32>} : memref<2x64x128xf32, #tpu.memory_space<vmem>>, vector<1x1x16xf32>,
          %parallel_loop3A_300 = arith.constant 1 : i32
          %parallel_loop3A_301 = arith.index_cast %parallel_loop3A_300 : i32 to index
          %parallel_loop3A_302 = arith.index_cast %parallel_loop3A_270 : i32 to index
          %parallel_loop3A_303 = arith.constant 64 : index
          %parallel_loop3A_304 = tpu.vector_load %arg13[%parallel_loop3A_301, %parallel_loop3A_302, %parallel_loop3A_303] {strides = array<i32>} : memref<2x64x128xf32, #tpu.memory_space<vmem>>, vector<1x1x16xf32>,
          %parallel_loop3A_305 = vector.shape_cast %parallel_loop3A_304 : vector<1x1x16xf32> to vector<16xf32>
          %parallel_loop3A_306 = vector.shape_cast %parallel_loop3A_291 : vector<16xf32> to vector<1x1x16xf32>
          tpu.vector_store %arg13[%parallel_loop3A_301, %parallel_loop3A_302, %parallel_loop3A_303], %parallel_loop3A_306 {strides = array<i32>} : memref<2x64x128xf32, #tpu.memory_space<vmem>>, vector<1x1x16xf32>,
          %parallel_loop3A_307 = arith.constant 1 : i32
          %parallel_loop3A_308 = arith.index_cast %parallel_loop3A_307 : i32 to index
          %parallel_loop3A_309 = arith.index_cast %parallel_loop3A_270 : i32 to index
          %parallel_loop3A_310 = arith.constant 16 : index
          %parallel_loop3A_311 = tpu.vector_load %arg11[%parallel_loop3A_308, %parallel_loop3A_309, %parallel_loop3A_310] {strides = array<i32>} : memref<2x64x64xf32, #tpu.memory_space<vmem>>, vector<1x1x16xf32>,
          %parallel_loop3A_312 = vector.shape_cast %parallel_loop3A_311 : vector<1x1x16xf32> to vector<16xf32>
          %parallel_loop3A_313 = arith.constant 1 : i32
          %parallel_loop3A_314 = arith.index_cast %parallel_loop3A_313 : i32 to index
          %parallel_loop3A_315 = arith.index_cast %parallel_loop3A_270 : i32 to index
          %parallel_loop3A_316 = arith.constant 16 : index
          %parallel_loop3A_317 = tpu.vector_load %arg12[%parallel_loop3A_314, %parallel_loop3A_315, %parallel_loop3A_316] {strides = array<i32>} : memref<2x64x64xf32, #tpu.memory_space<vmem>>, vector<1x1x16xf32>,
          %parallel_loop3A_318 = vector.shape_cast %parallel_loop3A_317 : vector<1x1x16xf32> to vector<16xf32>
          %parallel_loop3A_319 = arith.addf %parallel_loop3A_312, %parallel_loop3A_318 : vector<16xf32>
          %parallel_loop3A_320 = arith.constant 0.000000e+00 : f32
          %parallel_loop3A_321 = vector.broadcast %parallel_loop3A_320 : f32 to vector<16xf32>
          %parallel_loop3A_322 = arith.maximumf %parallel_loop3A_319, %parallel_loop3A_321 : vector<16xf32>
          %parallel_loop3A_323 = arith.constant 1.000000e-07 : f32
          %parallel_loop3A_324 = vector.broadcast %parallel_loop3A_323 : f32 to vector<16xf32>
          %parallel_loop3A_325 = arith.addf %parallel_loop3A_322, %parallel_loop3A_324 : vector<16xf32>
          %parallel_loop3A_326 = arith.mulf %parallel_loop3A_325, %get3A_25 : vector<16xf32>
          %parallel_loop3A_327 = math.exp %parallel_loop3A_326 : vector<16xf32>
          %parallel_loop3A_328 = arith.mulf %parallel_loop3A_325, %parallel_loop3A_327 : vector<16xf32>
          %parallel_loop3A_329 = arith.constant 1 : i32
          %parallel_loop3A_330 = arith.index_cast %parallel_loop3A_329 : i32 to index
          %parallel_loop3A_331 = arith.index_cast %parallel_loop3A_270 : i32 to index
          %parallel_loop3A_332 = arith.constant 16 : index
          %parallel_loop3A_333 = tpu.vector_load %arg13[%parallel_loop3A_330, %parallel_loop3A_331, %parallel_loop3A_332] {strides = array<i32>} : memref<2x64x128xf32, #tpu.memory_space<vmem>>, vector<1x1x16xf32>,
          %parallel_loop3A_334 = vector.shape_cast %parallel_loop3A_333 : vector<1x1x16xf32> to vector<16xf32>
          %parallel_loop3A_335 = vector.shape_cast %parallel_loop3A_328 : vector<16xf32> to vector<1x1x16xf32>
          tpu.vector_store %arg13[%parallel_loop3A_330, %parallel_loop3A_331, %parallel_loop3A_332], %parallel_loop3A_335 {strides = array<i32>} : memref<2x64x128xf32, #tpu.memory_space<vmem>>, vector<1x1x16xf32>,
          %parallel_loop3A_336 = arith.constant 1 : i32
          %parallel_loop3A_337 = arith.index_cast %parallel_loop3A_336 : i32 to index
          %parallel_loop3A_338 = arith.index_cast %parallel_loop3A_270 : i32 to index
          %parallel_loop3A_339 = arith.constant 80 : index
          %parallel_loop3A_340 = tpu.vector_load %arg13[%parallel_loop3A_337, %parallel_loop3A_338, %parallel_loop3A_339] {strides = array<i32>} : memref<2x64x128xf32, #tpu.memory_space<vmem>>, vector<1x1x16xf32>,
          %parallel_loop3A_341 = vector.shape_cast %parallel_loop3A_340 : vector<1x1x16xf32> to vector<16xf32>
          %parallel_loop3A_342 = vector.shape_cast %parallel_loop3A_327 : vector<16xf32> to vector<1x1x16xf32>
          tpu.vector_store %arg13[%parallel_loop3A_337, %parallel_loop3A_338, %parallel_loop3A_339], %parallel_loop3A_342 {strides = array<i32>} : memref<2x64x128xf32, #tpu.memory_space<vmem>>, vector<1x1x16xf32>,
          %parallel_loop3A_343 = arith.constant 1 : i32
          %parallel_loop3A_344 = arith.index_cast %parallel_loop3A_343 : i32 to index
          %parallel_loop3A_345 = arith.index_cast %parallel_loop3A_270 : i32 to index
          %parallel_loop3A_346 = arith.constant 32 : index
          %parallel_loop3A_347 = tpu.vector_load %arg11[%parallel_loop3A_344, %parallel_loop3A_345, %parallel_loop3A_346] {strides = array<i32>} : memref<2x64x64xf32, #tpu.memory_space<vmem>>, vector<1x1x16xf32>,
          %parallel_loop3A_348 = vector.shape_cast %parallel_loop3A_347 : vector<1x1x16xf32> to vector<16xf32>
          %parallel_loop3A_349 = arith.constant 1 : i32
          %parallel_loop3A_350 = arith.index_cast %parallel_loop3A_349 : i32 to index
          %parallel_loop3A_351 = arith.index_cast %parallel_loop3A_270 : i32 to index
          %parallel_loop3A_352 = arith.constant 32 : index
          %parallel_loop3A_353 = tpu.vector_load %arg12[%parallel_loop3A_350, %parallel_loop3A_351, %parallel_loop3A_352] {strides = array<i32>} : memref<2x64x64xf32, #tpu.memory_space<vmem>>, vector<1x1x16xf32>,
          %parallel_loop3A_354 = vector.shape_cast %parallel_loop3A_353 : vector<1x1x16xf32> to vector<16xf32>
          %parallel_loop3A_355 = arith.addf %parallel_loop3A_348, %parallel_loop3A_354 : vector<16xf32>
          %parallel_loop3A_356 = arith.constant 0.000000e+00 : f32
          %parallel_loop3A_357 = vector.broadcast %parallel_loop3A_356 : f32 to vector<16xf32>
          %parallel_loop3A_358 = arith.maximumf %parallel_loop3A_355, %parallel_loop3A_357 : vector<16xf32>
          %parallel_loop3A_359 = arith.constant 1.000000e-07 : f32
          %parallel_loop3A_360 = vector.broadcast %parallel_loop3A_359 : f32 to vector<16xf32>
          %parallel_loop3A_361 = arith.addf %parallel_loop3A_358, %parallel_loop3A_360 : vector<16xf32>
          %parallel_loop3A_362 = arith.mulf %parallel_loop3A_361, %get3A_25 : vector<16xf32>
          %parallel_loop3A_363 = math.exp %parallel_loop3A_362 : vector<16xf32>
          %parallel_loop3A_364 = arith.mulf %parallel_loop3A_361, %parallel_loop3A_363 : vector<16xf32>
          %parallel_loop3A_365 = arith.constant 1 : i32
          %parallel_loop3A_366 = arith.index_cast %parallel_loop3A_365 : i32 to index
          %parallel_loop3A_367 = arith.index_cast %parallel_loop3A_270 : i32 to index
          %parallel_loop3A_368 = arith.constant 32 : index
          %parallel_loop3A_369 = tpu.vector_load %arg13[%parallel_loop3A_366, %parallel_loop3A_367, %parallel_loop3A_368] {strides = array<i32>} : memref<2x64x128xf32, #tpu.memory_space<vmem>>, vector<1x1x16xf32>,
          %parallel_loop3A_370 = vector.shape_cast %parallel_loop3A_369 : vector<1x1x16xf32> to vector<16xf32>
          %parallel_loop3A_371 = vector.shape_cast %parallel_loop3A_364 : vector<16xf32> to vector<1x1x16xf32>
          tpu.vector_store %arg13[%parallel_loop3A_366, %parallel_loop3A_367, %parallel_loop3A_368], %parallel_loop3A_371 {strides = array<i32>} : memref<2x64x128xf32, #tpu.memory_space<vmem>>, vector<1x1x16xf32>,
          %parallel_loop3A_372 = arith.constant 1 : i32
          %parallel_loop3A_373 = arith.index_cast %parallel_loop3A_372 : i32 to index
          %parallel_loop3A_374 = arith.index_cast %parallel_loop3A_270 : i32 to index
          %parallel_loop3A_375 = arith.constant 96 : index
          %parallel_loop3A_376 = tpu.vector_load %arg13[%parallel_loop3A_373, %parallel_loop3A_374, %parallel_loop3A_375] {strides = array<i32>} : memref<2x64x128xf32, #tpu.memory_space<vmem>>, vector<1x1x16xf32>,
          %parallel_loop3A_377 = vector.shape_cast %parallel_loop3A_376 : vector<1x1x16xf32> to vector<16xf32>
          %parallel_loop3A_378 = vector.shape_cast %parallel_loop3A_363 : vector<16xf32> to vector<1x1x16xf32>
          tpu.vector_store %arg13[%parallel_loop3A_373, %parallel_loop3A_374, %parallel_loop3A_375], %parallel_loop3A_378 {strides = array<i32>} : memref<2x64x128xf32, #tpu.memory_space<vmem>>, vector<1x1x16xf32>,
          %parallel_loop3A_379 = arith.constant 1 : i32
          %parallel_loop3A_380 = arith.index_cast %parallel_loop3A_379 : i32 to index
          %parallel_loop3A_381 = arith.index_cast %parallel_loop3A_270 : i32 to index
          %parallel_loop3A_382 = arith.constant 48 : index
          %parallel_loop3A_383 = tpu.vector_load %arg11[%parallel_loop3A_380, %parallel_loop3A_381, %parallel_loop3A_382] {strides = array<i32>} : memref<2x64x64xf32, #tpu.memory_space<vmem>>, vector<1x1x16xf32>,
          %parallel_loop3A_384 = vector.shape_cast %parallel_loop3A_383 : vector<1x1x16xf32> to vector<16xf32>
          %parallel_loop3A_385 = arith.constant 1 : i32
          %parallel_loop3A_386 = arith.index_cast %parallel_loop3A_385 : i32 to index
          %parallel_loop3A_387 = arith.index_cast %parallel_loop3A_270 : i32 to index
          %parallel_loop3A_388 = arith.constant 48 : index
          %parallel_loop3A_389 = tpu.vector_load %arg12[%parallel_loop3A_386, %parallel_loop3A_387, %parallel_loop3A_388] {strides = array<i32>} : memref<2x64x64xf32, #tpu.memory_space<vmem>>, vector<1x1x16xf32>,
          %parallel_loop3A_390 = vector.shape_cast %parallel_loop3A_389 : vector<1x1x16xf32> to vector<16xf32>
          %parallel_loop3A_391 = arith.addf %parallel_loop3A_384, %parallel_loop3A_390 : vector<16xf32>
          %parallel_loop3A_392 = arith.constant 0.000000e+00 : f32
          %parallel_loop3A_393 = vector.broadcast %parallel_loop3A_392 : f32 to vector<16xf32>
          %parallel_loop3A_394 = arith.maximumf %parallel_loop3A_391, %parallel_loop3A_393 : vector<16xf32>
          %parallel_loop3A_395 = arith.constant 1.000000e-07 : f32
          %parallel_loop3A_396 = vector.broadcast %parallel_loop3A_395 : f32 to vector<16xf32>
          %parallel_loop3A_397 = arith.addf %parallel_loop3A_394, %parallel_loop3A_396 : vector<16xf32>
          %parallel_loop3A_398 = arith.mulf %parallel_loop3A_397, %get3A_25 : vector<16xf32>
          %parallel_loop3A_399 = math.exp %parallel_loop3A_398 : vector<16xf32>
          %parallel_loop3A_400 = arith.mulf %parallel_loop3A_397, %parallel_loop3A_399 : vector<16xf32>
          %parallel_loop3A_401 = arith.constant 1 : i32
          %parallel_loop3A_402 = arith.index_cast %parallel_loop3A_401 : i32 to index
          %parallel_loop3A_403 = arith.index_cast %parallel_loop3A_270 : i32 to index
          %parallel_loop3A_404 = arith.constant 48 : index
          %parallel_loop3A_405 = tpu.vector_load %arg13[%parallel_loop3A_402, %parallel_loop3A_403, %parallel_loop3A_404] {strides = array<i32>} : memref<2x64x128xf32, #tpu.memory_space<vmem>>, vector<1x1x16xf32>,
          %parallel_loop3A_406 = vector.shape_cast %parallel_loop3A_405 : vector<1x1x16xf32> to vector<16xf32>
          %parallel_loop3A_407 = vector.shape_cast %parallel_loop3A_400 : vector<16xf32> to vector<1x1x16xf32>
          tpu.vector_store %arg13[%parallel_loop3A_402, %parallel_loop3A_403, %parallel_loop3A_404], %parallel_loop3A_407 {strides = array<i32>} : memref<2x64x128xf32, #tpu.memory_space<vmem>>, vector<1x1x16xf32>,
          %parallel_loop3A_408 = arith.constant 1 : i32
          %parallel_loop3A_409 = arith.index_cast %parallel_loop3A_408 : i32 to index
          %parallel_loop3A_410 = arith.index_cast %parallel_loop3A_270 : i32 to index
          %parallel_loop3A_411 = arith.constant 112 : index
          %parallel_loop3A_412 = tpu.vector_load %arg13[%parallel_loop3A_409, %parallel_loop3A_410, %parallel_loop3A_411] {strides = array<i32>} : memref<2x64x128xf32, #tpu.memory_space<vmem>>, vector<1x1x16xf32>,
          %parallel_loop3A_413 = vector.shape_cast %parallel_loop3A_412 : vector<1x1x16xf32> to vector<16xf32>
          %parallel_loop3A_414 = vector.shape_cast %parallel_loop3A_399 : vector<16xf32> to vector<1x1x16xf32>
          tpu.vector_store %arg13[%parallel_loop3A_409, %parallel_loop3A_410, %parallel_loop3A_411], %parallel_loop3A_414 {strides = array<i32>} : memref<2x64x128xf32, #tpu.memory_space<vmem>>, vector<1x1x16xf32>,
        } {sc.loop_unroll_factor = 2 : i64, sc.parallel_access}
        %dma_start3A_251 = arith.constant 1 : i32
        %dma_start3A_252 = arith.constant 0 : i32
        %dma_start3A_253 = arith.constant 0 : i32
        %dma_start3A_254 = tpu.memref_slice %arg13[%dma_start3A_251, %dma_start3A_252, %dma_start3A_253] : memref<2x64x128xf32, #tpu.memory_space<vmem>> -> memref<1x64x128xf32, #tpu.memory_space<vmem>>
        %dma_start3A_255 = tpu.memref_squeeze %dma_start3A_254 : memref<1x64x128xf32, #tpu.memory_space<vmem>> -> memref<64x128xf32, #tpu.memory_space<vmem>>
        %dma_start3A_256 = arith.constant 0 : i32
        %dma_start3A_257 = tpu.memref_slice %arg10[%add3A_211, %dma_start3A_256] : memref<8x64xi32, #tpu.memory_space<vmem>> -> memref<1x64xi32, #tpu.memory_space<vmem>>
        %dma_start3A_258 = tpu.memref_squeeze %dma_start3A_257 : memref<1x64xi32, #tpu.memory_space<vmem>> -> memref<64xi32, #tpu.memory_space<vmem>>
        %dma_start3A_259 = arith.constant 0 : i32
        %dma_start3A_260 = arith.constant 0 : i32
        %dma_start3A_261 = tpu.memref_slice %arg8[%dma_start3A_259, %dma_start3A_260] : memref<10240x128xf32, #tpu.memory_space<vmem_shared>> -> memref<10240x128xf32, #tpu.memory_space<vmem_shared>>
        tpu.enqueue_indirect_dma source(%dma_start3A_255 : memref<64x128xf32, #tpu.memory_space<vmem>>) target(%dma_start3A_261 : memref<10240x128xf32, #tpu.memory_space<vmem_shared>>) offsets(%dma_start3A_258 : memref<64xi32, #tpu.memory_space<vmem>>) semaphore(%arg17 : memref<!tpu.dma_semaphore, #tpu.memory_space<semaphore_mem>>) {add = true}
        %add3A_262 = arith.constant 2 : i32
        %add3A_263 = arith.addi %add3A_214, %add3A_262 : i32
        %lt3A_264 = arith.constant 320 : i32
        %lt3A_265 = arith.cmpi slt, %add3A_263, %lt3A_264 : i32
        %convert_element_type3A_266 = arith.extui %lt3A_265 : i1 to i32
        %cond3A_267 = arith.constant 0 : i32
        %cond3A_268 = arith.cmpi ne, %convert_element_type3A_266, %cond3A_267 : i32
        scf.if %cond3A_268 {
          %add3A_270 = arith.constant 2 : i32
          %add3A_271 = arith.addi %add3A_214, %add3A_270 : i32
          %rem3A_272 = arith.constant 8 : i32
          %rem3A_273 = arith.remsi %add3A_271, %rem3A_272 : i32
          %jit3A = arith.constant 8 : i32
          %div3A = arith.divsi %add3A_271, %jit3A : i32
          %sign3A = arith.constant 0 : i32
          %sign3A_274 = arith.cmpi sgt, %add3A_271, %sign3A : i32
          %sign3A_275 = arith.extui %sign3A_274 : i1 to i32
          %sign3A_276 = arith.constant 0 : i32
          %sign3A_277 = arith.cmpi slt, %add3A_271, %sign3A_276 : i32
          %sign3A_278 = arith.extui %sign3A_277 : i1 to i32
          %sign3A_279 = arith.subi %sign3A_275, %sign3A_278 : i32
          %sign3A_280 = arith.constant 0 : i32
          %sign3A_281 = arith.cmpi sgt, %jit3A, %sign3A_280 : i32
          %sign3A_282 = arith.extui %sign3A_281 : i1 to i32
          %sign3A_283 = arith.constant 0 : i32
          %sign3A_284 = arith.cmpi slt, %jit3A, %sign3A_283 : i32
          %sign3A_285 = arith.extui %sign3A_284 : i1 to i32
          %sign3A_286 = arith.subi %sign3A_282, %sign3A_285 : i32
          %ne3A = arith.cmpi ne, %sign3A_279, %sign3A_286 : i32
          %rem3A_287 = arith.remsi %add3A_271, %jit3A : i32
          %ne3A_288 = arith.constant 0 : i32
          %ne3A_289 = arith.cmpi ne, %rem3A_287, %ne3A_288 : i32
          %and3A = arith.andi %ne3A, %ne3A_289 : i1
          %sub3A = arith.constant 1 : i32
          %sub3A_290 = arith.subi %div3A, %sub3A : i32
          %select_n3A = arith.select %and3A, %sub3A_290, %div3A : i32
          %rem3A_291 = arith.constant 2 : i32
          %rem3A_292 = arith.remsi %select_n3A, %rem3A_291 : i32
          %dma_start3A_293 = arith.constant 1 : i32
          %dma_start3A_294 = arith.constant 0 : i32
          %dma_start3A_295 = arith.constant 0 : i32
          %dma_start3A_296 = tpu.memref_slice %arg11[%dma_start3A_293, %dma_start3A_294, %dma_start3A_295] : memref<2x64x64xf32, #tpu.memory_space<vmem>> -> memref<1x64x64xf32, #tpu.memory_space<vmem>>
          %dma_start3A_297 = tpu.memref_squeeze %dma_start3A_296 : memref<1x64x64xf32, #tpu.memory_space<vmem>> -> memref<64x64xf32, #tpu.memory_space<vmem>>
          %dma_start3A_298 = arith.constant 0 : i32
          %dma_start3A_299 = tpu.memref_slice %arg9[%rem3A_292, %rem3A_273, %dma_start3A_298] : memref<2x8x64xi32, #tpu.memory_space<vmem>> -> memref<1x1x64xi32, #tpu.memory_space<vmem>>
          %dma_start3A_300 = tpu.memref_squeeze %dma_start3A_299 : memref<1x1x64xi32, #tpu.memory_space<vmem>> -> memref<64xi32, #tpu.memory_space<vmem>>
          %dma_start3A_301 = arith.constant 0 : i32
          %dma_start3A_302 = arith.constant 0 : i32
          %dma_start3A_303 = tpu.memref_slice %arg2[%dma_start3A_301, %dma_start3A_302] : memref<20000x64xf32, #tpu.memory_space<hbm>> -> memref<20000x64xf32, #tpu.memory_space<hbm>>
          tpu.enqueue_indirect_dma source(%dma_start3A_303 : memref<20000x64xf32, #tpu.memory_space<hbm>>) target(%dma_start3A_297 : memref<64x64xf32, #tpu.memory_space<vmem>>) offsets(%dma_start3A_300 : memref<64xi32, #tpu.memory_space<vmem>>) semaphore(%arg15 : memref<!tpu.dma_semaphore, #tpu.memory_space<semaphore_mem>>)
          %mul3A_304 = arith.constant 64 : i32
          %mul3A_305 = arith.muli %add3A_271, %mul3A_304 : i32
          %add3A_306 = arith.addi %add3A, %mul3A_305 : i32
          %multiple_of3A_307 = tpu.assume_multiple %add3A_306, 8 : i32
          %dma_start3A_308 = arith.constant 1 : i32
          %dma_start3A_309 = arith.constant 0 : i32
          %dma_start3A_310 = arith.constant 0 : i32
          %dma_start3A_311 = tpu.memref_slice %arg12[%dma_start3A_308, %dma_start3A_309, %dma_start3A_310] : memref<2x64x64xf32, #tpu.memory_space<vmem>> -> memref<1x64x64xf32, #tpu.memory_space<vmem>>
          %dma_start3A_312 = tpu.memref_squeeze %dma_start3A_311 : memref<1x64x64xf32, #tpu.memory_space<vmem>> -> memref<64x64xf32, #tpu.memory_space<vmem>>
          %dma_start3A_313 = arith.constant 0 : i32
          %dma_start3A_314 = tpu.memref_slice %arg3[%multiple_of3A_307, %dma_start3A_313] : memref<655360x64xf32, #tpu.memory_space<hbm>> -> memref<64x64xf32, #tpu.memory_space<hbm>>
          %dma_start3A_315 = arith.constant 0 : i32
          %dma_start3A_316 = arith.constant 0 : i32
          %dma_start3A_317 = tpu.memref_slice %arg12[%dma_start3A_308, %dma_start3A_315, %dma_start3A_316] : memref<2x64x64xf32, #tpu.memory_space<vmem>> -> memref<1x64x64xf32, #tpu.memory_space<vmem>>
          %dma_start3A_318 = tpu.memref_squeeze %dma_start3A_317 : memref<1x64x64xf32, #tpu.memory_space<vmem>> -> memref<64x64xf32, #tpu.memory_space<vmem>>
          %dma_start3A_319 = arith.constant 0 : i32
          %dma_start3A_320 = tpu.memref_slice %arg3[%multiple_of3A_307, %dma_start3A_319] : memref<655360x64xf32, #tpu.memory_space<hbm>> -> memref<64x64xf32, #tpu.memory_space<hbm>>
          tpu.enqueue_dma source(%dma_start3A_320 : memref<64x64xf32, #tpu.memory_space<hbm>>) target(%dma_start3A_318 : memref<64x64xf32, #tpu.memory_space<vmem>>) target_semaphore(%arg16 : memref<!tpu.dma_semaphore, #tpu.memory_space<semaphore_mem>>)
        } else {
        }
        %scan3A_269 = arith.constant 0 : i32
        scf.yield %scan3A_269 : i32
      }
      %scan3A_145 = arith.constant 4 : i32
      %scan3A_146 = arith.constant 0 : i32
      scf.yield %scan3A_146 : i32
    }
    %scan3A_97 = arith.constant 40 : i32
    %dma_wait3A = arith.constant 0 : i32
    %dma_wait3A_98 = arith.constant 0 : i32
    %dma_wait3A_99 = arith.constant 0 : i32
    %dma_wait3A_100 = arith.constant 0 : i32
    %dma_wait3A_101 = tpu.memref_slice %arg13[%dma_wait3A, %dma_wait3A_99, %dma_wait3A_100] : memref<2x64x128xf32, #tpu.memory_space<vmem>> -> memref<1x64x128xf32, #tpu.memory_space<vmem>>
    %dma_wait3A_102 = tpu.memref_squeeze %dma_wait3A_101 : memref<1x64x128xf32, #tpu.memory_space<vmem>> -> memref<64x128xf32, #tpu.memory_space<vmem>>
    %dma_wait3A_103 = arith.constant 0 : i32
    %dma_wait3A_104 = tpu.memref_slice %arg10[%dma_wait3A_98, %dma_wait3A_103] : memref<8x64xi32, #tpu.memory_space<vmem>> -> memref<1x64xi32, #tpu.memory_space<vmem>>
    %dma_wait3A_105 = tpu.memref_squeeze %dma_wait3A_104 : memref<1x64xi32, #tpu.memory_space<vmem>> -> memref<64xi32, #tpu.memory_space<vmem>>
    %dma_wait3A_106 = arith.constant 0 : i32
    %dma_wait3A_107 = arith.constant 0 : i32
    %dma_wait3A_108 = tpu.memref_slice %arg8[%dma_wait3A_106, %dma_wait3A_107] : memref<10240x128xf32, #tpu.memory_space<vmem_shared>> -> memref<10240x128xf32, #tpu.memory_space<vmem_shared>>
    tpu.wait_indirect_dma semaphore(%arg17 : memref<!tpu.dma_semaphore, #tpu.memory_space<semaphore_mem>>) src(%dma_wait3A_102 : memref<64x128xf32, #tpu.memory_space<vmem>>) dst(%dma_wait3A_108 : memref<10240x128xf32, #tpu.memory_space<vmem_shared>>)
    %dma_wait3A_109 = arith.constant 0 : i32
    %dma_wait3A_110 = arith.constant 0 : i32
    %dma_wait3A_111 = arith.constant 0 : i32
    %dma_wait3A_112 = arith.constant 0 : i32
    %dma_wait3A_113 = tpu.memref_slice %arg13[%dma_wait3A_109, %dma_wait3A_111, %dma_wait3A_112] : memref<2x64x128xf32, #tpu.memory_space<vmem>> -> memref<1x64x128xf32, #tpu.memory_space<vmem>>
    %dma_wait3A_114 = tpu.memref_squeeze %dma_wait3A_113 : memref<1x64x128xf32, #tpu.memory_space<vmem>> -> memref<64x128xf32, #tpu.memory_space<vmem>>
    %dma_wait3A_115 = arith.constant 0 : i32
    %dma_wait3A_116 = tpu.memref_slice %arg10[%dma_wait3A_110, %dma_wait3A_115] : memref<8x64xi32, #tpu.memory_space<vmem>> -> memref<1x64xi32, #tpu.memory_space<vmem>>
    %dma_wait3A_117 = tpu.memref_squeeze %dma_wait3A_116 : memref<1x64xi32, #tpu.memory_space<vmem>> -> memref<64xi32, #tpu.memory_space<vmem>>
    %dma_wait3A_118 = arith.constant 0 : i32
    %dma_wait3A_119 = arith.constant 0 : i32
    %dma_wait3A_120 = tpu.memref_slice %arg8[%dma_wait3A_118, %dma_wait3A_119] : memref<10240x128xf32, #tpu.memory_space<vmem_shared>> -> memref<10240x128xf32, #tpu.memory_space<vmem_shared>>
    tpu.wait_indirect_dma semaphore(%arg17 : memref<!tpu.dma_semaphore, #tpu.memory_space<semaphore_mem>>) src(%dma_wait3A_114 : memref<64x128xf32, #tpu.memory_space<vmem>>) dst(%dma_wait3A_120 : memref<10240x128xf32, #tpu.memory_space<vmem_shared>>)
    %barrier3A_121 = arith.constant 0 : index
    tpu.barrier barrier_id(%barrier3A_121)
    %mul3A_122 = arith.constant 640 : i32
    %mul3A_123 = arith.muli %arg1, %mul3A_122 : i32
    %scan3A_124 = arith.constant 0 : i32
    %scan3A_125 = arith.constant 0 : i32
    %scan3A_126 = arith.constant 10 : i32
    %scan3A_127 = arith.addi %scan3A_125, %scan3A_126 : i32
    %scan3A_128 = arith.constant 1 : i32
    %scan3A_129 = scf.for %scan3A_131 = %scan3A_125 to %scan3A_127 step %scan3A_128 iter_args(%scan3A_132 = %scan3A_124) -> (i32)  : i32 {
      %mul3A_133 = arith.constant 64 : i32
      %mul3A_134 = arith.muli %scan3A_131, %mul3A_133 : i32
      %add3A_135 = arith.addi %mul3A_123, %mul3A_134 : i32
      %multiple_of3A_136 = tpu.assume_multiple %add3A_135, 8 : i32
      %run_scoped3A_137 = arith.constant 0 : i32
      "tpu.region"() ({
        %run_scoped3A_142 = tpu.sem_alloc : memref<!tpu.dma_semaphore, #tpu.memory_space<semaphore_mem>>
        %dma_start3A_143 = arith.constant 0 : i32
        %dma_start3A_144 = arith.constant 0 : i32
        %dma_start3A_145 = tpu.memref_slice %arg13[%run_scoped3A_137, %dma_start3A_143, %dma_start3A_144] : memref<2x64x128xf32, #tpu.memory_space<vmem>> -> memref<1x64x128xf32, #tpu.memory_space<vmem>>
        %dma_start3A_146 = tpu.memref_squeeze %dma_start3A_145 : memref<1x64x128xf32, #tpu.memory_space<vmem>> -> memref<64x128xf32, #tpu.memory_space<vmem>>
        %dma_start3A_147 = arith.constant 0 : i32
        %dma_start3A_148 = tpu.memref_slice %arg8[%multiple_of3A_136, %dma_start3A_147] : memref<10240x128xf32, #tpu.memory_space<vmem_shared>> -> memref<64x128xf32, #tpu.memory_space<vmem_shared>>
        %dma_start3A_149 = arith.constant 0 : i32
        %dma_start3A_150 = arith.constant 0 : i32
        %dma_start3A_151 = tpu.memref_slice %arg13[%run_scoped3A_137, %dma_start3A_149, %dma_start3A_150] : memref<2x64x128xf32, #tpu.memory_space<vmem>> -> memref<1x64x128xf32, #tpu.memory_space<vmem>>
        %dma_start3A_152 = tpu.memref_squeeze %dma_start3A_151 : memref<1x64x128xf32, #tpu.memory_space<vmem>> -> memref<64x128xf32, #tpu.memory_space<vmem>>
        %dma_start3A_153 = arith.constant 0 : i32
        %dma_start3A_154 = tpu.memref_slice %arg8[%multiple_of3A_136, %dma_start3A_153] : memref<10240x128xf32, #tpu.memory_space<vmem_shared>> -> memref<64x128xf32, #tpu.memory_space<vmem_shared>>
        tpu.enqueue_dma source(%dma_start3A_154 : memref<64x128xf32, #tpu.memory_space<vmem_shared>>) target(%dma_start3A_152 : memref<64x128xf32, #tpu.memory_space<vmem>>) target_semaphore(%run_scoped3A_142 : memref<!tpu.dma_semaphore, #tpu.memory_space<semaphore_mem>>)
        %dma_wait3A_155 = arith.constant 0 : i32
        %dma_wait3A_156 = arith.constant 0 : i32
        %dma_wait3A_157 = tpu.memref_slice %arg13[%run_scoped3A_137, %dma_wait3A_155, %dma_wait3A_156] : memref<2x64x128xf32, #tpu.memory_space<vmem>> -> memref<1x64x128xf32, #tpu.memory_space<vmem>>
        %dma_wait3A_158 = tpu.memref_squeeze %dma_wait3A_157 : memref<1x64x128xf32, #tpu.memory_space<vmem>> -> memref<64x128xf32, #tpu.memory_space<vmem>>
        %dma_wait3A_159 = arith.constant 0 : i32
        %dma_wait3A_160 = tpu.memref_slice %arg8[%multiple_of3A_136, %dma_wait3A_159] : memref<10240x128xf32, #tpu.memory_space<vmem_shared>> -> memref<64x128xf32, #tpu.memory_space<vmem_shared>>
        %dma_wait3A_161 = arith.constant 0 : i32
        %dma_wait3A_162 = arith.constant 0 : i32
        %dma_wait3A_163 = tpu.memref_slice %arg13[%run_scoped3A_137, %dma_wait3A_161, %dma_wait3A_162] : memref<2x64x128xf32, #tpu.memory_space<vmem>> -> memref<1x64x128xf32, #tpu.memory_space<vmem>>
        %dma_wait3A_164 = tpu.memref_squeeze %dma_wait3A_163 : memref<1x64x128xf32, #tpu.memory_space<vmem>> -> memref<64x128xf32, #tpu.memory_space<vmem>>
        %dma_wait3A_165 = arith.constant 0 : i32
        %dma_wait3A_166 = tpu.memref_slice %arg8[%multiple_of3A_136, %dma_wait3A_165] : memref<10240x128xf32, #tpu.memory_space<vmem_shared>> -> memref<64x128xf32, #tpu.memory_space<vmem_shared>>
        tpu.wait_dma2 semaphore(%run_scoped3A_142 : memref<!tpu.dma_semaphore, #tpu.memory_space<semaphore_mem>>) src(%dma_wait3A_166 : memref<64x128xf32, #tpu.memory_space<vmem_shared>>) dst(%dma_wait3A_164 : memref<64x128xf32, #tpu.memory_space<vmem>>)
        tpu.yield
      }) : () -> ()
      %parallel_loop3A = arith.constant 0 : i32
      %parallel_loop3A_138 = arith.constant 64 : i32
      %parallel_loop3A_139 = arith.constant 1 : i32
      scf.for %parallel_loop3A_142 = %parallel_loop3A to %parallel_loop3A_138 step %parallel_loop3A_139  : i32 {
        %parallel_loop3A_143 = arith.constant 0 : i32
        %parallel_loop3A_144 = arith.index_cast %parallel_loop3A_143 : i32 to index
        %parallel_loop3A_145 = arith.index_cast %parallel_loop3A_142 : i32 to index
        %parallel_loop3A_146 = arith.constant 0 : index
        %parallel_loop3A_147 = tpu.vector_load %arg13[%parallel_loop3A_144, %parallel_loop3A_145, %parallel_loop3A_146] {strides = array<i32>} : memref<2x64x128xf32, #tpu.memory_space<vmem>>, vector<1x1x16xf32>,
        %parallel_loop3A_148 = vector.shape_cast %parallel_loop3A_147 : vector<1x1x16xf32> to vector<16xf32>
        %parallel_loop3A_149 = arith.constant 0 : i32
        %parallel_loop3A_150 = arith.index_cast %parallel_loop3A_149 : i32 to index
        %parallel_loop3A_151 = arith.index_cast %parallel_loop3A_142 : i32 to index
        %parallel_loop3A_152 = arith.constant 64 : index
        %parallel_loop3A_153 = tpu.vector_load %arg13[%parallel_loop3A_150, %parallel_loop3A_151, %parallel_loop3A_152] {strides = array<i32>} : memref<2x64x128xf32, #tpu.memory_space<vmem>>, vector<1x1x16xf32>,
        %parallel_loop3A_154 = vector.shape_cast %parallel_loop3A_153 : vector<1x1x16xf32> to vector<16xf32>
        %parallel_loop3A_155 = arith.constant 1.000000e-16 : f32
        %parallel_loop3A_156 = vector.broadcast %parallel_loop3A_155 : f32 to vector<16xf32>
        %parallel_loop3A_157 = arith.addf %parallel_loop3A_154, %parallel_loop3A_156 : vector<16xf32>
        %parallel_loop3A_158 = arith.divf %parallel_loop3A_148, %parallel_loop3A_157 : vector<16xf32>
        %parallel_loop3A_159 = arith.constant 0 : i32
        %parallel_loop3A_160 = arith.index_cast %parallel_loop3A_159 : i32 to index
        %parallel_loop3A_161 = arith.index_cast %parallel_loop3A_142 : i32 to index
        %parallel_loop3A_162 = arith.constant 0 : index
        %parallel_loop3A_163 = tpu.vector_load %arg12[%parallel_loop3A_160, %parallel_loop3A_161, %parallel_loop3A_162] {strides = array<i32>} : memref<2x64x64xf32, #tpu.memory_space<vmem>>, vector<1x1x16xf32>,
        %parallel_loop3A_164 = vector.shape_cast %parallel_loop3A_163 : vector<1x1x16xf32> to vector<16xf32>
        %parallel_loop3A_165 = vector.shape_cast %parallel_loop3A_158 : vector<16xf32> to vector<1x1x16xf32>
        tpu.vector_store %arg12[%parallel_loop3A_160, %parallel_loop3A_161, %parallel_loop3A_162], %parallel_loop3A_165 {strides = array<i32>} : memref<2x64x64xf32, #tpu.memory_space<vmem>>, vector<1x1x16xf32>,
        %parallel_loop3A_166 = arith.constant 0 : i32
        %parallel_loop3A_167 = arith.index_cast %parallel_loop3A_166 : i32 to index
        %parallel_loop3A_168 = arith.index_cast %parallel_loop3A_142 : i32 to index
        %parallel_loop3A_169 = arith.constant 16 : index
        %parallel_loop3A_170 = tpu.vector_load %arg13[%parallel_loop3A_167, %parallel_loop3A_168, %parallel_loop3A_169] {strides = array<i32>} : memref<2x64x128xf32, #tpu.memory_space<vmem>>, vector<1x1x16xf32>,
        %parallel_loop3A_171 = vector.shape_cast %parallel_loop3A_170 : vector<1x1x16xf32> to vector<16xf32>
        %parallel_loop3A_172 = arith.constant 0 : i32
        %parallel_loop3A_173 = arith.index_cast %parallel_loop3A_172 : i32 to index
        %parallel_loop3A_174 = arith.index_cast %parallel_loop3A_142 : i32 to index
        %parallel_loop3A_175 = arith.constant 80 : index
        %parallel_loop3A_176 = tpu.vector_load %arg13[%parallel_loop3A_173, %parallel_loop3A_174, %parallel_loop3A_175] {strides = array<i32>} : memref<2x64x128xf32, #tpu.memory_space<vmem>>, vector<1x1x16xf32>,
        %parallel_loop3A_177 = vector.shape_cast %parallel_loop3A_176 : vector<1x1x16xf32> to vector<16xf32>
        %parallel_loop3A_178 = arith.constant 1.000000e-16 : f32
        %parallel_loop3A_179 = vector.broadcast %parallel_loop3A_178 : f32 to vector<16xf32>
        %parallel_loop3A_180 = arith.addf %parallel_loop3A_177, %parallel_loop3A_179 : vector<16xf32>
        %parallel_loop3A_181 = arith.divf %parallel_loop3A_171, %parallel_loop3A_180 : vector<16xf32>
        %parallel_loop3A_182 = arith.constant 0 : i32
        %parallel_loop3A_183 = arith.index_cast %parallel_loop3A_182 : i32 to index
        %parallel_loop3A_184 = arith.index_cast %parallel_loop3A_142 : i32 to index
        %parallel_loop3A_185 = arith.constant 16 : index
        %parallel_loop3A_186 = tpu.vector_load %arg12[%parallel_loop3A_183, %parallel_loop3A_184, %parallel_loop3A_185] {strides = array<i32>} : memref<2x64x64xf32, #tpu.memory_space<vmem>>, vector<1x1x16xf32>,
        %parallel_loop3A_187 = vector.shape_cast %parallel_loop3A_186 : vector<1x1x16xf32> to vector<16xf32>
        %parallel_loop3A_188 = vector.shape_cast %parallel_loop3A_181 : vector<16xf32> to vector<1x1x16xf32>
        tpu.vector_store %arg12[%parallel_loop3A_183, %parallel_loop3A_184, %parallel_loop3A_185], %parallel_loop3A_188 {strides = array<i32>} : memref<2x64x64xf32, #tpu.memory_space<vmem>>, vector<1x1x16xf32>,
        %parallel_loop3A_189 = arith.constant 0 : i32
        %parallel_loop3A_190 = arith.index_cast %parallel_loop3A_189 : i32 to index
        %parallel_loop3A_191 = arith.index_cast %parallel_loop3A_142 : i32 to index
        %parallel_loop3A_192 = arith.constant 32 : index
        %parallel_loop3A_193 = tpu.vector_load %arg13[%parallel_loop3A_190, %parallel_loop3A_191, %parallel_loop3A_192] {strides = array<i32>} : memref<2x64x128xf32, #tpu.memory_space<vmem>>, vector<1x1x16xf32>,
        %parallel_loop3A_194 = vector.shape_cast %parallel_loop3A_193 : vector<1x1x16xf32> to vector<16xf32>
        %parallel_loop3A_195 = arith.constant 0 : i32
        %parallel_loop3A_196 = arith.index_cast %parallel_loop3A_195 : i32 to index
        %parallel_loop3A_197 = arith.index_cast %parallel_loop3A_142 : i32 to index
        %parallel_loop3A_198 = arith.constant 96 : index
        %parallel_loop3A_199 = tpu.vector_load %arg13[%parallel_loop3A_196, %parallel_loop3A_197, %parallel_loop3A_198] {strides = array<i32>} : memref<2x64x128xf32, #tpu.memory_space<vmem>>, vector<1x1x16xf32>,
        %parallel_loop3A_200 = vector.shape_cast %parallel_loop3A_199 : vector<1x1x16xf32> to vector<16xf32>
        %parallel_loop3A_201 = arith.constant 1.000000e-16 : f32
        %parallel_loop3A_202 = vector.broadcast %parallel_loop3A_201 : f32 to vector<16xf32>
        %parallel_loop3A_203 = arith.addf %parallel_loop3A_200, %parallel_loop3A_202 : vector<16xf32>
        %parallel_loop3A_204 = arith.divf %parallel_loop3A_194, %parallel_loop3A_203 : vector<16xf32>
        %parallel_loop3A_205 = arith.constant 0 : i32
        %parallel_loop3A_206 = arith.index_cast %parallel_loop3A_205 : i32 to index
        %parallel_loop3A_207 = arith.index_cast %parallel_loop3A_142 : i32 to index
        %parallel_loop3A_208 = arith.constant 32 : index
        %parallel_loop3A_209 = tpu.vector_load %arg12[%parallel_loop3A_206, %parallel_loop3A_207, %parallel_loop3A_208] {strides = array<i32>} : memref<2x64x64xf32, #tpu.memory_space<vmem>>, vector<1x1x16xf32>,
        %parallel_loop3A_210 = vector.shape_cast %parallel_loop3A_209 : vector<1x1x16xf32> to vector<16xf32>
        %parallel_loop3A_211 = vector.shape_cast %parallel_loop3A_204 : vector<16xf32> to vector<1x1x16xf32>
        tpu.vector_store %arg12[%parallel_loop3A_206, %parallel_loop3A_207, %parallel_loop3A_208], %parallel_loop3A_211 {strides = array<i32>} : memref<2x64x64xf32, #tpu.memory_space<vmem>>, vector<1x1x16xf32>,
        %parallel_loop3A_212 = arith.constant 0 : i32
        %parallel_loop3A_213 = arith.index_cast %parallel_loop3A_212 : i32 to index
        %parallel_loop3A_214 = arith.index_cast %parallel_loop3A_142 : i32 to index
        %parallel_loop3A_215 = arith.constant 48 : index
        %parallel_loop3A_216 = tpu.vector_load %arg13[%parallel_loop3A_213, %parallel_loop3A_214, %parallel_loop3A_215] {strides = array<i32>} : memref<2x64x128xf32, #tpu.memory_space<vmem>>, vector<1x1x16xf32>,
        %parallel_loop3A_217 = vector.shape_cast %parallel_loop3A_216 : vector<1x1x16xf32> to vector<16xf32>
        %parallel_loop3A_218 = arith.constant 0 : i32
        %parallel_loop3A_219 = arith.index_cast %parallel_loop3A_218 : i32 to index
        %parallel_loop3A_220 = arith.index_cast %parallel_loop3A_142 : i32 to index
        %parallel_loop3A_221 = arith.constant 112 : index
        %parallel_loop3A_222 = tpu.vector_load %arg13[%parallel_loop3A_219, %parallel_loop3A_220, %parallel_loop3A_221] {strides = array<i32>} : memref<2x64x128xf32, #tpu.memory_space<vmem>>, vector<1x1x16xf32>,
        %parallel_loop3A_223 = vector.shape_cast %parallel_loop3A_222 : vector<1x1x16xf32> to vector<16xf32>
        %parallel_loop3A_224 = arith.constant 1.000000e-16 : f32
        %parallel_loop3A_225 = vector.broadcast %parallel_loop3A_224 : f32 to vector<16xf32>
        %parallel_loop3A_226 = arith.addf %parallel_loop3A_223, %parallel_loop3A_225 : vector<16xf32>
        %parallel_loop3A_227 = arith.divf %parallel_loop3A_217, %parallel_loop3A_226 : vector<16xf32>
        %parallel_loop3A_228 = arith.constant 0 : i32
        %parallel_loop3A_229 = arith.index_cast %parallel_loop3A_228 : i32 to index
        %parallel_loop3A_230 = arith.index_cast %parallel_loop3A_142 : i32 to index
        %parallel_loop3A_231 = arith.constant 48 : index
        %parallel_loop3A_232 = tpu.vector_load %arg12[%parallel_loop3A_229, %parallel_loop3A_230, %parallel_loop3A_231] {strides = array<i32>} : memref<2x64x64xf32, #tpu.memory_space<vmem>>, vector<1x1x16xf32>,
        %parallel_loop3A_233 = vector.shape_cast %parallel_loop3A_232 : vector<1x1x16xf32> to vector<16xf32>
        %parallel_loop3A_234 = vector.shape_cast %parallel_loop3A_227 : vector<16xf32> to vector<1x1x16xf32>
        tpu.vector_store %arg12[%parallel_loop3A_229, %parallel_loop3A_230, %parallel_loop3A_231], %parallel_loop3A_234 {strides = array<i32>} : memref<2x64x64xf32, #tpu.memory_space<vmem>>, vector<1x1x16xf32>,
      } {sc.loop_unroll_factor = 2 : i64, sc.parallel_access}
      %run_scoped3A_140 = arith.constant 0 : i32
      "tpu.region"() ({
        %run_scoped3A_142 = tpu.sem_alloc : memref<!tpu.dma_semaphore, #tpu.memory_space<semaphore_mem>>
        %dma_start3A_143 = arith.constant 0 : i32
        %dma_start3A_144 = arith.constant 0 : i32
        %dma_start3A_145 = tpu.memref_slice %arg12[%run_scoped3A_140, %dma_start3A_143, %dma_start3A_144] : memref<2x64x64xf32, #tpu.memory_space<vmem>> -> memref<1x64x64xf32, #tpu.memory_space<vmem>>
        %dma_start3A_146 = tpu.memref_squeeze %dma_start3A_145 : memref<1x64x64xf32, #tpu.memory_space<vmem>> -> memref<64x64xf32, #tpu.memory_space<vmem>>
        %dma_start3A_147 = arith.constant 0 : i32
        %dma_start3A_148 = tpu.memref_slice %arg7[%arg0, %multiple_of3A_136, %dma_start3A_147] : memref<2x10240x64xf32, #tpu.memory_space<hbm>> -> memref<1x64x64xf32, #tpu.memory_space<hbm>>
        %dma_start3A_149 = tpu.memref_squeeze %dma_start3A_148 : memref<1x64x64xf32, #tpu.memory_space<hbm>> -> memref<64x64xf32, #tpu.memory_space<hbm>>
        %dma_start3A_150 = arith.constant 0 : i32
        %dma_start3A_151 = tpu.memref_slice %arg7[%arg0, %multiple_of3A_136, %dma_start3A_150] : memref<2x10240x64xf32, #tpu.memory_space<hbm>> -> memref<1x64x64xf32, #tpu.memory_space<hbm>>
        %dma_start3A_152 = tpu.memref_squeeze %dma_start3A_151 : memref<1x64x64xf32, #tpu.memory_space<hbm>> -> memref<64x64xf32, #tpu.memory_space<hbm>>
        %dma_start3A_153 = arith.constant 0 : i32
        %dma_start3A_154 = arith.constant 0 : i32
        %dma_start3A_155 = tpu.memref_slice %arg12[%run_scoped3A_140, %dma_start3A_153, %dma_start3A_154] : memref<2x64x64xf32, #tpu.memory_space<vmem>> -> memref<1x64x64xf32, #tpu.memory_space<vmem>>
        %dma_start3A_156 = tpu.memref_squeeze %dma_start3A_155 : memref<1x64x64xf32, #tpu.memory_space<vmem>> -> memref<64x64xf32, #tpu.memory_space<vmem>>
        tpu.enqueue_dma source(%dma_start3A_156 : memref<64x64xf32, #tpu.memory_space<vmem>>) target(%dma_start3A_152 : memref<64x64xf32, #tpu.memory_space<hbm>>) target_semaphore(%run_scoped3A_142 : memref<!tpu.dma_semaphore, #tpu.memory_space<semaphore_mem>>)
        %dma_wait3A_157 = arith.constant 0 : i32
        %dma_wait3A_158 = arith.constant 0 : i32
        %dma_wait3A_159 = tpu.memref_slice %arg12[%run_scoped3A_140, %dma_wait3A_157, %dma_wait3A_158] : memref<2x64x64xf32, #tpu.memory_space<vmem>> -> memref<1x64x64xf32, #tpu.memory_space<vmem>>
        %dma_wait3A_160 = tpu.memref_squeeze %dma_wait3A_159 : memref<1x64x64xf32, #tpu.memory_space<vmem>> -> memref<64x64xf32, #tpu.memory_space<vmem>>
        %dma_wait3A_161 = arith.constant 0 : i32
        %dma_wait3A_162 = tpu.memref_slice %arg7[%arg0, %multiple_of3A_136, %dma_wait3A_161] : memref<2x10240x64xf32, #tpu.memory_space<hbm>> -> memref<1x64x64xf32, #tpu.memory_space<hbm>>
        %dma_wait3A_163 = tpu.memref_squeeze %dma_wait3A_162 : memref<1x64x64xf32, #tpu.memory_space<hbm>> -> memref<64x64xf32, #tpu.memory_space<hbm>>
        %dma_wait3A_164 = arith.constant 0 : i32
        %dma_wait3A_165 = tpu.memref_slice %arg7[%arg0, %multiple_of3A_136, %dma_wait3A_164] : memref<2x10240x64xf32, #tpu.memory_space<hbm>> -> memref<1x64x64xf32, #tpu.memory_space<hbm>>
        %dma_wait3A_166 = tpu.memref_squeeze %dma_wait3A_165 : memref<1x64x64xf32, #tpu.memory_space<hbm>> -> memref<64x64xf32, #tpu.memory_space<hbm>>
        %dma_wait3A_167 = arith.constant 0 : i32
        %dma_wait3A_168 = arith.constant 0 : i32
        %dma_wait3A_169 = tpu.memref_slice %arg12[%run_scoped3A_140, %dma_wait3A_167, %dma_wait3A_168] : memref<2x64x64xf32, #tpu.memory_space<vmem>> -> memref<1x64x64xf32, #tpu.memory_space<vmem>>
        %dma_wait3A_170 = tpu.memref_squeeze %dma_wait3A_169 : memref<1x64x64xf32, #tpu.memory_space<vmem>> -> memref<64x64xf32, #tpu.memory_space<vmem>>
        tpu.wait_dma2 semaphore(%run_scoped3A_142 : memref<!tpu.dma_semaphore, #tpu.memory_space<semaphore_mem>>) src(%dma_wait3A_170 : memref<64x64xf32, #tpu.memory_space<vmem>>) dst(%dma_wait3A_166 : memref<64x64xf32, #tpu.memory_space<hbm>>)
        tpu.yield
      }) : () -> ()
      %scan3A_141 = arith.constant 0 : i32
      scf.yield %scan3A_141 : i32
    }
    %scan3A_130 = arith.constant 10 : i32
    return
  }
}

module attributes {stable_mosaic.version = 14 : i64} {
  func.func @_enc_edge_body(%arg0: i32, %arg1: memref<2048x16xf32, #tpu.memory_space<vmem>>, %arg2: memref<16x128xf32, #tpu.memory_space<vmem>>, %arg3: memref<1x128xf32, #tpu.memory_space<vmem>>, %arg4: memref<2x2048x64xf32, #tpu.memory_space<vmem>>) attributes {dimension_semantics = [#tpu.dimension_semantics<arbitrary>], iteration_bounds = array<i64: 160>, scalar_prefetch = 0 : i64, scratch_operands = 0 : i64, tpu.core_type = #tpu.core_type<tc>, window_params = [{transform_indices = @transform_0, window_bounds = array<i64: 2048, 16>}, {pipeline_mode = #tpu.pipeline_mode<synchronous>, transform_indices = @transform_1, window_bounds = array<i64: 16, 128>}, {pipeline_mode = #tpu.pipeline_mode<synchronous>, transform_indices = @transform_2, window_bounds = array<i64: 1, 128>}, {transform_indices = @transform_3, window_bounds = array<i64: 2, 2048, 64>}]} {
    %get3A = arith.constant 0 : index
    %get3A_0 = arith.constant 0 : index
    %get3A_1 = vector.load %arg1[%get3A, %get3A_0] : memref<2048x16xf32, #tpu.memory_space<vmem>>, vector<2048x16xf32>
    %get3A_2 = arith.constant 0 : index
    %get3A_3 = arith.constant 0 : index
    %get3A_4 = vector.load %arg2[%get3A_2, %get3A_3] : memref<16x128xf32, #tpu.memory_space<vmem>>, vector<16x128xf32>
    %dot_general3A = arith.constant dense<0.000000e+00> : vector<2048x128xf32>
    %dot_general3A_5 = tpu.matmul %get3A_1, %get3A_4, %dot_general3A {dimension_numbers = #tpu.dot_dimension_numbers<[1], [0], [0], [1], [0, 0, 1, 1], [], []>, transpose_lhs_hint = false} : vector<2048x16xf32>, vector<16x128xf32>, vector<2048x128xf32> -> vector<2048x128xf32>
    %get3A_6 = arith.constant 0 : index
    %get3A_7 = arith.constant 0 : index
    %get3A_8 = vector.load %arg3[%get3A_6, %get3A_7] : memref<1x128xf32, #tpu.memory_space<vmem>>, vector<1x128xf32>
    %add3A = vector.broadcast %get3A_8 : vector<1x128xf32> to vector<2048x128xf32>
    %add3A_9 = arith.addf %dot_general3A_5, %add3A : vector<2048x128xf32>
    %logistic3A = arith.negf %add3A_9 : vector<2048x128xf32>
    %logistic3A_10 = math.exp %logistic3A : vector<2048x128xf32>
    %logistic3A_11 = arith.constant 1.000000e+00 : f32
    %logistic3A_12 = vector.broadcast %logistic3A_11 : f32 to vector<2048x128xf32>
    %logistic3A_13 = arith.addf %logistic3A_12, %logistic3A_10 : vector<2048x128xf32>
    %logistic3A_14 = arith.divf %logistic3A_12, %logistic3A_13 : vector<2048x128xf32>
    %slice3A = vector.extract_strided_slice %logistic3A_14 {offsets = [0, 0], sizes = [2048, 64], strides = [1, 1]} : vector<2048x128xf32> to vector<2048x64xf32>
    %slice3A_15 = vector.extract_strided_slice %logistic3A_14 {offsets = [0, 64], sizes = [2048, 64], strides = [1, 1]} : vector<2048x128xf32> to vector<2048x64xf32>
    %stack3A = vector.shape_cast %slice3A : vector<2048x64xf32> to vector<1x2048x64xf32>
    %stack3A_16 = vector.shape_cast %slice3A_15 : vector<2048x64xf32> to vector<1x2048x64xf32>
    %stack3A_17 = tpu.concatenate %stack3A, %stack3A_16 in 0 : vector<1x2048x64xf32>, vector<1x2048x64xf32> -> vector<2x2048x64xf32>
    %swap3A = arith.constant 0 : index
    %swap3A_18 = arith.constant 0 : index
    %swap3A_19 = arith.constant 0 : index
    %swap3A_20 = vector.load %arg4[%swap3A, %swap3A_18, %swap3A_19] : memref<2x2048x64xf32, #tpu.memory_space<vmem>>, vector<2x2048x64xf32>
    tpu.vector_store %arg4[%swap3A, %swap3A_18, %swap3A_19], %stack3A_17 {strides = array<i32>} : memref<2x2048x64xf32, #tpu.memory_space<vmem>>, vector<2x2048x64xf32>,
    return
  }
  func.func @transform_0(%arg0: i32) -> (i32, i32) {
    %c0_i32 = arith.constant 0 : i32
    %c0_i32_0 = arith.constant 0 : i32
    return %arg0, %c0_i32 : i32, i32
  }
  func.func @transform_1(%arg0: i32) -> (i32, i32) {
    %c0_i32 = arith.constant 0 : i32
    %c0_i32_0 = arith.constant 0 : i32
    %c0_i32_1 = arith.constant 0 : i32
    return %c0_i32, %c0_i32_0 : i32, i32
  }
  func.func @transform_2(%arg0: i32) -> (i32, i32) {
    %c0_i32 = arith.constant 0 : i32
    %c0_i32_0 = arith.constant 0 : i32
    %c0_i32_1 = arith.constant 0 : i32
    return %c0_i32, %c0_i32_0 : i32, i32
  }
  func.func @transform_3(%arg0: i32) -> (i32, i32, i32) {
    %c0_i32 = arith.constant 0 : i32
    %c0_i32_0 = arith.constant 0 : i32
    %c0_i32_1 = arith.constant 0 : i32
    return %c0_i32, %arg0, %c0_i32_0 : i32, i32, i32
  }
}

module attributes {stable_mosaic.version = 14 : i64} {
  func.func @_enc_node_body(%arg0: i32, %arg1: memref<1000x128xf32, #tpu.memory_space<vmem>>, %arg2: memref<128x128xf32, #tpu.memory_space<vmem>>, %arg3: memref<1x128xf32, #tpu.memory_space<vmem>>, %arg4: memref<1000x128xf32, #tpu.memory_space<vmem>>, %arg5: memref<2x1000x64xf32, #tpu.memory_space<vmem>>) attributes {dimension_semantics = [#tpu.dimension_semantics<arbitrary>], iteration_bounds = array<i64: 10>, scalar_prefetch = 0 : i64, scratch_operands = 0 : i64, tpu.core_type = #tpu.core_type<tc>, window_params = [{transform_indices = @transform_0, window_bounds = array<i64: 1000, 128>}, {pipeline_mode = #tpu.pipeline_mode<synchronous>, transform_indices = @transform_1, window_bounds = array<i64: 128, 128>}, {pipeline_mode = #tpu.pipeline_mode<synchronous>, transform_indices = @transform_2, window_bounds = array<i64: 1, 128>}, {transform_indices = @transform_3, window_bounds = array<i64: 1000, 128>}, {transform_indices = @transform_4, window_bounds = array<i64: 2, 1000, 64>}]} {
    %get3A = arith.constant 0 : index
    %get3A_0 = arith.constant 0 : index
    %get3A_1 = vector.load %arg1[%get3A, %get3A_0] : memref<1000x128xf32, #tpu.memory_space<vmem>>, vector<1000x128xf32>
    %get3A_2 = arith.constant 0 : index
    %get3A_3 = arith.constant 0 : index
    %get3A_4 = vector.load %arg2[%get3A_2, %get3A_3] : memref<128x128xf32, #tpu.memory_space<vmem>>, vector<128x128xf32>
    %dot_general3A = arith.constant dense<0.000000e+00> : vector<1000x128xf32>
    %dot_general3A_5 = tpu.matmul %get3A_1, %get3A_4, %dot_general3A {dimension_numbers = #tpu.dot_dimension_numbers<[1], [0], [0], [1], [0, 0, 1, 1], [], []>, transpose_lhs_hint = false} : vector<1000x128xf32>, vector<128x128xf32>, vector<1000x128xf32> -> vector<1000x128xf32>
    %get3A_6 = arith.constant 0 : index
    %get3A_7 = arith.constant 0 : index
    %get3A_8 = vector.load %arg3[%get3A_6, %get3A_7] : memref<1x128xf32, #tpu.memory_space<vmem>>, vector<1x128xf32>
    %add3A = vector.broadcast %get3A_8 : vector<1x128xf32> to vector<1000x128xf32>
    %add3A_9 = arith.addf %dot_general3A_5, %add3A : vector<1000x128xf32>
    %swap3A = arith.constant 0 : index
    %swap3A_10 = arith.constant 0 : index
    %swap3A_11 = vector.load %arg4[%swap3A, %swap3A_10] : memref<1000x128xf32, #tpu.memory_space<vmem>>, vector<1000x128xf32>
    tpu.vector_store %arg4[%swap3A, %swap3A_10], %add3A_9 {strides = array<i32>} : memref<1000x128xf32, #tpu.memory_space<vmem>>, vector<1000x128xf32>,
    %slice3A = vector.extract_strided_slice %add3A_9 {offsets = [0, 0], sizes = [1000, 64], strides = [1, 1]} : vector<1000x128xf32> to vector<1000x64xf32>
    %slice3A_12 = vector.extract_strided_slice %add3A_9 {offsets = [0, 64], sizes = [1000, 64], strides = [1, 1]} : vector<1000x128xf32> to vector<1000x64xf32>
    %stack3A = vector.shape_cast %slice3A : vector<1000x64xf32> to vector<1x1000x64xf32>
    %stack3A_13 = vector.shape_cast %slice3A_12 : vector<1000x64xf32> to vector<1x1000x64xf32>
    %stack3A_14 = tpu.concatenate %stack3A, %stack3A_13 in 0 : vector<1x1000x64xf32>, vector<1x1000x64xf32> -> vector<2x1000x64xf32>
    %swap3A_15 = arith.constant 0 : index
    %swap3A_16 = arith.constant 0 : index
    %swap3A_17 = arith.constant 0 : index
    %swap3A_18 = vector.load %arg5[%swap3A_15, %swap3A_16, %swap3A_17] : memref<2x1000x64xf32, #tpu.memory_space<vmem>>, vector<2x1000x64xf32>
    tpu.vector_store %arg5[%swap3A_15, %swap3A_16, %swap3A_17], %stack3A_14 {strides = array<i32>} : memref<2x1000x64xf32, #tpu.memory_space<vmem>>, vector<2x1000x64xf32>,
    return
  }
  func.func @transform_0(%arg0: i32) -> (i32, i32) {
    %c0_i32 = arith.constant 0 : i32
    %c0_i32_0 = arith.constant 0 : i32
    return %arg0, %c0_i32 : i32, i32
  }
  func.func @transform_1(%arg0: i32) -> (i32, i32) {
    %c0_i32 = arith.constant 0 : i32
    %c0_i32_0 = arith.constant 0 : i32
    %c0_i32_1 = arith.constant 0 : i32
    return %c0_i32, %c0_i32_0 : i32, i32
  }
  func.func @transform_2(%arg0: i32) -> (i32, i32) {
    %c0_i32 = arith.constant 0 : i32
    %c0_i32_0 = arith.constant 0 : i32
    %c0_i32_1 = arith.constant 0 : i32
    return %c0_i32, %c0_i32_0 : i32, i32
  }
  func.func @transform_3(%arg0: i32) -> (i32, i32) {
    %c0_i32 = arith.constant 0 : i32
    %c0_i32_0 = arith.constant 0 : i32
    return %arg0, %c0_i32 : i32, i32
  }
  func.func @transform_4(%arg0: i32) -> (i32, i32, i32) {
    %c0_i32 = arith.constant 0 : i32
    %c0_i32_0 = arith.constant 0 : i32
    %c0_i32_1 = arith.constant 0 : i32
    return %c0_i32, %arg0, %c0_i32_0 : i32, i32, i32
  }
}

module attributes {stable_mosaic.version = 14 : i64} {
  func.func @_update1_body(%arg0: i32, %arg1: memref<2x1000x64xf32, #tpu.memory_space<vmem>>, %arg2: memref<1000x128xf32, #tpu.memory_space<vmem>>, %arg3: memref<128x256xf32, #tpu.memory_space<vmem>>, %arg4: memref<1x256xf32, #tpu.memory_space<vmem>>, %arg5: memref<1x256xf32, #tpu.memory_space<vmem>>, %arg6: memref<1x256xf32, #tpu.memory_space<vmem>>, %arg7: memref<256x128xf32, #tpu.memory_space<vmem>>, %arg8: memref<1x128xf32, #tpu.memory_space<vmem>>, %arg9: memref<1x128xf32, #tpu.memory_space<vmem>>, %arg10: memref<1x128xf32, #tpu.memory_space<vmem>>, %arg11: memref<1000x128xf32, #tpu.memory_space<vmem>>, %arg12: memref<1000x128xf32, #tpu.memory_space<vmem>>, %arg13: memref<2x1000x64xf32, #tpu.memory_space<vmem>>) attributes {dimension_semantics = [#tpu.dimension_semantics<arbitrary>], iteration_bounds = array<i64: 10>, scalar_prefetch = 0 : i64, scratch_operands = 0 : i64, tpu.core_type = #tpu.core_type<tc>, window_params = [{transform_indices = @transform_0, window_bounds = array<i64: 2, 1000, 64>}, {transform_indices = @transform_1, window_bounds = array<i64: 1000, 128>}, {pipeline_mode = #tpu.pipeline_mode<synchronous>, transform_indices = @transform_2, window_bounds = array<i64: 128, 256>}, {pipeline_mode = #tpu.pipeline_mode<synchronous>, transform_indices = @transform_3, window_bounds = array<i64: 1, 256>}, {pipeline_mode = #tpu.pipeline_mode<synchronous>, transform_indices = @transform_4, window_bounds = array<i64: 1, 256>}, {pipeline_mode = #tpu.pipeline_mode<synchronous>, transform_indices = @transform_5, window_bounds = array<i64: 1, 256>}, {pipeline_mode = #tpu.pipeline_mode<synchronous>, transform_indices = @transform_6, window_bounds = array<i64: 256, 128>}, {pipeline_mode = #tpu.pipeline_mode<synchronous>, transform_indices = @transform_7, window_bounds = array<i64: 1, 128>}, {pipeline_mode = #tpu.pipeline_mode<synchronous>, transform_indices = @transform_8, window_bounds = array<i64: 1, 128>}, {pipeline_mode = #tpu.pipeline_mode<synchronous>, transform_indices = @transform_9, window_bounds = array<i64: 1, 128>}, {transform_indices = @transform_10, window_bounds = array<i64: 1000, 128>}, {transform_indices = @transform_11, window_bounds = array<i64: 1000, 128>}, {transform_indices = @transform_12, window_bounds = array<i64: 2, 1000, 64>}]} {
    %get3A = arith.constant 0 : index
    %get3A_0 = arith.constant 0 : index
    %get3A_1 = arith.constant 0 : index
    %get3A_2 = vector.load %arg1[%get3A, %get3A_0, %get3A_1] : memref<2x1000x64xf32, #tpu.memory_space<vmem>>, vector<1x1000x64xf32>
    %get3A_3 = vector.shape_cast %get3A_2 : vector<1x1000x64xf32> to vector<1000x64xf32>
    %get3A_4 = arith.constant 1 : index
    %get3A_5 = arith.constant 0 : index
    %get3A_6 = arith.constant 0 : index
    %get3A_7 = vector.load %arg1[%get3A_4, %get3A_5, %get3A_6] : memref<2x1000x64xf32, #tpu.memory_space<vmem>>, vector<1x1000x64xf32>
    %get3A_8 = vector.shape_cast %get3A_7 : vector<1x1000x64xf32> to vector<1000x64xf32>
    %concatenate3A = tpu.concatenate %get3A_3, %get3A_8 in 1 : vector<1000x64xf32>, vector<1000x64xf32> -> vector<1000x128xf32>
    %get3A_9 = arith.constant 0 : index
    %get3A_10 = arith.constant 0 : index
    %get3A_11 = vector.load %arg2[%get3A_9, %get3A_10] : memref<1000x128xf32, #tpu.memory_space<vmem>>, vector<1000x128xf32>
    %add3A = arith.addf %get3A_11, %concatenate3A : vector<1000x128xf32>
    %get3A_12 = arith.constant 0 : index
    %get3A_13 = arith.constant 0 : index
    %get3A_14 = vector.load %arg3[%get3A_12, %get3A_13] : memref<128x256xf32, #tpu.memory_space<vmem>>, vector<128x256xf32>
    %dot_general3A = arith.constant dense<0.000000e+00> : vector<1000x256xf32>
    %dot_general3A_15 = tpu.matmul %add3A, %get3A_14, %dot_general3A {dimension_numbers = #tpu.dot_dimension_numbers<[1], [0], [0], [1], [0, 0, 1, 1], [], []>, transpose_lhs_hint = false} : vector<1000x128xf32>, vector<128x256xf32>, vector<1000x256xf32> -> vector<1000x256xf32>
    %get3A_16 = arith.constant 0 : index
    %get3A_17 = arith.constant 0 : index
    %get3A_18 = vector.load %arg4[%get3A_16, %get3A_17] : memref<1x256xf32, #tpu.memory_space<vmem>>, vector<1x256xf32>
    %add3A_19 = vector.broadcast %get3A_18 : vector<1x256xf32> to vector<1000x256xf32>
    %add3A_20 = arith.addf %dot_general3A_15, %add3A_19 : vector<1000x256xf32>
    %get3A_21 = arith.constant 0 : index
    %get3A_22 = arith.constant 0 : index
    %get3A_23 = vector.load %arg5[%get3A_21, %get3A_22] : memref<1x256xf32, #tpu.memory_space<vmem>>, vector<1x256xf32>
    %get3A_24 = arith.constant 0 : index
    %get3A_25 = arith.constant 0 : index
    %get3A_26 = vector.load %arg6[%get3A_24, %get3A_25] : memref<1x256xf32, #tpu.memory_space<vmem>>, vector<1x256xf32>
    %reduce_sum3A = arith.constant dense<0.000000e+00> : vector<1000xf32>
    %reduce_sum3A_27 = vector.multi_reduction <add>, %add3A_20, %reduce_sum3A [1] : vector<1000x256xf32> to vector<1000xf32>
    %broadcast_in_dim3A = vector.shape_cast %reduce_sum3A_27 : vector<1000xf32> to vector<1000x1xf32>
    %div3A = arith.constant 2.560000e+02 : f32
    %div3A_28 = vector.broadcast %div3A : f32 to vector<1000x1xf32>
    %div3A_29 = arith.divf %broadcast_in_dim3A, %div3A_28 : vector<1000x1xf32>
    %sub3A = vector.broadcast %div3A_29 : vector<1000x1xf32> to vector<1000x256xf32>
    %sub3A_30 = arith.subf %add3A_20, %sub3A : vector<1000x256xf32>
    %integer_pow3A = arith.mulf %sub3A_30, %sub3A_30 : vector<1000x256xf32>
    %reduce_sum3A_31 = arith.constant dense<0.000000e+00> : vector<1000xf32>
    %reduce_sum3A_32 = vector.multi_reduction <add>, %integer_pow3A, %reduce_sum3A_31 [1] : vector<1000x256xf32> to vector<1000xf32>
    %broadcast_in_dim3A_33 = vector.shape_cast %reduce_sum3A_32 : vector<1000xf32> to vector<1000x1xf32>
    %div3A_34 = arith.constant 2.560000e+02 : f32
    %div3A_35 = vector.broadcast %div3A_34 : f32 to vector<1000x1xf32>
    %div3A_36 = arith.divf %broadcast_in_dim3A_33, %div3A_35 : vector<1000x1xf32>
    %sub3A_37 = vector.broadcast %div3A_29 : vector<1000x1xf32> to vector<1000x256xf32>
    %sub3A_38 = arith.subf %add3A_20, %sub3A_37 : vector<1000x256xf32>
    %add3A_39 = arith.constant 9.99999974E-6 : f32
    %add3A_40 = vector.broadcast %add3A_39 : f32 to vector<1000x1xf32>
    %add3A_41 = arith.addf %div3A_36, %add3A_40 : vector<1000x1xf32>
    %sqrt3A = math.sqrt %add3A_41 : vector<1000x1xf32>
    %div3A_42 = vector.broadcast %sqrt3A : vector<1000x1xf32> to vector<1000x256xf32>
    %div3A_43 = arith.divf %sub3A_38, %div3A_42 : vector<1000x256xf32>
    %mul3A = vector.broadcast %get3A_23 : vector<1x256xf32> to vector<1000x256xf32>
    %mul3A_44 = arith.mulf %div3A_43, %mul3A : vector<1000x256xf32>
    %add3A_45 = vector.broadcast %get3A_26 : vector<1x256xf32> to vector<1000x256xf32>
    %add3A_46 = arith.addf %mul3A_44, %add3A_45 : vector<1000x256xf32>
    %max3A = arith.constant 0.000000e+00 : f32
    %max3A_47 = vector.broadcast %max3A : f32 to vector<1000x256xf32>
    %max3A_48 = arith.maximumf %add3A_46, %max3A_47 : vector<1000x256xf32>
    %get3A_49 = arith.constant 0 : index
    %get3A_50 = arith.constant 0 : index
    %get3A_51 = vector.load %arg7[%get3A_49, %get3A_50] : memref<256x128xf32, #tpu.memory_space<vmem>>, vector<256x128xf32>
    %dot_general3A_52 = arith.constant dense<0.000000e+00> : vector<1000x128xf32>
    %dot_general3A_53 = tpu.matmul %max3A_48, %get3A_51, %dot_general3A_52 {dimension_numbers = #tpu.dot_dimension_numbers<[1], [0], [0], [1], [0, 0, 1, 1], [], []>, transpose_lhs_hint = false} : vector<1000x256xf32>, vector<256x128xf32>, vector<1000x128xf32> -> vector<1000x128xf32>
    %get3A_54 = arith.constant 0 : index
    %get3A_55 = arith.constant 0 : index
    %get3A_56 = vector.load %arg8[%get3A_54, %get3A_55] : memref<1x128xf32, #tpu.memory_space<vmem>>, vector<1x128xf32>
    %add3A_57 = vector.broadcast %get3A_56 : vector<1x128xf32> to vector<1000x128xf32>
    %add3A_58 = arith.addf %dot_general3A_53, %add3A_57 : vector<1000x128xf32>
    %swap3A = arith.constant 0 : index
    %swap3A_59 = arith.constant 0 : index
    %swap3A_60 = vector.load %arg11[%swap3A, %swap3A_59] : memref<1000x128xf32, #tpu.memory_space<vmem>>, vector<1000x128xf32>
    tpu.vector_store %arg11[%swap3A, %swap3A_59], %add3A_58 {strides = array<i32>} : memref<1000x128xf32, #tpu.memory_space<vmem>>, vector<1000x128xf32>,
    %get3A_61 = arith.constant 0 : index
    %get3A_62 = arith.constant 0 : index
    %get3A_63 = vector.load %arg9[%get3A_61, %get3A_62] : memref<1x128xf32, #tpu.memory_space<vmem>>, vector<1x128xf32>
    %get3A_64 = arith.constant 0 : index
    %get3A_65 = arith.constant 0 : index
    %get3A_66 = vector.load %arg10[%get3A_64, %get3A_65] : memref<1x128xf32, #tpu.memory_space<vmem>>, vector<1x128xf32>
    %reduce_sum3A_67 = arith.constant dense<0.000000e+00> : vector<1000xf32>
    %reduce_sum3A_68 = vector.multi_reduction <add>, %add3A_58, %reduce_sum3A_67 [1] : vector<1000x128xf32> to vector<1000xf32>
    %broadcast_in_dim3A_69 = vector.shape_cast %reduce_sum3A_68 : vector<1000xf32> to vector<1000x1xf32>
    %div3A_70 = arith.constant 1.280000e+02 : f32
    %div3A_71 = vector.broadcast %div3A_70 : f32 to vector<1000x1xf32>
    %div3A_72 = arith.divf %broadcast_in_dim3A_69, %div3A_71 : vector<1000x1xf32>
    %sub3A_73 = vector.broadcast %div3A_72 : vector<1000x1xf32> to vector<1000x128xf32>
    %sub3A_74 = arith.subf %add3A_58, %sub3A_73 : vector<1000x128xf32>
    %integer_pow3A_75 = arith.mulf %sub3A_74, %sub3A_74 : vector<1000x128xf32>
    %reduce_sum3A_76 = arith.constant dense<0.000000e+00> : vector<1000xf32>
    %reduce_sum3A_77 = vector.multi_reduction <add>, %integer_pow3A_75, %reduce_sum3A_76 [1] : vector<1000x128xf32> to vector<1000xf32>
    %broadcast_in_dim3A_78 = vector.shape_cast %reduce_sum3A_77 : vector<1000xf32> to vector<1000x1xf32>
    %div3A_79 = arith.constant 1.280000e+02 : f32
    %div3A_80 = vector.broadcast %div3A_79 : f32 to vector<1000x1xf32>
    %div3A_81 = arith.divf %broadcast_in_dim3A_78, %div3A_80 : vector<1000x1xf32>
    %sub3A_82 = vector.broadcast %div3A_72 : vector<1000x1xf32> to vector<1000x128xf32>
    %sub3A_83 = arith.subf %add3A_58, %sub3A_82 : vector<1000x128xf32>
    %add3A_84 = arith.constant 9.99999974E-6 : f32
    %add3A_85 = vector.broadcast %add3A_84 : f32 to vector<1000x1xf32>
    %add3A_86 = arith.addf %div3A_81, %add3A_85 : vector<1000x1xf32>
    %sqrt3A_87 = math.sqrt %add3A_86 : vector<1000x1xf32>
    %div3A_88 = vector.broadcast %sqrt3A_87 : vector<1000x1xf32> to vector<1000x128xf32>
    %div3A_89 = arith.divf %sub3A_83, %div3A_88 : vector<1000x128xf32>
    %mul3A_90 = vector.broadcast %get3A_63 : vector<1x128xf32> to vector<1000x128xf32>
    %mul3A_91 = arith.mulf %div3A_89, %mul3A_90 : vector<1000x128xf32>
    %add3A_92 = vector.broadcast %get3A_66 : vector<1x128xf32> to vector<1000x128xf32>
    %add3A_93 = arith.addf %mul3A_91, %add3A_92 : vector<1000x128xf32>
    %max3A_94 = arith.constant 0.000000e+00 : f32
    %max3A_95 = vector.broadcast %max3A_94 : f32 to vector<1000x128xf32>
    %max3A_96 = arith.maximumf %add3A_93, %max3A_95 : vector<1000x128xf32>
    %swap3A_97 = arith.constant 0 : index
    %swap3A_98 = arith.constant 0 : index
    %swap3A_99 = vector.load %arg12[%swap3A_97, %swap3A_98] : memref<1000x128xf32, #tpu.memory_space<vmem>>, vector<1000x128xf32>
    tpu.vector_store %arg12[%swap3A_97, %swap3A_98], %max3A_96 {strides = array<i32>} : memref<1000x128xf32, #tpu.memory_space<vmem>>, vector<1000x128xf32>,
    %slice3A = vector.extract_strided_slice %max3A_96 {offsets = [0, 0], sizes = [1000, 64], strides = [1, 1]} : vector<1000x128xf32> to vector<1000x64xf32>
    %slice3A_100 = vector.extract_strided_slice %max3A_96 {offsets = [0, 64], sizes = [1000, 64], strides = [1, 1]} : vector<1000x128xf32> to vector<1000x64xf32>
    %stack3A = vector.shape_cast %slice3A : vector<1000x64xf32> to vector<1x1000x64xf32>
    %stack3A_101 = vector.shape_cast %slice3A_100 : vector<1000x64xf32> to vector<1x1000x64xf32>
    %stack3A_102 = tpu.concatenate %stack3A, %stack3A_101 in 0 : vector<1x1000x64xf32>, vector<1x1000x64xf32> -> vector<2x1000x64xf32>
    %swap3A_103 = arith.constant 0 : index
    %swap3A_104 = arith.constant 0 : index
    %swap3A_105 = arith.constant 0 : index
    %swap3A_106 = vector.load %arg13[%swap3A_103, %swap3A_104, %swap3A_105] : memref<2x1000x64xf32, #tpu.memory_space<vmem>>, vector<2x1000x64xf32>
    tpu.vector_store %arg13[%swap3A_103, %swap3A_104, %swap3A_105], %stack3A_102 {strides = array<i32>} : memref<2x1000x64xf32, #tpu.memory_space<vmem>>, vector<2x1000x64xf32>,
    return
  }
  func.func @transform_0(%arg0: i32) -> (i32, i32, i32) {
    %c0_i32 = arith.constant 0 : i32
    %c0_i32_0 = arith.constant 0 : i32
    %c0_i32_1 = arith.constant 0 : i32
    return %c0_i32, %arg0, %c0_i32_0 : i32, i32, i32
  }
  func.func @transform_1(%arg0: i32) -> (i32, i32) {
    %c0_i32 = arith.constant 0 : i32
    %c0_i32_0 = arith.constant 0 : i32
    return %arg0, %c0_i32 : i32, i32
  }
  func.func @transform_2(%arg0: i32) -> (i32, i32) {
    %c0_i32 = arith.constant 0 : i32
    %c0_i32_0 = arith.constant 0 : i32
    %c0_i32_1 = arith.constant 0 : i32
    return %c0_i32, %c0_i32_0 : i32, i32
  }
  func.func @transform_3(%arg0: i32) -> (i32, i32) {
    %c0_i32 = arith.constant 0 : i32
    %c0_i32_0 = arith.constant 0 : i32
    %c0_i32_1 = arith.constant 0 : i32
    return %c0_i32, %c0_i32_0 : i32, i32
  }
  func.func @transform_4(%arg0: i32) -> (i32, i32) {
    %c0_i32 = arith.constant 0 : i32
    %c0_i32_0 = arith.constant 0 : i32
    %c0_i32_1 = arith.constant 0 : i32
    return %c0_i32, %c0_i32_0 : i32, i32
  }
  func.func @transform_5(%arg0: i32) -> (i32, i32) {
    %c0_i32 = arith.constant 0 : i32
    %c0_i32_0 = arith.constant 0 : i32
    %c0_i32_1 = arith.constant 0 : i32
    return %c0_i32, %c0_i32_0 : i32, i32
  }
  func.func @transform_6(%arg0: i32) -> (i32, i32) {
    %c0_i32 = arith.constant 0 : i32
    %c0_i32_0 = arith.constant 0 : i32
    %c0_i32_1 = arith.constant 0 : i32
    return %c0_i32, %c0_i32_0 : i32, i32
  }
  func.func @transform_7(%arg0: i32) -> (i32, i32) {
    %c0_i32 = arith.constant 0 : i32
    %c0_i32_0 = arith.constant 0 : i32
    %c0_i32_1 = arith.constant 0 : i32
    return %c0_i32, %c0_i32_0 : i32, i32
  }
  func.func @transform_8(%arg0: i32) -> (i32, i32) {
    %c0_i32 = arith.constant 0 : i32
    %c0_i32_0 = arith.constant 0 : i32
    %c0_i32_1 = arith.constant 0 : i32
    return %c0_i32, %c0_i32_0 : i32, i32
  }
  func.func @transform_9(%arg0: i32) -> (i32, i32) {
    %c0_i32 = arith.constant 0 : i32
    %c0_i32_0 = arith.constant 0 : i32
    %c0_i32_1 = arith.constant 0 : i32
    return %c0_i32, %c0_i32_0 : i32, i32
  }
  func.func @transform_10(%arg0: i32) -> (i32, i32) {
    %c0_i32 = arith.constant 0 : i32
    %c0_i32_0 = arith.constant 0 : i32
    return %arg0, %c0_i32 : i32, i32
  }
  func.func @transform_11(%arg0: i32) -> (i32, i32) {
    %c0_i32 = arith.constant 0 : i32
    %c0_i32_0 = arith.constant 0 : i32
    return %arg0, %c0_i32 : i32, i32
  }
  func.func @transform_12(%arg0: i32) -> (i32, i32, i32) {
    %c0_i32 = arith.constant 0 : i32
    %c0_i32_0 = arith.constant 0 : i32
    %c0_i32_1 = arith.constant 0 : i32
    return %c0_i32, %arg0, %c0_i32_0 : i32, i32, i32
  }
}

module attributes {stable_mosaic.version = 14 : i64} {
  func.func @_update2_body(%arg0: i32, %arg1: memref<2x1000x64xf32, #tpu.memory_space<vmem>>, %arg2: memref<1000x128xf32, #tpu.memory_space<vmem>>, %arg3: memref<1000x128xf32, #tpu.memory_space<vmem>>, %arg4: memref<128x256xf32, #tpu.memory_space<vmem>>, %arg5: memref<1x256xf32, #tpu.memory_space<vmem>>, %arg6: memref<1x256xf32, #tpu.memory_space<vmem>>, %arg7: memref<1x256xf32, #tpu.memory_space<vmem>>, %arg8: memref<256x128xf32, #tpu.memory_space<vmem>>, %arg9: memref<1x128xf32, #tpu.memory_space<vmem>>, %arg10: memref<1x128xf32, #tpu.memory_space<vmem>>, %arg11: memref<1x128xf32, #tpu.memory_space<vmem>>, %arg12: memref<128x128xf32, #tpu.memory_space<vmem>>, %arg13: memref<1x128xf32, #tpu.memory_space<vmem>>, %arg14: memref<1000x128xf32, #tpu.memory_space<vmem>>) attributes {dimension_semantics = [#tpu.dimension_semantics<arbitrary>], iteration_bounds = array<i64: 10>, scalar_prefetch = 0 : i64, scratch_operands = 0 : i64, tpu.core_type = #tpu.core_type<tc>, window_params = [{transform_indices = @transform_0, window_bounds = array<i64: 2, 1000, 64>}, {transform_indices = @transform_1, window_bounds = array<i64: 1000, 128>}, {transform_indices = @transform_2, window_bounds = array<i64: 1000, 128>}, {pipeline_mode = #tpu.pipeline_mode<synchronous>, transform_indices = @transform_3, window_bounds = array<i64: 128, 256>}, {pipeline_mode = #tpu.pipeline_mode<synchronous>, transform_indices = @transform_4, window_bounds = array<i64: 1, 256>}, {pipeline_mode = #tpu.pipeline_mode<synchronous>, transform_indices = @transform_5, window_bounds = array<i64: 1, 256>}, {pipeline_mode = #tpu.pipeline_mode<synchronous>, transform_indices = @transform_6, window_bounds = array<i64: 1, 256>}, {pipeline_mode = #tpu.pipeline_mode<synchronous>, transform_indices = @transform_7, window_bounds = array<i64: 256, 128>}, {pipeline_mode = #tpu.pipeline_mode<synchronous>, transform_indices = @transform_8, window_bounds = array<i64: 1, 128>}, {pipeline_mode = #tpu.pipeline_mode<synchronous>, transform_indices = @transform_9, window_bounds = array<i64: 1, 128>}, {pipeline_mode = #tpu.pipeline_mode<synchronous>, transform_indices = @transform_10, window_bounds = array<i64: 1, 128>}, {pipeline_mode = #tpu.pipeline_mode<synchronous>, transform_indices = @transform_11, window_bounds = array<i64: 128, 128>}, {pipeline_mode = #tpu.pipeline_mode<synchronous>, transform_indices = @transform_12, window_bounds = array<i64: 1, 128>}, {transform_indices = @transform_13, window_bounds = array<i64: 1000, 128>}]} {
    %get3A = arith.constant 0 : index
    %get3A_0 = arith.constant 0 : index
    %get3A_1 = arith.constant 0 : index
    %get3A_2 = vector.load %arg1[%get3A, %get3A_0, %get3A_1] : memref<2x1000x64xf32, #tpu.memory_space<vmem>>, vector<1x1000x64xf32>
    %get3A_3 = vector.shape_cast %get3A_2 : vector<1x1000x64xf32> to vector<1000x64xf32>
    %get3A_4 = arith.constant 1 : index
    %get3A_5 = arith.constant 0 : index
    %get3A_6 = arith.constant 0 : index
    %get3A_7 = vector.load %arg1[%get3A_4, %get3A_5, %get3A_6] : memref<2x1000x64xf32, #tpu.memory_space<vmem>>, vector<1x1000x64xf32>
    %get3A_8 = vector.shape_cast %get3A_7 : vector<1x1000x64xf32> to vector<1000x64xf32>
    %concatenate3A = tpu.concatenate %get3A_3, %get3A_8 in 1 : vector<1000x64xf32>, vector<1000x64xf32> -> vector<1000x128xf32>
    %get3A_9 = arith.constant 0 : index
    %get3A_10 = arith.constant 0 : index
    %get3A_11 = vector.load %arg2[%get3A_9, %get3A_10] : memref<1000x128xf32, #tpu.memory_space<vmem>>, vector<1000x128xf32>
    %add3A = arith.addf %get3A_11, %concatenate3A : vector<1000x128xf32>
    %get3A_12 = arith.constant 0 : index
    %get3A_13 = arith.constant 0 : index
    %get3A_14 = vector.load %arg4[%get3A_12, %get3A_13] : memref<128x256xf32, #tpu.memory_space<vmem>>, vector<128x256xf32>
    %dot_general3A = arith.constant dense<0.000000e+00> : vector<1000x256xf32>
    %dot_general3A_15 = tpu.matmul %add3A, %get3A_14, %dot_general3A {dimension_numbers = #tpu.dot_dimension_numbers<[1], [0], [0], [1], [0, 0, 1, 1], [], []>, transpose_lhs_hint = false} : vector<1000x128xf32>, vector<128x256xf32>, vector<1000x256xf32> -> vector<1000x256xf32>
    %get3A_16 = arith.constant 0 : index
    %get3A_17 = arith.constant 0 : index
    %get3A_18 = vector.load %arg5[%get3A_16, %get3A_17] : memref<1x256xf32, #tpu.memory_space<vmem>>, vector<1x256xf32>
    %add3A_19 = vector.broadcast %get3A_18 : vector<1x256xf32> to vector<1000x256xf32>
    %add3A_20 = arith.addf %dot_general3A_15, %add3A_19 : vector<1000x256xf32>
    %get3A_21 = arith.constant 0 : index
    %get3A_22 = arith.constant 0 : index
    %get3A_23 = vector.load %arg6[%get3A_21, %get3A_22] : memref<1x256xf32, #tpu.memory_space<vmem>>, vector<1x256xf32>
    %get3A_24 = arith.constant 0 : index
    %get3A_25 = arith.constant 0 : index
    %get3A_26 = vector.load %arg7[%get3A_24, %get3A_25] : memref<1x256xf32, #tpu.memory_space<vmem>>, vector<1x256xf32>
    %reduce_sum3A = arith.constant dense<0.000000e+00> : vector<1000xf32>
    %reduce_sum3A_27 = vector.multi_reduction <add>, %add3A_20, %reduce_sum3A [1] : vector<1000x256xf32> to vector<1000xf32>
    %broadcast_in_dim3A = vector.shape_cast %reduce_sum3A_27 : vector<1000xf32> to vector<1000x1xf32>
    %div3A = arith.constant 2.560000e+02 : f32
    %div3A_28 = vector.broadcast %div3A : f32 to vector<1000x1xf32>
    %div3A_29 = arith.divf %broadcast_in_dim3A, %div3A_28 : vector<1000x1xf32>
    %sub3A = vector.broadcast %div3A_29 : vector<1000x1xf32> to vector<1000x256xf32>
    %sub3A_30 = arith.subf %add3A_20, %sub3A : vector<1000x256xf32>
    %integer_pow3A = arith.mulf %sub3A_30, %sub3A_30 : vector<1000x256xf32>
    %reduce_sum3A_31 = arith.constant dense<0.000000e+00> : vector<1000xf32>
    %reduce_sum3A_32 = vector.multi_reduction <add>, %integer_pow3A, %reduce_sum3A_31 [1] : vector<1000x256xf32> to vector<1000xf32>
    %broadcast_in_dim3A_33 = vector.shape_cast %reduce_sum3A_32 : vector<1000xf32> to vector<1000x1xf32>
    %div3A_34 = arith.constant 2.560000e+02 : f32
    %div3A_35 = vector.broadcast %div3A_34 : f32 to vector<1000x1xf32>
    %div3A_36 = arith.divf %broadcast_in_dim3A_33, %div3A_35 : vector<1000x1xf32>
    %sub3A_37 = vector.broadcast %div3A_29 : vector<1000x1xf32> to vector<1000x256xf32>
    %sub3A_38 = arith.subf %add3A_20, %sub3A_37 : vector<1000x256xf32>
    %add3A_39 = arith.constant 9.99999974E-6 : f32
    %add3A_40 = vector.broadcast %add3A_39 : f32 to vector<1000x1xf32>
    %add3A_41 = arith.addf %div3A_36, %add3A_40 : vector<1000x1xf32>
    %sqrt3A = math.sqrt %add3A_41 : vector<1000x1xf32>
    %div3A_42 = vector.broadcast %sqrt3A : vector<1000x1xf32> to vector<1000x256xf32>
    %div3A_43 = arith.divf %sub3A_38, %div3A_42 : vector<1000x256xf32>
    %mul3A = vector.broadcast %get3A_23 : vector<1x256xf32> to vector<1000x256xf32>
    %mul3A_44 = arith.mulf %div3A_43, %mul3A : vector<1000x256xf32>
    %add3A_45 = vector.broadcast %get3A_26 : vector<1x256xf32> to vector<1000x256xf32>
    %add3A_46 = arith.addf %mul3A_44, %add3A_45 : vector<1000x256xf32>
    %max3A = arith.constant 0.000000e+00 : f32
    %max3A_47 = vector.broadcast %max3A : f32 to vector<1000x256xf32>
    %max3A_48 = arith.maximumf %add3A_46, %max3A_47 : vector<1000x256xf32>
    %get3A_49 = arith.constant 0 : index
    %get3A_50 = arith.constant 0 : index
    %get3A_51 = vector.load %arg3[%get3A_49, %get3A_50] : memref<1000x128xf32, #tpu.memory_space<vmem>>, vector<1000x128xf32>
    %get3A_52 = arith.constant 0 : index
    %get3A_53 = arith.constant 0 : index
    %get3A_54 = vector.load %arg8[%get3A_52, %get3A_53] : memref<256x128xf32, #tpu.memory_space<vmem>>, vector<256x128xf32>
    %dot_general3A_55 = arith.constant dense<0.000000e+00> : vector<1000x128xf32>
    %dot_general3A_56 = tpu.matmul %max3A_48, %get3A_54, %dot_general3A_55 {dimension_numbers = #tpu.dot_dimension_numbers<[1], [0], [0], [1], [0, 0, 1, 1], [], []>, transpose_lhs_hint = false} : vector<1000x256xf32>, vector<256x128xf32>, vector<1000x128xf32> -> vector<1000x128xf32>
    %add3A_57 = arith.addf %get3A_51, %dot_general3A_56 : vector<1000x128xf32>
    %get3A_58 = arith.constant 0 : index
    %get3A_59 = arith.constant 0 : index
    %get3A_60 = vector.load %arg9[%get3A_58, %get3A_59] : memref<1x128xf32, #tpu.memory_space<vmem>>, vector<1x128xf32>
    %add3A_61 = vector.broadcast %get3A_60 : vector<1x128xf32> to vector<1000x128xf32>
    %add3A_62 = arith.addf %add3A_57, %add3A_61 : vector<1000x128xf32>
    %get3A_63 = arith.constant 0 : index
    %get3A_64 = arith.constant 0 : index
    %get3A_65 = vector.load %arg10[%get3A_63, %get3A_64] : memref<1x128xf32, #tpu.memory_space<vmem>>, vector<1x128xf32>
    %get3A_66 = arith.constant 0 : index
    %get3A_67 = arith.constant 0 : index
    %get3A_68 = vector.load %arg11[%get3A_66, %get3A_67] : memref<1x128xf32, #tpu.memory_space<vmem>>, vector<1x128xf32>
    %reduce_sum3A_69 = arith.constant dense<0.000000e+00> : vector<1000xf32>
    %reduce_sum3A_70 = vector.multi_reduction <add>, %add3A_62, %reduce_sum3A_69 [1] : vector<1000x128xf32> to vector<1000xf32>
    %broadcast_in_dim3A_71 = vector.shape_cast %reduce_sum3A_70 : vector<1000xf32> to vector<1000x1xf32>
    %div3A_72 = arith.constant 1.280000e+02 : f32
    %div3A_73 = vector.broadcast %div3A_72 : f32 to vector<1000x1xf32>
    %div3A_74 = arith.divf %broadcast_in_dim3A_71, %div3A_73 : vector<1000x1xf32>
    %sub3A_75 = vector.broadcast %div3A_74 : vector<1000x1xf32> to vector<1000x128xf32>
    %sub3A_76 = arith.subf %add3A_62, %sub3A_75 : vector<1000x128xf32>
    %integer_pow3A_77 = arith.mulf %sub3A_76, %sub3A_76 : vector<1000x128xf32>
    %reduce_sum3A_78 = arith.constant dense<0.000000e+00> : vector<1000xf32>
    %reduce_sum3A_79 = vector.multi_reduction <add>, %integer_pow3A_77, %reduce_sum3A_78 [1] : vector<1000x128xf32> to vector<1000xf32>
    %broadcast_in_dim3A_80 = vector.shape_cast %reduce_sum3A_79 : vector<1000xf32> to vector<1000x1xf32>
    %div3A_81 = arith.constant 1.280000e+02 : f32
    %div3A_82 = vector.broadcast %div3A_81 : f32 to vector<1000x1xf32>
    %div3A_83 = arith.divf %broadcast_in_dim3A_80, %div3A_82 : vector<1000x1xf32>
    %sub3A_84 = vector.broadcast %div3A_74 : vector<1000x1xf32> to vector<1000x128xf32>
    %sub3A_85 = arith.subf %add3A_62, %sub3A_84 : vector<1000x128xf32>
    %add3A_86 = arith.constant 9.99999974E-6 : f32
    %add3A_87 = vector.broadcast %add3A_86 : f32 to vector<1000x1xf32>
    %add3A_88 = arith.addf %div3A_83, %add3A_87 : vector<1000x1xf32>
    %sqrt3A_89 = math.sqrt %add3A_88 : vector<1000x1xf32>
    %div3A_90 = vector.broadcast %sqrt3A_89 : vector<1000x1xf32> to vector<1000x128xf32>
    %div3A_91 = arith.divf %sub3A_85, %div3A_90 : vector<1000x128xf32>
    %mul3A_92 = vector.broadcast %get3A_65 : vector<1x128xf32> to vector<1000x128xf32>
    %mul3A_93 = arith.mulf %div3A_91, %mul3A_92 : vector<1000x128xf32>
    %add3A_94 = vector.broadcast %get3A_68 : vector<1x128xf32> to vector<1000x128xf32>
    %add3A_95 = arith.addf %mul3A_93, %add3A_94 : vector<1000x128xf32>
    %max3A_96 = arith.constant 0.000000e+00 : f32
    %max3A_97 = vector.broadcast %max3A_96 : f32 to vector<1000x128xf32>
    %max3A_98 = arith.maximumf %add3A_95, %max3A_97 : vector<1000x128xf32>
    %get3A_99 = arith.constant 0 : index
    %get3A_100 = arith.constant 0 : index
    %get3A_101 = vector.load %arg12[%get3A_99, %get3A_100] : memref<128x128xf32, #tpu.memory_space<vmem>>, vector<128x128xf32>
    %dot_general3A_102 = arith.constant dense<0.000000e+00> : vector<1000x128xf32>
    %dot_general3A_103 = tpu.matmul %max3A_98, %get3A_101, %dot_general3A_102 {dimension_numbers = #tpu.dot_dimension_numbers<[1], [0], [0], [1], [0, 0, 1, 1], [], []>, transpose_lhs_hint = false} : vector<1000x128xf32>, vector<128x128xf32>, vector<1000x128xf32> -> vector<1000x128xf32>
    %get3A_104 = arith.constant 0 : index
    %get3A_105 = arith.constant 0 : index
    %get3A_106 = vector.load %arg13[%get3A_104, %get3A_105] : memref<1x128xf32, #tpu.memory_space<vmem>>, vector<1x128xf32>
    %add3A_107 = vector.broadcast %get3A_106 : vector<1x128xf32> to vector<1000x128xf32>
    %add3A_108 = arith.addf %dot_general3A_103, %add3A_107 : vector<1000x128xf32>
    %swap3A = arith.constant 0 : index
    %swap3A_109 = arith.constant 0 : index
    %swap3A_110 = vector.load %arg14[%swap3A, %swap3A_109] : memref<1000x128xf32, #tpu.memory_space<vmem>>, vector<1000x128xf32>
    tpu.vector_store %arg14[%swap3A, %swap3A_109], %add3A_108 {strides = array<i32>} : memref<1000x128xf32, #tpu.memory_space<vmem>>, vector<1000x128xf32>,
    return
  }
  func.func @transform_0(%arg0: i32) -> (i32, i32, i32) {
    %c0_i32 = arith.constant 0 : i32
    %c0_i32_0 = arith.constant 0 : i32
    %c0_i32_1 = arith.constant 0 : i32
    return %c0_i32, %arg0, %c0_i32_0 : i32, i32, i32
  }
  func.func @transform_1(%arg0: i32) -> (i32, i32) {
    %c0_i32 = arith.constant 0 : i32
    %c0_i32_0 = arith.constant 0 : i32
    return %arg0, %c0_i32 : i32, i32
  }
  func.func @transform_2(%arg0: i32) -> (i32, i32) {
    %c0_i32 = arith.constant 0 : i32
    %c0_i32_0 = arith.constant 0 : i32
    return %arg0, %c0_i32 : i32, i32
  }
  func.func @transform_3(%arg0: i32) -> (i32, i32) {
    %c0_i32 = arith.constant 0 : i32
    %c0_i32_0 = arith.constant 0 : i32
    %c0_i32_1 = arith.constant 0 : i32
    return %c0_i32, %c0_i32_0 : i32, i32
  }
  func.func @transform_4(%arg0: i32) -> (i32, i32) {
    %c0_i32 = arith.constant 0 : i32
    %c0_i32_0 = arith.constant 0 : i32
    %c0_i32_1 = arith.constant 0 : i32
    return %c0_i32, %c0_i32_0 : i32, i32
  }
  func.func @transform_5(%arg0: i32) -> (i32, i32) {
    %c0_i32 = arith.constant 0 : i32
    %c0_i32_0 = arith.constant 0 : i32
    %c0_i32_1 = arith.constant 0 : i32
    return %c0_i32, %c0_i32_0 : i32, i32
  }
  func.func @transform_6(%arg0: i32) -> (i32, i32) {
    %c0_i32 = arith.constant 0 : i32
    %c0_i32_0 = arith.constant 0 : i32
    %c0_i32_1 = arith.constant 0 : i32
    return %c0_i32, %c0_i32_0 : i32, i32
  }
  func.func @transform_7(%arg0: i32) -> (i32, i32) {
    %c0_i32 = arith.constant 0 : i32
    %c0_i32_0 = arith.constant 0 : i32
    %c0_i32_1 = arith.constant 0 : i32
    return %c0_i32, %c0_i32_0 : i32, i32
  }
  func.func @transform_8(%arg0: i32) -> (i32, i32) {
    %c0_i32 = arith.constant 0 : i32
    %c0_i32_0 = arith.constant 0 : i32
    %c0_i32_1 = arith.constant 0 : i32
    return %c0_i32, %c0_i32_0 : i32, i32
  }
  func.func @transform_9(%arg0: i32) -> (i32, i32) {
    %c0_i32 = arith.constant 0 : i32
    %c0_i32_0 = arith.constant 0 : i32
    %c0_i32_1 = arith.constant 0 : i32
    return %c0_i32, %c0_i32_0 : i32, i32
  }
  func.func @transform_10(%arg0: i32) -> (i32, i32) {
    %c0_i32 = arith.constant 0 : i32
    %c0_i32_0 = arith.constant 0 : i32
    %c0_i32_1 = arith.constant 0 : i32
    return %c0_i32, %c0_i32_0 : i32, i32
  }
  func.func @transform_11(%arg0: i32) -> (i32, i32) {
    %c0_i32 = arith.constant 0 : i32
    %c0_i32_0 = arith.constant 0 : i32
    %c0_i32_1 = arith.constant 0 : i32
    return %c0_i32, %c0_i32_0 : i32, i32
  }
  func.func @transform_12(%arg0: i32) -> (i32, i32) {
    %c0_i32 = arith.constant 0 : i32
    %c0_i32_0 = arith.constant 0 : i32
    %c0_i32_1 = arith.constant 0 : i32
    return %c0_i32, %c0_i32_0 : i32, i32
  }
  func.func @transform_13(%arg0: i32) -> (i32, i32) {
    %c0_i32 = arith.constant 0 : i32
    %c0_i32_0 = arith.constant 0 : i32
    return %arg0, %c0_i32 : i32, i32
  }
}

</mosaic_0001>

<sc_bundles>
// kernel: kernel.11.cloned.1.call-start
scs
__scs_entry_jumppad:
0x0: {  	(pc) =	sbr.rel $0x88, $3  }
0x1: {  	(tag) =	ssettag $0x0;
	lr =	simm.s32 $0x1  }
0x2: {  	[smem:$0x3F86] =	sst lr;
	_ =	strace $0xD0000000  }
0x3: {  	_ = 	snop  }
0x4: {  	_ = 	snop  }
0x5: {  	_ = 	snop  }
0x6: {  	_ = 	snop  }
0x7: {  	_ = 	snop  }
__scs_overlays_trampoline_lowered:
0x8: {  	[smem:$0x3F95] =	sst s0  }
0x9: {  	[smem:$0x3F96] =	sst s1  }
0xa: {  	[smem:$0x3F97] =	sst s2  }
0xb: {  	[smem:$0x3F98] =	sst s3  }
0xc: {  	[smem:$0x3F99] =	sst s4  }
0xd: {  	[smem:$0x3F9A] =	sst s5  }
0xe: {  	[smem:$0x3F9B] =	sst s6  }
0xf: {  	[smem:$0x3F9C] =	sst s7  }
0x10: {  	[smem:$0x3F9D] =	sst s8  }
0x11: {  	[smem:$0x3F9E] =	sst s9;
	s0 =	simm.s32 @!p0 $0x0  }
0x12: {  	s1 =	sld [smem:$0x3F84];
	s0 =	simm.s32 @p0 $0x1  }
0x13: {  	[smem:$0x3F9F] =	sst s0;
	s0 =	simm.s32 @!p1 $0x0  }
0x14: {  	s2 =	sld [smem:$0x3F83];
	s0 =	simm.s32 @p1 $0x1  }
0x15: {  	[smem:$0x3FA0] =	sst s0;
	s0 =	simm.s32 @!p2 $0x0  }
0x16: {  	s3 =	sld [smem:$0x3FDB];
	s0 =	simm.s32 @p2 $0x1  }
0x17: {  	s4 =	simm.s32 $0x1BF5;
	[smem:$0x3FA2] =	sst s0  }
0x18: {  	s0 =	sld [smem:$0x3F85];
	_ =	swait.ge [sflag:s4], $0x0  }
0x19: {  	s7 =	sld [smem:$0x3F86]  }
0x1a: {  	s8 =	sadd.s32 $0xFFFFE003, lr  }
0x1b: {  	s9 =	sadd.s32 $0xFFFFFEF7, lr;
	s5 =	simm.s32 $0xFFFFFFFF;
	p2 =	slt.u32 s8, $0xFFFFF086  }
0x1c: {  	p1 =	slt.u32 s9, $0xF7A;
	s5 =	simm.s32 @!p2 $0x0  }
0x1d: {  	s5 =	simm.s32 @p1 $0x1;
	p0 =	seq.s32 s7, s2  }
0x1e: {  	s7 =	smul.u32 @!p0 $0xF7A, s2;
	p2 =	seq.s32 @!p0 s5, $0x0  }
0x1f: {  	s9 =	smul.u32 $0xF7A, s1;
	s8 =	simm.s32 @!p0 $0x1BF5;
	p2 =	por !p2, p0  }
0x20: {  	[sflag:s8] =	ssyncset.s32 @!p0 $0xFFFFF086;
	s6 =	sadd.s32 @!p0 s3, s7;
	s7 =	simm.s32 @!p0 $0x108  }
0x21: {  	s3 =	sadd.s32 s3, s9;
	s6 =	sadd.s32 @!p0 $0x88, s6;
	s7 =	simm.s32 @p2 $0x1082  }
0x22: {  	[simem:s7], [sflag:s8] =	dma.local @!p0 [hbm:s6], $0xF7A  }
0x23: {  	s9 =	sor.u32 $0xD0000000, s2;
	s6 =	simm.s32 $0x108;
	_ =	swait.ge @!p0 [sflag:s8], $0x0  }
0x24: {  	s3 =	sadd.s32 $0x88, s3;
	s6 =	simm.s32 @!p1 $0x1082;
	[sflag:s4] =	ssyncset.s32 $0xFFFFF086  }
0x25: {  	[simem:s6], [sflag:s4] =	dma.local [hbm:s3], $0xF7A  }
0x26: {  	[smem:$0x3F86] =	sst s1;
	(tag) =	ssettag s2;
	_ =	strace s9  }
0x27: {  	s1 =	sld [smem:$0x3F96]  }
0x28: {  	s2 =	sld [smem:$0x3F97]  }
0x29: {  	s4 =	sld [smem:$0x3F99]  }
0x2a: {  	p0 =	seq.s32 s5, $0x0;
	s5 =	sld [smem:$0x3F9A]  }
0x2b: {  	s6 =	sld [smem:$0x3F9B]  }
0x2c: {  	s7 =	sld [smem:$0x3F9C]  }
0x2d: {  	s3 =	simm.s32 $0x108;
	s8 =	sld [smem:$0x3F9D]  }
0x2e: {  	s3 =	simm.s32 @!p0 $0x1082;
	s9 =	sld [smem:$0x3F9E]  }
0x2f: {  	lr =	sadd.s32 s0, s3;
	s0 =	sld [smem:$0x3F95]  }
0x30: {  	s3 =	sld [smem:$0x3F98]  }
0x31: {  	[smem:$0x3FA1] =	sst s10  }
0x32: {  	s10 =	sld [smem:$0x3F9F];
	_ =	sdelay $0x3  }
0x33: {  	p0 =	seq.s32 s10, $0x1;
	s10 =	sld [smem:$0x3FA1];
	_ =	sdelay $0x3  }
0x34: {  	[smem:$0x3FA1] =	sst s10  }
0x35: {  	s10 =	sld [smem:$0x3FA0];
	_ =	sdelay $0x3  }
0x36: {  	p1 =	seq.s32 s10, $0x1;
	s10 =	sld [smem:$0x3FA1];
	_ =	sdelay $0x3  }
0x37: {  	[smem:$0x3FA1] =	sst s10  }
0x38: {  	s10 =	sld [smem:$0x3FA2]  }
0x39: {  	_ = 	snop;
	(pc) =	sbr.ind lr, $3  }
0x3a: {  	_ = 	snop  }
0x3b: {  	_ = 	snop  }
0x3c: {  	p2 =	seq.s32 s10, $0x1;
	s10 =	sld [smem:$0x3FA1]  }
0x3d: {  	_ =	shalt  }
0x3e: {  	_ =	shalt  }
0x3f: {  	_ =	shalt  }
0x40: {  	_ =	shalt  }
0x41: {  	_ =	shalt  }
0x42: {  	_ =	shalt  }
0x43: {  	_ =	shalt  }
0x44: {  	_ =	shalt  }
0x45: {  	_ =	shalt  }
0x46: {  	_ =	shalt  }
0x47: {  	_ =	shalt  }
0x48: {  	_ =	shalt  }
0x49: {  	_ =	shalt  }
0x4a: {  	_ =	shalt  }
0x4b: {  	_ =	shalt  }
0x4c: {  	_ =	shalt  }
0x4d: {  	_ =	shalt  }
0x4e: {  	_ =	shalt  }
0x4f: {  	_ =	shalt  }
0x50: {  	_ =	shalt  }
0x51: {  	_ =	shalt  }
0x52: {  	_ =	shalt  }
0x53: {  	_ =	shalt  }
0x54: {  	_ =	shalt  }
0x55: {  	_ =	shalt  }
0x56: {  	_ =	shalt  }
0x57: {  	_ =	shalt  }
0x58: {  	_ =	shalt  }
0x59: {  	_ =	shalt  }
0x5a: {  	_ =	shalt  }
0x5b: {  	_ =	shalt  }
0x5c: {  	_ =	shalt  }
0x5d: {  	_ =	shalt  }
0x5e: {  	_ =	shalt  }
0x5f: {  	_ =	shalt  }
0x60: {  	_ =	shalt  }
0x61: {  	_ =	shalt  }
0x62: {  	_ =	shalt  }
0x63: {  	_ =	shalt  }
0x64: {  	_ =	shalt  }
0x65: {  	_ =	shalt  }
0x66: {  	_ =	shalt  }
0x67: {  	_ =	shalt  }
0x68: {  	_ =	shalt  }
0x69: {  	_ =	shalt  }
0x6a: {  	_ =	shalt  }
0x6b: {  	_ =	shalt  }
0x6c: {  	_ =	shalt  }
0x6d: {  	_ =	shalt  }
0x6e: {  	_ =	shalt  }
0x6f: {  	_ =	shalt  }
0x70: {  	_ =	shalt  }
0x71: {  	_ =	shalt  }
0x72: {  	_ =	shalt  }
0x73: {  	_ =	shalt  }
0x74: {  	_ =	shalt  }
0x75: {  	_ =	shalt  }
0x76: {  	_ =	shalt  }
0x77: {  	_ =	shalt  }
0x78: {  	_ =	shalt  }
0x79: {  	_ =	shalt  }
0x7a: {  	_ =	shalt  }
0x7b: {  	_ =	shalt  }
0x7c: {  	_ =	shalt  }
0x7d: {  	_ =	shalt  }
0x7e: {  	_ =	shalt  }
0x7f: {  	_ =	shalt  }
0x80: {  	_ =	shalt  }
0x81: {  	_ =	shalt  }
0x82: {  	_ =	shalt  }
0x83: {  	_ =	shalt  }
0x84: {  	_ =	shalt  }
0x85: {  	_ =	shalt  }
0x86: {  	_ =	shalt  }
0x87: {  	_ =	shalt  }
.Lfunc_end0:
.L_simem_size_0:
called_computation.1_lowered:
.L_overlay_start_0:
0x88: {  	s2 =	sld [smem:$0x3FD9]  }
0x89: {  	s3 =	sld [smem:$0x3FFE];
	_ =	sdelay $0x1  }
0x8a: {  	s1 =	srdreg.scid  }
0x8b: {  	s0 =	sand.u32 $0x1, s1  }
0x8c: {  	s17 =	sshll.u32 s0, $0xA;
	s2 =	sadd.s32 s3, s2  }
0x8d: {  	s2 =	sadd.s32 s2, s17  }
0x8e: {  	[smem:$0x3FAD] =	sst s2  }
0x8f: {  	_ = 	snop  }
0x90: {  	s2 =	sld [smem:$0x3FD0];
	(tm) =	ssettm $0x1  }
0x91: {  	s18 =	sld [smem:$0x3FFB];
	_ =	sdelay $0x3  }
0x92: {  	_ =	strace s18  }
0x93: {  	s3 =	sld [smem:$0x3FFC];
	_ =	sdelay $0x3  }
0x94: {  	_ =	strace s3  }
0x95: {  	s3 =	sld [smem:$0x3FFD];
	_ =	sdelay $0x3  }
0x96: {  	_ =	strace s3  }
0x97: {  	_ =	strace $0x8FFFFFFF  }
0x98: {  	s19 =	sld [smem:$0x3FDB];
	_ =	sdelay $0x1  }
0x99: {  	s4 =	simm.s32 $_scs_section_size  }
0x9a: {  	s5 =	simm.s32 $_size__tile_overlayer_lowered;
	s6 =	simm.s32 $_tile_overlayer_lowered  }
0x9b: {  	s22 =	simm.s32 $0x1BFF;
	s21 =	sshll.u32 s6, $0x1;
	s3 =	sadd.s32 s4, s19  }
0x9c: {  	s7 =	simm.s32 $0x0;
	s20 =	sshll.u32 s5, $0x1;
	s5 =	sadd.s32 s21, s3  }
0x9d: {  	[timem:s7], [sflag:s22] =	dma.local [hbm:s5], s20  }
0x9e: {  	_ =	swait.ge [sflag:s22], s20  }
0x9f: {  	s4 =	ssub.s32 $0x0, s20;
	[sflag:s22] =	ssyncset.done $0x0  }
0xa0: {  	[sflag:s22] =	ssyncadd.s32 s4;
	_ =	sdelay $0x1  }
0xa1: {  	s23 =	simm.s32 $0x1B8B  }
0xa2: {  	_ =	swait.ge [sflag:s23], $0x1  }
0xa3: {  	[sflag:s23] =	ssyncset.done $0x0  }
0xa4: {  	s25 =	simm.s32 $0x1B8E;
	s24 =	sld [smem:$0x3FFE];
	[sflag:s23] =	ssyncadd.s32 $0xFFFFFFFF  }
0xa5: {  	s26 =	simm.s32 $execute0_lowered;
	[smem:$0x3FD2] =	sst s25  }
0xa6: {  	s5 =	sshll.u32 s26, $0x1;
	_ =	strace $0x80000049;
	[dreg:$0x1] =	wrdreg $0xFFFFFFFF  }
0xa7: {  	s28 =	simm.s32 $_size_execute0_lowered;
	s3 =	sadd.s32 s3, s5;
	[dreg:$0x0] =	wrdreg $0x0  }
0xa8: {  	s5 =	sshll.u32 s28, $0x1;
	[dreg:$0x2] =	wrdreg s3  }
0xa9: {  	[dreg:$0x3] =	wrdreg s5  }
0xaa: {  	[dreg:$0x4] =	wrdreg $0xC0  }
0xab: {  	_ =	task [dreg:s7], $0x5FFFF  }
0xac: {  	[dreg:$0x1] =	wrdreg $0xFFFFFFFF  }
0xad: {  	[dreg:$0x0] =	wrdreg $0x60  }
0xae: {  	[dreg:$0x2] =	wrdreg s2  }
0xaf: {  	[dreg:$0x3] =	wrdreg s24  }
0xb0: {  	[dreg:$0x4] =	wrdreg $0x0  }
0xb1: {  	[dreg:$0x5] =	wrdreg $0x9  }
0xb2: {  	_ =	task.clear_ibuf [dreg:s7], $0x6FFFF;
	_ =	strace $0x90000049  }
0xb3: {  	s29 =	simm.s32 $0x9;
	_ =	strace $0x8000004B  }
0xb4: {  	_ =	swait.ge [sflag:s29], $0x1  }
0xb5: {  	[sflag:s29] =	ssyncadd.s32 $0xFFFFFFFF  }
0xb6: {  	_ =	strace $0x9000004B  }
0xb7: {  	_ =	sfence  }
0xb8: {  	s30 =	sld [smem:$0x0];
	_ =	sdelay $0x2  }
0xb9: {  	s31 =	sshll.u32 s1, $0xD;
	s1 =	sshrl.u32 s1, $0x2  }
0xba: {  	s3 =	sand.u32 $0x4000, s31;
	s1 =	sadd.s32 s1, s30  }
0xbb: {  	s0 =	sor.u32 s3, s0;
	s1 =	sshll.u32 s1, $0x11  }
0xbc: {  	s0 =	sor.u32 s1, s0  }
0xbd: {  	s0 =	sadd.s32 $0x8F2B, s0  }
0xbe: {  	[sflag:s0] =	ssyncadd.remote.s32 $0x1  }
0xbf: {  	_ =	sfence.sel $0xFFFF  }
0xc0: {  	[dreg:$0x0] =	wrdreg $0xFFFFFFFF;
	(pc) =	sbr.abs _section_cstart, $3  }
0xc1: {  	[dreg:$0x1] =	wrdreg $0xFFFFFFFF  }
0xc2: {  	_ =	task.clear_ibuf [dreg:s7], $0x2FFFF;
	_ =	strace $0x9FFFFFFF  }
0xc3: {  	(tm) =	ssettm $0x7FFFFFFF  }
tec
execute0_lowered:
.L_overlay_start_1:
0x0: {  	(tag) =	ssettag $0x1  }
0x1: {  	s1 =	rddreg [dreg:$0x0]  }
0x2: {  	s0 =	srdreg.scid;
	s2 =	rddreg [dreg:$0x1]  }
0x3: {  	s8 =	stileid.u32;
	s4 =	rddreg [dreg:$0x2];
	s5 =	simm.s32 $0x0  }
0x4: {  	s0 =	sand.u32 $0x1, s0;
	[smem:$0x7FF] =	sst s5;
	s13 =	sadd.s32 $0x4200, s2  }
0x5: {  	s11 =	sadd.s32 $0xE000, s2;
	_ =	strace $0x8000004A;
	[dreg:$0x8] =	wrdreg s13  }
0x6: {  	s9 =	smul.u32 $0x5000, s8;
	s12 =	sadd.s32 $0x549200, s2;
	[dreg:$0x6] =	wrdreg s11  }
0x7: {  	s18 =	sadd.s32 $0x57A400, s2;
	s19 =	smul.u32 $0x280, s8;
	[dreg:$0x7] =	wrdreg s12  }
0x8: {  	s3 =	smul.u32 $0x50000, s0;
	[dreg:$0x9] =	wrdreg s18  }
0x9: {  	s28 =	ssub.s32 $0x2, s0;
	s20 =	smul.u32 $0xA0000, s0;
	[dreg:$0x4] =	wrdreg s9  }
0xa: {  	s7 =	smul.u32 $0x50000, s8;
	s6 =	sshrl.u32 s28, $0x1;
	[dreg:$0xa] =	wrdreg s19  }
0xb: {  	s15 =	sshrl.u32 s9, $0x3;
	s10 =	sadd.s32 s9, s3;
	[dreg:$0xf] =	wrdreg s20  }
0xc: {  	s8 =	sshrl.u32 s7, $0x2;
	s5 =	sadd.s32 s12, s15;
	[dreg:$0x5] =	wrdreg s10  }
0xd: {  	s30 =	ssub.s32 s28, s6;
	s7 =	sadd.s32 s8, s4;
	[dreg:$0xd] =	wrdreg s5  }
0xe: {  	s16 =	smax.u32 s30, $0x1;
	[dreg:$0xb] =	wrdreg s7  }
0xf: {  	s17 =	sadd.s32 $0x2000, s7;
	[dreg:$0x10] =	wrdreg s16  }
0x10: {  	s21 =	sadd.s32 $0x4000, s7;
	[dreg:$0x11] =	wrdreg s17  }
0x11: {  	s22 =	sadd.s32 $0x6000, s7;
	[dreg:$0x12] =	wrdreg s21  }
0x12: {  	s23 =	sadd.s32 $0x8000, s7;
	[dreg:$0x13] =	wrdreg s22  }
0x13: {  	s31 =	simm.s32 $0x18600;
	s24 =	sadd.s32 $0xA000, s7;
	[dreg:$0x14] =	wrdreg s23  }
0x14: {  	s29 =	simm.s32 $0x40;
	s25 =	sadd.s32 $0xC000, s7;
	[dreg:$0x15] =	wrdreg s24  }
0x15: {  	s9 =	simm.s32 $0x2;
	s26 =	sadd.s32 $0xE000, s7;
	[dreg:$0x16] =	wrdreg s25  }
0x16: {  	s3 =	sshll.u32 s10, $0x3;
	s28 =	sadd.s32 $0x10000, s7;
	[dreg:$0x17] =	wrdreg s26  }
0x17: {  	s13 =	sshrl.u32 s10, $0x3;
	s30 =	sadd.s32 $0x12000, s7;
	[dreg:$0x18] =	wrdreg s28  }
0x18: {  	s3 =	sadd.s32 s3, s2;
	s14 =	sadd.s32 s11, s13;
	[dreg:$0x19] =	wrdreg s30  }
0x19: {  	s21 =	simm.s32 $0x4;
	s22 =	simm.s32 $0x16600;
	s2 =	simm.s32 $0x1  }
0x1a: {  	[dreg:$0xc] =	wrdreg s14;
	s15 =	sadd.s32 $0x22000, s3;
	s3 =	sadd.s32 $0x22200, s3  }
0x1b: {  	v0 =	vimm.f32 $0.0e+00;
	s13 =	simm.s32 $0x1A600;
	[dreg:$0xe] =	wrdreg s3;
	s3 =	simm.s32 $0x0  }
.LBB2_1:
0x1c: {  	[dreg:$0x1a] =	wrdreg s3  }
0x1d: {  	s0 =	simm.s32 $0x0;
	s30 =	rddreg [dreg:$0x8];
	s5 =	simm.s32 $0x1C600  }
0x1e: {  	[tilespmem:s5], [sflag:$0x4] =	stream.linear.gather [hbm4b:s30+s0], $0x10, $0x38;
	[tilespmem:$0x1C610] =	vst v63  }
0x1f: {  	_ =	swait.ge [sflag:s21], $0x10  }
0x20: {  	[sflag:s21] =	ssyncset.done $0x0  }
0x21: {  	s3 =	simm.s32 $0x300;
	s0 =	simm.s32 $0x40;
	[sflag:s21] =	ssyncadd.s32 $0xFFFFFFF0  }
.LBB2_2:
0x22: {  	p0 =	sne.s32 s3, $0x7F00;
	[tilespmem:s0+$0x1A630] =	vst v0  }
0x23: {  	[tilespmem:s0+$0x185C0] =	vst v0  }
0x24: {  	[tilespmem:s0+$0x185D0] =	vst v0  }
0x25: {  	[tilespmem:s0+$0x185E0] =	vst v0  }
0x26: {  	[tilespmem:s0+$0x185F0] =	vst v0  }
0x27: {  	[tilespmem:s0+$0x18600] =	vst v0  }
0x28: {  	[tilespmem:s0+$0x18610] =	vst v0  }
0x29: {  	[tilespmem:s0+$0x18620] =	vst v0  }
0x2a: {  	[tilespmem:s0+$0x18630] =	vst v0  }
0x2b: {  	[tilespmem:s0+$0x1A5C0] =	vst v0  }
0x2c: {  	[tilespmem:s0+$0x1A5D0] =	vst v0  }
.Ltmp0:
0x2d: {  	[tilespmem:s0+$0x1A5E0] =	vst v0;
	(pc) =	sbr.rel @p0 .LBB2_2-.Ltmp0, $4  }
0x2e: {  	[tilespmem:s0+$0x1A5F0] =	vst v0  }
0x2f: {  	[tilespmem:s0+$0x1A600] =	vst v0  }
0x30: {  	[tilespmem:s0+$0x1A610] =	vst v0  }
0x31: {  	[tilespmem:s0+$0x1A620] =	vst v0;
	s0 =	sshra.s32 s3, $0x2;
	s3 =	sadd.s32 $0x200, s3  }
0x32: {  	[tilespmem:s0+$0x1A630] =	vst v0  }
0x33: {  	[tilespmem:s0+$0x185C0] =	vst v0  }
0x34: {  	[tilespmem:s0+$0x185D0] =	vst v0  }
0x35: {  	[tilespmem:s0+$0x185E0] =	vst v0  }
0x36: {  	[tilespmem:s0+$0x185F0] =	vst v0  }
0x37: {  	[tilespmem:s0+$0x18600] =	vst v0  }
0x38: {  	[tilespmem:s0+$0x18610] =	vst v0  }
0x39: {  	[tilespmem:s0+$0x18620] =	vst v0  }
0x3a: {  	[tilespmem:s0+$0x18630] =	vst v0  }
0x3b: {  	[tilespmem:s0+$0x1A5C0] =	vst v0  }
0x3c: {  	[tilespmem:s0+$0x1A5D0] =	vst v0  }
0x3d: {  	[tilespmem:s0+$0x1A5E0] =	vst v0  }
0x3e: {  	[tilespmem:s0+$0x1A5F0] =	vst v0  }
0x3f: {  	[tilespmem:s0+$0x1A600] =	vst v0  }
0x40: {  	[tilespmem:s0+$0x1A610] =	vst v0  }
0x41: {  	[tilespmem:s0+$0x1A620] =	vst v0;
	s7 =	rddreg [dreg:$0xb]  }
0x42: {  	[spmem:s7] =	stream.linear.scatter [tilespmem:s31], [sflag:$0x4], $0x2000, $0x38;
	[tilespmem:$0x1C610] =	vst v63  }
0x43: {  	_ =	swait.ge [sflag:s21], $0x2000  }
0x44: {  	[sflag:s21] =	ssyncset.done $0x0  }
0x45: {  	s8 =	rddreg [dreg:$0x11];
	[sflag:s21] =	ssyncadd.s32 $0xFFFFE000  }
0x46: {  	[spmem:s8] =	stream.linear.scatter [tilespmem:s31], [sflag:$0x4], $0x2000, $0x38;
	[tilespmem:$0x1C610] =	vst v63  }
0x47: {  	_ =	swait.ge [sflag:s21], $0x2000  }
0x48: {  	[sflag:s21] =	ssyncset.done $0x0  }
0x49: {  	s10 =	rddreg [dreg:$0x12];
	[sflag:s21] =	ssyncadd.s32 $0xFFFFE000  }
0x4a: {  	[spmem:s10] =	stream.linear.scatter [tilespmem:s31], [sflag:$0x4], $0x2000, $0x38;
	[tilespmem:$0x1C610] =	vst v63  }
0x4b: {  	_ =	swait.ge [sflag:s21], $0x2000  }
0x4c: {  	[sflag:s21] =	ssyncset.done $0x0  }
0x4d: {  	s11 =	rddreg [dreg:$0x13];
	[sflag:s21] =	ssyncadd.s32 $0xFFFFE000  }
0x4e: {  	[spmem:s11] =	stream.linear.scatter [tilespmem:s31], [sflag:$0x4], $0x2000, $0x38;
	[tilespmem:$0x1C610] =	vst v63  }
0x4f: {  	_ =	swait.ge [sflag:s21], $0x2000  }
0x50: {  	[sflag:s21] =	ssyncset.done $0x0  }
0x51: {  	s12 =	rddreg [dreg:$0x14];
	[sflag:s21] =	ssyncadd.s32 $0xFFFFE000  }
0x52: {  	[spmem:s12] =	stream.linear.scatter [tilespmem:s31], [sflag:$0x4], $0x2000, $0x38;
	[tilespmem:$0x1C610] =	vst v63  }
0x53: {  	_ =	swait.ge [sflag:s21], $0x2000  }
0x54: {  	[sflag:s21] =	ssyncset.done $0x0  }
0x55: {  	s14 =	rddreg [dreg:$0x15];
	[sflag:s21] =	ssyncadd.s32 $0xFFFFE000  }
0x56: {  	[spmem:s14] =	stream.linear.scatter [tilespmem:s31], [sflag:$0x4], $0x2000, $0x38;
	[tilespmem:$0x1C610] =	vst v63  }
0x57: {  	_ =	swait.ge [sflag:s21], $0x2000  }
0x58: {  	[sflag:s21] =	ssyncset.done $0x0  }
0x59: {  	s16 =	rddreg [dreg:$0x16];
	[sflag:s21] =	ssyncadd.s32 $0xFFFFE000  }
0x5a: {  	[spmem:s16] =	stream.linear.scatter [tilespmem:s31], [sflag:$0x4], $0x2000, $0x38;
	[tilespmem:$0x1C610] =	vst v63  }
0x5b: {  	_ =	swait.ge [sflag:s21], $0x2000  }
0x5c: {  	[sflag:s21] =	ssyncset.done $0x0  }
0x5d: {  	s17 =	rddreg [dreg:$0x17];
	[sflag:s21] =	ssyncadd.s32 $0xFFFFE000  }
0x5e: {  	[spmem:s17] =	stream.linear.scatter [tilespmem:s31], [sflag:$0x4], $0x2000, $0x38;
	[tilespmem:$0x1C610] =	vst v63  }
0x5f: {  	_ =	swait.ge [sflag:s21], $0x2000  }
0x60: {  	[sflag:s21] =	ssyncset.done $0x0  }
0x61: {  	s18 =	rddreg [dreg:$0x18];
	[sflag:s21] =	ssyncadd.s32 $0xFFFFE000  }
0x62: {  	[spmem:s18] =	stream.linear.scatter [tilespmem:s31], [sflag:$0x4], $0x2000, $0x38;
	[tilespmem:$0x1C610] =	vst v63  }
0x63: {  	_ =	swait.ge [sflag:s21], $0x2000  }
0x64: {  	[sflag:s21] =	ssyncset.done $0x0  }
0x65: {  	s19 =	rddreg [dreg:$0x19];
	[sflag:s21] =	ssyncadd.s32 $0xFFFFE000  }
0x66: {  	[spmem:s19] =	stream.linear.scatter [tilespmem:s31], [sflag:$0x4], $0x2000, $0x38;
	[tilespmem:$0x1C610] =	vst v63  }
0x67: {  	_ =	swait.ge [sflag:s21], $0x2000  }
0x68: {  	[sflag:s21] =	ssyncset.done $0x0  }
0x69: {  	[sflag:s21] =	ssyncadd.s32 $0xFFFFE000  }
0x6a: {  	[bflag:$0x0] =	sbarrier.arrive $0xFFFF  }
0x6b: {  	s6 =	simm.s32 $0x0;
	s3 =	simm.s32 $0x14000;
	s20 =	rddreg [dreg:$0xc]  }
0x6c: {  	v1 =	vld [tilespmem:$0x1C600];
	[tilespmem:s3], [sflag:$0x4] =	stream.linear.gather [hbm4b:s20+s6], $0x200, $0x38  }
0x6d: {  	_ =	swait.ge [sflag:s21], $0x200  }
0x6e: {  	[sflag:s21] =	ssyncset.done $0x0  }
0x6f: {  	s5 =	simm.s32 $0x14400;
	s23 =	rddreg [dreg:$0xd];
	[sflag:s21] =	ssyncadd.s32 $0xFFFFFE00  }
0x70: {  	[tilespmem:s5], [sflag:$0x4] =	stream.linear.gather [hbm4b:s23+s6], $0x200, $0x38;
	[tilespmem:$0x1C610] =	vst v63  }
0x71: {  	_ =	swait.ge [sflag:s21], $0x200  }
0x72: {  	[sflag:s21] =	ssyncset.done $0x0  }
0x73: {  	s24 =	simm.s32 $0x14600;
	[sflag:s21] =	ssyncadd.s32 $0xFFFFFE00  }
0x74: {  	[tilespmem:s24], [sflag:$0x1] =	stream.indirect.gather [hbm4b:s1+s29], $0x40, s3, s29, $0xb8;
	[tilespmem:$0x1C610] =	vst v63  }
0x75: {  	_ = 	snop  }
0x76: {  	[tilespmem:s22], [sflag:$0x2] =	stream.linear.gather [hbm4b:s15+s6], $0x1000, $0x38;
	[tilespmem:$0x1C610] =	vst v63  }
0x77: {  	s25 =	simm.s32 $0x14040;
	s26 =	simm.s32 $0x15600  }
0x78: {  	[tilespmem:s26], [sflag:$0x1] =	stream.indirect.gather [hbm4b:s1+s29], $0x40, s25, s29, $0xb8;
	[tilespmem:$0x1C610] =	vst v63  }
0x79: {  	s30 =	simm.s32 $0x17600;
	s28 =	rddreg [dreg:$0xe]  }
0x7a: {  	[tilespmem:s30], [sflag:$0x2] =	stream.linear.gather [hbm4b:s28+s6], $0x1000, $0x38;
	[tilespmem:$0x1C610] =	vst v63  }
.LBB2_4:
0x7b: {  	p0 =	seq.s32 s6, $0x0  }
0x7c: {  	s0 =	simm.s32 @!p0 $0x3  }
0x7d: {  	_ =	swait.ge @!p0 [sflag:s0], $0x2000  }
0x7e: {  	[sflag:s0] =	ssyncset.done @!p0 $0x0  }
0x7f: {  	[sflag:s0] =	ssyncadd.s32 @!p0 $0xFFFFE000  }
0x80: {  	_ =	swait.ge @!p0 [sflag:s0], $0x2000  }
0x81: {  	s3 =	sshll.u32 @!p0 s6, $0x9;
	s5 =	rddreg [dreg:$0x4]  }
0x82: {  	[sflag:s0] =	ssyncset.done @!p0 $0x0;
	s3 =	sadd.s32 @!p0 s5, s3  }
0x83: {  	[sflag:s0] =	ssyncadd.s32 @!p0 $0xFFFFE000;
	s0 =	sshrl.u32 @!p0 s3, $0x3;
	s3 =	rddreg [dreg:$0x7]  }
0x84: {  	s5 =	simm.s32 @!p0 $0x14400;
	s0 =	sadd.s32 @!p0 s3, s0;
	s3 =	simm.s32 @!p0 $0x0  }
0x85: {  	[tilespmem:s5], [sflag:$0x4] =	stream.linear.gather @!p0 [hbm4b:s0+s3], $0x200, $0x38;
	[tilespmem:$0x1C610] =	vst v63  }
0x86: {  	s0 =	simm.s32 @!p0 $0x4  }
0x87: {  	p1 =	seq.s32 @!p0 s6, $0x27;
	_ =	swait.ge @!p0 [sflag:s0], $0x200  }
0x88: {  	p1 =	por p0, !p1;
	[sflag:s0] =	ssyncset.done @!p0 $0x0  }
0x89: {  	[sflag:s0] =	ssyncadd.s32 @!p0 $0xFFFFFE00;
	s0 =	sshll.u32 @p1 s6, $0x9  }
0x8a: {  	s3 =	rddreg @p1 [dreg:$0x5];
	s0 =	sadd.s32 @p1 $0x200, s0  }
0x8b: {  	s3 =	sadd.s32 @p1 s0, s3  }
0x8c: {  	s5 =	rddreg @p1 [dreg:$0x6];
	s0 =	sand.u32 @p1 $0x200, s0;
	s3 =	sshrl.u32 @p1 s3, $0x3  }
0x8d: {  	s0 =	sor.u32 @p1 $0x14000, s0;
	s3 =	sadd.s32 @p1 s5, s3;
	s5 =	simm.s32 @p1 $0x0  }
0x8e: {  	[tilespmem:s0], [sflag:$0x4] =	stream.linear.gather @p1 [hbm4b:s3+s5], $0x200, $0x38;
	[tilespmem:$0x1C610] =	vst v63  }
0x8f: {  	_ =	swait.ge @p1 [sflag:s21], $0x200  }
0x90: {  	s19 =	sshll.u32 s6, $0x3;
	[sflag:s21] =	ssyncset.done @p1 $0x0  }
0x91: {  	s20 =	simm.s32 $0x0;
	[dreg:$0x1b] =	wrdreg s6;
	[sflag:s21] =	ssyncadd.s32 @p1 $0xFFFFFE00  }
.LBB2_5:
0x92: {  	_ =	swait.ge [sflag:s2], $0x1000  }
0x93: {  	[sflag:s2] =	ssyncset.done $0x0  }
0x94: {  	[sflag:s2] =	ssyncadd.s32 $0xFFFFF000  }
0x95: {  	_ =	swait.ge [sflag:s9], $0x1000  }
0x96: {  	p0 =	seq.s32 s20, $0x0;
	[sflag:s9] =	ssyncset.done $0x0  }
0x97: {  	s0 =	simm.s32 @!p0 $0x3;
	[sflag:s9] =	ssyncadd.s32 $0xFFFFF000  }
0x98: {  	_ =	swait.ge @!p0 [sflag:s0], $0x2000  }
0x99: {  	[sflag:s0] =	ssyncset.done @!p0 $0x0  }
0x9a: {  	s16 =	simm.s32 $0x14640;
	[sflag:s0] =	ssyncadd.s32 @!p0 $0xFFFFE000  }
0x9b: {  	s3 =	simm.s32 $0x16640;
	v2 =	vld [tilespmem:s16+$0x0]  }
0x9c: {  	v3 =	vld [tilespmem:s3+$0x0];
	_ =	sdelay $0x4  }
0x9d: {  	v4 =	vld [tilespmem:s3+$0xFFFFFFC0];
	v2 =	vadd.f32 v3, v2  }
0x9e: {  	v3 =	vld [tilespmem:s16+$0xFFFFFFC0]  }
0x9f: {  	v2 =	vmax.f32 v2, $0.0e+00  }
0xa0: {  	v2 =	vadd.f32 $1.000000010e-07, v2;
	_ =	sdelay $0x1  }
0xa1: {  	v5 =	vmul.f32 v2, v1  }
0xa2: {  	v3 =	vadd.f32 v4, v3  }
0xa3: {  	v4 =	vmul.f32 $1.442695020e+00, v5  }
0xa4: {  	v3 =	vmax.f32 v3, $0.0e+00  }
0xa5: {  	v3 =	vadd.f32 $1.000000010e-07, v3;
	(erf) = vpow2.f32 v4;
	_ =	sdelay $0x1  }
0xa6: {  	v4 =	vmul.f32 v3, v1  }
0xa7: {  	s5 =	simm.s32 $0x166C0  }
0xa8: {  	s8 =	simm.s32 $0x146C0;
	v6 =	vld [tilespmem:s5+$0x0];
	v4 =	vmul.f32 $1.442695020e+00, v4  }
0xa9: {  	v5 =	vld [tilespmem:s8+$0x0]  }
0xaa: {  	(erf) = vpow2.f32 v4  }
0xab: {  	v7 =	vld [tilespmem:s8+$0xFFFFFFC0]  }
0xac: {  	v4 =	vld [tilespmem:s5+$0xFFFFFFC0]  }
0xad: {  	v8 =	vpop (erf)  }
0xae: {  	s22 =	simm.s32 $0x18680;
	v5 =	vadd.f32 v6, v5;
	v2 =	vmul.f32 v8, v2  }
0xaf: {  	[tilespmem:s22+$0x40] =	vst v8  }
0xb0: {  	v5 =	vmax.f32 v5, $0.0e+00;
	[tilespmem:s22+$0x0] =	vst v2  }
0xb1: {  	v2 =	vadd.f32 v4, v7;
	v4 =	vadd.f32 $1.000000010e-07, v5;
	v5 =	vld [tilespmem:s16+$0x10]  }
0xb2: {  	v6 =	vld [tilespmem:s3+$0x10]  }
0xb3: {  	v7 =	vpop (erf);
	v2 =	vmax.f32 v2, $0.0e+00;
	v8 =	vmul.f32 v4, v1  }
0xb4: {  	v3 =	vmul.f32 v7, v3;
	v2 =	vadd.f32 $1.000000010e-07, v2  }
0xb5: {  	v8 =	vmul.f32 $1.442695020e+00, v8  }
0xb6: {  	[tilespmem:s22+$0xFFFFFF80] =	vst v3;
	v3 =	vmul.f32 v2, v1  }
0xb7: {  	[tilespmem:s22+$0xFFFFFFC0] =	vst v7;
	(erf) = vpow2.f32 v8;
	v5 =	vadd.f32 v6, v5  }
0xb8: {  	v6 =	vld [tilespmem:s16+$0xFFFFFFD0];
	v3 =	vmul.f32 $1.442695020e+00, v3  }
0xb9: {  	s10 =	simm.s32 $0x14740;
	v7 =	vld [tilespmem:s3+$0xFFFFFFD0];
	v5 =	vmax.f32 v5, $0.0e+00  }
0xba: {  	s7 =	simm.s32 $0x16740;
	v8 =	vld [tilespmem:s10+$0x0];
	(erf) = vpow2.f32 v3;
	v3 =	vadd.f32 $1.000000010e-07, v5  }
0xbb: {  	v5 =	vld [tilespmem:s7+$0x0]  }
0xbc: {  	v10 =	vmul.f32 v3, v1  }
0xbd: {  	v9 =	vld [tilespmem:s7+$0xFFFFFFC0]  }
0xbe: {  	v11 =	vld [tilespmem:s10+$0xFFFFFFC0]  }
0xbf: {  	v6 =	vadd.f32 v7, v6  }
0xc0: {  	v7 =	vmul.f32 $1.442695020e+00, v10;
	v5 =	vadd.f32 v5, v8;
	v10 =	vpop (erf)  }
0xc1: {  	v6 =	vmax.f32 v6, $0.0e+00;
	v4 =	vmul.f32 v10, v4  }
0xc2: {  	s23 =	simm.s32 $0x18780;
	v6 =	vadd.f32 $1.000000010e-07, v6;
	(erf) = vpow2.f32 v7;
	v5 =	vmax.f32 v5, $0.0e+00  }
0xc3: {  	v7 =	vadd.f32 v9, v11;
	[tilespmem:s23+$0x40] =	vst v10;
	v5 =	vadd.f32 $1.000000010e-07, v5  }
0xc4: {  	v8 =	vmul.f32 v6, v1;
	[tilespmem:s23+$0x0] =	vst v4  }
0xc5: {  	v7 =	vmax.f32 v7, $0.0e+00;
	v9 =	vld [tilespmem:s8+$0x10];
	v11 =	vmul.f32 v5, v1;
	v4 =	vpop (erf)  }
0xc6: {  	v7 =	vadd.f32 $1.000000010e-07, v7;
	v8 =	vmul.f32 $1.442695020e+00, v8;
	v10 =	vld [tilespmem:s5+$0x10];
	v2 =	vmul.f32 v4, v2  }
0xc7: {  	[tilespmem:s23+$0xFFFFFFC0] =	vst v4;
	v4 =	vmul.f32 $1.442695020e+00, v11  }
0xc8: {  	s14 =	simm.s32 $0x147C0;
	(erf) = vpow2.f32 v8;
	[tilespmem:s23+$0xFFFFFF80] =	vst v2;
	v2 =	vmul.f32 v7, v1  }
0xc9: {  	(erf) = vpow2.f32 v4;
	v4 =	vld [tilespmem:s14+$0x0]  }
0xca: {  	v8 =	vld [tilespmem:s8+$0xFFFFFFD0];
	v2 =	vmul.f32 $1.442695020e+00, v2  }
0xcb: {  	s12 =	simm.s32 $0x167C0;
	v11 =	vld [tilespmem:s5+$0xFFFFFFD0];
	v12 =	vpop (erf);
	v9 =	vadd.f32 v10, v9  }
0xcc: {  	v3 =	vmul.f32 v12, v3;
	(erf) = vpow2.f32 v2;
	v2 =	vld [tilespmem:s12+$0x0]  }
0xcd: {  	v10 =	vld [tilespmem:s12+$0xFFFFFFC0];
	[tilespmem:s22+$0x50] =	vst v12;
	v9 =	vmax.f32 v9, $0.0e+00  }
0xce: {  	v12 =	vld [tilespmem:s14+$0xFFFFFFC0];
	[tilespmem:s22+$0x10] =	vst v3;
	v3 =	vadd.f32 $1.000000010e-07, v9  }
0xcf: {  	v9 =	vld [tilespmem:s16+$0x20]  }
0xd0: {  	v8 =	vadd.f32 v11, v8;
	v11 =	vld [tilespmem:s3+$0x20];
	v13 =	vmul.f32 v3, v1  }
0xd1: {  	v2 =	vadd.f32 v2, v4;
	v4 =	vpop (erf)  }
0xd2: {  	v8 =	vmax.f32 v8, $0.0e+00;
	v13 =	vmul.f32 $1.442695020e+00, v13;
	v6 =	vmul.f32 v4, v6  }
0xd3: {  	v10 =	vadd.f32 v10, v12;
	v8 =	vadd.f32 $1.000000010e-07, v8;
	[tilespmem:s22+$0xFFFFFFD0] =	vst v4;
	v4 =	vpop (erf);
	v2 =	vmax.f32 v2, $0.0e+00  }
0xd4: {  	(erf) = vpow2.f32 v13;
	v5 =	vmul.f32 v4, v5;
	v2 =	vadd.f32 $1.000000010e-07, v2  }
0xd5: {  	s24 =	simm.s32 $0x18880;
	v14 =	vmul.f32 v8, v1;
	v9 =	vadd.f32 v11, v9;
	[tilespmem:s22+$0xFFFFFF90] =	vst v6  }
0xd6: {  	[tilespmem:s24+$0x0] =	vst v5;
	v5 =	vmax.f32 v10, $0.0e+00;
	v6 =	vpop (erf);
	v10 =	vmul.f32 v2, v1  }
0xd7: {  	[tilespmem:s24+$0x40] =	vst v4;
	v11 =	vld [tilespmem:s16+$0xFFFFFFE0];
	v9 =	vmax.f32 v9, $0.0e+00;
	v4 =	vmul.f32 v6, v7;
	v7 =	vmul.f32 $1.442695020e+00, v14  }
0xd8: {  	v12 =	vld [tilespmem:s3+$0xFFFFFFE0];
	v9 =	vadd.f32 $1.000000010e-07, v9  }
0xd9: {  	v13 =	vld [tilespmem:s10+$0x10];
	v5 =	vadd.f32 $1.000000010e-07, v5;
	(erf) = vpow2.f32 v7;
	[tilespmem:s24+$0xFFFFFF80] =	vst v4;
	v4 =	vmul.f32 $1.442695020e+00, v10  }
0xda: {  	v7 =	vld [tilespmem:s7+$0x10];
	v10 =	vmul.f32 v9, v1  }
0xdb: {  	[tilespmem:s24+$0xFFFFFFC0] =	vst v6;
	v6 =	vmul.f32 v5, v1;
	(erf) = vpow2.f32 v4  }
0xdc: {  	v14 =	vld [tilespmem:s10+$0xFFFFFFD0];
	v4 =	vmul.f32 $1.442695020e+00, v10  }
0xdd: {  	s26 =	simm.s32 $0x14840;
	v11 =	vadd.f32 v12, v11;
	v6 =	vmul.f32 $1.442695020e+00, v6;
	v10 =	vld [tilespmem:s7+$0xFFFFFFD0];
	v12 =	vpop (erf)  }
0xde: {  	s28 =	simm.s32 $0x16840;
	v3 =	vmul.f32 v12, v3;
	(erf) = vpow2.f32 v4;
	v4 =	vld [tilespmem:s26+$0x0]  }
0xdf: {  	[tilespmem:s23+$0x50] =	vst v12;
	v7 =	vadd.f32 v7, v13;
	(erf) = vpow2.f32 v6;
	v6 =	vld [tilespmem:s28+$0x0]  }
0xe0: {  	v11 =	vmax.f32 v11, $0.0e+00;
	[tilespmem:s23+$0x10] =	vst v3  }
0xe1: {  	v11 =	vadd.f32 $1.000000010e-07, v11;
	v15 =	vld [tilespmem:s5+$0x20];
	v7 =	vmax.f32 v7, $0.0e+00  }
0xe2: {  	v3 =	vadd.f32 v10, v14;
	v10 =	vld [tilespmem:s8+$0x20];
	v7 =	vadd.f32 $1.000000010e-07, v7;
	v14 =	vpop (erf)  }
0xe3: {  	v16 =	vld [tilespmem:s26+$0xFFFFFFC0];
	v13 =	vmul.f32 v11, v1;
	v8 =	vmul.f32 v14, v8  }
0xe4: {  	s25 =	simm.s32 $0x18980;
	v12 =	vld [tilespmem:s28+$0xFFFFFFC0];
	v3 =	vmax.f32 v3, $0.0e+00;
	v17 =	vmul.f32 v7, v1;
	[tilespmem:s23+$0xFFFFFFD0] =	vst v14;
	v4 =	vadd.f32 v6, v4;
	v6 =	vpop (erf)  }
0xe5: {  	v13 =	vmul.f32 $1.442695020e+00, v13;
	v3 =	vadd.f32 $1.000000010e-07, v3;
	[tilespmem:s23+$0xFFFFFF90] =	vst v8;
	v2 =	vmul.f32 v6, v2  }
0xe6: {  	v8 =	vmul.f32 $1.442695020e+00, v17;
	[tilespmem:s25+$0x40] =	vst v6  }
0xe7: {  	(erf) = vpow2.f32 v13;
	v6 =	vmul.f32 v3, v1;
	v13 =	vld [tilespmem:s8+$0xFFFFFFE0];
	v14 =	vpop (erf);
	[tilespmem:s25+$0x0] =	vst v2;
	v2 =	vadd.f32 v15, v10  }
0xe8: {  	v4 =	vmax.f32 v4, $0.0e+00;
	v17 =	vld [tilespmem:s5+$0xFFFFFFE0];
	(erf) = vpow2.f32 v8;
	v8 =	vmul.f32 v14, v9  }
0xe9: {  	v4 =	vadd.f32 $1.000000010e-07, v4;
	v10 =	vadd.f32 v12, v16;
	[tilespmem:s22+$0x60] =	vst v14;
	v2 =	vmax.f32 v2, $0.0e+00  }
0xea: {  	v9 =	vpop (erf);
	v6 =	vmul.f32 $1.442695020e+00, v6;
	v12 =	vld [tilespmem:s14+$0x10];
	[tilespmem:s22+$0x20] =	vst v8;
	v2 =	vadd.f32 $1.000000010e-07, v2  }
0xeb: {  	v5 =	vmul.f32 v9, v5;
	v8 =	vmax.f32 v10, $0.0e+00;
	v10 =	vmul.f32 v4, v1;
	v14 =	vld [tilespmem:s16+$0x30]  }
0xec: {  	(erf) = vpow2.f32 v6;
	v6 =	vld [tilespmem:s3+$0x30];
	v15 =	vmul.f32 v2, v1  }
0xed: {  	v8 =	vadd.f32 $1.000000010e-07, v8;
	[tilespmem:s25+$0xFFFFFF80] =	vst v5;
	v5 =	vadd.f32 v17, v13;
	v10 =	vmul.f32 $1.442695020e+00, v10;
	v13 =	vld [tilespmem:s12+$0x10]  }
0xee: {  	[tilespmem:s25+$0xFFFFFFC0] =	vst v9  }
0xef: {  	v16 =	vld [tilespmem:s14+$0xFFFFFFD0];
	v9 =	vmul.f32 v8, v1;
	v5 =	vmax.f32 v5, $0.0e+00;
	(erf) = vpow2.f32 v10  }
0xf0: {  	s0 =	simm.s32 $0x168C0;
	v17 =	vld [tilespmem:s12+$0xFFFFFFD0];
	v10 =	vmul.f32 $1.442695020e+00, v15;
	v5 =	vadd.f32 $1.000000010e-07, v5;
	v15 =	vpop (erf)  }
0xf1: {  	s6 =	simm.s32 $0x148C0;
	v9 =	vmul.f32 $1.442695020e+00, v9;
	v6 =	vadd.f32 v6, v14;
	v14 =	vld [tilespmem:s0+$0xFFFFFFC0];
	v18 =	vpop (erf);
	v11 =	vmul.f32 v15, v11  }
0xf2: {  	(erf) = vpow2.f32 v10;
	v10 =	vld [tilespmem:s6+$0x0];
	v12 =	vadd.f32 v13, v12;
	v7 =	vmul.f32 v18, v7;
	[tilespmem:s24+$0x50] =	vst v18  }
0xf3: {  	v13 =	vmul.f32 v5, v1;
	(erf) = vpow2.f32 v9;
	v9 =	vld [tilespmem:s0+$0x0];
	v6 =	vmax.f32 v6, $0.0e+00;
	[tilespmem:s22+$0xFFFFFFA0] =	vst v11  }
0xf4: {  	v6 =	vadd.f32 $1.000000010e-07, v6;
	v11 =	vld [tilespmem:s6+$0xFFFFFFC0];
	[tilespmem:s24+$0x10] =	vst v7  }
0xf5: {  	v12 =	vmax.f32 v12, $0.0e+00;
	v13 =	vmul.f32 $1.442695020e+00, v13;
	v7 =	vadd.f32 v17, v16;
	v16 =	vld [tilespmem:s10+$0x20]  }
0xf6: {  	[tilespmem:s22+$0xFFFFFFE0] =	vst v15;
	v12 =	vadd.f32 $1.000000010e-07, v12;
	v17 =	vpop (erf);
	v18 =	vmul.f32 v6, v1;
	v15 =	vld [tilespmem:s7+$0x20]  }
0xf7: {  	(erf) = vpow2.f32 v13;
	v3 =	vmul.f32 v17, v3;
	v7 =	vmax.f32 v7, $0.0e+00  }
0xf8: {  	v13 =	vld [tilespmem:s16+$0xFFFFFFF0];
	v19 =	vmul.f32 v12, v1;
	[tilespmem:s24+$0xFFFFFFD0] =	vst v17;
	v17 =	vadd.f32 $1.000000010e-07, v7;
	v7 =	vadd.f32 v9, v10;
	v9 =	vpop (erf)  }
0xf9: {  	s16 =	simm.s32 $0x18A80;
	v10 =	vmul.f32 $1.442695020e+00, v18;
	[tilespmem:s24+$0xFFFFFF90] =	vst v3;
	v3 =	vld [tilespmem:s3+$0xFFFFFFF0];
	v4 =	vmul.f32 v9, v4  }
0xfa: {  	v18 =	vmul.f32 $1.442695020e+00, v19;
	v19 =	vld [tilespmem:s10+$0xFFFFFFE0];
	[tilespmem:s16+$0x40] =	vst v9;
	v11 =	vadd.f32 v14, v11;
	v7 =	vmax.f32 v7, $0.0e+00  }
0xfb: {  	v9 =	vmul.f32 v17, v1;
	v20 =	vpop (erf);
	(erf) = vpow2.f32 v10;
	v10 =	vld [tilespmem:s7+$0xFFFFFFE0];
	[tilespmem:s16+$0x0] =	vst v4;
	v4 =	vadd.f32 v15, v16  }
0xfc: {  	(erf) = vpow2.f32 v18;
	v2 =	vmul.f32 v20, v2;
	v15 =	vpop (erf);
	v14 =	vadd.f32 $1.000000010e-07, v7  }
0xfd: {  	[tilespmem:s23+$0x60] =	vst v20;
	v7 =	vmul.f32 v15, v8;
	v9 =	vmul.f32 $1.442695020e+00, v9;
	v4 =	vmax.f32 v4, $0.0e+00  }
0xfe: {  	v8 =	vld [tilespmem:s26+$0x10];
	[tilespmem:s23+$0x20] =	vst v2;
	v2 =	vmax.f32 v11, $0.0e+00;
	v11 =	vmul.f32 v14, v1;
	v3 =	vadd.f32 v3, v13  }
0xff: {  	[tilespmem:s16+$0xFFFFFFC0] =	vst v15;
	v4 =	vadd.f32 $1.000000010e-07, v4;
	v16 =	vld [tilespmem:s8+$0x30];
	v2 =	vadd.f32 $1.000000010e-07, v2  }
0x100: {  	[tilespmem:s16+$0xFFFFFF80] =	vst v7;
	(erf) = vpow2.f32 v9;
	v7 =	vld [tilespmem:s5+$0x30];
	v15 =	vpop (erf);
	v9 =	vadd.f32 v10, v19;
	v10 =	vmul.f32 $1.442695020e+00, v11  }
0x101: {  	v11 =	vld [tilespmem:s28+$0x10];
	v5 =	vmul.f32 v15, v5;
	v13 =	vmul.f32 v4, v1  }
0x102: {  	v3 =	vmax.f32 v3, $0.0e+00;
	v19 =	vld [tilespmem:s26+$0xFFFFFFD0];
	v18 =	vmul.f32 v2, v1  }
0x103: {  	v9 =	vmax.f32 v9, $0.0e+00;
	(erf) = vpow2.f32 v10;
	v10 =	vld [tilespmem:s28+$0xFFFFFFD0];
	v13 =	vmul.f32 $1.442695020e+00, v13  }
0x104: {  	[tilespmem:s23+$0xFFFFFFE0] =	vst v15;
	v3 =	vadd.f32 $1.000000010e-07, v3;
	v15 =	vadd.f32 $1.000000010e-07, v9  }
0x105: {  	s3 =	simm.s32 $0x14940;
	[tilespmem:s23+$0xFFFFFFA0] =	vst v5;
	v9 =	vmul.f32 $1.442695020e+00, v18;
	v5 =	vpop (erf);
	v7 =	vadd.f32 v7, v16;
	(erf) = vpow2.f32 v13  }
0x106: {  	s11 =	simm.s32 $0x16940;
	v20 =	vld [tilespmem:s3+$0x0];
	v18 =	vpop (erf);
	v16 =	vmul.f32 v5, v6;
	v6 =	vadd.f32 v11, v8;
	v11 =	vmul.f32 v15, v1  }
0x107: {  	(erf) = vpow2.f32 v9;
	v8 =	vmul.f32 v18, v12;
	v9 =	vld [tilespmem:s11+$0x0];
	v7 =	vmax.f32 v7, $0.0e+00  }
0x108: {  	v23 =	vld [tilespmem:s3+$0xFFFFFFC0];
	[tilespmem:s25+$0x50] =	vst v18;
	v10 =	vadd.f32 v10, v19;
	v6 =	vmax.f32 v6, $0.0e+00;
	v19 =	vadd.f32 $1.000000010e-07, v7  }
0x109: {  	v12 =	vmul.f32 v3, v1;
	v18 =	vld [tilespmem:s11+$0xFFFFFFC0];
	[tilespmem:s25+$0x10] =	vst v8  }
0x10a: {  	v11 =	vmul.f32 $1.442695020e+00, v11;
	v8 =	vld [tilespmem:s14+$0x20];
	v22 =	vmul.f32 v19, v1  }
0x10b: {  	v7 =	vadd.f32 $1.000000010e-07, v6;
	v12 =	vmul.f32 $1.442695020e+00, v12;
	v10 =	vmax.f32 v10, $0.0e+00;
	v21 =	vld [tilespmem:s12+$0x20];
	v6 =	vpop (erf)  }
0x10c: {  	v17 =	vmul.f32 v6, v17;
	v9 =	vadd.f32 v9, v20;
	v20 =	vmul.f32 $1.442695020e+00, v22  }
0x10d: {  	v13 =	vld [tilespmem:s8+$0xFFFFFFF0];
	(erf) = vpow2.f32 v11;
	[tilespmem:s25+$0xFFFFFFD0] =	vst v6;
	v6 =	vadd.f32 $1.000000010e-07, v10;
	v10 =	vmul.f32 v7, v1  }
0x10e: {  	v11 =	vpop (erf);
	(erf) = vpow2.f32 v12;
	v18 =	vadd.f32 v18, v23;
	[tilespmem:s25+$0xFFFFFF90] =	vst v17;
	v17 =	vld [tilespmem:s5+$0xFFFFFFF0]  }
0x10f: {  	[tilespmem:s22+$0x70] =	vst v5;
	v5 =	vmul.f32 v11, v14;
	v10 =	vmul.f32 $1.442695020e+00, v10;
	v9 =	vmax.f32 v9, $0.0e+00  }
0x110: {  	[tilespmem:s22+$0x30] =	vst v16;
	s5 =	simm.s32 $0x18B80;
	v14 =	vmul.f32 v6, v1;
	(erf) = vpow2.f32 v20;
	v8 =	vadd.f32 v21, v8;
	v20 =	vpop (erf)  }
0x111: {  	v12 =	vld [tilespmem:s14+$0xFFFFFFE0];
	[tilespmem:s5+$0x40] =	vst v11;
	v11 =	vpop (erf);
	(erf) = vpow2.f32 v10;
	v4 =	vmul.f32 v20, v4;
	v10 =	vadd.f32 $1.000000010e-07, v9  }
0x112: {  	v16 =	vld [tilespmem:s12+$0xFFFFFFE0];
	[tilespmem:s5+$0x0] =	vst v5;
	v5 =	vmax.f32 v18, $0.0e+00;
	v14 =	vmul.f32 $1.442695020e+00, v14  }
0x113: {  	v8 =	vmax.f32 v8, $0.0e+00;
	[tilespmem:s24+$0x20] =	vst v4;
	v4 =	vadd.f32 v17, v13;
	v13 =	vmul.f32 v10, v1  }
0x114: {  	[tilespmem:s24+$0x60] =	vst v20;
	v9 =	vadd.f32 $1.000000010e-07, v8;
	v8 =	vadd.f32 $1.000000010e-07, v5;
	(erf) = vpow2.f32 v14;
	v14 =	vld [tilespmem:s0+$0x10]  }
0x115: {  	v2 =	vmul.f32 v11, v2;
	v20 =	vld [tilespmem:s10+$0x30]  }
0x116: {  	[tilespmem:s5+$0xFFFFFFC0] =	vst v11;
	v5 =	vld [tilespmem:s7+$0x30];
	v17 =	vmul.f32 v8, v1  }
0x117: {  	[tilespmem:s5+$0xFFFFFF80] =	vst v2;
	v2 =	vadd.f32 v16, v12;
	v12 =	vld [tilespmem:s6+$0x10];
	v16 =	vmul.f32 v9, v1;
	v11 =	vmul.f32 $1.442695020e+00, v13;
	v13 =	vpop (erf)  }
0x118: {  	v18 =	vmax.f32 v4, $0.0e+00;
	v17 =	vmul.f32 $1.442695020e+00, v17;
	v61 =	vmul.f32 v13, v15;
	[tilespmem:s24+$0xFFFFFFE0] =	vst v13;
	v62 =	vpop (erf);
	v13 =	vld [tilespmem:s6+$0xFFFFFFD0]  }
0x119: {  	v2 =	vmax.f32 v2, $0.0e+00;
	(erf) = vpow2.f32 v11;
	v11 =	vmul.f32 $1.442695020e+00, v16;
	v15 =	vld [tilespmem:s0+$0xFFFFFFD0];
	[tilespmem:s22+$0xFFFFFFF0] =	vst v62  }
0x11a: {  	s21 =	sshll.u32 s20, $0x1;
	s17 =	simm.s32 $0xC;
	v4 =	vadd.f32 $1.000000010e-07, v2;
	v2 =	vadd.f32 $1.000000010e-07, v18;
	v63 =	vpop (erf);
	v3 =	vmul.f32 v62, v3;
	[tilespmem:s24+$0xFFFFFFA0] =	vst v61  }
0x11b: {  	s30 =	simm.s32 $0x149C0;
	s8 =	sor.u32 s19, s21;
	v16 =	vadd.f32 v5, v20;
	v18 =	vpop (erf);
	(erf) = vpow2.f32 v11;
	v5 =	vmul.f32 v63, v19;
	[tilespmem:s23+$0x70] =	vst v63;
	v11 =	vld [tilespmem:s10+$0xFFFFFFF0];
	s10 =	simm.s32 $0x16940  }
.LBB2_6:
0x11c: {  	v19 =	vld [tilespmem:s30+$0x0];
	s11 =	sadd.s32 $0x80, s11;
	(erf) = vpow2.f32 v17;
	v12 =	vadd.f32 v14, v12;
	v7 =	vmul.f32 v18, v7;
	[tilespmem:s16+$0x50] =	vst v18;
	s18 =	smov.u32 s6;
	s6 =	smov.u32 s3  }
0x11d: {  	v17 =	vmul.f32 v4, v1;
	v18 =	vmul.f32 v2, v1;
	s3 =	smov.u32 s30;
	v14 =	vld [tilespmem:s11+$0x0];
	v16 =	vmax.f32 v16, $0.0e+00;
	[tilespmem:s23+$0x30] =	vst v5  }
0x11e: {  	v5 =	vld [tilespmem:s11+$0xFFFFFFC0];
	v13 =	vadd.f32 v15, v13;
	v12 =	vmax.f32 v12, $0.0e+00;
	[tilespmem:s16+$0x10] =	vst v7;
	v20 =	vadd.f32 $1.000000010e-07, v16  }
0x11f: {  	v22 =	vmul.f32 $1.442695020e+00, v17;
	v17 =	vmul.f32 $1.442695020e+00, v18;
	v7 =	vadd.f32 $1.000000010e-07, v12;
	v12 =	vld [tilespmem:s26+$0x20];
	v15 =	vpop (erf);
	[tilespmem:s22+$0xFFFFFFB0] =	vst v3;
	s22 =	smov.u32 s23;
	s23 =	smov.u32 s24;
	s24 =	smov.u32 s25  }
0x120: {  	s25 =	smov.u32 s16;
	v3 =	vmax.f32 v13, $0.0e+00;
	v13 =	vmul.f32 v15, v6;
	[tilespmem:s16+$0xFFFFFFD0] =	vst v15;
	v15 =	vld [tilespmem:s28+$0x20];
	v18 =	vmul.f32 v20, v1;
	s16 =	smov.u32 s5  }
0x121: {  	v21 =	vld [tilespmem:s30+$0xFFFFFFC0];
	v6 =	vadd.f32 $1.000000010e-07, v3;
	v3 =	vmul.f32 v7, v1;
	(erf) = vpow2.f32 v22  }
0x122: {  	v14 =	vadd.f32 v14, v19;
	v16 =	vpop (erf);
	[tilespmem:s25+$0xFFFFFF90] =	vst v13;
	v13 =	vld [tilespmem:s7+$0xFFFFFFF0];
	v23 =	vmul.f32 $1.442695020e+00, v18;
	(erf) = vpow2.f32 v17;
	s7 =	smov.u32 s12;
	s12 =	smov.u32 s28;
	s28 =	smov.u32 s0  }
0x123: {  	s5 =	sadd.s32 $0x100, s5;
	s0 =	smov.u32 s10;
	s10 =	smov.u32 s11;
	v10 =	vmul.f32 v16, v10;
	v3 =	vmul.f32 $1.442695020e+00, v3;
	v17 =	vld [tilespmem:s26+$0xFFFFFFE0]  }
0x124: {  	s17 =	sadd.s32 $0x2, s17;
	v14 =	vmax.f32 v14, $0.0e+00;
	[tilespmem:s5+$0x40] =	vst v16;
	v16 =	vmul.f32 v6, v1;
	v19 =	vld [tilespmem:s12+$0xFFFFFFE0];
	v22 =	vpop (erf);
	(erf) = vpow2.f32 v23  }
0x125: {  	p1 =	slt.u32 s17, $0x3E;
	[tilespmem:s5+$0x0] =	vst v10;
	v18 =	vpop (erf);
	(erf) = vpow2.f32 v3;
	v3 =	vadd.f32 v15, v12;
	v9 =	vmul.f32 v22, v9  }
0x126: {  	v10 =	vadd.f32 $1.000000010e-07, v14;
	v5 =	vadd.f32 v5, v21;
	v8 =	vmul.f32 v18, v8;
	[tilespmem:s24+$0x60] =	vst v22  }
0x127: {  	v14 =	vmul.f32 $1.442695020e+00, v16;
	v12 =	vld [tilespmem:s6+$0x10];
	v3 =	vmax.f32 v3, $0.0e+00;
	[tilespmem:s24+$0x20] =	vst v9;
	v11 =	vadd.f32 v13, v11  }
0x128: {  	v13 =	vmul.f32 v10, v1;
	v5 =	vmax.f32 v5, $0.0e+00;
	[tilespmem:s5+$0xFFFFFF80] =	vst v8;
	v9 =	vadd.f32 $1.000000010e-07, v3;
	v16 =	vld [tilespmem:s14+$0x30]  }
0x129: {  	v8 =	vadd.f32 $1.000000010e-07, v5;
	[tilespmem:s5+$0xFFFFFFC0] =	vst v18;
	(erf) = vpow2.f32 v14;
	v3 =	vadd.f32 v19, v17;
	v5 =	vld [tilespmem:s7+$0x30]  }
.Ltmp1:
0x12a: {  	v15 =	vmul.f32 $1.442695020e+00, v13;
	v11 =	vmax.f32 v11, $0.0e+00;
	v14 =	vld [tilespmem:s0+$0x10];
	v17 =	vmul.f32 v9, v1;
	v18 =	vpop (erf);
	(pc) =	sbr.rel @p1 .LBB2_6-.Ltmp1, $4  }
0x12b: {  	v23 =	vmul.f32 v8, v1;
	v13 =	vld [tilespmem:s6+$0xFFFFFFD0];
	v3 =	vmax.f32 v3, $0.0e+00;
	v21 =	vmul.f32 v18, v4;
	[tilespmem:s24+$0xFFFFFFE0] =	vst v18;
	v18 =	vpop (erf)  }
0x12c: {  	(erf) = vpow2.f32 v15;
	v15 =	vld [tilespmem:s0+$0xFFFFFFD0];
	v4 =	vadd.f32 $1.000000010e-07, v3;
	v22 =	vmul.f32 $1.442695020e+00, v17;
	[tilespmem:s22+$0xFFFFFFF0] =	vst v18  }
0x12d: {  	v3 =	vmul.f32 v18, v2;
	v2 =	vadd.f32 $1.000000010e-07, v11;
	v17 =	vmul.f32 $1.442695020e+00, v23;
	[tilespmem:s24+$0xFFFFFFA0] =	vst v21;
	v19 =	vpop (erf)  }
0x12e: {  	s30 =	sadd.s32 $0x80, s30;
	v18 =	vpop (erf);
	(erf) = vpow2.f32 v22;
	v11 =	vld [tilespmem:s14+$0xFFFFFFF0];
	v16 =	vadd.f32 v5, v16;
	v5 =	vmul.f32 v19, v20;
	[tilespmem:s23+$0x70] =	vst v19;
	s14 =	smov.u32 s26;
	s26 =	smov.u32 s18  }
0x12f: {  	v7 =	vmul.f32 v18, v7;
	_ =	sdelay $0x1  }
0x130: {  	(erf) = vpow2.f32 v17  }
0x131: {  	[tilespmem:s16+$0x50] =	vst v18  }
0x132: {  	[tilespmem:s16+$0x10] =	vst v7;
	v7 =	vpop (erf)  }
0x133: {  	v16 =	vmax.f32 v16, $0.0e+00;
	v17 =	vld [tilespmem:s26+$0x20];
	v6 =	vmul.f32 v7, v6  }
0x134: {  	v12 =	vadd.f32 v14, v12;
	v14 =	vmul.f32 v4, v1;
	[tilespmem:s16+$0xFFFFFFD0] =	vst v7;
	v7 =	vld [tilespmem:s28+$0x20];
	v18 =	vpop (erf)  }
0x135: {  	s11 =	sadd.s32 $0x100, s5;
	v13 =	vadd.f32 v15, v13;
	[tilespmem:s16+$0xFFFFFF90] =	vst v6;
	v10 =	vmul.f32 v18, v10  }
0x136: {  	v19 =	vmul.f32 v2, v1;
	v15 =	vld [tilespmem:s7+$0xFFFFFFF0];
	v14 =	vmul.f32 $1.442695020e+00, v14;
	v6 =	vadd.f32 $1.000000010e-07, v16;
	[tilespmem:s11+$0x40] =	vst v18;
	v16 =	vpop (erf)  }
0x137: {  	v12 =	vmax.f32 v12, $0.0e+00;
	v13 =	vmax.f32 v13, $0.0e+00;
	v18 =	vld [tilespmem:s26+$0xFFFFFFE0];
	[tilespmem:s11+$0x0] =	vst v10;
	v9 =	vmul.f32 v16, v9  }
0x138: {  	v12 =	vadd.f32 $1.000000010e-07, v12;
	(erf) = vpow2.f32 v14;
	v13 =	vadd.f32 $1.000000010e-07, v13;
	v20 =	vld [tilespmem:s28+$0xFFFFFFE0];
	[tilespmem:s25+$0x60] =	vst v16  }
0x139: {  	v10 =	vmul.f32 $1.442695020e+00, v19;
	v19 =	vmul.f32 v6, v1;
	v21 =	vpop (erf);
	v7 =	vadd.f32 v7, v17;
	v17 =	vld [tilespmem:s3+$0x10];
	[tilespmem:s25+$0x20] =	vst v9  }
0x13a: {  	v16 =	vmul.f32 v12, v1;
	v8 =	vmul.f32 v21, v8;
	v9 =	vld [tilespmem:s14+$0x30]  }
0x13b: {  	v14 =	vmul.f32 $1.442695020e+00, v19;
	v19 =	vmul.f32 v13, v1;
	v7 =	vmax.f32 v7, $0.0e+00;
	v22 =	vld [tilespmem:s12+$0x30]  }
0x13c: {  	[tilespmem:s11+$0xFFFFFFC0] =	vst v21;
	(erf) = vpow2.f32 v10;
	v10 =	vmul.f32 $1.442695020e+00, v16;
	v16 =	vadd.f32 $1.000000010e-07, v7;
	v7 =	vld [tilespmem:s10+$0x10]  }
0x13d: {  	v11 =	vadd.f32 v15, v11;
	[tilespmem:s11+$0xFFFFFF80] =	vst v8;
	(erf) = vpow2.f32 v14;
	v8 =	vmul.f32 $1.442695020e+00, v19  }
0x13e: {  	v15 =	vld [tilespmem:s10+$0xFFFFFFD0];
	(erf) = vpow2.f32 v10;
	v10 =	vadd.f32 v20, v18;
	v14 =	vmul.f32 v16, v1  }
0x13f: {  	v18 =	vld [tilespmem:s3+$0xFFFFFFD0];
	(erf) = vpow2.f32 v8  }
0x140: {  	v8 =	vmax.f32 v10, $0.0e+00;
	v10 =	vmul.f32 $1.442695020e+00, v14;
	v9 =	vadd.f32 v22, v9  }
0x141: {  	v11 =	vmax.f32 v11, $0.0e+00;
	v14 =	vadd.f32 $1.000000010e-07, v8;
	v8 =	vadd.f32 v7, v17  }
0x142: {  	v7 =	vadd.f32 $1.000000010e-07, v11;
	(erf) = vpow2.f32 v10;
	v9 =	vmax.f32 v9, $0.0e+00  }
0x143: {  	v10 =	vmul.f32 v14, v1;
	v11 =	vmax.f32 v8, $0.0e+00;
	v8 =	vadd.f32 $1.000000010e-07, v9  }
0x144: {  	v15 =	vadd.f32 v15, v18;
	v9 =	vmul.f32 v7, v1;
	v11 =	vadd.f32 $1.000000010e-07, v11  }
0x145: {  	v10 =	vmul.f32 $1.442695020e+00, v10;
	v17 =	vmul.f32 v8, v1  }
0x146: {  	v15 =	vmax.f32 v15, $0.0e+00;
	v9 =	vmul.f32 $1.442695020e+00, v9;
	v18 =	vmul.f32 v11, v1  }
0x147: {  	v15 =	vadd.f32 $1.000000010e-07, v15;
	(erf) = vpow2.f32 v10;
	v17 =	vmul.f32 $1.442695020e+00, v17  }
0x148: {  	v19 =	vpop (erf);
	(erf) = vpow2.f32 v9;
	v18 =	vmul.f32 $1.442695020e+00, v18  }
0x149: {  	v20 =	vmul.f32 v15, v1;
	v10 =	vpop (erf);
	(erf) = vpow2.f32 v17  }
0x14a: {  	v9 =	vpop (erf);
	(erf) = vpow2.f32 v18  }
0x14b: {  	v18 =	vmul.f32 $1.442695020e+00, v20;
	_ =	sdelay $0x1  }
0x14c: {  	v4 =	vmul.f32 v19, v4;
	[tilespmem:s25+$0xFFFFFFE0] =	vst v19;
	v17 =	vpop (erf)  }
0x14d: {  	v12 =	vmul.f32 v17, v12;
	[tilespmem:s5+$0x50] =	vst v17;
	v17 =	vpop (erf)  }
0x14e: {  	[tilespmem:s25+$0xFFFFFFA0] =	vst v4;
	(erf) = vpow2.f32 v18;
	v18 =	vpop (erf)  }
0x14f: {  	[tilespmem:s5+$0x10] =	vst v12;
	v19 =	vpop (erf)  }
0x150: {  	v4 =	vmul.f32 v17, v13;
	[tilespmem:s5+$0xFFFFFFD0] =	vst v17;
	v12 =	vld [tilespmem:s6+$0x20];
	v17 =	vpop (erf)  }
0x151: {  	v13 =	vld [tilespmem:s0+$0x20];
	v50 =	vpop (erf)  }
0x152: {  	v20 =	vld [tilespmem:s14+$0xFFFFFFF0];
	v16 =	vmul.f32 v18, v16;
	[tilespmem:s16+$0x60] =	vst v18;
	v18 =	vpop (erf)  }
0x153: {  	[tilespmem:s5+$0xFFFFFF90] =	vst v4;
	v4 =	vld [tilespmem:s12+$0xFFFFFFF0];
	v11 =	vmul.f32 v18, v11  }
0x154: {  	v51 =	vld [tilespmem:s6+$0xFFFFFFE0]  }
0x155: {  	v23 =	vld [tilespmem:s0+$0xFFFFFFE0];
	[tilespmem:s16+$0x20] =	vst v16  }
0x156: {  	v16 =	vld [tilespmem:s28+$0x30];
	v12 =	vadd.f32 v13, v12;
	[tilespmem:s11+$0x50] =	vst v18  }
0x157: {  	v13 =	vld [tilespmem:s26+$0x30];
	[tilespmem:s11+$0x10] =	vst v11;
	v11 =	vpop (erf)  }
0x158: {  	v12 =	vmax.f32 v12, $0.0e+00;
	v18 =	vld [tilespmem:s3+$0x20];
	v15 =	vmul.f32 v11, v15  }
0x159: {  	v12 =	vadd.f32 $1.000000010e-07, v12;
	[tilespmem:s11+$0xFFFFFFD0] =	vst v11;
	v11 =	vld [tilespmem:s10+$0x20]  }
0x15a: {  	[tilespmem:s11+$0xFFFFFF90] =	vst v15  }
0x15b: {  	v4 =	vadd.f32 v4, v20;
	v52 =	vmul.f32 v12, v1;
	v15 =	vadd.f32 v23, v51;
	v53 =	vld [tilespmem:s3+$0xFFFFFFE0]  }
0x15c: {  	v13 =	vadd.f32 v16, v13;
	v20 =	vld [tilespmem:s10+$0xFFFFFFE0]  }
0x15d: {  	v4 =	vmax.f32 v4, $0.0e+00;
	v22 =	vmul.f32 $1.442695020e+00, v52;
	v15 =	vmax.f32 v15, $0.0e+00  }
0x15e: {  	v13 =	vmax.f32 v13, $0.0e+00;
	v15 =	vadd.f32 $1.000000010e-07, v15;
	v11 =	vadd.f32 v11, v18  }
0x15f: {  	v4 =	vadd.f32 $1.000000010e-07, v4;
	v13 =	vadd.f32 $1.000000010e-07, v13  }
0x160: {  	(erf) = vpow2.f32 v22;
	v16 =	vmul.f32 v15, v1;
	v11 =	vmax.f32 v11, $0.0e+00  }
0x161: {  	v18 =	vmul.f32 v4, v1;
	v11 =	vadd.f32 $1.000000010e-07, v11;
	v20 =	vadd.f32 v20, v53  }
0x162: {  	v54 =	vmul.f32 v13, v1;
	v16 =	vmul.f32 $1.442695020e+00, v16  }
0x163: {  	v18 =	vmul.f32 $1.442695020e+00, v18;
	v55 =	vmul.f32 v11, v1;
	v20 =	vmax.f32 v20, $0.0e+00  }
0x164: {  	(erf) = vpow2.f32 v16;
	v16 =	vmul.f32 $1.442695020e+00, v54;
	v20 =	vadd.f32 $1.000000010e-07, v20  }
0x165: {  	(erf) = vpow2.f32 v18;
	v18 =	vmul.f32 $1.442695020e+00, v55  }
0x166: {  	(erf) = vpow2.f32 v16;
	v16 =	vmul.f32 v20, v1  }
0x167: {  	(erf) = vpow2.f32 v18  }
0x168: {  	v16 =	vmul.f32 $1.442695020e+00, v16  }
0x169: {  	v14 =	vmul.f32 v19, v14;
	_ =	sdelay $0x2  }
0x16a: {  	[tilespmem:s16+$0xFFFFFFE0] =	vst v19;
	(erf) = vpow2.f32 v16;
	v16 =	vpop (erf)  }
0x16b: {  	[tilespmem:s16+$0xFFFFFFA0] =	vst v14;
	v12 =	vmul.f32 v16, v12;
	v14 =	vpop (erf)  }
0x16c: {  	[tilespmem:s5+$0x60] =	vst v16;
	v16 =	vpop (erf)  }
0x16d: {  	v19 =	vld [tilespmem:s28+$0xFFFFFFF0];
	[tilespmem:s5+$0x20] =	vst v12;
	v12 =	vmul.f32 v14, v15;
	v15 =	vpop (erf)  }
0x16e: {  	v18 =	vld [tilespmem:s26+$0xFFFFFFF0];
	[tilespmem:s5+$0xFFFFFFE0] =	vst v14;
	v14 =	vpop (erf)  }
0x16f: {  	v56 =	vld [tilespmem:s6+$0x30];
	v11 =	vmul.f32 v14, v11  }
0x170: {  	v57 =	vld [tilespmem:s0+$0x30];
	[tilespmem:s5+$0xFFFFFFA0] =	vst v12  }
0x171: {  	v12 =	vld [tilespmem:s6+$0xFFFFFFF0]  }
0x172: {  	[tilespmem:s11+$0x60] =	vst v14;
	v14 =	vld [tilespmem:s0+$0xFFFFFFF0]  }
0x173: {  	v18 =	vadd.f32 v19, v18;
	[tilespmem:s11+$0x20] =	vst v11;
	v11 =	vpop (erf)  }
0x174: {  	v24 =	vld [tilespmem:s3+$0x30];
	v20 =	vmul.f32 v11, v20  }
0x175: {  	v18 =	vmax.f32 v18, $0.0e+00;
	v19 =	vadd.f32 v57, v56;
	[tilespmem:s11+$0xFFFFFFE0] =	vst v11;
	v11 =	vld [tilespmem:s10+$0x30]  }
0x176: {  	v18 =	vadd.f32 $1.000000010e-07, v18;
	[tilespmem:s11+$0xFFFFFFA0] =	vst v20  }
0x177: {  	v19 =	vmax.f32 v19, $0.0e+00;
	v12 =	vadd.f32 v14, v12;
	v20 =	vld [tilespmem:s3+$0xFFFFFFF0]  }
0x178: {  	v14 =	vadd.f32 $1.000000010e-07, v19;
	v19 =	vmul.f32 v18, v1;
	v58 =	vld [tilespmem:s10+$0xFFFFFFF0]  }
0x179: {  	[tilespmem:s23+$0x30] =	vst v5;
	v5 =	vmul.f32 v9, v6;
	v12 =	vmax.f32 v12, $0.0e+00  }
0x17a: {  	[tilespmem:s22+$0xFFFFFFB0] =	vst v3;
	v6 =	vmul.f32 v14, v1;
	v3 =	vmul.f32 $1.442695020e+00, v19;
	v11 =	vadd.f32 v11, v24  }
0x17b: {  	v2 =	vmul.f32 v10, v2;
	v12 =	vadd.f32 $1.000000010e-07, v12  }
0x17c: {  	v6 =	vmul.f32 $1.442695020e+00, v6;
	(erf) = vpow2.f32 v3;
	v11 =	vmax.f32 v11, $0.0e+00  }
0x17d: {  	[tilespmem:s23+$0xFFFFFFF0] =	vst v10;
	v3 =	vmul.f32 v12, v1;
	v10 =	vadd.f32 $1.000000010e-07, v11;
	v11 =	vadd.f32 v58, v20  }
0x17e: {  	[tilespmem:s24+$0x70] =	vst v9  }
0x17f: {  	[tilespmem:s23+$0xFFFFFFB0] =	vst v2;
	(erf) = vpow2.f32 v6;
	v3 =	vmul.f32 $1.442695020e+00, v3;
	v6 =	vmax.f32 v11, $0.0e+00  }
0x180: {  	[tilespmem:s24+$0x30] =	vst v5;
	v2 =	vmul.f32 v17, v7;
	v5 =	vmul.f32 v10, v1;
	v6 =	vadd.f32 $1.000000010e-07, v6  }
0x181: {  	[tilespmem:s24+$0xFFFFFFF0] =	vst v17;
	v7 =	vmul.f32 v50, v8;
	(erf) = vpow2.f32 v3  }
0x182: {  	[tilespmem:s25+$0x70] =	vst v50;
	v5 =	vmul.f32 $1.442695020e+00, v5;
	v3 =	vmul.f32 v6, v1  }
0x183: {  	[tilespmem:s24+$0xFFFFFFB0] =	vst v2  }
0x184: {  	[tilespmem:s25+$0x30] =	vst v7;
	(erf) = vpow2.f32 v5;
	v2 =	vmul.f32 $1.442695020e+00, v3  }
0x185: {  	[tilespmem:s25+$0xFFFFFFF0] =	vst v16;
	v4 =	vmul.f32 v16, v4;
	v3 =	vmul.f32 v15, v13  }
0x186: {  	[tilespmem:s16+$0x70] =	vst v15;
	(erf) = vpow2.f32 v2  }
0x187: {  	[tilespmem:s25+$0xFFFFFFB0] =	vst v4  }
0x188: {  	[tilespmem:s16+$0x30] =	vst v3;
	v2 =	vpop (erf)  }
0x189: {  	v3 =	vpop (erf);
	[tilespmem:s16+$0xFFFFFFF0] =	vst v2;
	v2 =	vmul.f32 v2, v18  }
0x18a: {  	[tilespmem:s5+$0x70] =	vst v3  }
0x18b: {  	v4 =	vmul.f32 v3, v14;
	v3 =	vpop (erf);
	[tilespmem:s16+$0xFFFFFFB0] =	vst v2  }
0x18c: {  	[tilespmem:s5+$0xFFFFFFF0] =	vst v3;
	v3 =	vmul.f32 v3, v12  }
0x18d: {  	[tilespmem:s5+$0x30] =	vst v4;
	v2 =	vpop (erf)  }
0x18e: {  	[tilespmem:s5+$0xFFFFFFB0] =	vst v3;
	v4 =	vmul.f32 v2, v10  }
0x18f: {  	[tilespmem:s11+$0x70] =	vst v2;
	v2 =	vpop (erf)  }
0x190: {  	s7 =	sshll.u32 s20, $0x7;
	[tilespmem:s11+$0x30] =	vst v4;
	v3 =	vmul.f32 v2, v6  }
0x191: {  	s0 =	sand.u32 $0x3FFFFF80, s7;
	[tilespmem:s11+$0xFFFFFFF0] =	vst v2  }
0x192: {  	p1 =	sgt.u32 s8, $0x13D;
	s0 =	sadd.s32 $0x14400, s0;
	[tilespmem:s11+$0xFFFFFFB0] =	vst v3  }
0x193: {  	[spmem:s4] =	stream.indirect.scatter.add.f32 [tilespmem:s31], [sflag:$0x3], $0x80, s0, s29, $0xb8;
	[tilespmem:$0x1C610] =	vst v63  }
0x194: {  	s0 =	sadd.s32 @!p1 $0x2, s8  }
0x195: {  	s3 =	sshll.u32 @!p1 s0, $0x6  }
0x196: {  	s6 =	simm.s32 @!p1 $0x14600;
	s3 =	sand.u32 @!p1 $0x380, s3  }
0x197: {  	s5 =	simm.s32 @!p1 $0x40;
	s0 =	sshll.u32 @!p1 s0, $0x9;
	s3 =	sor.u32 @!p1 $0x14000, s3  }
0x198: {  	[tilespmem:s6], [sflag:$0x1] =	stream.indirect.gather @!p1 [hbm4b:s1+s5], $0x40, s3, s5, $0xb8;
	[tilespmem:$0x1C610] =	vst v63  }
0x199: {  	s0 =	sadd.s32 @!p1 s0, s15;
	s3 =	simm.s32 @!p1 $0x0;
	s5 =	simm.s32 @!p1 $0x16600  }
0x19a: {  	[tilespmem:s5], [sflag:$0x2] =	stream.linear.gather @!p1 [hbm4b:s0+s3], $0x1000, $0x38;
	[tilespmem:$0x1C610] =	vst v63  }
0x19b: {  	_ =	swait.ge [sflag:s2], $0x1000  }
0x19c: {  	[sflag:s2] =	ssyncset.done $0x0  }
0x19d: {  	[sflag:s2] =	ssyncadd.s32 $0xFFFFF000  }
0x19e: {  	_ =	swait.ge [sflag:s9], $0x1000  }
0x19f: {  	[sflag:s9] =	ssyncset.done $0x0  }
0x1a0: {  	s0 =	simm.s32 @!p0 $0x3;
	[sflag:s9] =	ssyncadd.s32 $0xFFFFF000  }
0x1a1: {  	_ =	swait.ge @!p0 [sflag:s0], $0x2000  }
0x1a2: {  	[sflag:s0] =	ssyncset.done @!p0 $0x0  }
0x1a3: {  	s8 =	simm.s32 $0x15670;
	[sflag:s0] =	ssyncadd.s32 @!p0 $0xFFFFE000  }
0x1a4: {  	s10 =	simm.s32 $0x17670;
	v2 =	vld [tilespmem:s8+$0xFFFFFFD0]  }
0x1a5: {  	v3 =	vld [tilespmem:s10+$0xFFFFFFD0];
	_ =	sdelay $0x4  }
0x1a6: {  	v4 =	vld [tilespmem:s10+$0xFFFFFF90];
	v2 =	vadd.f32 v3, v2  }
0x1a7: {  	v3 =	vld [tilespmem:s8+$0xFFFFFF90]  }
0x1a8: {  	v2 =	vmax.f32 v2, $0.0e+00  }
0x1a9: {  	v2 =	vadd.f32 $1.000000010e-07, v2;
	_ =	sdelay $0x1  }
0x1aa: {  	v5 =	vmul.f32 v2, v1  }
0x1ab: {  	v3 =	vadd.f32 v4, v3  }
0x1ac: {  	v4 =	vmul.f32 $1.442695020e+00, v5  }
0x1ad: {  	v3 =	vmax.f32 v3, $0.0e+00  }
0x1ae: {  	v3 =	vadd.f32 $1.000000010e-07, v3;
	(erf) = vpow2.f32 v4;
	_ =	sdelay $0x1  }
0x1af: {  	v4 =	vmul.f32 v3, v1  }
0x1b0: {  	s17 =	simm.s32 $0x176F0  }
0x1b1: {  	s11 =	simm.s32 $0x156F0;
	v6 =	vld [tilespmem:s17+$0xFFFFFFD0];
	v4 =	vmul.f32 $1.442695020e+00, v4  }
0x1b2: {  	v5 =	vld [tilespmem:s11+$0xFFFFFFD0]  }
0x1b3: {  	(erf) = vpow2.f32 v4  }
0x1b4: {  	v7 =	vld [tilespmem:s11+$0xFFFFFF90]  }
0x1b5: {  	v4 =	vld [tilespmem:s17+$0xFFFFFF90]  }
0x1b6: {  	v8 =	vpop (erf)  }
0x1b7: {  	s22 =	simm.s32 $0x1A6F0;
	v5 =	vadd.f32 v6, v5;
	v2 =	vmul.f32 v8, v2  }
0x1b8: {  	[tilespmem:s22+$0xFFFFFFD0] =	vst v8  }
0x1b9: {  	v5 =	vmax.f32 v5, $0.0e+00;
	[tilespmem:s22+$0xFFFFFF90] =	vst v2  }
0x1ba: {  	v2 =	vadd.f32 v4, v7;
	v4 =	vadd.f32 $1.000000010e-07, v5;
	v5 =	vld [tilespmem:s8+$0xFFFFFFE0]  }
0x1bb: {  	v6 =	vld [tilespmem:s10+$0xFFFFFFE0]  }
0x1bc: {  	v7 =	vpop (erf);
	v2 =	vmax.f32 v2, $0.0e+00;
	v8 =	vmul.f32 v4, v1  }
0x1bd: {  	v3 =	vmul.f32 v7, v3;
	v2 =	vadd.f32 $1.000000010e-07, v2  }
0x1be: {  	v8 =	vmul.f32 $1.442695020e+00, v8  }
0x1bf: {  	[tilespmem:s22+$0xFFFFFF10] =	vst v3;
	v3 =	vmul.f32 v2, v1  }
0x1c0: {  	[tilespmem:s22+$0xFFFFFF50] =	vst v7;
	(erf) = vpow2.f32 v8;
	v5 =	vadd.f32 v6, v5  }
0x1c1: {  	v6 =	vld [tilespmem:s8+$0xFFFFFFA0];
	v3 =	vmul.f32 $1.442695020e+00, v3  }
0x1c2: {  	s18 =	simm.s32 $0x15770;
	v7 =	vld [tilespmem:s10+$0xFFFFFFA0];
	v5 =	vmax.f32 v5, $0.0e+00  }
0x1c3: {  	s7 =	simm.s32 $0x17770;
	v8 =	vld [tilespmem:s18+$0xFFFFFFD0];
	(erf) = vpow2.f32 v3;
	v3 =	vadd.f32 $1.000000010e-07, v5  }
0x1c4: {  	v5 =	vld [tilespmem:s7+$0xFFFFFFD0]  }
0x1c5: {  	v10 =	vmul.f32 v3, v1  }
0x1c6: {  	v9 =	vld [tilespmem:s7+$0xFFFFFF90]  }
0x1c7: {  	v11 =	vld [tilespmem:s18+$0xFFFFFF90]  }
0x1c8: {  	v6 =	vadd.f32 v7, v6  }
0x1c9: {  	v7 =	vmul.f32 $1.442695020e+00, v10;
	v5 =	vadd.f32 v5, v8;
	v10 =	vpop (erf)  }
0x1ca: {  	v6 =	vmax.f32 v6, $0.0e+00;
	v4 =	vmul.f32 v10, v4  }
0x1cb: {  	s23 =	simm.s32 $0x1A7F0;
	v6 =	vadd.f32 $1.000000010e-07, v6;
	(erf) = vpow2.f32 v7;
	v5 =	vmax.f32 v5, $0.0e+00  }
0x1cc: {  	v7 =	vadd.f32 v9, v11;
	[tilespmem:s23+$0xFFFFFFD0] =	vst v10;
	v5 =	vadd.f32 $1.000000010e-07, v5  }
0x1cd: {  	v8 =	vmul.f32 v6, v1;
	[tilespmem:s23+$0xFFFFFF90] =	vst v4  }
0x1ce: {  	v7 =	vmax.f32 v7, $0.0e+00;
	v9 =	vld [tilespmem:s11+$0xFFFFFFE0];
	v11 =	vmul.f32 v5, v1;
	v4 =	vpop (erf)  }
0x1cf: {  	v7 =	vadd.f32 $1.000000010e-07, v7;
	v8 =	vmul.f32 $1.442695020e+00, v8;
	v10 =	vld [tilespmem:s17+$0xFFFFFFE0];
	v2 =	vmul.f32 v4, v2  }
0x1d0: {  	[tilespmem:s23+$0xFFFFFF50] =	vst v4;
	v4 =	vmul.f32 $1.442695020e+00, v11  }
0x1d1: {  	s14 =	simm.s32 $0x157F0;
	(erf) = vpow2.f32 v8;
	[tilespmem:s23+$0xFFFFFF10] =	vst v2;
	v2 =	vmul.f32 v7, v1  }
0x1d2: {  	(erf) = vpow2.f32 v4;
	v4 =	vld [tilespmem:s14+$0xFFFFFFD0]  }
0x1d3: {  	v8 =	vld [tilespmem:s11+$0xFFFFFFA0];
	v2 =	vmul.f32 $1.442695020e+00, v2  }
0x1d4: {  	s26 =	simm.s32 $0x177F0;
	v11 =	vld [tilespmem:s17+$0xFFFFFFA0];
	v12 =	vpop (erf);
	v9 =	vadd.f32 v10, v9  }
0x1d5: {  	v3 =	vmul.f32 v12, v3;
	(erf) = vpow2.f32 v2;
	v2 =	vld [tilespmem:s26+$0xFFFFFFD0]  }
0x1d6: {  	v10 =	vld [tilespmem:s26+$0xFFFFFF90];
	[tilespmem:s22+$0xFFFFFFE0] =	vst v12;
	v9 =	vmax.f32 v9, $0.0e+00  }
0x1d7: {  	v12 =	vld [tilespmem:s14+$0xFFFFFF90];
	[tilespmem:s22+$0xFFFFFFA0] =	vst v3;
	v3 =	vadd.f32 $1.000000010e-07, v9  }
0x1d8: {  	v9 =	vld [tilespmem:s8+$0xFFFFFFF0]  }
0x1d9: {  	v8 =	vadd.f32 v11, v8;
	v11 =	vld [tilespmem:s10+$0xFFFFFFF0];
	v13 =	vmul.f32 v3, v1  }
0x1da: {  	v2 =	vadd.f32 v2, v4;
	v4 =	vpop (erf)  }
0x1db: {  	v8 =	vmax.f32 v8, $0.0e+00;
	v13 =	vmul.f32 $1.442695020e+00, v13;
	v6 =	vmul.f32 v4, v6  }
0x1dc: {  	v10 =	vadd.f32 v10, v12;
	v8 =	vadd.f32 $1.000000010e-07, v8;
	[tilespmem:s22+$0xFFFFFF60] =	vst v4;
	v4 =	vpop (erf);
	v2 =	vmax.f32 v2, $0.0e+00  }
0x1dd: {  	(erf) = vpow2.f32 v13;
	v5 =	vmul.f32 v4, v5;
	v2 =	vadd.f32 $1.000000010e-07, v2  }
0x1de: {  	s24 =	simm.s32 $0x1A8F0;
	v14 =	vmul.f32 v8, v1;
	v9 =	vadd.f32 v11, v9;
	[tilespmem:s22+$0xFFFFFF20] =	vst v6  }
0x1df: {  	[tilespmem:s24+$0xFFFFFF90] =	vst v5;
	v5 =	vmax.f32 v10, $0.0e+00;
	v6 =	vpop (erf);
	v10 =	vmul.f32 v2, v1  }
0x1e0: {  	[tilespmem:s24+$0xFFFFFFD0] =	vst v4;
	v11 =	vld [tilespmem:s8+$0xFFFFFFB0];
	v9 =	vmax.f32 v9, $0.0e+00;
	v4 =	vmul.f32 v6, v7;
	v7 =	vmul.f32 $1.442695020e+00, v14  }
0x1e1: {  	v12 =	vld [tilespmem:s10+$0xFFFFFFB0];
	v9 =	vadd.f32 $1.000000010e-07, v9  }
0x1e2: {  	v13 =	vld [tilespmem:s18+$0xFFFFFFE0];
	v5 =	vadd.f32 $1.000000010e-07, v5;
	(erf) = vpow2.f32 v7;
	[tilespmem:s24+$0xFFFFFF10] =	vst v4;
	v4 =	vmul.f32 $1.442695020e+00, v10  }
0x1e3: {  	v7 =	vld [tilespmem:s7+$0xFFFFFFE0];
	v10 =	vmul.f32 v9, v1  }
0x1e4: {  	[tilespmem:s24+$0xFFFFFF50] =	vst v6;
	v6 =	vmul.f32 v5, v1;
	(erf) = vpow2.f32 v4  }
0x1e5: {  	v14 =	vld [tilespmem:s18+$0xFFFFFFA0];
	v4 =	vmul.f32 $1.442695020e+00, v10  }
0x1e6: {  	s28 =	simm.s32 $0x15870;
	v11 =	vadd.f32 v12, v11;
	v6 =	vmul.f32 $1.442695020e+00, v6;
	v10 =	vld [tilespmem:s7+$0xFFFFFFA0];
	v12 =	vpop (erf)  }
0x1e7: {  	s12 =	simm.s32 $0x17870;
	v3 =	vmul.f32 v12, v3;
	(erf) = vpow2.f32 v4;
	v4 =	vld [tilespmem:s28+$0xFFFFFFD0]  }
0x1e8: {  	[tilespmem:s23+$0xFFFFFFE0] =	vst v12;
	v7 =	vadd.f32 v7, v13;
	(erf) = vpow2.f32 v6;
	v6 =	vld [tilespmem:s12+$0xFFFFFFD0]  }
0x1e9: {  	v11 =	vmax.f32 v11, $0.0e+00;
	[tilespmem:s23+$0xFFFFFFA0] =	vst v3  }
0x1ea: {  	v11 =	vadd.f32 $1.000000010e-07, v11;
	v15 =	vld [tilespmem:s17+$0xFFFFFFF0];
	v7 =	vmax.f32 v7, $0.0e+00  }
0x1eb: {  	v3 =	vadd.f32 v10, v14;
	v10 =	vld [tilespmem:s11+$0xFFFFFFF0];
	v7 =	vadd.f32 $1.000000010e-07, v7;
	v14 =	vpop (erf)  }
0x1ec: {  	v16 =	vld [tilespmem:s28+$0xFFFFFF90];
	v13 =	vmul.f32 v11, v1;
	v8 =	vmul.f32 v14, v8  }
0x1ed: {  	s25 =	simm.s32 $0x1A9F0;
	v12 =	vld [tilespmem:s12+$0xFFFFFF90];
	v3 =	vmax.f32 v3, $0.0e+00;
	v17 =	vmul.f32 v7, v1;
	[tilespmem:s23+$0xFFFFFF60] =	vst v14;
	v4 =	vadd.f32 v6, v4;
	v6 =	vpop (erf)  }
0x1ee: {  	v13 =	vmul.f32 $1.442695020e+00, v13;
	v3 =	vadd.f32 $1.000000010e-07, v3;
	[tilespmem:s23+$0xFFFFFF20] =	vst v8;
	v2 =	vmul.f32 v6, v2  }
0x1ef: {  	v8 =	vmul.f32 $1.442695020e+00, v17;
	[tilespmem:s25+$0xFFFFFFD0] =	vst v6  }
0x1f0: {  	(erf) = vpow2.f32 v13;
	v6 =	vmul.f32 v3, v1;
	v13 =	vld [tilespmem:s11+$0xFFFFFFB0];
	v14 =	vpop (erf);
	[tilespmem:s25+$0xFFFFFF90] =	vst v2;
	v2 =	vadd.f32 v15, v10  }
0x1f1: {  	v4 =	vmax.f32 v4, $0.0e+00;
	v17 =	vld [tilespmem:s17+$0xFFFFFFB0];
	(erf) = vpow2.f32 v8;
	v8 =	vmul.f32 v14, v9  }
0x1f2: {  	v4 =	vadd.f32 $1.000000010e-07, v4;
	v10 =	vadd.f32 v12, v16;
	[tilespmem:s22+$0xFFFFFFF0] =	vst v14;
	v2 =	vmax.f32 v2, $0.0e+00  }
0x1f3: {  	v9 =	vpop (erf);
	v6 =	vmul.f32 $1.442695020e+00, v6;
	v12 =	vld [tilespmem:s14+$0xFFFFFFE0];
	[tilespmem:s22+$0xFFFFFFB0] =	vst v8;
	v2 =	vadd.f32 $1.000000010e-07, v2  }
0x1f4: {  	v5 =	vmul.f32 v9, v5;
	v8 =	vmax.f32 v10, $0.0e+00;
	v10 =	vmul.f32 v4, v1;
	v14 =	vld [tilespmem:s8+$0x0]  }
0x1f5: {  	(erf) = vpow2.f32 v6;
	v6 =	vld [tilespmem:s10+$0x0];
	v15 =	vmul.f32 v2, v1  }
0x1f6: {  	v8 =	vadd.f32 $1.000000010e-07, v8;
	[tilespmem:s25+$0xFFFFFF10] =	vst v5;
	v5 =	vadd.f32 v17, v13;
	v10 =	vmul.f32 $1.442695020e+00, v10;
	v13 =	vld [tilespmem:s26+$0xFFFFFFE0]  }
0x1f7: {  	[tilespmem:s25+$0xFFFFFF50] =	vst v9  }
0x1f8: {  	v16 =	vld [tilespmem:s14+$0xFFFFFFA0];
	v9 =	vmul.f32 v8, v1;
	v5 =	vmax.f32 v5, $0.0e+00;
	(erf) = vpow2.f32 v10  }
0x1f9: {  	s0 =	simm.s32 $0x178F0;
	v17 =	vld [tilespmem:s26+$0xFFFFFFA0];
	v10 =	vmul.f32 $1.442695020e+00, v15;
	v5 =	vadd.f32 $1.000000010e-07, v5;
	v15 =	vpop (erf)  }
0x1fa: {  	s6 =	simm.s32 $0x158F0;
	v9 =	vmul.f32 $1.442695020e+00, v9;
	v6 =	vadd.f32 v6, v14;
	v14 =	vld [tilespmem:s0+$0xFFFFFF90];
	v18 =	vpop (erf);
	v11 =	vmul.f32 v15, v11  }
0x1fb: {  	(erf) = vpow2.f32 v10;
	v10 =	vld [tilespmem:s6+$0xFFFFFFD0];
	v12 =	vadd.f32 v13, v12;
	v7 =	vmul.f32 v18, v7;
	[tilespmem:s24+$0xFFFFFFE0] =	vst v18  }
0x1fc: {  	v13 =	vmul.f32 v5, v1;
	(erf) = vpow2.f32 v9;
	v9 =	vld [tilespmem:s0+$0xFFFFFFD0];
	v6 =	vmax.f32 v6, $0.0e+00;
	[tilespmem:s22+$0xFFFFFF30] =	vst v11  }
0x1fd: {  	v6 =	vadd.f32 $1.000000010e-07, v6;
	v11 =	vld [tilespmem:s6+$0xFFFFFF90];
	[tilespmem:s24+$0xFFFFFFA0] =	vst v7  }
0x1fe: {  	v12 =	vmax.f32 v12, $0.0e+00;
	v13 =	vmul.f32 $1.442695020e+00, v13;
	v7 =	vadd.f32 v17, v16;
	v16 =	vld [tilespmem:s18+$0xFFFFFFF0]  }
0x1ff: {  	[tilespmem:s22+$0xFFFFFF70] =	vst v15;
	v12 =	vadd.f32 $1.000000010e-07, v12;
	v17 =	vpop (erf);
	v18 =	vmul.f32 v6, v1;
	v15 =	vld [tilespmem:s7+$0xFFFFFFF0]  }
0x200: {  	(erf) = vpow2.f32 v13;
	v3 =	vmul.f32 v17, v3;
	v7 =	vmax.f32 v7, $0.0e+00  }
0x201: {  	v13 =	vld [tilespmem:s8+$0xFFFFFFC0];
	v19 =	vmul.f32 v12, v1;
	[tilespmem:s24+$0xFFFFFF60] =	vst v17;
	v17 =	vadd.f32 $1.000000010e-07, v7;
	v7 =	vadd.f32 v9, v10;
	v9 =	vpop (erf)  }
0x202: {  	s16 =	simm.s32 $0x1AAF0;
	v10 =	vmul.f32 $1.442695020e+00, v18;
	[tilespmem:s24+$0xFFFFFF20] =	vst v3;
	v3 =	vld [tilespmem:s10+$0xFFFFFFC0];
	v4 =	vmul.f32 v9, v4  }
0x203: {  	v18 =	vmul.f32 $1.442695020e+00, v19;
	v19 =	vld [tilespmem:s18+$0xFFFFFFB0];
	[tilespmem:s16+$0xFFFFFFD0] =	vst v9;
	v11 =	vadd.f32 v14, v11;
	v7 =	vmax.f32 v7, $0.0e+00  }
0x204: {  	v9 =	vmul.f32 v17, v1;
	v20 =	vpop (erf);
	(erf) = vpow2.f32 v10;
	v10 =	vld [tilespmem:s7+$0xFFFFFFB0];
	[tilespmem:s16+$0xFFFFFF90] =	vst v4;
	v4 =	vadd.f32 v15, v16  }
0x205: {  	(erf) = vpow2.f32 v18;
	v2 =	vmul.f32 v20, v2;
	v15 =	vpop (erf);
	v14 =	vadd.f32 $1.000000010e-07, v7  }
0x206: {  	[tilespmem:s23+$0xFFFFFFF0] =	vst v20;
	v7 =	vmul.f32 v15, v8;
	v9 =	vmul.f32 $1.442695020e+00, v9;
	v4 =	vmax.f32 v4, $0.0e+00  }
0x207: {  	v8 =	vld [tilespmem:s28+$0xFFFFFFE0];
	[tilespmem:s23+$0xFFFFFFB0] =	vst v2;
	v2 =	vmax.f32 v11, $0.0e+00;
	v11 =	vmul.f32 v14, v1;
	v3 =	vadd.f32 v3, v13  }
0x208: {  	[tilespmem:s16+$0xFFFFFF50] =	vst v15;
	v4 =	vadd.f32 $1.000000010e-07, v4;
	v16 =	vld [tilespmem:s11+$0x0];
	v2 =	vadd.f32 $1.000000010e-07, v2  }
0x209: {  	[tilespmem:s16+$0xFFFFFF10] =	vst v7;
	(erf) = vpow2.f32 v9;
	v7 =	vld [tilespmem:s17+$0x0];
	v15 =	vpop (erf);
	v9 =	vadd.f32 v10, v19;
	v10 =	vmul.f32 $1.442695020e+00, v11  }
0x20a: {  	v11 =	vld [tilespmem:s12+$0xFFFFFFE0];
	v5 =	vmul.f32 v15, v5;
	v13 =	vmul.f32 v4, v1  }
0x20b: {  	v3 =	vmax.f32 v3, $0.0e+00;
	v19 =	vld [tilespmem:s28+$0xFFFFFFA0];
	v18 =	vmul.f32 v2, v1  }
0x20c: {  	v9 =	vmax.f32 v9, $0.0e+00;
	(erf) = vpow2.f32 v10;
	v10 =	vld [tilespmem:s12+$0xFFFFFFA0];
	v13 =	vmul.f32 $1.442695020e+00, v13  }
0x20d: {  	s3 =	simm.s32 $0x15970;
	[tilespmem:s23+$0xFFFFFF70] =	vst v15;
	v3 =	vadd.f32 $1.000000010e-07, v3;
	v15 =	vadd.f32 $1.000000010e-07, v9  }
0x20e: {  	v20 =	vld [tilespmem:s3+$0xFFFFFFD0];
	[tilespmem:s23+$0xFFFFFF30] =	vst v5;
	v9 =	vmul.f32 $1.442695020e+00, v18;
	v5 =	vpop (erf);
	v7 =	vadd.f32 v7, v16;
	(erf) = vpow2.f32 v13  }
0x20f: {  	v18 =	vpop (erf);
	v13 =	vld [tilespmem:s11+$0xFFFFFFC0];
	v16 =	vmul.f32 v5, v6;
	s11 =	simm.s32 $0x17970;
	v6 =	vadd.f32 v11, v8;
	v11 =	vmul.f32 v15, v1  }
0x210: {  	(erf) = vpow2.f32 v9;
	v8 =	vmul.f32 v18, v12;
	v9 =	vld [tilespmem:s11+$0xFFFFFFD0];
	v7 =	vmax.f32 v7, $0.0e+00  }
0x211: {  	v61 =	vld [tilespmem:s3+$0xFFFFFF90];
	[tilespmem:s25+$0xFFFFFFE0] =	vst v18;
	v10 =	vadd.f32 v10, v19;
	v6 =	vmax.f32 v6, $0.0e+00;
	v19 =	vadd.f32 $1.000000010e-07, v7  }
0x212: {  	v12 =	vmul.f32 v3, v1;
	v18 =	vld [tilespmem:s11+$0xFFFFFF90];
	[tilespmem:s25+$0xFFFFFFA0] =	vst v8  }
0x213: {  	v11 =	vmul.f32 $1.442695020e+00, v11;
	v8 =	vld [tilespmem:s14+$0xFFFFFFF0];
	v60 =	vmul.f32 v19, v1  }
0x214: {  	v7 =	vadd.f32 $1.000000010e-07, v6;
	v12 =	vmul.f32 $1.442695020e+00, v12;
	v10 =	vmax.f32 v10, $0.0e+00;
	v59 =	vld [tilespmem:s26+$0xFFFFFFF0];
	v6 =	vpop (erf)  }
0x215: {  	v17 =	vmul.f32 v6, v17;
	v9 =	vadd.f32 v9, v20;
	v20 =	vmul.f32 $1.442695020e+00, v60  }
0x216: {  	(erf) = vpow2.f32 v11;
	[tilespmem:s25+$0xFFFFFF60] =	vst v6;
	v6 =	vadd.f32 $1.000000010e-07, v10;
	v10 =	vmul.f32 v7, v1  }
0x217: {  	v11 =	vpop (erf);
	(erf) = vpow2.f32 v12;
	v18 =	vadd.f32 v18, v61;
	[tilespmem:s25+$0xFFFFFF20] =	vst v17;
	v17 =	vld [tilespmem:s17+$0xFFFFFFC0]  }
0x218: {  	[tilespmem:s22+$0x0] =	vst v5;
	v5 =	vmul.f32 v11, v14;
	v10 =	vmul.f32 $1.442695020e+00, v10;
	v9 =	vmax.f32 v9, $0.0e+00  }
0x219: {  	s5 =	simm.s32 $0x1ABF0;
	[tilespmem:s22+$0xFFFFFFC0] =	vst v16;
	v14 =	vmul.f32 v6, v1;
	(erf) = vpow2.f32 v20;
	v12 =	vld [tilespmem:s14+$0xFFFFFFB0];
	v8 =	vadd.f32 v59, v8;
	v20 =	vpop (erf)  }
0x21a: {  	[tilespmem:s5+$0xFFFFFFD0] =	vst v11;
	v16 =	vld [tilespmem:s26+$0xFFFFFFB0];
	v11 =	vpop (erf);
	(erf) = vpow2.f32 v10;
	v4 =	vmul.f32 v20, v4;
	v10 =	vadd.f32 $1.000000010e-07, v9  }
0x21b: {  	[tilespmem:s5+$0xFFFFFF90] =	vst v5;
	v5 =	vmax.f32 v18, $0.0e+00;
	v14 =	vmul.f32 $1.442695020e+00, v14;
	v8 =	vmax.f32 v8, $0.0e+00  }
0x21c: {  	v2 =	vmul.f32 v11, v2;
	[tilespmem:s24+$0xFFFFFFB0] =	vst v4;
	v4 =	vadd.f32 v17, v13;
	v13 =	vmul.f32 v10, v1  }
0x21d: {  	[tilespmem:s24+$0xFFFFFFF0] =	vst v20;
	v9 =	vadd.f32 $1.000000010e-07, v8;
	v8 =	vadd.f32 $1.000000010e-07, v5;
	(erf) = vpow2.f32 v14;
	v14 =	vld [tilespmem:s0+$0xFFFFFFE0]  }
0x21e: {  	v17 =	vld [tilespmem:s18+$0x0]  }
0x21f: {  	[tilespmem:s5+$0xFFFFFF10] =	vst v2;
	v2 =	vadd.f32 v16, v12;
	v5 =	vld [tilespmem:s7+$0x0];
	v20 =	vmul.f32 v8, v1  }
0x220: {  	[tilespmem:s5+$0xFFFFFF50] =	vst v11;
	v12 =	vld [tilespmem:s6+$0xFFFFFFE0];
	v16 =	vmul.f32 v9, v1;
	v11 =	vmul.f32 $1.442695020e+00, v13;
	v13 =	vpop (erf)  }
0x221: {  	s30 =	simm.s32 $0x159F0;
	v18 =	vmax.f32 v4, $0.0e+00;
	v2 =	vmax.f32 v2, $0.0e+00;
	v62 =	vmul.f32 v13, v15;
	[tilespmem:s24+$0xFFFFFF70] =	vst v13;
	v63 =	vpop (erf);
	v13 =	vld [tilespmem:s6+$0xFFFFFFA0]  }
0x222: {  	v4 =	vadd.f32 $1.000000010e-07, v2;
	(erf) = vpow2.f32 v11;
	v11 =	vmul.f32 $1.442695020e+00, v16;
	v15 =	vld [tilespmem:s0+$0xFFFFFFA0];
	[tilespmem:s22+$0xFFFFFF80] =	vst v63  }
0x223: {  	s21 =	sor.u32 $0x1, s21;
	v2 =	vadd.f32 $1.000000010e-07, v18;
	v16 =	vmul.f32 $1.442695020e+00, v20;
	v20 =	vpop (erf);
	v3 =	vmul.f32 v63, v3;
	[tilespmem:s24+$0xFFFFFF30] =	vst v62  }
0x224: {  	s8 =	sor.u32 s19, s21;
	s10 =	simm.s32 $0x17970;
	s17 =	simm.s32 $0xC;
	v17 =	vadd.f32 v5, v17;
	v18 =	vpop (erf);
	(erf) = vpow2.f32 v11;
	v5 =	vmul.f32 v20, v19;
	[tilespmem:s23+$0x0] =	vst v20;
	v11 =	vld [tilespmem:s18+$0xFFFFFFC0]  }
.LBB2_8:
0x225: {  	v19 =	vld [tilespmem:s30+$0xFFFFFFD0];
	s11 =	sadd.s32 $0x80, s11;
	(erf) = vpow2.f32 v16;
	v12 =	vadd.f32 v14, v12;
	v7 =	vmul.f32 v18, v7;
	[tilespmem:s16+$0xFFFFFFE0] =	vst v18;
	s18 =	smov.u32 s6;
	s6 =	smov.u32 s3  }
0x226: {  	v16 =	vmul.f32 v4, v1;
	v18 =	vmul.f32 v2, v1;
	s3 =	smov.u32 s30;
	v14 =	vld [tilespmem:s11+$0xFFFFFFD0];
	v17 =	vmax.f32 v17, $0.0e+00;
	[tilespmem:s23+$0xFFFFFFC0] =	vst v5  }
0x227: {  	v5 =	vld [tilespmem:s11+$0xFFFFFF90];
	v13 =	vadd.f32 v15, v13;
	v12 =	vmax.f32 v12, $0.0e+00;
	[tilespmem:s16+$0xFFFFFFA0] =	vst v7;
	v20 =	vadd.f32 $1.000000010e-07, v17  }
0x228: {  	v22 =	vmul.f32 $1.442695020e+00, v16;
	v17 =	vmul.f32 $1.442695020e+00, v18;
	v7 =	vadd.f32 $1.000000010e-07, v12;
	v12 =	vld [tilespmem:s28+$0xFFFFFFF0];
	v15 =	vpop (erf);
	[tilespmem:s22+$0xFFFFFF40] =	vst v3;
	s22 =	smov.u32 s23;
	s23 =	smov.u32 s24;
	s24 =	smov.u32 s25  }
0x229: {  	s25 =	smov.u32 s16;
	v3 =	vmax.f32 v13, $0.0e+00;
	v13 =	vmul.f32 v15, v6;
	[tilespmem:s16+$0xFFFFFF60] =	vst v15;
	v15 =	vld [tilespmem:s12+$0xFFFFFFF0];
	v18 =	vmul.f32 v20, v1;
	s16 =	smov.u32 s5  }
0x22a: {  	v21 =	vld [tilespmem:s30+$0xFFFFFF90];
	v6 =	vadd.f32 $1.000000010e-07, v3;
	v3 =	vmul.f32 v7, v1;
	(erf) = vpow2.f32 v22  }
0x22b: {  	v14 =	vadd.f32 v14, v19;
	v16 =	vpop (erf);
	[tilespmem:s25+$0xFFFFFF20] =	vst v13;
	v13 =	vld [tilespmem:s7+$0xFFFFFFC0];
	v23 =	vmul.f32 $1.442695020e+00, v18;
	(erf) = vpow2.f32 v17;
	s7 =	smov.u32 s26;
	s26 =	smov.u32 s12;
	s12 =	smov.u32 s0  }
0x22c: {  	s5 =	sadd.s32 $0x100, s5;
	s0 =	smov.u32 s10;
	s10 =	smov.u32 s11;
	v10 =	vmul.f32 v16, v10;
	v3 =	vmul.f32 $1.442695020e+00, v3;
	v17 =	vld [tilespmem:s28+$0xFFFFFFB0]  }
0x22d: {  	s17 =	sadd.s32 $0x2, s17;
	v14 =	vmax.f32 v14, $0.0e+00;
	[tilespmem:s5+$0xFFFFFFD0] =	vst v16;
	v16 =	vmul.f32 v6, v1;
	v19 =	vld [tilespmem:s26+$0xFFFFFFB0];
	v22 =	vpop (erf);
	(erf) = vpow2.f32 v23  }
0x22e: {  	p0 =	slt.u32 s17, $0x3E;
	[tilespmem:s5+$0xFFFFFF90] =	vst v10;
	v18 =	vpop (erf);
	(erf) = vpow2.f32 v3;
	v3 =	vadd.f32 v15, v12;
	v9 =	vmul.f32 v22, v9  }
0x22f: {  	v10 =	vadd.f32 $1.000000010e-07, v14;
	v5 =	vadd.f32 v5, v21;
	v8 =	vmul.f32 v18, v8;
	[tilespmem:s24+$0xFFFFFFF0] =	vst v22  }
0x230: {  	v14 =	vmul.f32 $1.442695020e+00, v16;
	v12 =	vld [tilespmem:s6+$0xFFFFFFE0];
	v3 =	vmax.f32 v3, $0.0e+00;
	[tilespmem:s24+$0xFFFFFFB0] =	vst v9;
	v11 =	vadd.f32 v13, v11  }
0x231: {  	v13 =	vmul.f32 v10, v1;
	v5 =	vmax.f32 v5, $0.0e+00;
	[tilespmem:s5+$0xFFFFFF10] =	vst v8;
	v9 =	vadd.f32 $1.000000010e-07, v3;
	v21 =	vld [tilespmem:s14+$0x0]  }
0x232: {  	v8 =	vadd.f32 $1.000000010e-07, v5;
	[tilespmem:s5+$0xFFFFFF50] =	vst v18;
	(erf) = vpow2.f32 v14;
	v3 =	vadd.f32 v19, v17;
	v5 =	vld [tilespmem:s7+$0x0]  }
.Ltmp2:
0x233: {  	v15 =	vmul.f32 $1.442695020e+00, v13;
	v11 =	vmax.f32 v11, $0.0e+00;
	v14 =	vld [tilespmem:s0+$0xFFFFFFE0];
	v16 =	vmul.f32 v9, v1;
	v17 =	vpop (erf);
	(pc) =	sbr.rel @p0 .LBB2_8-.Ltmp2, $4  }
0x234: {  	v24 =	vmul.f32 v8, v1;
	v13 =	vld [tilespmem:s6+$0xFFFFFFA0];
	v3 =	vmax.f32 v3, $0.0e+00;
	v23 =	vmul.f32 v17, v4;
	[tilespmem:s24+$0xFFFFFF70] =	vst v17;
	v17 =	vpop (erf)  }
0x235: {  	(erf) = vpow2.f32 v15;
	v15 =	vld [tilespmem:s0+$0xFFFFFFA0];
	v4 =	vadd.f32 $1.000000010e-07, v3;
	v22 =	vmul.f32 $1.442695020e+00, v16;
	[tilespmem:s22+$0xFFFFFF80] =	vst v17  }
0x236: {  	v3 =	vmul.f32 v17, v2;
	v2 =	vadd.f32 $1.000000010e-07, v11;
	v16 =	vmul.f32 $1.442695020e+00, v24;
	[tilespmem:s24+$0xFFFFFF30] =	vst v23;
	v19 =	vpop (erf)  }
0x237: {  	s30 =	sadd.s32 $0x80, s30;
	v18 =	vpop (erf);
	(erf) = vpow2.f32 v22;
	v11 =	vld [tilespmem:s14+$0xFFFFFFC0];
	v17 =	vadd.f32 v5, v21;
	v5 =	vmul.f32 v19, v20;
	[tilespmem:s23+$0x0] =	vst v19;
	s14 =	smov.u32 s28;
	s28 =	smov.u32 s18  }
0x238: {  	_ =	sdelay $0x1  }
0x239: {  	(erf) = vpow2.f32 v16  }
0x23a: {  	v7 =	vmul.f32 v18, v7  }
0x23b: {  	[tilespmem:s16+$0xFFFFFFE0] =	vst v18;
	v53 =	vpop (erf)  }
0x23c: {  	v62 =	vld [tilespmem:s7+$0xFFFFFFC0];
	[tilespmem:s16+$0xFFFFFFA0] =	vst v7;
	v6 =	vmul.f32 v53, v6  }
0x23d: {  	v54 =	vadd.f32 v14, v12;
	v57 =	vmul.f32 v4, v1;
	v55 =	vld [tilespmem:s28+$0xFFFFFFF0];
	[tilespmem:s16+$0xFFFFFF60] =	vst v53;
	v56 =	vpop (erf)  }
0x23e: {  	s11 =	sadd.s32 $0x100, s5;
	v13 =	vadd.f32 v15, v13;
	v18 =	vld [tilespmem:s12+$0xFFFFFFF0];
	[tilespmem:s16+$0xFFFFFF20] =	vst v6;
	v10 =	vmul.f32 v56, v10  }
0x23f: {  	v19 =	vmul.f32 v2, v1;
	v7 =	vmax.f32 v54, $0.0e+00;
	v16 =	vmul.f32 $1.442695020e+00, v57;
	v58 =	vld [tilespmem:s28+$0xFFFFFFB0];
	[tilespmem:s11+$0xFFFFFFD0] =	vst v56;
	v59 =	vpop (erf)  }
0x240: {  	v60 =	vadd.f32 $1.000000010e-07, v7;
	v13 =	vmax.f32 v13, $0.0e+00;
	v61 =	vld [tilespmem:s12+$0xFFFFFFB0];
	[tilespmem:s11+$0xFFFFFF90] =	vst v10;
	v9 =	vmul.f32 v59, v9  }
0x241: {  	v17 =	vmax.f32 v17, $0.0e+00;
	v19 =	vmul.f32 $1.442695020e+00, v19;
	v13 =	vadd.f32 $1.000000010e-07, v13;
	[tilespmem:s25+$0xFFFFFFF0] =	vst v59  }
0x242: {  	(erf) = vpow2.f32 v16;
	v24 =	vmul.f32 v60, v1;
	v6 =	vadd.f32 $1.000000010e-07, v17;
	v20 =	vpop (erf);
	v21 =	vld [tilespmem:s3+$0xFFFFFFE0];
	[tilespmem:s25+$0xFFFFFFB0] =	vst v9  }
0x243: {  	v27 =	vmul.f32 v13, v1;
	v12 =	vadd.f32 v18, v55;
	v8 =	vmul.f32 v20, v8;
	v25 =	vld [tilespmem:s14+$0x0]  }
0x244: {  	v63 =	vmul.f32 v6, v1;
	(erf) = vpow2.f32 v19;
	[tilespmem:s11+$0xFFFFFF50] =	vst v20;
	v26 =	vld [tilespmem:s26+$0x0]  }
0x245: {  	v10 =	vadd.f32 v62, v11;
	v12 =	vmax.f32 v12, $0.0e+00;
	v28 =	vld [tilespmem:s10+$0xFFFFFFE0];
	[tilespmem:s11+$0xFFFFFF10] =	vst v8;
	v7 =	vadd.f32 v61, v58  }
0x246: {  	v31 =	vmul.f32 $1.442695020e+00, v27;
	v14 =	vmul.f32 $1.442695020e+00, v63;
	v29 =	vadd.f32 $1.000000010e-07, v12;
	v30 =	vld [tilespmem:s3+$0xFFFFFFA0]  }
0x247: {  	v9 =	vmul.f32 $1.442695020e+00, v24;
	v10 =	vmax.f32 v10, $0.0e+00;
	v32 =	vld [tilespmem:s10+$0xFFFFFFA0];
	v7 =	vmax.f32 v7, $0.0e+00  }
0x248: {  	(erf) = vpow2.f32 v14;
	v33 =	vmul.f32 v29, v1;
	v20 =	vadd.f32 $1.000000010e-07, v7  }
0x249: {  	(erf) = vpow2.f32 v9;
	v7 =	vadd.f32 $1.000000010e-07, v10;
	v8 =	vadd.f32 v26, v25  }
0x24a: {  	(erf) = vpow2.f32 v31;
	v34 =	vmul.f32 $1.442695020e+00, v33;
	v35 =	vadd.f32 v28, v21  }
0x24b: {  	v36 =	vmul.f32 v20, v1;
	v37 =	vmul.f32 v7, v1;
	v8 =	vmax.f32 v8, $0.0e+00  }
0x24c: {  	v10 =	vmax.f32 v35, $0.0e+00;
	v12 =	vadd.f32 v32, v30;
	v8 =	vadd.f32 $1.000000010e-07, v8  }
0x24d: {  	(erf) = vpow2.f32 v34;
	v10 =	vadd.f32 $1.000000010e-07, v10;
	v38 =	vmul.f32 $1.442695020e+00, v36  }
0x24e: {  	v39 =	vmul.f32 $1.442695020e+00, v37;
	v12 =	vmax.f32 v12, $0.0e+00;
	v40 =	vmul.f32 v8, v1  }
0x24f: {  	v41 =	vmul.f32 v10, v1;
	v12 =	vadd.f32 $1.000000010e-07, v12;
	(erf) = vpow2.f32 v38  }
0x250: {  	(erf) = vpow2.f32 v39;
	v42 =	vmul.f32 $1.442695020e+00, v40  }
0x251: {  	v43 =	vmul.f32 $1.442695020e+00, v41;
	v44 =	vmul.f32 v12, v1  }
0x252: {  	v45 =	vpop (erf);
	(erf) = vpow2.f32 v42  }
0x253: {  	v18 =	vpop (erf);
	v46 =	vmul.f32 $1.442695020e+00, v44;
	(erf) = vpow2.f32 v43  }
0x254: {  	v9 =	vpop (erf)  }
0x255: {  	v47 =	vmul.f32 v45, v4;
	v48 =	vpop (erf);
	(erf) = vpow2.f32 v46  }
0x256: {  	[tilespmem:s25+$0xFFFFFF70] =	vst v45  }
0x257: {  	[tilespmem:s25+$0xFFFFFF30] =	vst v47;
	v49 =	vmul.f32 v48, v60;
	v50 =	vpop (erf)  }
0x258: {  	v51 =	vld [tilespmem:s14+$0xFFFFFFC0];
	[tilespmem:s5+$0xFFFFFFE0] =	vst v48;
	v53 =	vpop (erf)  }
0x259: {  	v23 =	vld [tilespmem:s26+$0xFFFFFFC0];
	v52 =	vmul.f32 v50, v13;
	[tilespmem:s5+$0xFFFFFFA0] =	vst v49;
	v55 =	vpop (erf)  }
0x25a: {  	[tilespmem:s5+$0xFFFFFF60] =	vst v50;
	v54 =	vld [tilespmem:s6+$0xFFFFFFF0];
	v4 =	vpop (erf)  }
0x25b: {  	v56 =	vld [tilespmem:s0+$0xFFFFFFF0];
	[tilespmem:s5+$0xFFFFFF20] =	vst v52;
	v11 =	vmul.f32 v53, v29;
	v21 =	vpop (erf)  }
0x25c: {  	v57 =	vld [tilespmem:s6+$0xFFFFFFB0];
	[tilespmem:s16+$0xFFFFFFF0] =	vst v53;
	v58 =	vpop (erf)  }
0x25d: {  	v22 =	vld [tilespmem:s0+$0xFFFFFFB0];
	[tilespmem:s16+$0xFFFFFFB0] =	vst v11;
	v10 =	vmul.f32 v58, v10  }
0x25e: {  	v11 =	vld [tilespmem:s28+$0x0];
	[tilespmem:s11+$0xFFFFFFE0] =	vst v58;
	v59 =	vpop (erf)  }
0x25f: {  	v60 =	vld [tilespmem:s12+$0x0];
	v61 =	vmul.f32 v59, v12;
	[tilespmem:s11+$0xFFFFFFA0] =	vst v10  }
0x260: {  	v16 =	vadd.f32 v56, v54;
	[tilespmem:s11+$0xFFFFFF60] =	vst v59;
	v62 =	vld [tilespmem:s3+$0xFFFFFFF0]  }
0x261: {  	v24 =	vld [tilespmem:s10+$0xFFFFFFF0];
	[tilespmem:s11+$0xFFFFFF20] =	vst v61  }
0x262: {  	v22 =	vadd.f32 v22, v57;
	v63 =	vmax.f32 v16, $0.0e+00;
	v26 =	vld [tilespmem:s3+$0xFFFFFFB0]  }
0x263: {  	v25 =	vadd.f32 v23, v51;
	v13 =	vadd.f32 $1.000000010e-07, v63;
	v27 =	vld [tilespmem:s10+$0xFFFFFFB0]  }
0x264: {  	v16 =	vmax.f32 v22, $0.0e+00;
	v11 =	vadd.f32 v60, v11  }
0x265: {  	v16 =	vadd.f32 $1.000000010e-07, v16;
	v28 =	vmul.f32 v13, v1;
	v10 =	vmax.f32 v25, $0.0e+00  }
0x266: {  	v11 =	vmax.f32 v11, $0.0e+00;
	v10 =	vadd.f32 $1.000000010e-07, v10;
	v12 =	vadd.f32 v24, v62  }
0x267: {  	v30 =	vmul.f32 v16, v1;
	v29 =	vmul.f32 $1.442695020e+00, v28;
	v11 =	vadd.f32 $1.000000010e-07, v11  }
0x268: {  	v31 =	vmul.f32 v10, v1;
	v15 =	vadd.f32 v27, v26;
	v12 =	vmax.f32 v12, $0.0e+00  }
0x269: {  	v32 =	vmul.f32 $1.442695020e+00, v30;
	(erf) = vpow2.f32 v29;
	v12 =	vadd.f32 $1.000000010e-07, v12  }
0x26a: {  	v34 =	vmul.f32 v11, v1;
	v33 =	vmul.f32 $1.442695020e+00, v31;
	v15 =	vmax.f32 v15, $0.0e+00  }
0x26b: {  	(erf) = vpow2.f32 v32;
	v15 =	vadd.f32 $1.000000010e-07, v15;
	v35 =	vmul.f32 v12, v1  }
0x26c: {  	v22 =	vmul.f32 $1.442695020e+00, v34;
	(erf) = vpow2.f32 v33  }
0x26d: {  	v36 =	vmul.f32 v15, v1;
	v17 =	vmul.f32 $1.442695020e+00, v35  }
0x26e: {  	(erf) = vpow2.f32 v22  }
0x26f: {  	v37 =	vmul.f32 $1.442695020e+00, v36;
	(erf) = vpow2.f32 v17;
	_ =	sdelay $0x1  }
0x270: {  	v38 =	vmul.f32 v55, v20;
	(erf) = vpow2.f32 v37  }
0x271: {  	[tilespmem:s16+$0xFFFFFF70] =	vst v55;
	v39 =	vpop (erf)  }
0x272: {  	[tilespmem:s16+$0xFFFFFF30] =	vst v38;
	v13 =	vmul.f32 v39, v13  }
0x273: {  	[tilespmem:s5+$0xFFFFFFF0] =	vst v39  }
0x274: {  	v42 =	vld [tilespmem:s12+$0xFFFFFFC0];
	v40 =	vpop (erf);
	[tilespmem:s5+$0xFFFFFFB0] =	vst v13  }
0x275: {  	v45 =	vld [tilespmem:s6+$0x0];
	v41 =	vpop (erf)  }
0x276: {  	v43 =	vmul.f32 v40, v16;
	v17 =	vld [tilespmem:s28+$0xFFFFFFC0];
	v44 =	vpop (erf)  }
0x277: {  	[tilespmem:s5+$0xFFFFFF70] =	vst v40;
	v47 =	vld [tilespmem:s0+$0x0];
	v46 =	vpop (erf)  }
0x278: {  	[tilespmem:s5+$0xFFFFFF30] =	vst v43;
	v12 =	vmul.f32 v46, v12  }
0x279: {  	v13 =	vld [tilespmem:s6+$0xFFFFFFC0];
	[tilespmem:s11+$0xFFFFFFF0] =	vst v46;
	v48 =	vpop (erf)  }
0x27a: {  	v49 =	vld [tilespmem:s0+$0xFFFFFFC0];
	v15 =	vmul.f32 v48, v15;
	[tilespmem:s11+$0xFFFFFFB0] =	vst v12  }
0x27b: {  	v17 =	vadd.f32 v42, v17;
	[tilespmem:s11+$0xFFFFFF70] =	vst v48;
	v50 =	vld [tilespmem:s3+$0x0]  }
0x27c: {  	v22 =	vadd.f32 v47, v45;
	[tilespmem:s11+$0xFFFFFF30] =	vst v15;
	v51 =	vld [tilespmem:s10+$0x0]  }
0x27d: {  	v17 =	vmax.f32 v17, $0.0e+00;
	v52 =	vld [tilespmem:s3+$0xFFFFFFC0]  }
0x27e: {  	v22 =	vmax.f32 v22, $0.0e+00;
	v17 =	vadd.f32 $1.000000010e-07, v17;
	v53 =	vld [tilespmem:s10+$0xFFFFFFC0]  }
0x27f: {  	v54 =	vadd.f32 $1.000000010e-07, v22;
	v12 =	vadd.f32 v49, v13  }
0x280: {  	v55 =	vmul.f32 v17, v1  }
0x281: {  	[tilespmem:s22+$0xFFFFFF40] =	vst v3;
	v2 =	vmul.f32 v18, v2;
	v57 =	vmul.f32 v54, v1;
	v12 =	vmax.f32 v12, $0.0e+00  }
0x282: {  	[tilespmem:s23+$0xFFFFFFC0] =	vst v5;
	v3 =	vmul.f32 $1.442695020e+00, v55;
	v12 =	vadd.f32 $1.000000010e-07, v12;
	v14 =	vadd.f32 v51, v50  }
0x283: {  	[tilespmem:s23+$0xFFFFFF80] =	vst v18;
	v6 =	vmul.f32 v9, v6;
	v58 =	vmul.f32 $1.442695020e+00, v57;
	v56 =	vadd.f32 v53, v52  }
0x284: {  	[tilespmem:s23+$0xFFFFFF40] =	vst v2;
	(erf) = vpow2.f32 v3;
	v3 =	vmul.f32 v12, v1;
	v14 =	vmax.f32 v14, $0.0e+00  }
0x285: {  	[tilespmem:s24+$0x0] =	vst v9;
	v2 =	vmul.f32 v4, v7;
	v14 =	vadd.f32 $1.000000010e-07, v14;
	v5 =	vmax.f32 v56, $0.0e+00  }
0x286: {  	[tilespmem:s24+$0xFFFFFFC0] =	vst v6;
	(erf) = vpow2.f32 v58;
	v3 =	vmul.f32 $1.442695020e+00, v3;
	v5 =	vadd.f32 $1.000000010e-07, v5  }
0x287: {  	[tilespmem:s24+$0xFFFFFF80] =	vst v4;
	v60 =	vmul.f32 v21, v8;
	v59 =	vmul.f32 v14, v1  }
0x288: {  	[tilespmem:s24+$0xFFFFFF40] =	vst v2;
	(erf) = vpow2.f32 v3;
	v3 =	vmul.f32 v5, v1  }
0x289: {  	[tilespmem:s25+$0x0] =	vst v21;
	v6 =	vmul.f32 $1.442695020e+00, v59  }
0x28a: {  	[tilespmem:s25+$0xFFFFFFC0] =	vst v60;
	v61 =	vmul.f32 v41, v10;
	v2 =	vmul.f32 $1.442695020e+00, v3  }
0x28b: {  	[tilespmem:s25+$0xFFFFFF80] =	vst v41;
	v3 =	vmul.f32 v44, v11;
	(erf) = vpow2.f32 v6  }
0x28c: {  	[tilespmem:s16+$0x0] =	vst v44;
	(erf) = vpow2.f32 v2  }
0x28d: {  	[tilespmem:s25+$0xFFFFFF40] =	vst v61  }
0x28e: {  	[tilespmem:s16+$0xFFFFFFC0] =	vst v3;
	v2 =	vpop (erf)  }
0x28f: {  	v3 =	vpop (erf);
	[tilespmem:s16+$0xFFFFFF80] =	vst v2;
	v2 =	vmul.f32 v2, v17  }
0x290: {  	[tilespmem:s5+$0x0] =	vst v3  }
0x291: {  	v62 =	vmul.f32 v3, v54;
	v3 =	vpop (erf);
	[tilespmem:s16+$0xFFFFFF40] =	vst v2  }
0x292: {  	[tilespmem:s5+$0xFFFFFF80] =	vst v3;
	v3 =	vmul.f32 v3, v12  }
0x293: {  	[tilespmem:s5+$0xFFFFFFC0] =	vst v62  }
0x294: {  	[tilespmem:s5+$0xFFFFFF40] =	vst v3;
	v2 =	vpop (erf)  }
0x295: {  	v63 =	vmul.f32 v2, v14;
	[tilespmem:s11+$0x0] =	vst v2;
	v2 =	vpop (erf)  }
0x296: {  	s30 =	sshll.u32 s21, $0x6;
	v3 =	vmul.f32 v2, v5;
	[tilespmem:s11+$0xFFFFFF80] =	vst v2  }
0x297: {  	s0 =	sand.u32 $0x3FFFFFC0, s30;
	[tilespmem:s11+$0xFFFFFFC0] =	vst v63  }
0x298: {  	p0 =	sgt.u32 s8, $0x13D;
	s0 =	sadd.s32 $0x14400, s0;
	[tilespmem:s11+$0xFFFFFF40] =	vst v3  }
0x299: {  	[spmem:s4] =	stream.indirect.scatter.add.f32 [tilespmem:s13], [sflag:$0x3], $0x80, s0, s29, $0xb8;
	[tilespmem:$0x1C610] =	vst v63  }
0x29a: {  	s0 =	sadd.s32 @!p0 $0x2, s8  }
0x29b: {  	s3 =	sshll.u32 @!p0 s0, $0x6  }
0x29c: {  	s20 =	sadd.s32 $0x1, s20;
	s6 =	simm.s32 @!p0 $0x15600;
	s3 =	sand.u32 @!p0 $0x3C0, s3  }
0x29d: {  	s5 =	simm.s32 @!p0 $0x40;
	s0 =	sshll.u32 @!p0 s0, $0x9;
	s3 =	sor.u32 @!p0 $0x14000, s3  }
0x29e: {  	[tilespmem:s6], [sflag:$0x1] =	stream.indirect.gather @!p0 [hbm4b:s1+s5], $0x40, s3, s5, $0xb8;
	[tilespmem:$0x1C610] =	vst v63  }
0x29f: {  	s0 =	sadd.s32 @!p0 s0, s15;
	s3 =	simm.s32 @!p0 $0x0;
	s5 =	simm.s32 @!p0 $0x17600  }
0x2a0: {  	[tilespmem:s5], [sflag:$0x2] =	stream.linear.gather @!p0 [hbm4b:s0+s3], $0x1000, $0x38;
	[tilespmem:$0x1C610] =	vst v63  }
0x2a1: {  	p0 =	sne.s32 s20, $0x4  }
.Ltmp3:
0x2a2: {  	_ = 	snop;
	(pc) =	sbr.rel @p0 .LBB2_5-.Ltmp3, $1  }
0x2a3: {  	_ =	sdelay $0x3  }
0x2a4: {  	s6 =	rddreg [dreg:$0x1b]  }
0x2a5: {  	s6 =	sadd.s32 $0x1, s6  }
0x2a6: {  	p0 =	sne.s32 s6, $0x28  }
.Ltmp4:
0x2a7: {  	_ = 	snop;
	(pc) =	sbr.rel @p0 .LBB2_4-.Ltmp4, $2  }
0x2a8: {  	_ =	sdelay $0x2  }
0x2a9: {  	s21 =	simm.s32 $0x4  }
0x2aa: {  	s0 =	simm.s32 $0x3  }
0x2ab: {  	_ =	swait.ge [sflag:s0], $0x2000  }
0x2ac: {  	[sflag:s0] =	ssyncset.done $0x0  }
0x2ad: {  	[sflag:s0] =	ssyncadd.s32 $0xFFFFE000  }
0x2ae: {  	_ =	swait.ge [sflag:s0], $0x2000  }
0x2af: {  	[sflag:s0] =	ssyncset.done $0x0  }
0x2b0: {  	[sflag:s0] =	ssyncadd.s32 $0xFFFFE000  }
0x2b1: {  	[bflag:$0x0] =	sbarrier.arrive $0xFFFF  }
0x2b2: {  	s18 =	rddreg [dreg:$0x9]  }
0x2b3: {  	s19 =	rddreg [dreg:$0xa]  }
0x2b4: {  	s22 =	simm.s32 $0x16600;
	s0 =	simm.s32 $0x0;
	s20 =	rddreg [dreg:$0xf]  }
.LBB2_12:
0x2b5: {  	s3 =	sshll.u32 s0, $0x6  }
0x2b6: {  	s3 =	sadd.s32 s19, s3  }
0x2b7: {  	s5 =	sshll.u32 s3, $0x7  }
0x2b8: {  	s5 =	sand.u32 $0x3FFFFF80, s5  }
0x2b9: {  	s5 =	sadd.s32 s5, s4  }
0x2ba: {  	[tilespmem:s31], [sflag:$0x4] =	stream.linear.gather [spmem:s5], $0x2000, $0x38;
	[tilespmem:$0x1C610] =	vst v63  }
0x2bb: {  	_ =	swait.ge [sflag:s21], $0x2000  }
0x2bc: {  	[sflag:s21] =	ssyncset.done $0x0  }
0x2bd: {  	s16 =	simm.s32 $0x18680;
	[sflag:s21] =	ssyncadd.s32 $0xFFFFE000  }
0x2be: {  	v1 =	vld [tilespmem:s16+$0x40]  }
0x2bf: {  	v2 =	vld [tilespmem:s16+$0xFFFFFFC0];
	_ =	sdelay $0x3  }
0x2c0: {  	v1 =	vadd.f32 $1.000000020e-16, v1  }
0x2c1: {  	v2 =	vadd.f32 $1.000000020e-16, v2  }
0x2c2: {  	(erf) = vrcp.f32 v1  }
0x2c3: {  	(erf) = vrcp.f32 v2;
	_ =	sdelay $0x3  }
0x2c4: {  	v1 =	vld [tilespmem:s16+$0x0]  }
0x2c5: {  	v2 =	vld [tilespmem:s16+$0xFFFFFF80]  }
0x2c6: {  	s6 =	simm.s32 $0x18780  }
0x2c7: {  	v3 =	vld [tilespmem:s6+$0x40]  }
0x2c8: {  	v5 =	vld [tilespmem:s6+$0xFFFFFFC0];
	v4 =	vpop (erf)  }
0x2c9: {  	v1 =	vmul.f32 v4, v1;
	v4 =	vpop (erf)  }
0x2ca: {  	s5 =	simm.s32 $0x16640;
	v2 =	vmul.f32 v4, v2  }
0x2cb: {  	[tilespmem:s5+$0x0] =	vst v1  }
0x2cc: {  	[tilespmem:s5+$0xFFFFFFC0] =	vst v2;
	v1 =	vld [tilespmem:s16+$0x50];
	v2 =	vadd.f32 $1.000000020e-16, v3  }
0x2cd: {  	v4 =	vadd.f32 $1.000000020e-16, v5;
	v3 =	vld [tilespmem:s16+$0xFFFFFFD0]  }
0x2ce: {  	(erf) = vrcp.f32 v2  }
0x2cf: {  	(erf) = vrcp.f32 v4;
	_ =	sdelay $0x1  }
0x2d0: {  	v1 =	vadd.f32 $1.000000020e-16, v1  }
0x2d1: {  	v2 =	vadd.f32 $1.000000020e-16, v3  }
0x2d2: {  	(erf) = vrcp.f32 v1;
	v1 =	vld [tilespmem:s6+$0x0]  }
0x2d3: {  	(erf) = vrcp.f32 v2;
	v2 =	vld [tilespmem:s6+$0xFFFFFF80];
	_ =	sdelay $0x1  }
0x2d4: {  	s8 =	simm.s32 $0x18880  }
0x2d5: {  	v7 =	vld [tilespmem:s8+$0xFFFFFFC0];
	v5 =	vpop (erf)  }
0x2d6: {  	v4 =	vld [tilespmem:s8+$0x40];
	v1 =	vmul.f32 v5, v1;
	v5 =	vpop (erf)  }
0x2d7: {  	v6 =	vld [tilespmem:s16+$0x10];
	v2 =	vmul.f32 v5, v2  }
0x2d8: {  	v3 =	vld [tilespmem:s16+$0xFFFFFF90]  }
0x2d9: {  	s7 =	simm.s32 $0x166C0  }
0x2da: {  	[tilespmem:s7+$0x0] =	vst v1  }
0x2db: {  	v4 =	vadd.f32 $1.000000020e-16, v4;
	[tilespmem:s7+$0xFFFFFFC0] =	vst v2;
	v1 =	vld [tilespmem:s6+$0x50];
	v2 =	vpop (erf)  }
0x2dc: {  	v7 =	vadd.f32 $1.000000020e-16, v7;
	v5 =	vld [tilespmem:s6+$0xFFFFFFD0];
	v2 =	vmul.f32 v2, v6;
	v6 =	vpop (erf)  }
0x2dd: {  	(erf) = vrcp.f32 v4;
	v3 =	vmul.f32 v6, v3  }
0x2de: {  	(erf) = vrcp.f32 v7;
	[tilespmem:s5+$0x10] =	vst v2  }
0x2df: {  	v2 =	vld [tilespmem:s16+$0x60];
	[tilespmem:s5+$0xFFFFFFD0] =	vst v3  }
0x2e0: {  	v1 =	vadd.f32 $1.000000020e-16, v1;
	v3 =	vld [tilespmem:s16+$0xFFFFFFE0]  }
0x2e1: {  	v4 =	vadd.f32 $1.000000020e-16, v5  }
0x2e2: {  	(erf) = vrcp.f32 v1;
	v1 =	vld [tilespmem:s8+$0x0]  }
0x2e3: {  	(erf) = vrcp.f32 v4;
	v4 =	vld [tilespmem:s8+$0xFFFFFF80]  }
0x2e4: {  	v2 =	vadd.f32 $1.000000020e-16, v2  }
0x2e5: {  	s10 =	simm.s32 $0x18980;
	v3 =	vadd.f32 $1.000000020e-16, v3  }
0x2e6: {  	v6 =	vld [tilespmem:s10+$0x40];
	v7 =	vpop (erf);
	(erf) = vrcp.f32 v2  }
0x2e7: {  	v1 =	vmul.f32 v7, v1;
	v7 =	vpop (erf);
	(erf) = vrcp.f32 v3;
	v3 =	vld [tilespmem:s10+$0xFFFFFFC0]  }
0x2e8: {  	v2 =	vld [tilespmem:s6+$0x10];
	v4 =	vmul.f32 v7, v4  }
0x2e9: {  	s12 =	simm.s32 $0x16740;
	v5 =	vld [tilespmem:s6+$0xFFFFFF90]  }
0x2ea: {  	v8 =	vld [tilespmem:s16+$0xFFFFFFA0];
	[tilespmem:s12+$0x0] =	vst v1  }
0x2eb: {  	v1 =	vld [tilespmem:s8+$0x50]  }
0x2ec: {  	v7 =	vld [tilespmem:s16+$0x20];
	[tilespmem:s12+$0xFFFFFFC0] =	vst v4;
	v4 =	vpop (erf);
	v3 =	vadd.f32 $1.000000020e-16, v3  }
0x2ed: {  	v6 =	vadd.f32 $1.000000020e-16, v6;
	v2 =	vmul.f32 v4, v2;
	v4 =	vld [tilespmem:s8+$0xFFFFFFD0]  }
0x2ee: {  	v9 =	vpop (erf)  }
0x2ef: {  	(erf) = vrcp.f32 v6;
	v5 =	vmul.f32 v9, v5  }
0x2f0: {  	[tilespmem:s7+$0x10] =	vst v2;
	v1 =	vadd.f32 $1.000000020e-16, v1;
	(erf) = vrcp.f32 v3;
	v3 =	vpop (erf)  }
0x2f1: {  	v2 =	vld [tilespmem:s6+$0x60];
	[tilespmem:s7+$0xFFFFFFD0] =	vst v5;
	v3 =	vmul.f32 v3, v7;
	v7 =	vpop (erf)  }
0x2f2: {  	v5 =	vld [tilespmem:s6+$0xFFFFFFE0];
	v4 =	vadd.f32 $1.000000020e-16, v4;
	(erf) = vrcp.f32 v1;
	v1 =	vmul.f32 v7, v8  }
0x2f3: {  	v7 =	vld [tilespmem:s10+$0x0];
	[tilespmem:s5+$0x20] =	vst v3  }
0x2f4: {  	(erf) = vrcp.f32 v4;
	[tilespmem:s5+$0xFFFFFFE0] =	vst v1;
	v1 =	vld [tilespmem:s16+$0x70]  }
0x2f5: {  	s14 =	simm.s32 $0x18A80;
	v10 =	vld [tilespmem:s10+$0xFFFFFF80]  }
0x2f6: {  	v12 =	vld [tilespmem:s14+$0xFFFFFFC0]  }
0x2f7: {  	v11 =	vld [tilespmem:s8+$0x10];
	v2 =	vadd.f32 $1.000000020e-16, v2  }
0x2f8: {  	v4 =	vadd.f32 $1.000000020e-16, v5;
	v5 =	vpop (erf);
	v3 =	vld [tilespmem:s16+$0xFFFFFFF0]  }
0x2f9: {  	v6 =	vld [tilespmem:s8+$0xFFFFFF90];
	(erf) = vrcp.f32 v2;
	v2 =	vmul.f32 v5, v7;
	v7 =	vadd.f32 $1.000000020e-16, v1  }
0x2fa: {  	v8 =	vld [tilespmem:s14+$0x40]  }
0x2fb: {  	s11 =	simm.s32 $0x167C0;
	v9 =	vld [tilespmem:s6+$0xFFFFFFA0];
	(erf) = vrcp.f32 v4;
	v5 =	vpop (erf)  }
0x2fc: {  	v13 =	vld [tilespmem:s16+$0x30];
	v5 =	vmul.f32 v5, v10;
	[tilespmem:s11+$0x0] =	vst v2;
	v10 =	vpop (erf)  }
0x2fd: {  	v2 =	vadd.f32 $1.000000020e-16, v3;
	v3 =	vld [tilespmem:s10+$0x50];
	(erf) = vrcp.f32 v7;
	v7 =	vpop (erf)  }
0x2fe: {  	[tilespmem:s11+$0xFFFFFFC0] =	vst v5;
	v5 =	vmul.f32 v10, v11;
	v10 =	vld [tilespmem:s6+$0x20];
	v6 =	vmul.f32 v7, v6  }
0x2ff: {  	v4 =	vld [tilespmem:s14+$0xFFFFFF80];
	v8 =	vadd.f32 $1.000000020e-16, v8;
	(erf) = vrcp.f32 v2  }
0x300: {  	v12 =	vadd.f32 $1.000000020e-16, v12;
	v11 =	vld [tilespmem:s10+$0xFFFFFFD0]  }
0x301: {  	v1 =	vld [tilespmem:s16+$0xFFFFFFB0];
	[tilespmem:s12+$0x10] =	vst v5;
	(erf) = vrcp.f32 v8  }
0x302: {  	v2 =	vld [tilespmem:s10+$0xFFFFFF90];
	(erf) = vrcp.f32 v12;
	[tilespmem:s12+$0xFFFFFFD0] =	vst v6;
	v6 =	vpop (erf)  }
0x303: {  	v5 =	vld [tilespmem:s8+$0x60];
	v8 =	vadd.f32 $1.000000020e-16, v3;
	v6 =	vmul.f32 v6, v10  }
0x304: {  	v7 =	vld [tilespmem:s8+$0xFFFFFFE0];
	v10 =	vpop (erf)  }
0x305: {  	v11 =	vadd.f32 $1.000000020e-16, v11;
	v3 =	vld [tilespmem:s8+$0xFFFFFFA0];
	(erf) = vrcp.f32 v8;
	v9 =	vmul.f32 v10, v9  }
0x306: {  	v10 =	vld [tilespmem:s14+$0x0];
	[tilespmem:s7+$0x20] =	vst v6  }
0x307: {  	(erf) = vrcp.f32 v11;
	[tilespmem:s7+$0xFFFFFFE0] =	vst v9;
	v8 =	vld [tilespmem:s6+$0x70];
	v6 =	vpop (erf)  }
0x308: {  	s17 =	simm.s32 $0x18B80;
	s16 =	simm.s32 $0x8;
	v11 =	vadd.f32 $1.000000020e-16, v5;
	v9 =	vld [tilespmem:s6+$0xFFFFFFF0];
	v5 =	vmul.f32 v6, v13;
	v6 =	vpop (erf)  }
.LBB2_13:
0x309: {  	v12 =	vld [tilespmem:s17+$0x40];
	v7 =	vadd.f32 $1.000000020e-16, v7;
	v1 =	vmul.f32 v6, v1  }
0x30a: {  	v6 =	vpop (erf);
	v13 =	vld [tilespmem:s10+$0x10];
	(erf) = vrcp.f32 v11;
	[tilespmem:s5+$0x30] =	vst v5  }
0x30b: {  	s16 =	sadd.s32 $0x2, s16;
	v5 =	vld [tilespmem:s17+$0xFFFFFFC0];
	v6 =	vmul.f32 v6, v10;
	v10 =	vpop (erf);
	(erf) = vrcp.f32 v7;
	[tilespmem:s5+$0xFFFFFFF0] =	vst v1;
	s5 =	smov.u32 s7;
	s7 =	smov.u32 s12  }
0x30c: {  	p0 =	slt.u32 s16, $0x3E;
	s12 =	smov.u32 s11;
	s11 =	sadd.s32 $0x80, s11;
	v7 =	vmul.f32 v10, v4;
	v4 =	vld [tilespmem:s17+$0xFFFFFF80];
	v8 =	vadd.f32 $1.000000020e-16, v8  }
0x30d: {  	[tilespmem:s11+$0x0] =	vst v6;
	v1 =	vld [tilespmem:s6+$0xFFFFFFB0];
	v6 =	vadd.f32 $1.000000020e-16, v9  }
0x30e: {  	[tilespmem:s11+$0xFFFFFFC0] =	vst v7;
	v7 =	vld [tilespmem:s14+$0x50];
	v9 =	vpop (erf);
	(erf) = vrcp.f32 v8  }
0x30f: {  	v8 =	vadd.f32 $1.000000020e-16, v12;
	v9 =	vmul.f32 v9, v13;
	v10 =	vld [tilespmem:s8+$0x20];
	(erf) = vrcp.f32 v6  }
0x310: {  	v5 =	vadd.f32 $1.000000020e-16, v5;
	v6 =	vld [tilespmem:s14+$0xFFFFFFD0];
	v11 =	vpop (erf)  }
0x311: {  	(erf) = vrcp.f32 v8;
	v11 =	vmul.f32 v11, v2;
	v2 =	vld [tilespmem:s14+$0xFFFFFF90];
	[tilespmem:s12+$0x10] =	vst v9  }
0x312: {  	(erf) = vrcp.f32 v5;
	v5 =	vld [tilespmem:s10+$0x60]  }
0x313: {  	v9 =	vadd.f32 $1.000000020e-16, v7;
	[tilespmem:s12+$0xFFFFFFD0] =	vst v11;
	v8 =	vpop (erf);
	v12 =	vld [tilespmem:s6+$0x30];
	s6 =	smov.u32 s8;
	s8 =	smov.u32 s10;
	s10 =	smov.u32 s14  }
.Ltmp5:
0x314: {  	s14 =	smov.u32 s17;
	v7 =	vld [tilespmem:s8+$0xFFFFFFE0];
	v8 =	vmul.f32 v8, v10;
	v10 =	vpop (erf);
	(pc) =	sbr.rel @p0 .LBB2_13-.Ltmp5, $4  }
0x315: {  	v11 =	vadd.f32 $1.000000020e-16, v6;
	(erf) = vrcp.f32 v9;
	v9 =	vmul.f32 v10, v3;
	v3 =	vld [tilespmem:s8+$0xFFFFFFA0]  }
0x316: {  	v10 =	vld [tilespmem:s17+$0x0];
	[tilespmem:s7+$0x20] =	vst v8  }
0x317: {  	(erf) = vrcp.f32 v11;
	[tilespmem:s7+$0xFFFFFFE0] =	vst v9;
	v8 =	vld [tilespmem:s6+$0x70];
	v6 =	vpop (erf)  }
0x318: {  	s17 =	sadd.s32 $0x100, s17;
	v11 =	vadd.f32 $1.000000020e-16, v5;
	v9 =	vld [tilespmem:s6+$0xFFFFFFF0];
	v5 =	vmul.f32 v6, v12;
	v6 =	vpop (erf)  }
0x319: {  	_ = 	snop  }
0x31a: {  	v12 =	vpop (erf)  }
0x31b: {  	v10 =	vmul.f32 v12, v10;
	v22 =	vpop (erf)  }
0x31c: {  	s16 =	sadd.s32 $0x80, s11;
	v4 =	vmul.f32 v22, v4  }
0x31d: {  	[tilespmem:s16+$0x0] =	vst v10  }
0x31e: {  	[tilespmem:s16+$0xFFFFFFC0] =	vst v4;
	v23 =	vld [tilespmem:s14+$0x50]  }
0x31f: {  	v24 =	vld [tilespmem:s14+$0xFFFFFFD0]  }
0x320: {  	v7 =	vadd.f32 $1.000000020e-16, v7  }
0x321: {  	(erf) = vrcp.f32 v11;
	v8 =	vadd.f32 $1.000000020e-16, v8  }
0x322: {  	(erf) = vrcp.f32 v7;
	v25 =	vadd.f32 $1.000000020e-16, v9  }
0x323: {  	(erf) = vrcp.f32 v8;
	v4 =	vadd.f32 $1.000000020e-16, v23  }
0x324: {  	(erf) = vrcp.f32 v25;
	v26 =	vadd.f32 $1.000000020e-16, v24  }
0x325: {  	(erf) = vrcp.f32 v4  }
0x326: {  	v27 =	vld [tilespmem:s10+$0x10];
	(erf) = vrcp.f32 v26;
	_ =	sdelay $0x1  }
0x327: {  	v29 =	vld [tilespmem:s8+$0x20];
	v28 =	vpop (erf)  }
0x328: {  	v30 =	vpop (erf)  }
0x329: {  	v32 =	vld [tilespmem:s14+$0x10];
	v31 =	vpop (erf)  }
0x32a: {  	v33 =	vld [tilespmem:s14+$0xFFFFFF90];
	v4 =	vmul.f32 v28, v27;
	v34 =	vpop (erf)  }
0x32b: {  	v2 =	vmul.f32 v30, v2;
	v35 =	vpop (erf)  }
0x32c: {  	v36 =	vmul.f32 v31, v29;
	[tilespmem:s11+$0x10] =	vst v4;
	v37 =	vpop (erf)  }
0x32d: {  	[tilespmem:s11+$0xFFFFFFD0] =	vst v2;
	v2 =	vmul.f32 v34, v3;
	v38 =	vld [tilespmem:s10+$0x60];
	v3 =	vpop (erf)  }
0x32e: {  	v39 =	vld [tilespmem:s10+$0xFFFFFFE0];
	[tilespmem:s12+$0x20] =	vst v36;
	v3 =	vmul.f32 v3, v32;
	v40 =	vpop (erf)  }
0x32f: {  	[tilespmem:s12+$0xFFFFFFE0] =	vst v2;
	v2 =	vld [tilespmem:s8+$0x70];
	v4 =	vmul.f32 v40, v33  }
0x330: {  	v41 =	vld [tilespmem:s8+$0xFFFFFFF0];
	[tilespmem:s16+$0x10] =	vst v3  }
0x331: {  	v3 =	vld [tilespmem:s14+$0x60];
	[tilespmem:s16+$0xFFFFFFD0] =	vst v4  }
0x332: {  	v42 =	vadd.f32 $1.000000020e-16, v38;
	v43 =	vld [tilespmem:s14+$0xFFFFFFE0]  }
0x333: {  	v44 =	vadd.f32 $1.000000020e-16, v39  }
0x334: {  	v2 =	vadd.f32 $1.000000020e-16, v2;
	(erf) = vrcp.f32 v42  }
0x335: {  	v45 =	vadd.f32 $1.000000020e-16, v41;
	(erf) = vrcp.f32 v44  }
0x336: {  	(erf) = vrcp.f32 v2;
	v2 =	vadd.f32 $1.000000020e-16, v3  }
0x337: {  	(erf) = vrcp.f32 v45;
	v3 =	vadd.f32 $1.000000020e-16, v43  }
0x338: {  	(erf) = vrcp.f32 v2  }
0x339: {  	(erf) = vrcp.f32 v3;
	_ =	sdelay $0x1  }
0x33a: {  	v2 =	vld [tilespmem:s10+$0x20]  }
0x33b: {  	v3 =	vld [tilespmem:s10+$0xFFFFFFA0]  }
0x33c: {  	v47 =	vld [tilespmem:s14+$0x20];
	v46 =	vpop (erf)  }
0x33d: {  	v49 =	vld [tilespmem:s14+$0xFFFFFFA0];
	v48 =	vpop (erf)  }
0x33e: {  	v50 =	vpop (erf)  }
0x33f: {  	v51 =	vpop (erf);
	v2 =	vmul.f32 v46, v2  }
0x340: {  	v3 =	vmul.f32 v48, v3;
	v52 =	vpop (erf)  }
0x341: {  	[tilespmem:s11+$0x20] =	vst v2;
	v2 =	vmul.f32 v52, v47;
	v53 =	vpop (erf)  }
0x342: {  	[tilespmem:s11+$0xFFFFFFE0] =	vst v3;
	v3 =	vld [tilespmem:s10+$0x70];
	v7 =	vmul.f32 v53, v49  }
0x343: {  	v54 =	vld [tilespmem:s10+$0xFFFFFFF0];
	[tilespmem:s16+$0x20] =	vst v2  }
0x344: {  	[tilespmem:s16+$0xFFFFFFE0] =	vst v7;
	v2 =	vld [tilespmem:s14+$0x70]  }
0x345: {  	v7 =	vld [tilespmem:s14+$0xFFFFFFF0];
	_ =	sdelay $0x1  }
0x346: {  	v3 =	vadd.f32 $1.000000020e-16, v3  }
0x347: {  	v10 =	vadd.f32 $1.000000020e-16, v54  }
0x348: {  	(erf) = vrcp.f32 v3;
	v2 =	vadd.f32 $1.000000020e-16, v2  }
0x349: {  	v3 =	vld [tilespmem:s6+$0x30];
	(erf) = vrcp.f32 v10;
	v7 =	vadd.f32 $1.000000020e-16, v7  }
0x34a: {  	v55 =	vld [tilespmem:s6+$0xFFFFFFB0];
	(erf) = vrcp.f32 v2  }
0x34b: {  	v2 =	vld [tilespmem:s8+$0x30];
	(erf) = vrcp.f32 v7  }
0x34c: {  	v56 =	vld [tilespmem:s8+$0xFFFFFFB0]  }
0x34d: {  	v1 =	vmul.f32 v6, v1;
	v57 =	vld [tilespmem:s10+$0x30]  }
0x34e: {  	[tilespmem:s5+$0x30] =	vst v5;
	v58 =	vld [tilespmem:s10+$0xFFFFFFB0];
	v3 =	vmul.f32 v35, v3  }
0x34f: {  	[tilespmem:s5+$0xFFFFFFF0] =	vst v1;
	v1 =	vmul.f32 v37, v55;
	v59 =	vld [tilespmem:s14+$0x30]  }
0x350: {  	[tilespmem:s7+$0x30] =	vst v3;
	v3 =	vld [tilespmem:s14+$0xFFFFFFB0];
	v2 =	vmul.f32 v50, v2  }
0x351: {  	[tilespmem:s7+$0xFFFFFFF0] =	vst v1;
	v1 =	vmul.f32 v51, v56;
	v60 =	vpop (erf)  }
0x352: {  	v61 =	vpop (erf);
	[tilespmem:s12+$0x30] =	vst v2;
	v2 =	vmul.f32 v60, v57  }
0x353: {  	[tilespmem:s12+$0xFFFFFFF0] =	vst v1;
	v1 =	vmul.f32 v61, v58;
	v62 =	vpop (erf)  }
0x354: {  	s3 =	sshll.u32 s3, $0x6;
	[tilespmem:s11+$0x30] =	vst v2;
	v2 =	vmul.f32 v62, v59;
	v63 =	vpop (erf)  }
0x355: {  	s0 =	sadd.s32 $0x1, s0;
	s3 =	sadd.s32 s20, s3;
	[tilespmem:s11+$0xFFFFFFF0] =	vst v1;
	v1 =	vmul.f32 v63, v3  }
0x356: {  	p0 =	sne.s32 s0, $0xA;
	s3 =	sshrl.u32 s3, $0x3;
	[tilespmem:s16+$0x30] =	vst v2  }
.Ltmp6:
0x357: {  	s30 =	simm.s32 $0x0;
	s3 =	sadd.s32 s18, s3;
	[tilespmem:s16+$0xFFFFFFF0] =	vst v1;
	(pc) =	sbr.rel @p0 .LBB2_12-.Ltmp6, $4  }
0x358: {  	[hbm4b:s3+s30] =	stream.linear.scatter [tilespmem:s22], [sflag:$0x4], $0x1000, $0x38;
	[tilespmem:$0x1C610] =	vst v63  }
0x359: {  	_ =	swait.ge [sflag:s21], $0x1000  }
0x35a: {  	[sflag:s21] =	ssyncset.done $0x0  }
0x35b: {  	[sflag:s21] =	ssyncadd.s32 $0xFFFFF000  }
0x35c: {  	s3 =	rddreg [dreg:$0x1a]  }
0x35d: {  	s0 =	rddreg [dreg:$0x10];
	s3 =	sadd.s32 $0x1, s3  }
0x35e: {  	p0 =	sne.s32 s3, s0  }
.Ltmp7:
0x35f: {  	_ = 	snop;
	(pc) =	sbr.rel @p0 .LBB2_1-.Ltmp7, $1  }
0x360: {  	_ =	sdelay $0x3  }
0x361: {  	_ =	sfence.sel $0x180000  }
0x362: {  	[bflag:$0x0] =	sbarrier.arrive $0xFFFF  }
0x363: {  	_ =	strace $0x9000004A  }
0x364: {  	s0 =	stileid.u32;
	[bflag:$0x2] =	sbarrier.arrive $0xFFFF  }
0x365: {  	p0 =	sne.s32 s0, $0x0;
	s0 =	rddreg [dreg:$0x3]  }
0x366: {  	s0 =	sadd.s32 @!p0 $0x100000, s0  }
0x367: {  	[sflag:s0] =	ssyncadd.tile.s32 @!p0 $0x1;
	_ =	shalt  }
.Lfunc_end2:
_tile_overlayer_lowered:
.L_overlay_start_2:
0x368: {  	(tag) =	ssettag $0x2  }
0x369: {  	s0 =	rddreg [dreg:$0x0];
	s2 =	stileid.u32  }
0x36a: {  	s1 =	rddreg [dreg:$0x1];
	p0 =	sne.s32 s2, $0x0  }
0x36b: {  	s3 =	rddreg [dreg:$0x2];
	[bflag:$0x3] =	sbarrier.arrive $0xFFFF;
	s2 =	simm.s32 @!p0 $0x1C04  }
0x36c: {  	[timem:s3], [sflag:s2] =	dma.local @!p0 [hbm:s0], s1  }
0x36d: {  	s0 =	simm.s32 @!p0 $0x4  }
0x36e: {  	_ =	swait.ge @!p0 [sflag:s0], s1  }
0x36f: {  	s1 =	ssub.s32 @!p0 $0x0, s1;
	[sflag:s0] =	ssyncset.done @!p0 $0x0  }
0x370: {  	[sflag:s0] =	ssyncadd.s32 @!p0 s1  }
0x371: {  	[bflag:$0x3] =	sbarrier.arrive $0xFFFF  }
0x372: {  	_ =	shalt  }

// kernel: kernel.8.cloned.1.call-start
scs
__scs_entry_jumppad:
0x0: {  	(pc) =	sbr.rel $0x88, $3  }
0x1: {  	(tag) =	ssettag $0x0;
	lr =	simm.s32 $0x1  }
0x2: {  	[smem:$0x3F86] =	sst lr;
	_ =	strace $0xD0000000  }
0x3: {  	_ = 	snop  }
0x4: {  	_ = 	snop  }
0x5: {  	_ = 	snop  }
0x6: {  	_ = 	snop  }
0x7: {  	_ = 	snop  }
__scs_overlays_trampoline_lowered:
0x8: {  	[smem:$0x3F95] =	sst s0  }
0x9: {  	[smem:$0x3F96] =	sst s1  }
0xa: {  	[smem:$0x3F97] =	sst s2  }
0xb: {  	[smem:$0x3F98] =	sst s3  }
0xc: {  	[smem:$0x3F99] =	sst s4  }
0xd: {  	[smem:$0x3F9A] =	sst s5  }
0xe: {  	[smem:$0x3F9B] =	sst s6  }
0xf: {  	[smem:$0x3F9C] =	sst s7  }
0x10: {  	[smem:$0x3F9D] =	sst s8  }
0x11: {  	[smem:$0x3F9E] =	sst s9;
	s0 =	simm.s32 @!p0 $0x0  }
0x12: {  	s1 =	sld [smem:$0x3F84];
	s0 =	simm.s32 @p0 $0x1  }
0x13: {  	[smem:$0x3F9F] =	sst s0;
	s0 =	simm.s32 @!p1 $0x0  }
0x14: {  	s2 =	sld [smem:$0x3F83];
	s0 =	simm.s32 @p1 $0x1  }
0x15: {  	[smem:$0x3FA0] =	sst s0;
	s0 =	simm.s32 @!p2 $0x0  }
0x16: {  	s3 =	sld [smem:$0x3FDB];
	s0 =	simm.s32 @p2 $0x1  }
0x17: {  	s4 =	simm.s32 $0x1BF5;
	[smem:$0x3FA2] =	sst s0  }
0x18: {  	s0 =	sld [smem:$0x3F85];
	_ =	swait.ge [sflag:s4], $0x0  }
0x19: {  	s7 =	sld [smem:$0x3F86]  }
0x1a: {  	s8 =	sadd.s32 $0xFFFFE003, lr  }
0x1b: {  	s9 =	sadd.s32 $0xFFFFFEF7, lr;
	s5 =	simm.s32 $0xFFFFFFFF;
	p2 =	slt.u32 s8, $0xFFFFF086  }
0x1c: {  	p1 =	slt.u32 s9, $0xF7A;
	s5 =	simm.s32 @!p2 $0x0  }
0x1d: {  	s5 =	simm.s32 @p1 $0x1;
	p0 =	seq.s32 s7, s2  }
0x1e: {  	s7 =	smul.u32 @!p0 $0xF7A, s2;
	p2 =	seq.s32 @!p0 s5, $0x0  }
0x1f: {  	s9 =	smul.u32 $0xF7A, s1;
	s8 =	simm.s32 @!p0 $0x1BF5;
	p2 =	por !p2, p0  }
0x20: {  	[sflag:s8] =	ssyncset.s32 @!p0 $0xFFFFF086;
	s6 =	sadd.s32 @!p0 s3, s7;
	s7 =	simm.s32 @!p0 $0x108  }
0x21: {  	s3 =	sadd.s32 s3, s9;
	s6 =	sadd.s32 @!p0 $0x88, s6;
	s7 =	simm.s32 @p2 $0x1082  }
0x22: {  	[simem:s7], [sflag:s8] =	dma.local @!p0 [hbm:s6], $0xF7A  }
0x23: {  	s9 =	sor.u32 $0xD0000000, s2;
	s6 =	simm.s32 $0x108;
	_ =	swait.ge @!p0 [sflag:s8], $0x0  }
0x24: {  	s3 =	sadd.s32 $0x88, s3;
	s6 =	simm.s32 @!p1 $0x1082;
	[sflag:s4] =	ssyncset.s32 $0xFFFFF086  }
0x25: {  	[simem:s6], [sflag:s4] =	dma.local [hbm:s3], $0xF7A  }
0x26: {  	[smem:$0x3F86] =	sst s1;
	(tag) =	ssettag s2;
	_ =	strace s9  }
0x27: {  	s1 =	sld [smem:$0x3F96]  }
0x28: {  	s2 =	sld [smem:$0x3F97]  }
0x29: {  	s4 =	sld [smem:$0x3F99]  }
0x2a: {  	p0 =	seq.s32 s5, $0x0;
	s5 =	sld [smem:$0x3F9A]  }
0x2b: {  	s6 =	sld [smem:$0x3F9B]  }
0x2c: {  	s7 =	sld [smem:$0x3F9C]  }
0x2d: {  	s3 =	simm.s32 $0x108;
	s8 =	sld [smem:$0x3F9D]  }
0x2e: {  	s3 =	simm.s32 @!p0 $0x1082;
	s9 =	sld [smem:$0x3F9E]  }
0x2f: {  	lr =	sadd.s32 s0, s3;
	s0 =	sld [smem:$0x3F95]  }
0x30: {  	s3 =	sld [smem:$0x3F98]  }
0x31: {  	[smem:$0x3FA1] =	sst s10  }
0x32: {  	s10 =	sld [smem:$0x3F9F];
	_ =	sdelay $0x3  }
0x33: {  	p0 =	seq.s32 s10, $0x1;
	s10 =	sld [smem:$0x3FA1];
	_ =	sdelay $0x3  }
0x34: {  	[smem:$0x3FA1] =	sst s10  }
0x35: {  	s10 =	sld [smem:$0x3FA0];
	_ =	sdelay $0x3  }
0x36: {  	p1 =	seq.s32 s10, $0x1;
	s10 =	sld [smem:$0x3FA1];
	_ =	sdelay $0x3  }
0x37: {  	[smem:$0x3FA1] =	sst s10  }
0x38: {  	s10 =	sld [smem:$0x3FA2]  }
0x39: {  	_ = 	snop;
	(pc) =	sbr.ind lr, $3  }
0x3a: {  	_ = 	snop  }
0x3b: {  	_ = 	snop  }
0x3c: {  	p2 =	seq.s32 s10, $0x1;
	s10 =	sld [smem:$0x3FA1]  }
0x3d: {  	_ =	shalt  }
0x3e: {  	_ =	shalt  }
0x3f: {  	_ =	shalt  }
0x40: {  	_ =	shalt  }
0x41: {  	_ =	shalt  }
0x42: {  	_ =	shalt  }
0x43: {  	_ =	shalt  }
0x44: {  	_ =	shalt  }
0x45: {  	_ =	shalt  }
0x46: {  	_ =	shalt  }
0x47: {  	_ =	shalt  }
0x48: {  	_ =	shalt  }
0x49: {  	_ =	shalt  }
0x4a: {  	_ =	shalt  }
0x4b: {  	_ =	shalt  }
0x4c: {  	_ =	shalt  }
0x4d: {  	_ =	shalt  }
0x4e: {  	_ =	shalt  }
0x4f: {  	_ =	shalt  }
0x50: {  	_ =	shalt  }
0x51: {  	_ =	shalt  }
0x52: {  	_ =	shalt  }
0x53: {  	_ =	shalt  }
0x54: {  	_ =	shalt  }
0x55: {  	_ =	shalt  }
0x56: {  	_ =	shalt  }
0x57: {  	_ =	shalt  }
0x58: {  	_ =	shalt  }
0x59: {  	_ =	shalt  }
0x5a: {  	_ =	shalt  }
0x5b: {  	_ =	shalt  }
0x5c: {  	_ =	shalt  }
0x5d: {  	_ =	shalt  }
0x5e: {  	_ =	shalt  }
0x5f: {  	_ =	shalt  }
0x60: {  	_ =	shalt  }
0x61: {  	_ =	shalt  }
0x62: {  	_ =	shalt  }
0x63: {  	_ =	shalt  }
0x64: {  	_ =	shalt  }
0x65: {  	_ =	shalt  }
0x66: {  	_ =	shalt  }
0x67: {  	_ =	shalt  }
0x68: {  	_ =	shalt  }
0x69: {  	_ =	shalt  }
0x6a: {  	_ =	shalt  }
0x6b: {  	_ =	shalt  }
0x6c: {  	_ =	shalt  }
0x6d: {  	_ =	shalt  }
0x6e: {  	_ =	shalt  }
0x6f: {  	_ =	shalt  }
0x70: {  	_ =	shalt  }
0x71: {  	_ =	shalt  }
0x72: {  	_ =	shalt  }
0x73: {  	_ =	shalt  }
0x74: {  	_ =	shalt  }
0x75: {  	_ =	shalt  }
0x76: {  	_ =	shalt  }
0x77: {  	_ =	shalt  }
0x78: {  	_ =	shalt  }
0x79: {  	_ =	shalt  }
0x7a: {  	_ =	shalt  }
0x7b: {  	_ =	shalt  }
0x7c: {  	_ =	shalt  }
0x7d: {  	_ =	shalt  }
0x7e: {  	_ =	shalt  }
0x7f: {  	_ =	shalt  }
0x80: {  	_ =	shalt  }
0x81: {  	_ =	shalt  }
0x82: {  	_ =	shalt  }
0x83: {  	_ =	shalt  }
0x84: {  	_ =	shalt  }
0x85: {  	_ =	shalt  }
0x86: {  	_ =	shalt  }
0x87: {  	_ =	shalt  }
.Lfunc_end0:
.L_simem_size_0:
called_computation_lowered:
.L_overlay_start_0:
0x88: {  	s2 =	sld [smem:$0x3FD9]  }
0x89: {  	s3 =	sld [smem:$0x3FFE];
	_ =	sdelay $0x1  }
0x8a: {  	s1 =	srdreg.scid  }
0x8b: {  	s0 =	sand.u32 $0x1, s1  }
0x8c: {  	s17 =	sshll.u32 s0, $0xA;
	s2 =	sadd.s32 s3, s2  }
0x8d: {  	s2 =	sadd.s32 s2, s17  }
0x8e: {  	[smem:$0x3FAD] =	sst s2  }
0x8f: {  	_ = 	snop  }
0x90: {  	s2 =	sld [smem:$0x3FD0];
	(tm) =	ssettm $0x1  }
0x91: {  	s18 =	sld [smem:$0x3FFB];
	_ =	sdelay $0x3  }
0x92: {  	_ =	strace s18  }
0x93: {  	s3 =	sld [smem:$0x3FFC];
	_ =	sdelay $0x3  }
0x94: {  	_ =	strace s3  }
0x95: {  	s3 =	sld [smem:$0x3FFD];
	_ =	sdelay $0x3  }
0x96: {  	_ =	strace s3  }
0x97: {  	_ =	strace $0x8FFFFFFF  }
0x98: {  	s19 =	sld [smem:$0x3FDB];
	_ =	sdelay $0x1  }
0x99: {  	s4 =	simm.s32 $_scs_section_size  }
0x9a: {  	s5 =	simm.s32 $_size__tile_overlayer_lowered;
	s6 =	simm.s32 $_tile_overlayer_lowered  }
0x9b: {  	s22 =	simm.s32 $0x1BFF;
	s21 =	sshll.u32 s6, $0x1;
	s3 =	sadd.s32 s4, s19  }
0x9c: {  	s7 =	simm.s32 $0x0;
	s20 =	sshll.u32 s5, $0x1;
	s5 =	sadd.s32 s21, s3  }
0x9d: {  	[timem:s7], [sflag:s22] =	dma.local [hbm:s5], s20  }
0x9e: {  	_ =	swait.ge [sflag:s22], s20  }
0x9f: {  	s4 =	ssub.s32 $0x0, s20;
	[sflag:s22] =	ssyncset.done $0x0  }
0xa0: {  	[sflag:s22] =	ssyncadd.s32 s4;
	_ =	sdelay $0x1  }
0xa1: {  	s23 =	simm.s32 $0x1B8B  }
0xa2: {  	_ =	swait.ge [sflag:s23], $0x1  }
0xa3: {  	[sflag:s23] =	ssyncset.done $0x0  }
0xa4: {  	s25 =	simm.s32 $0x1B8E;
	s24 =	sld [smem:$0x3FFE];
	[sflag:s23] =	ssyncadd.s32 $0xFFFFFFFF  }
0xa5: {  	s26 =	simm.s32 $execute0_lowered;
	[smem:$0x3FD2] =	sst s25  }
0xa6: {  	s5 =	sshll.u32 s26, $0x1;
	_ =	strace $0x80000046;
	[dreg:$0x1] =	wrdreg $0xFFFFFFFF  }
0xa7: {  	s28 =	simm.s32 $_size_execute0_lowered;
	s3 =	sadd.s32 s3, s5;
	[dreg:$0x0] =	wrdreg $0x0  }
0xa8: {  	s5 =	sshll.u32 s28, $0x1;
	[dreg:$0x2] =	wrdreg s3  }
0xa9: {  	[dreg:$0x3] =	wrdreg s5  }
0xaa: {  	[dreg:$0x4] =	wrdreg $0xC0  }
0xab: {  	_ =	task [dreg:s7], $0x5FFFF  }
0xac: {  	[dreg:$0x1] =	wrdreg $0xFFFFFFFF  }
0xad: {  	[dreg:$0x0] =	wrdreg $0x60  }
0xae: {  	[dreg:$0x2] =	wrdreg s2  }
0xaf: {  	[dreg:$0x3] =	wrdreg s24  }
0xb0: {  	[dreg:$0x4] =	wrdreg $0x0  }
0xb1: {  	[dreg:$0x5] =	wrdreg $0x9  }
0xb2: {  	_ =	task.clear_ibuf [dreg:s7], $0x6FFFF;
	_ =	strace $0x90000046  }
0xb3: {  	s29 =	simm.s32 $0x9;
	_ =	strace $0x80000048  }
0xb4: {  	_ =	swait.ge [sflag:s29], $0x1  }
0xb5: {  	[sflag:s29] =	ssyncadd.s32 $0xFFFFFFFF  }
0xb6: {  	_ =	strace $0x90000048  }
0xb7: {  	_ =	sfence  }
0xb8: {  	s30 =	sld [smem:$0x0];
	_ =	sdelay $0x2  }
0xb9: {  	s31 =	sshll.u32 s1, $0xD;
	s1 =	sshrl.u32 s1, $0x2  }
0xba: {  	s3 =	sand.u32 $0x4000, s31;
	s1 =	sadd.s32 s1, s30  }
0xbb: {  	s0 =	sor.u32 s3, s0;
	s1 =	sshll.u32 s1, $0x11  }
0xbc: {  	s0 =	sor.u32 s1, s0  }
0xbd: {  	s0 =	sadd.s32 $0x8F2B, s0  }
0xbe: {  	[sflag:s0] =	ssyncadd.remote.s32 $0x1  }
0xbf: {  	_ =	sfence.sel $0xFFFF  }
0xc0: {  	[dreg:$0x0] =	wrdreg $0xFFFFFFFF;
	(pc) =	sbr.abs _section_cstart, $3  }
0xc1: {  	[dreg:$0x1] =	wrdreg $0xFFFFFFFF  }
0xc2: {  	_ =	task.clear_ibuf [dreg:s7], $0x2FFFF;
	_ =	strace $0x9FFFFFFF  }
0xc3: {  	(tm) =	ssettm $0x7FFFFFFF  }
tec
execute0_lowered:
.L_overlay_start_1:
0x0: {  	(tag) =	ssettag $0x1  }
0x1: {  	s1 =	rddreg [dreg:$0x0]  }
0x2: {  	s0 =	srdreg.scid;
	s2 =	rddreg [dreg:$0x1]  }
0x3: {  	s8 =	stileid.u32;
	s4 =	rddreg [dreg:$0x2];
	s5 =	simm.s32 $0x0  }
0x4: {  	s0 =	sand.u32 $0x1, s0;
	[smem:$0x7FF] =	sst s5;
	s13 =	sadd.s32 $0x4200, s2  }
0x5: {  	s11 =	sadd.s32 $0xE000, s2;
	_ =	strace $0x80000047;
	[dreg:$0x8] =	wrdreg s13  }
0x6: {  	s9 =	smul.u32 $0x5000, s8;
	s12 =	sadd.s32 $0x549200, s2;
	[dreg:$0x6] =	wrdreg s11  }
0x7: {  	s18 =	sadd.s32 $0x553200, s2;
	s19 =	smul.u32 $0x280, s8;
	[dreg:$0x7] =	wrdreg s12  }
0x8: {  	s3 =	smul.u32 $0x50000, s0;
	[dreg:$0x9] =	wrdreg s18  }
0x9: {  	s28 =	ssub.s32 $0x2, s0;
	s20 =	smul.u32 $0xA0000, s0;
	[dreg:$0x4] =	wrdreg s9  }
0xa: {  	s7 =	smul.u32 $0x50000, s8;
	s6 =	sshrl.u32 s28, $0x1;
	[dreg:$0xa] =	wrdreg s19  }
0xb: {  	s15 =	sshrl.u32 s9, $0x3;
	s10 =	sadd.s32 s9, s3;
	[dreg:$0xf] =	wrdreg s20  }
0xc: {  	s8 =	sshrl.u32 s7, $0x2;
	s5 =	sadd.s32 s12, s15;
	[dreg:$0x5] =	wrdreg s10  }
0xd: {  	s30 =	ssub.s32 s28, s6;
	s7 =	sadd.s32 s8, s4;
	[dreg:$0xd] =	wrdreg s5  }
0xe: {  	s16 =	smax.u32 s30, $0x1;
	[dreg:$0xb] =	wrdreg s7  }
0xf: {  	s17 =	sadd.s32 $0x2000, s7;
	[dreg:$0x10] =	wrdreg s16  }
0x10: {  	s21 =	sadd.s32 $0x4000, s7;
	[dreg:$0x11] =	wrdreg s17  }
0x11: {  	s22 =	sadd.s32 $0x6000, s7;
	[dreg:$0x12] =	wrdreg s21  }
0x12: {  	s23 =	sadd.s32 $0x8000, s7;
	[dreg:$0x13] =	wrdreg s22  }
0x13: {  	s31 =	simm.s32 $0x18600;
	s24 =	sadd.s32 $0xA000, s7;
	[dreg:$0x14] =	wrdreg s23  }
0x14: {  	s29 =	simm.s32 $0x40;
	s25 =	sadd.s32 $0xC000, s7;
	[dreg:$0x15] =	wrdreg s24  }
0x15: {  	s9 =	simm.s32 $0x2;
	s26 =	sadd.s32 $0xE000, s7;
	[dreg:$0x16] =	wrdreg s25  }
0x16: {  	s3 =	sshll.u32 s10, $0x3;
	s28 =	sadd.s32 $0x10000, s7;
	[dreg:$0x17] =	wrdreg s26  }
0x17: {  	s13 =	sshrl.u32 s10, $0x3;
	s30 =	sadd.s32 $0x12000, s7;
	[dreg:$0x18] =	wrdreg s28  }
0x18: {  	s3 =	sadd.s32 s3, s2;
	s14 =	sadd.s32 s11, s13;
	[dreg:$0x19] =	wrdreg s30  }
0x19: {  	s21 =	simm.s32 $0x4;
	s22 =	simm.s32 $0x16600;
	s2 =	simm.s32 $0x1  }
0x1a: {  	[dreg:$0xc] =	wrdreg s14;
	s15 =	sadd.s32 $0x22000, s3;
	s3 =	sadd.s32 $0x22200, s3  }
0x1b: {  	v0 =	vimm.f32 $0.0e+00;
	s13 =	simm.s32 $0x1A600;
	[dreg:$0xe] =	wrdreg s3;
	s3 =	simm.s32 $0x0  }
.LBB2_1:
0x1c: {  	[dreg:$0x1a] =	wrdreg s3  }
0x1d: {  	s0 =	simm.s32 $0x0;
	s30 =	rddreg [dreg:$0x8];
	s5 =	simm.s32 $0x1C600  }
0x1e: {  	[tilespmem:s5], [sflag:$0x4] =	stream.linear.gather [hbm4b:s30+s0], $0x10, $0x38;
	[tilespmem:$0x1C610] =	vst v63  }
0x1f: {  	_ =	swait.ge [sflag:s21], $0x10  }
0x20: {  	[sflag:s21] =	ssyncset.done $0x0  }
0x21: {  	s3 =	simm.s32 $0x300;
	s0 =	simm.s32 $0x40;
	[sflag:s21] =	ssyncadd.s32 $0xFFFFFFF0  }
.LBB2_2:
0x22: {  	p0 =	sne.s32 s3, $0x7F00;
	[tilespmem:s0+$0x1A630] =	vst v0  }
0x23: {  	[tilespmem:s0+$0x185C0] =	vst v0  }
0x24: {  	[tilespmem:s0+$0x185D0] =	vst v0  }
0x25: {  	[tilespmem:s0+$0x185E0] =	vst v0  }
0x26: {  	[tilespmem:s0+$0x185F0] =	vst v0  }
0x27: {  	[tilespmem:s0+$0x18600] =	vst v0  }
0x28: {  	[tilespmem:s0+$0x18610] =	vst v0  }
0x29: {  	[tilespmem:s0+$0x18620] =	vst v0  }
0x2a: {  	[tilespmem:s0+$0x18630] =	vst v0  }
0x2b: {  	[tilespmem:s0+$0x1A5C0] =	vst v0  }
0x2c: {  	[tilespmem:s0+$0x1A5D0] =	vst v0  }
.Ltmp0:
0x2d: {  	[tilespmem:s0+$0x1A5E0] =	vst v0;
	(pc) =	sbr.rel @p0 .LBB2_2-.Ltmp0, $4  }
0x2e: {  	[tilespmem:s0+$0x1A5F0] =	vst v0  }
0x2f: {  	[tilespmem:s0+$0x1A600] =	vst v0  }
0x30: {  	[tilespmem:s0+$0x1A610] =	vst v0  }
0x31: {  	[tilespmem:s0+$0x1A620] =	vst v0;
	s0 =	sshra.s32 s3, $0x2;
	s3 =	sadd.s32 $0x200, s3  }
0x32: {  	[tilespmem:s0+$0x1A630] =	vst v0  }
0x33: {  	[tilespmem:s0+$0x185C0] =	vst v0  }
0x34: {  	[tilespmem:s0+$0x185D0] =	vst v0  }
0x35: {  	[tilespmem:s0+$0x185E0] =	vst v0  }
0x36: {  	[tilespmem:s0+$0x185F0] =	vst v0  }
0x37: {  	[tilespmem:s0+$0x18600] =	vst v0  }
0x38: {  	[tilespmem:s0+$0x18610] =	vst v0  }
0x39: {  	[tilespmem:s0+$0x18620] =	vst v0  }
0x3a: {  	[tilespmem:s0+$0x18630] =	vst v0  }
0x3b: {  	[tilespmem:s0+$0x1A5C0] =	vst v0  }
0x3c: {  	[tilespmem:s0+$0x1A5D0] =	vst v0  }
0x3d: {  	[tilespmem:s0+$0x1A5E0] =	vst v0  }
0x3e: {  	[tilespmem:s0+$0x1A5F0] =	vst v0  }
0x3f: {  	[tilespmem:s0+$0x1A600] =	vst v0  }
0x40: {  	[tilespmem:s0+$0x1A610] =	vst v0  }
0x41: {  	[tilespmem:s0+$0x1A620] =	vst v0;
	s7 =	rddreg [dreg:$0xb]  }
0x42: {  	[spmem:s7] =	stream.linear.scatter [tilespmem:s31], [sflag:$0x4], $0x2000, $0x38;
	[tilespmem:$0x1C610] =	vst v63  }
0x43: {  	_ =	swait.ge [sflag:s21], $0x2000  }
0x44: {  	[sflag:s21] =	ssyncset.done $0x0  }
0x45: {  	s8 =	rddreg [dreg:$0x11];
	[sflag:s21] =	ssyncadd.s32 $0xFFFFE000  }
0x46: {  	[spmem:s8] =	stream.linear.scatter [tilespmem:s31], [sflag:$0x4], $0x2000, $0x38;
	[tilespmem:$0x1C610] =	vst v63  }
0x47: {  	_ =	swait.ge [sflag:s21], $0x2000  }
0x48: {  	[sflag:s21] =	ssyncset.done $0x0  }
0x49: {  	s10 =	rddreg [dreg:$0x12];
	[sflag:s21] =	ssyncadd.s32 $0xFFFFE000  }
0x4a: {  	[spmem:s10] =	stream.linear.scatter [tilespmem:s31], [sflag:$0x4], $0x2000, $0x38;
	[tilespmem:$0x1C610] =	vst v63  }
0x4b: {  	_ =	swait.ge [sflag:s21], $0x2000  }
0x4c: {  	[sflag:s21] =	ssyncset.done $0x0  }
0x4d: {  	s11 =	rddreg [dreg:$0x13];
	[sflag:s21] =	ssyncadd.s32 $0xFFFFE000  }
0x4e: {  	[spmem:s11] =	stream.linear.scatter [tilespmem:s31], [sflag:$0x4], $0x2000, $0x38;
	[tilespmem:$0x1C610] =	vst v63  }
0x4f: {  	_ =	swait.ge [sflag:s21], $0x2000  }
0x50: {  	[sflag:s21] =	ssyncset.done $0x0  }
0x51: {  	s12 =	rddreg [dreg:$0x14];
	[sflag:s21] =	ssyncadd.s32 $0xFFFFE000  }
0x52: {  	[spmem:s12] =	stream.linear.scatter [tilespmem:s31], [sflag:$0x4], $0x2000, $0x38;
	[tilespmem:$0x1C610] =	vst v63  }
0x53: {  	_ =	swait.ge [sflag:s21], $0x2000  }
0x54: {  	[sflag:s21] =	ssyncset.done $0x0  }
0x55: {  	s14 =	rddreg [dreg:$0x15];
	[sflag:s21] =	ssyncadd.s32 $0xFFFFE000  }
0x56: {  	[spmem:s14] =	stream.linear.scatter [tilespmem:s31], [sflag:$0x4], $0x2000, $0x38;
	[tilespmem:$0x1C610] =	vst v63  }
0x57: {  	_ =	swait.ge [sflag:s21], $0x2000  }
0x58: {  	[sflag:s21] =	ssyncset.done $0x0  }
0x59: {  	s16 =	rddreg [dreg:$0x16];
	[sflag:s21] =	ssyncadd.s32 $0xFFFFE000  }
0x5a: {  	[spmem:s16] =	stream.linear.scatter [tilespmem:s31], [sflag:$0x4], $0x2000, $0x38;
	[tilespmem:$0x1C610] =	vst v63  }
0x5b: {  	_ =	swait.ge [sflag:s21], $0x2000  }
0x5c: {  	[sflag:s21] =	ssyncset.done $0x0  }
0x5d: {  	s17 =	rddreg [dreg:$0x17];
	[sflag:s21] =	ssyncadd.s32 $0xFFFFE000  }
0x5e: {  	[spmem:s17] =	stream.linear.scatter [tilespmem:s31], [sflag:$0x4], $0x2000, $0x38;
	[tilespmem:$0x1C610] =	vst v63  }
0x5f: {  	_ =	swait.ge [sflag:s21], $0x2000  }
0x60: {  	[sflag:s21] =	ssyncset.done $0x0  }
0x61: {  	s18 =	rddreg [dreg:$0x18];
	[sflag:s21] =	ssyncadd.s32 $0xFFFFE000  }
0x62: {  	[spmem:s18] =	stream.linear.scatter [tilespmem:s31], [sflag:$0x4], $0x2000, $0x38;
	[tilespmem:$0x1C610] =	vst v63  }
0x63: {  	_ =	swait.ge [sflag:s21], $0x2000  }
0x64: {  	[sflag:s21] =	ssyncset.done $0x0  }
0x65: {  	s19 =	rddreg [dreg:$0x19];
	[sflag:s21] =	ssyncadd.s32 $0xFFFFE000  }
0x66: {  	[spmem:s19] =	stream.linear.scatter [tilespmem:s31], [sflag:$0x4], $0x2000, $0x38;
	[tilespmem:$0x1C610] =	vst v63  }
0x67: {  	_ =	swait.ge [sflag:s21], $0x2000  }
0x68: {  	[sflag:s21] =	ssyncset.done $0x0  }
0x69: {  	[sflag:s21] =	ssyncadd.s32 $0xFFFFE000  }
0x6a: {  	[bflag:$0x0] =	sbarrier.arrive $0xFFFF  }
0x6b: {  	s6 =	simm.s32 $0x0;
	s3 =	simm.s32 $0x14000;
	s20 =	rddreg [dreg:$0xc]  }
0x6c: {  	v1 =	vld [tilespmem:$0x1C600];
	[tilespmem:s3], [sflag:$0x4] =	stream.linear.gather [hbm4b:s20+s6], $0x200, $0x38  }
0x6d: {  	_ =	swait.ge [sflag:s21], $0x200  }
0x6e: {  	[sflag:s21] =	ssyncset.done $0x0  }
0x6f: {  	s5 =	simm.s32 $0x14400;
	s23 =	rddreg [dreg:$0xd];
	[sflag:s21] =	ssyncadd.s32 $0xFFFFFE00  }
0x70: {  	[tilespmem:s5], [sflag:$0x4] =	stream.linear.gather [hbm4b:s23+s6], $0x200, $0x38;
	[tilespmem:$0x1C610] =	vst v63  }
0x71: {  	_ =	swait.ge [sflag:s21], $0x200  }
0x72: {  	[sflag:s21] =	ssyncset.done $0x0  }
0x73: {  	s24 =	simm.s32 $0x14600;
	[sflag:s21] =	ssyncadd.s32 $0xFFFFFE00  }
0x74: {  	[tilespmem:s24], [sflag:$0x1] =	stream.indirect.gather [hbm4b:s1+s29], $0x40, s3, s29, $0xb8;
	[tilespmem:$0x1C610] =	vst v63  }
0x75: {  	_ = 	snop  }
0x76: {  	[tilespmem:s22], [sflag:$0x2] =	stream.linear.gather [hbm4b:s15+s6], $0x1000, $0x38;
	[tilespmem:$0x1C610] =	vst v63  }
0x77: {  	s25 =	simm.s32 $0x14040;
	s26 =	simm.s32 $0x15600  }
0x78: {  	[tilespmem:s26], [sflag:$0x1] =	stream.indirect.gather [hbm4b:s1+s29], $0x40, s25, s29, $0xb8;
	[tilespmem:$0x1C610] =	vst v63  }
0x79: {  	s30 =	simm.s32 $0x17600;
	s28 =	rddreg [dreg:$0xe]  }
0x7a: {  	[tilespmem:s30], [sflag:$0x2] =	stream.linear.gather [hbm4b:s28+s6], $0x1000, $0x38;
	[tilespmem:$0x1C610] =	vst v63  }
.LBB2_4:
0x7b: {  	p0 =	seq.s32 s6, $0x0  }
0x7c: {  	s0 =	simm.s32 @!p0 $0x3  }
0x7d: {  	_ =	swait.ge @!p0 [sflag:s0], $0x2000  }
0x7e: {  	[sflag:s0] =	ssyncset.done @!p0 $0x0  }
0x7f: {  	[sflag:s0] =	ssyncadd.s32 @!p0 $0xFFFFE000  }
0x80: {  	_ =	swait.ge @!p0 [sflag:s0], $0x2000  }
0x81: {  	s3 =	sshll.u32 @!p0 s6, $0x9;
	s5 =	rddreg [dreg:$0x4]  }
0x82: {  	[sflag:s0] =	ssyncset.done @!p0 $0x0;
	s3 =	sadd.s32 @!p0 s5, s3  }
0x83: {  	[sflag:s0] =	ssyncadd.s32 @!p0 $0xFFFFE000;
	s0 =	sshrl.u32 @!p0 s3, $0x3;
	s3 =	rddreg [dreg:$0x7]  }
0x84: {  	s5 =	simm.s32 @!p0 $0x14400;
	s0 =	sadd.s32 @!p0 s3, s0;
	s3 =	simm.s32 @!p0 $0x0  }
0x85: {  	[tilespmem:s5], [sflag:$0x4] =	stream.linear.gather @!p0 [hbm4b:s0+s3], $0x200, $0x38;
	[tilespmem:$0x1C610] =	vst v63  }
0x86: {  	s0 =	simm.s32 @!p0 $0x4  }
0x87: {  	p1 =	seq.s32 @!p0 s6, $0x27;
	_ =	swait.ge @!p0 [sflag:s0], $0x200  }
0x88: {  	p1 =	por p0, !p1;
	[sflag:s0] =	ssyncset.done @!p0 $0x0  }
0x89: {  	[sflag:s0] =	ssyncadd.s32 @!p0 $0xFFFFFE00;
	s0 =	sshll.u32 @p1 s6, $0x9  }
0x8a: {  	s3 =	rddreg @p1 [dreg:$0x5];
	s0 =	sadd.s32 @p1 $0x200, s0  }
0x8b: {  	s3 =	sadd.s32 @p1 s0, s3  }
0x8c: {  	s5 =	rddreg @p1 [dreg:$0x6];
	s0 =	sand.u32 @p1 $0x200, s0;
	s3 =	sshrl.u32 @p1 s3, $0x3  }
0x8d: {  	s0 =	sor.u32 @p1 $0x14000, s0;
	s3 =	sadd.s32 @p1 s5, s3;
	s5 =	simm.s32 @p1 $0x0  }
0x8e: {  	[tilespmem:s0], [sflag:$0x4] =	stream.linear.gather @p1 [hbm4b:s3+s5], $0x200, $0x38;
	[tilespmem:$0x1C610] =	vst v63  }
0x8f: {  	_ =	swait.ge @p1 [sflag:s21], $0x200  }
0x90: {  	s19 =	sshll.u32 s6, $0x3;
	[sflag:s21] =	ssyncset.done @p1 $0x0  }
0x91: {  	s20 =	simm.s32 $0x0;
	[dreg:$0x1b] =	wrdreg s6;
	[sflag:s21] =	ssyncadd.s32 @p1 $0xFFFFFE00  }
.LBB2_5:
0x92: {  	_ =	swait.ge [sflag:s2], $0x1000  }
0x93: {  	[sflag:s2] =	ssyncset.done $0x0  }
0x94: {  	[sflag:s2] =	ssyncadd.s32 $0xFFFFF000  }
0x95: {  	_ =	swait.ge [sflag:s9], $0x1000  }
0x96: {  	p0 =	seq.s32 s20, $0x0;
	[sflag:s9] =	ssyncset.done $0x0  }
0x97: {  	s0 =	simm.s32 @!p0 $0x3;
	[sflag:s9] =	ssyncadd.s32 $0xFFFFF000  }
0x98: {  	_ =	swait.ge @!p0 [sflag:s0], $0x2000  }
0x99: {  	[sflag:s0] =	ssyncset.done @!p0 $0x0  }
0x9a: {  	s16 =	simm.s32 $0x14640;
	[sflag:s0] =	ssyncadd.s32 @!p0 $0xFFFFE000  }
0x9b: {  	s3 =	simm.s32 $0x16640;
	v2 =	vld [tilespmem:s16+$0x0]  }
0x9c: {  	v3 =	vld [tilespmem:s3+$0x0];
	_ =	sdelay $0x4  }
0x9d: {  	v4 =	vld [tilespmem:s3+$0xFFFFFFC0];
	v2 =	vadd.f32 v3, v2  }
0x9e: {  	v3 =	vld [tilespmem:s16+$0xFFFFFFC0]  }
0x9f: {  	v2 =	vmax.f32 v2, $0.0e+00  }
0xa0: {  	v2 =	vadd.f32 $1.000000010e-07, v2;
	_ =	sdelay $0x1  }
0xa1: {  	v5 =	vmul.f32 v2, v1  }
0xa2: {  	v3 =	vadd.f32 v4, v3  }
0xa3: {  	v4 =	vmul.f32 $1.442695020e+00, v5  }
0xa4: {  	v3 =	vmax.f32 v3, $0.0e+00  }
0xa5: {  	v3 =	vadd.f32 $1.000000010e-07, v3;
	(erf) = vpow2.f32 v4;
	_ =	sdelay $0x1  }
0xa6: {  	v4 =	vmul.f32 v3, v1  }
0xa7: {  	s5 =	simm.s32 $0x166C0  }
0xa8: {  	s8 =	simm.s32 $0x146C0;
	v6 =	vld [tilespmem:s5+$0x0];
	v4 =	vmul.f32 $1.442695020e+00, v4  }
0xa9: {  	v5 =	vld [tilespmem:s8+$0x0]  }
0xaa: {  	(erf) = vpow2.f32 v4  }
0xab: {  	v7 =	vld [tilespmem:s8+$0xFFFFFFC0]  }
0xac: {  	v4 =	vld [tilespmem:s5+$0xFFFFFFC0]  }
0xad: {  	v8 =	vpop (erf)  }
0xae: {  	s22 =	simm.s32 $0x18680;
	v5 =	vadd.f32 v6, v5;
	v2 =	vmul.f32 v8, v2  }
0xaf: {  	[tilespmem:s22+$0x40] =	vst v8  }
0xb0: {  	v5 =	vmax.f32 v5, $0.0e+00;
	[tilespmem:s22+$0x0] =	vst v2  }
0xb1: {  	v2 =	vadd.f32 v4, v7;
	v4 =	vadd.f32 $1.000000010e-07, v5;
	v5 =	vld [tilespmem:s16+$0x10]  }
0xb2: {  	v6 =	vld [tilespmem:s3+$0x10]  }
0xb3: {  	v7 =	vpop (erf);
	v2 =	vmax.f32 v2, $0.0e+00;
	v8 =	vmul.f32 v4, v1  }
0xb4: {  	v3 =	vmul.f32 v7, v3;
	v2 =	vadd.f32 $1.000000010e-07, v2  }
0xb5: {  	v8 =	vmul.f32 $1.442695020e+00, v8  }
0xb6: {  	[tilespmem:s22+$0xFFFFFF80] =	vst v3;
	v3 =	vmul.f32 v2, v1  }
0xb7: {  	[tilespmem:s22+$0xFFFFFFC0] =	vst v7;
	(erf) = vpow2.f32 v8;
	v5 =	vadd.f32 v6, v5  }
0xb8: {  	v6 =	vld [tilespmem:s16+$0xFFFFFFD0];
	v3 =	vmul.f32 $1.442695020e+00, v3  }
0xb9: {  	s10 =	simm.s32 $0x14740;
	v7 =	vld [tilespmem:s3+$0xFFFFFFD0];
	v5 =	vmax.f32 v5, $0.0e+00  }
0xba: {  	s7 =	simm.s32 $0x16740;
	v8 =	vld [tilespmem:s10+$0x0];
	(erf) = vpow2.f32 v3;
	v3 =	vadd.f32 $1.000000010e-07, v5  }
0xbb: {  	v5 =	vld [tilespmem:s7+$0x0]  }
0xbc: {  	v10 =	vmul.f32 v3, v1  }
0xbd: {  	v9 =	vld [tilespmem:s7+$0xFFFFFFC0]  }
0xbe: {  	v11 =	vld [tilespmem:s10+$0xFFFFFFC0]  }
0xbf: {  	v6 =	vadd.f32 v7, v6  }
0xc0: {  	v7 =	vmul.f32 $1.442695020e+00, v10;
	v5 =	vadd.f32 v5, v8;
	v10 =	vpop (erf)  }
0xc1: {  	v6 =	vmax.f32 v6, $0.0e+00;
	v4 =	vmul.f32 v10, v4  }
0xc2: {  	s23 =	simm.s32 $0x18780;
	v6 =	vadd.f32 $1.000000010e-07, v6;
	(erf) = vpow2.f32 v7;
	v5 =	vmax.f32 v5, $0.0e+00  }
0xc3: {  	v7 =	vadd.f32 v9, v11;
	[tilespmem:s23+$0x40] =	vst v10;
	v5 =	vadd.f32 $1.000000010e-07, v5  }
0xc4: {  	v8 =	vmul.f32 v6, v1;
	[tilespmem:s23+$0x0] =	vst v4  }
0xc5: {  	v7 =	vmax.f32 v7, $0.0e+00;
	v9 =	vld [tilespmem:s8+$0x10];
	v11 =	vmul.f32 v5, v1;
	v4 =	vpop (erf)  }
0xc6: {  	v7 =	vadd.f32 $1.000000010e-07, v7;
	v8 =	vmul.f32 $1.442695020e+00, v8;
	v10 =	vld [tilespmem:s5+$0x10];
	v2 =	vmul.f32 v4, v2  }
0xc7: {  	[tilespmem:s23+$0xFFFFFFC0] =	vst v4;
	v4 =	vmul.f32 $1.442695020e+00, v11  }
0xc8: {  	s14 =	simm.s32 $0x147C0;
	(erf) = vpow2.f32 v8;
	[tilespmem:s23+$0xFFFFFF80] =	vst v2;
	v2 =	vmul.f32 v7, v1  }
0xc9: {  	(erf) = vpow2.f32 v4;
	v4 =	vld [tilespmem:s14+$0x0]  }
0xca: {  	v8 =	vld [tilespmem:s8+$0xFFFFFFD0];
	v2 =	vmul.f32 $1.442695020e+00, v2  }
0xcb: {  	s12 =	simm.s32 $0x167C0;
	v11 =	vld [tilespmem:s5+$0xFFFFFFD0];
	v12 =	vpop (erf);
	v9 =	vadd.f32 v10, v9  }
0xcc: {  	v3 =	vmul.f32 v12, v3;
	(erf) = vpow2.f32 v2;
	v2 =	vld [tilespmem:s12+$0x0]  }
0xcd: {  	v10 =	vld [tilespmem:s12+$0xFFFFFFC0];
	[tilespmem:s22+$0x50] =	vst v12;
	v9 =	vmax.f32 v9, $0.0e+00  }
0xce: {  	v12 =	vld [tilespmem:s14+$0xFFFFFFC0];
	[tilespmem:s22+$0x10] =	vst v3;
	v3 =	vadd.f32 $1.000000010e-07, v9  }
0xcf: {  	v9 =	vld [tilespmem:s16+$0x20]  }
0xd0: {  	v8 =	vadd.f32 v11, v8;
	v11 =	vld [tilespmem:s3+$0x20];
	v13 =	vmul.f32 v3, v1  }
0xd1: {  	v2 =	vadd.f32 v2, v4;
	v4 =	vpop (erf)  }
0xd2: {  	v8 =	vmax.f32 v8, $0.0e+00;
	v13 =	vmul.f32 $1.442695020e+00, v13;
	v6 =	vmul.f32 v4, v6  }
0xd3: {  	v10 =	vadd.f32 v10, v12;
	v8 =	vadd.f32 $1.000000010e-07, v8;
	[tilespmem:s22+$0xFFFFFFD0] =	vst v4;
	v4 =	vpop (erf);
	v2 =	vmax.f32 v2, $0.0e+00  }
0xd4: {  	(erf) = vpow2.f32 v13;
	v5 =	vmul.f32 v4, v5;
	v2 =	vadd.f32 $1.000000010e-07, v2  }
0xd5: {  	s24 =	simm.s32 $0x18880;
	v14 =	vmul.f32 v8, v1;
	v9 =	vadd.f32 v11, v9;
	[tilespmem:s22+$0xFFFFFF90] =	vst v6  }
0xd6: {  	[tilespmem:s24+$0x0] =	vst v5;
	v5 =	vmax.f32 v10, $0.0e+00;
	v6 =	vpop (erf);
	v10 =	vmul.f32 v2, v1  }
0xd7: {  	[tilespmem:s24+$0x40] =	vst v4;
	v11 =	vld [tilespmem:s16+$0xFFFFFFE0];
	v9 =	vmax.f32 v9, $0.0e+00;
	v4 =	vmul.f32 v6, v7;
	v7 =	vmul.f32 $1.442695020e+00, v14  }
0xd8: {  	v12 =	vld [tilespmem:s3+$0xFFFFFFE0];
	v9 =	vadd.f32 $1.000000010e-07, v9  }
0xd9: {  	v13 =	vld [tilespmem:s10+$0x10];
	v5 =	vadd.f32 $1.000000010e-07, v5;
	(erf) = vpow2.f32 v7;
	[tilespmem:s24+$0xFFFFFF80] =	vst v4;
	v4 =	vmul.f32 $1.442695020e+00, v10  }
0xda: {  	v7 =	vld [tilespmem:s7+$0x10];
	v10 =	vmul.f32 v9, v1  }
0xdb: {  	[tilespmem:s24+$0xFFFFFFC0] =	vst v6;
	v6 =	vmul.f32 v5, v1;
	(erf) = vpow2.f32 v4  }
0xdc: {  	v14 =	vld [tilespmem:s10+$0xFFFFFFD0];
	v4 =	vmul.f32 $1.442695020e+00, v10  }
0xdd: {  	s26 =	simm.s32 $0x14840;
	v11 =	vadd.f32 v12, v11;
	v6 =	vmul.f32 $1.442695020e+00, v6;
	v10 =	vld [tilespmem:s7+$0xFFFFFFD0];
	v12 =	vpop (erf)  }
0xde: {  	s28 =	simm.s32 $0x16840;
	v3 =	vmul.f32 v12, v3;
	(erf) = vpow2.f32 v4;
	v4 =	vld [tilespmem:s26+$0x0]  }
0xdf: {  	[tilespmem:s23+$0x50] =	vst v12;
	v7 =	vadd.f32 v7, v13;
	(erf) = vpow2.f32 v6;
	v6 =	vld [tilespmem:s28+$0x0]  }
0xe0: {  	v11 =	vmax.f32 v11, $0.0e+00;
	[tilespmem:s23+$0x10] =	vst v3  }
0xe1: {  	v11 =	vadd.f32 $1.000000010e-07, v11;
	v15 =	vld [tilespmem:s5+$0x20];
	v7 =	vmax.f32 v7, $0.0e+00  }
0xe2: {  	v3 =	vadd.f32 v10, v14;
	v10 =	vld [tilespmem:s8+$0x20];
	v7 =	vadd.f32 $1.000000010e-07, v7;
	v14 =	vpop (erf)  }
0xe3: {  	v16 =	vld [tilespmem:s26+$0xFFFFFFC0];
	v13 =	vmul.f32 v11, v1;
	v8 =	vmul.f32 v14, v8  }
0xe4: {  	s25 =	simm.s32 $0x18980;
	v12 =	vld [tilespmem:s28+$0xFFFFFFC0];
	v3 =	vmax.f32 v3, $0.0e+00;
	v17 =	vmul.f32 v7, v1;
	[tilespmem:s23+$0xFFFFFFD0] =	vst v14;
	v4 =	vadd.f32 v6, v4;
	v6 =	vpop (erf)  }
0xe5: {  	v13 =	vmul.f32 $1.442695020e+00, v13;
	v3 =	vadd.f32 $1.000000010e-07, v3;
	[tilespmem:s23+$0xFFFFFF90] =	vst v8;
	v2 =	vmul.f32 v6, v2  }
0xe6: {  	v8 =	vmul.f32 $1.442695020e+00, v17;
	[tilespmem:s25+$0x40] =	vst v6  }
0xe7: {  	(erf) = vpow2.f32 v13;
	v6 =	vmul.f32 v3, v1;
	v13 =	vld [tilespmem:s8+$0xFFFFFFE0];
	v14 =	vpop (erf);
	[tilespmem:s25+$0x0] =	vst v2;
	v2 =	vadd.f32 v15, v10  }
0xe8: {  	v4 =	vmax.f32 v4, $0.0e+00;
	v17 =	vld [tilespmem:s5+$0xFFFFFFE0];
	(erf) = vpow2.f32 v8;
	v8 =	vmul.f32 v14, v9  }
0xe9: {  	v4 =	vadd.f32 $1.000000010e-07, v4;
	v10 =	vadd.f32 v12, v16;
	[tilespmem:s22+$0x60] =	vst v14;
	v2 =	vmax.f32 v2, $0.0e+00  }
0xea: {  	v9 =	vpop (erf);
	v6 =	vmul.f32 $1.442695020e+00, v6;
	v12 =	vld [tilespmem:s14+$0x10];
	[tilespmem:s22+$0x20] =	vst v8;
	v2 =	vadd.f32 $1.000000010e-07, v2  }
0xeb: {  	v5 =	vmul.f32 v9, v5;
	v8 =	vmax.f32 v10, $0.0e+00;
	v10 =	vmul.f32 v4, v1;
	v14 =	vld [tilespmem:s16+$0x30]  }
0xec: {  	(erf) = vpow2.f32 v6;
	v6 =	vld [tilespmem:s3+$0x30];
	v15 =	vmul.f32 v2, v1  }
0xed: {  	v8 =	vadd.f32 $1.000000010e-07, v8;
	[tilespmem:s25+$0xFFFFFF80] =	vst v5;
	v5 =	vadd.f32 v17, v13;
	v10 =	vmul.f32 $1.442695020e+00, v10;
	v13 =	vld [tilespmem:s12+$0x10]  }
0xee: {  	[tilespmem:s25+$0xFFFFFFC0] =	vst v9  }
0xef: {  	v16 =	vld [tilespmem:s14+$0xFFFFFFD0];
	v9 =	vmul.f32 v8, v1;
	v5 =	vmax.f32 v5, $0.0e+00;
	(erf) = vpow2.f32 v10  }
0xf0: {  	s0 =	simm.s32 $0x168C0;
	v17 =	vld [tilespmem:s12+$0xFFFFFFD0];
	v10 =	vmul.f32 $1.442695020e+00, v15;
	v5 =	vadd.f32 $1.000000010e-07, v5;
	v15 =	vpop (erf)  }
0xf1: {  	s6 =	simm.s32 $0x148C0;
	v9 =	vmul.f32 $1.442695020e+00, v9;
	v6 =	vadd.f32 v6, v14;
	v14 =	vld [tilespmem:s0+$0xFFFFFFC0];
	v18 =	vpop (erf);
	v11 =	vmul.f32 v15, v11  }
0xf2: {  	(erf) = vpow2.f32 v10;
	v10 =	vld [tilespmem:s6+$0x0];
	v12 =	vadd.f32 v13, v12;
	v7 =	vmul.f32 v18, v7;
	[tilespmem:s24+$0x50] =	vst v18  }
0xf3: {  	v13 =	vmul.f32 v5, v1;
	(erf) = vpow2.f32 v9;
	v9 =	vld [tilespmem:s0+$0x0];
	v6 =	vmax.f32 v6, $0.0e+00;
	[tilespmem:s22+$0xFFFFFFA0] =	vst v11  }
0xf4: {  	v6 =	vadd.f32 $1.000000010e-07, v6;
	v11 =	vld [tilespmem:s6+$0xFFFFFFC0];
	[tilespmem:s24+$0x10] =	vst v7  }
0xf5: {  	v12 =	vmax.f32 v12, $0.0e+00;
	v13 =	vmul.f32 $1.442695020e+00, v13;
	v7 =	vadd.f32 v17, v16;
	v16 =	vld [tilespmem:s10+$0x20]  }
0xf6: {  	[tilespmem:s22+$0xFFFFFFE0] =	vst v15;
	v12 =	vadd.f32 $1.000000010e-07, v12;
	v17 =	vpop (erf);
	v18 =	vmul.f32 v6, v1;
	v15 =	vld [tilespmem:s7+$0x20]  }
0xf7: {  	(erf) = vpow2.f32 v13;
	v3 =	vmul.f32 v17, v3;
	v7 =	vmax.f32 v7, $0.0e+00  }
0xf8: {  	v13 =	vld [tilespmem:s16+$0xFFFFFFF0];
	v19 =	vmul.f32 v12, v1;
	[tilespmem:s24+$0xFFFFFFD0] =	vst v17;
	v17 =	vadd.f32 $1.000000010e-07, v7;
	v7 =	vadd.f32 v9, v10;
	v9 =	vpop (erf)  }
0xf9: {  	s16 =	simm.s32 $0x18A80;
	v10 =	vmul.f32 $1.442695020e+00, v18;
	[tilespmem:s24+$0xFFFFFF90] =	vst v3;
	v3 =	vld [tilespmem:s3+$0xFFFFFFF0];
	v4 =	vmul.f32 v9, v4  }
0xfa: {  	v18 =	vmul.f32 $1.442695020e+00, v19;
	v19 =	vld [tilespmem:s10+$0xFFFFFFE0];
	[tilespmem:s16+$0x40] =	vst v9;
	v11 =	vadd.f32 v14, v11;
	v7 =	vmax.f32 v7, $0.0e+00  }
0xfb: {  	v9 =	vmul.f32 v17, v1;
	v20 =	vpop (erf);
	(erf) = vpow2.f32 v10;
	v10 =	vld [tilespmem:s7+$0xFFFFFFE0];
	[tilespmem:s16+$0x0] =	vst v4;
	v4 =	vadd.f32 v15, v16  }
0xfc: {  	(erf) = vpow2.f32 v18;
	v2 =	vmul.f32 v20, v2;
	v15 =	vpop (erf);
	v14 =	vadd.f32 $1.000000010e-07, v7  }
0xfd: {  	[tilespmem:s23+$0x60] =	vst v20;
	v7 =	vmul.f32 v15, v8;
	v9 =	vmul.f32 $1.442695020e+00, v9;
	v4 =	vmax.f32 v4, $0.0e+00  }
0xfe: {  	v8 =	vld [tilespmem:s26+$0x10];
	[tilespmem:s23+$0x20] =	vst v2;
	v2 =	vmax.f32 v11, $0.0e+00;
	v11 =	vmul.f32 v14, v1;
	v3 =	vadd.f32 v3, v13  }
0xff: {  	[tilespmem:s16+$0xFFFFFFC0] =	vst v15;
	v4 =	vadd.f32 $1.000000010e-07, v4;
	v16 =	vld [tilespmem:s8+$0x30];
	v2 =	vadd.f32 $1.000000010e-07, v2  }
0x100: {  	[tilespmem:s16+$0xFFFFFF80] =	vst v7;
	(erf) = vpow2.f32 v9;
	v7 =	vld [tilespmem:s5+$0x30];
	v15 =	vpop (erf);
	v9 =	vadd.f32 v10, v19;
	v10 =	vmul.f32 $1.442695020e+00, v11  }
0x101: {  	v11 =	vld [tilespmem:s28+$0x10];
	v5 =	vmul.f32 v15, v5;
	v13 =	vmul.f32 v4, v1  }
0x102: {  	v3 =	vmax.f32 v3, $0.0e+00;
	v19 =	vld [tilespmem:s26+$0xFFFFFFD0];
	v18 =	vmul.f32 v2, v1  }
0x103: {  	v9 =	vmax.f32 v9, $0.0e+00;
	(erf) = vpow2.f32 v10;
	v10 =	vld [tilespmem:s28+$0xFFFFFFD0];
	v13 =	vmul.f32 $1.442695020e+00, v13  }
0x104: {  	[tilespmem:s23+$0xFFFFFFE0] =	vst v15;
	v3 =	vadd.f32 $1.000000010e-07, v3;
	v15 =	vadd.f32 $1.000000010e-07, v9  }
0x105: {  	s3 =	simm.s32 $0x14940;
	[tilespmem:s23+$0xFFFFFFA0] =	vst v5;
	v9 =	vmul.f32 $1.442695020e+00, v18;
	v5 =	vpop (erf);
	v7 =	vadd.f32 v7, v16;
	(erf) = vpow2.f32 v13  }
0x106: {  	s11 =	simm.s32 $0x16940;
	v20 =	vld [tilespmem:s3+$0x0];
	v18 =	vpop (erf);
	v16 =	vmul.f32 v5, v6;
	v6 =	vadd.f32 v11, v8;
	v11 =	vmul.f32 v15, v1  }
0x107: {  	(erf) = vpow2.f32 v9;
	v8 =	vmul.f32 v18, v12;
	v9 =	vld [tilespmem:s11+$0x0];
	v7 =	vmax.f32 v7, $0.0e+00  }
0x108: {  	v23 =	vld [tilespmem:s3+$0xFFFFFFC0];
	[tilespmem:s25+$0x50] =	vst v18;
	v10 =	vadd.f32 v10, v19;
	v6 =	vmax.f32 v6, $0.0e+00;
	v19 =	vadd.f32 $1.000000010e-07, v7  }
0x109: {  	v12 =	vmul.f32 v3, v1;
	v18 =	vld [tilespmem:s11+$0xFFFFFFC0];
	[tilespmem:s25+$0x10] =	vst v8  }
0x10a: {  	v11 =	vmul.f32 $1.442695020e+00, v11;
	v8 =	vld [tilespmem:s14+$0x20];
	v22 =	vmul.f32 v19, v1  }
0x10b: {  	v7 =	vadd.f32 $1.000000010e-07, v6;
	v12 =	vmul.f32 $1.442695020e+00, v12;
	v10 =	vmax.f32 v10, $0.0e+00;
	v21 =	vld [tilespmem:s12+$0x20];
	v6 =	vpop (erf)  }
0x10c: {  	v17 =	vmul.f32 v6, v17;
	v9 =	vadd.f32 v9, v20;
	v20 =	vmul.f32 $1.442695020e+00, v22  }
0x10d: {  	v13 =	vld [tilespmem:s8+$0xFFFFFFF0];
	(erf) = vpow2.f32 v11;
	[tilespmem:s25+$0xFFFFFFD0] =	vst v6;
	v6 =	vadd.f32 $1.000000010e-07, v10;
	v10 =	vmul.f32 v7, v1  }
0x10e: {  	v11 =	vpop (erf);
	(erf) = vpow2.f32 v12;
	v18 =	vadd.f32 v18, v23;
	[tilespmem:s25+$0xFFFFFF90] =	vst v17;
	v17 =	vld [tilespmem:s5+$0xFFFFFFF0]  }
0x10f: {  	[tilespmem:s22+$0x70] =	vst v5;
	v5 =	vmul.f32 v11, v14;
	v10 =	vmul.f32 $1.442695020e+00, v10;
	v9 =	vmax.f32 v9, $0.0e+00  }
0x110: {  	[tilespmem:s22+$0x30] =	vst v16;
	s5 =	simm.s32 $0x18B80;
	v14 =	vmul.f32 v6, v1;
	(erf) = vpow2.f32 v20;
	v8 =	vadd.f32 v21, v8;
	v20 =	vpop (erf)  }
0x111: {  	v12 =	vld [tilespmem:s14+$0xFFFFFFE0];
	[tilespmem:s5+$0x40] =	vst v11;
	v11 =	vpop (erf);
	(erf) = vpow2.f32 v10;
	v4 =	vmul.f32 v20, v4;
	v10 =	vadd.f32 $1.000000010e-07, v9  }
0x112: {  	v16 =	vld [tilespmem:s12+$0xFFFFFFE0];
	[tilespmem:s5+$0x0] =	vst v5;
	v5 =	vmax.f32 v18, $0.0e+00;
	v14 =	vmul.f32 $1.442695020e+00, v14  }
0x113: {  	v8 =	vmax.f32 v8, $0.0e+00;
	[tilespmem:s24+$0x20] =	vst v4;
	v4 =	vadd.f32 v17, v13;
	v13 =	vmul.f32 v10, v1  }
0x114: {  	[tilespmem:s24+$0x60] =	vst v20;
	v9 =	vadd.f32 $1.000000010e-07, v8;
	v8 =	vadd.f32 $1.000000010e-07, v5;
	(erf) = vpow2.f32 v14;
	v14 =	vld [tilespmem:s0+$0x10]  }
0x115: {  	v2 =	vmul.f32 v11, v2;
	v20 =	vld [tilespmem:s10+$0x30]  }
0x116: {  	[tilespmem:s5+$0xFFFFFFC0] =	vst v11;
	v5 =	vld [tilespmem:s7+$0x30];
	v17 =	vmul.f32 v8, v1  }
0x117: {  	[tilespmem:s5+$0xFFFFFF80] =	vst v2;
	v2 =	vadd.f32 v16, v12;
	v12 =	vld [tilespmem:s6+$0x10];
	v16 =	vmul.f32 v9, v1;
	v11 =	vmul.f32 $1.442695020e+00, v13;
	v13 =	vpop (erf)  }
0x118: {  	v18 =	vmax.f32 v4, $0.0e+00;
	v17 =	vmul.f32 $1.442695020e+00, v17;
	v61 =	vmul.f32 v13, v15;
	[tilespmem:s24+$0xFFFFFFE0] =	vst v13;
	v62 =	vpop (erf);
	v13 =	vld [tilespmem:s6+$0xFFFFFFD0]  }
0x119: {  	v2 =	vmax.f32 v2, $0.0e+00;
	(erf) = vpow2.f32 v11;
	v11 =	vmul.f32 $1.442695020e+00, v16;
	v15 =	vld [tilespmem:s0+$0xFFFFFFD0];
	[tilespmem:s22+$0xFFFFFFF0] =	vst v62  }
0x11a: {  	s21 =	sshll.u32 s20, $0x1;
	s17 =	simm.s32 $0xC;
	v4 =	vadd.f32 $1.000000010e-07, v2;
	v2 =	vadd.f32 $1.000000010e-07, v18;
	v63 =	vpop (erf);
	v3 =	vmul.f32 v62, v3;
	[tilespmem:s24+$0xFFFFFFA0] =	vst v61  }
0x11b: {  	s30 =	simm.s32 $0x149C0;
	s8 =	sor.u32 s19, s21;
	v16 =	vadd.f32 v5, v20;
	v18 =	vpop (erf);
	(erf) = vpow2.f32 v11;
	v5 =	vmul.f32 v63, v19;
	[tilespmem:s23+$0x70] =	vst v63;
	v11 =	vld [tilespmem:s10+$0xFFFFFFF0];
	s10 =	simm.s32 $0x16940  }
.LBB2_6:
0x11c: {  	v19 =	vld [tilespmem:s30+$0x0];
	s11 =	sadd.s32 $0x80, s11;
	(erf) = vpow2.f32 v17;
	v12 =	vadd.f32 v14, v12;
	v7 =	vmul.f32 v18, v7;
	[tilespmem:s16+$0x50] =	vst v18;
	s18 =	smov.u32 s6;
	s6 =	smov.u32 s3  }
0x11d: {  	v17 =	vmul.f32 v4, v1;
	v18 =	vmul.f32 v2, v1;
	s3 =	smov.u32 s30;
	v14 =	vld [tilespmem:s11+$0x0];
	v16 =	vmax.f32 v16, $0.0e+00;
	[tilespmem:s23+$0x30] =	vst v5  }
0x11e: {  	v5 =	vld [tilespmem:s11+$0xFFFFFFC0];
	v13 =	vadd.f32 v15, v13;
	v12 =	vmax.f32 v12, $0.0e+00;
	[tilespmem:s16+$0x10] =	vst v7;
	v20 =	vadd.f32 $1.000000010e-07, v16  }
0x11f: {  	v22 =	vmul.f32 $1.442695020e+00, v17;
	v17 =	vmul.f32 $1.442695020e+00, v18;
	v7 =	vadd.f32 $1.000000010e-07, v12;
	v12 =	vld [tilespmem:s26+$0x20];
	v15 =	vpop (erf);
	[tilespmem:s22+$0xFFFFFFB0] =	vst v3;
	s22 =	smov.u32 s23;
	s23 =	smov.u32 s24;
	s24 =	smov.u32 s25  }
0x120: {  	s25 =	smov.u32 s16;
	v3 =	vmax.f32 v13, $0.0e+00;
	v13 =	vmul.f32 v15, v6;
	[tilespmem:s16+$0xFFFFFFD0] =	vst v15;
	v15 =	vld [tilespmem:s28+$0x20];
	v18 =	vmul.f32 v20, v1;
	s16 =	smov.u32 s5  }
0x121: {  	v21 =	vld [tilespmem:s30+$0xFFFFFFC0];
	v6 =	vadd.f32 $1.000000010e-07, v3;
	v3 =	vmul.f32 v7, v1;
	(erf) = vpow2.f32 v22  }
0x122: {  	v14 =	vadd.f32 v14, v19;
	v16 =	vpop (erf);
	[tilespmem:s25+$0xFFFFFF90] =	vst v13;
	v13 =	vld [tilespmem:s7+$0xFFFFFFF0];
	v23 =	vmul.f32 $1.442695020e+00, v18;
	(erf) = vpow2.f32 v17;
	s7 =	smov.u32 s12;
	s12 =	smov.u32 s28;
	s28 =	smov.u32 s0  }
0x123: {  	s5 =	sadd.s32 $0x100, s5;
	s0 =	smov.u32 s10;
	s10 =	smov.u32 s11;
	v10 =	vmul.f32 v16, v10;
	v3 =	vmul.f32 $1.442695020e+00, v3;
	v17 =	vld [tilespmem:s26+$0xFFFFFFE0]  }
0x124: {  	s17 =	sadd.s32 $0x2, s17;
	v14 =	vmax.f32 v14, $0.0e+00;
	[tilespmem:s5+$0x40] =	vst v16;
	v16 =	vmul.f32 v6, v1;
	v19 =	vld [tilespmem:s12+$0xFFFFFFE0];
	v22 =	vpop (erf);
	(erf) = vpow2.f32 v23  }
0x125: {  	p1 =	slt.u32 s17, $0x3E;
	[tilespmem:s5+$0x0] =	vst v10;
	v18 =	vpop (erf);
	(erf) = vpow2.f32 v3;
	v3 =	vadd.f32 v15, v12;
	v9 =	vmul.f32 v22, v9  }
0x126: {  	v10 =	vadd.f32 $1.000000010e-07, v14;
	v5 =	vadd.f32 v5, v21;
	v8 =	vmul.f32 v18, v8;
	[tilespmem:s24+$0x60] =	vst v22  }
0x127: {  	v14 =	vmul.f32 $1.442695020e+00, v16;
	v12 =	vld [tilespmem:s6+$0x10];
	v3 =	vmax.f32 v3, $0.0e+00;
	[tilespmem:s24+$0x20] =	vst v9;
	v11 =	vadd.f32 v13, v11  }
0x128: {  	v13 =	vmul.f32 v10, v1;
	v5 =	vmax.f32 v5, $0.0e+00;
	[tilespmem:s5+$0xFFFFFF80] =	vst v8;
	v9 =	vadd.f32 $1.000000010e-07, v3;
	v16 =	vld [tilespmem:s14+$0x30]  }
0x129: {  	v8 =	vadd.f32 $1.000000010e-07, v5;
	[tilespmem:s5+$0xFFFFFFC0] =	vst v18;
	(erf) = vpow2.f32 v14;
	v3 =	vadd.f32 v19, v17;
	v5 =	vld [tilespmem:s7+$0x30]  }
.Ltmp1:
0x12a: {  	v15 =	vmul.f32 $1.442695020e+00, v13;
	v11 =	vmax.f32 v11, $0.0e+00;
	v14 =	vld [tilespmem:s0+$0x10];
	v17 =	vmul.f32 v9, v1;
	v18 =	vpop (erf);
	(pc) =	sbr.rel @p1 .LBB2_6-.Ltmp1, $4  }
0x12b: {  	v23 =	vmul.f32 v8, v1;
	v13 =	vld [tilespmem:s6+$0xFFFFFFD0];
	v3 =	vmax.f32 v3, $0.0e+00;
	v21 =	vmul.f32 v18, v4;
	[tilespmem:s24+$0xFFFFFFE0] =	vst v18;
	v18 =	vpop (erf)  }
0x12c: {  	(erf) = vpow2.f32 v15;
	v15 =	vld [tilespmem:s0+$0xFFFFFFD0];
	v4 =	vadd.f32 $1.000000010e-07, v3;
	v22 =	vmul.f32 $1.442695020e+00, v17;
	[tilespmem:s22+$0xFFFFFFF0] =	vst v18  }
0x12d: {  	v3 =	vmul.f32 v18, v2;
	v2 =	vadd.f32 $1.000000010e-07, v11;
	v17 =	vmul.f32 $1.442695020e+00, v23;
	[tilespmem:s24+$0xFFFFFFA0] =	vst v21;
	v19 =	vpop (erf)  }
0x12e: {  	s30 =	sadd.s32 $0x80, s30;
	v18 =	vpop (erf);
	(erf) = vpow2.f32 v22;
	v11 =	vld [tilespmem:s14+$0xFFFFFFF0];
	v16 =	vadd.f32 v5, v16;
	v5 =	vmul.f32 v19, v20;
	[tilespmem:s23+$0x70] =	vst v19;
	s14 =	smov.u32 s26;
	s26 =	smov.u32 s18  }
0x12f: {  	v7 =	vmul.f32 v18, v7;
	_ =	sdelay $0x1  }
0x130: {  	(erf) = vpow2.f32 v17  }
0x131: {  	[tilespmem:s16+$0x50] =	vst v18  }
0x132: {  	[tilespmem:s16+$0x10] =	vst v7;
	v7 =	vpop (erf)  }
0x133: {  	v16 =	vmax.f32 v16, $0.0e+00;
	v17 =	vld [tilespmem:s26+$0x20];
	v6 =	vmul.f32 v7, v6  }
0x134: {  	v12 =	vadd.f32 v14, v12;
	v14 =	vmul.f32 v4, v1;
	[tilespmem:s16+$0xFFFFFFD0] =	vst v7;
	v7 =	vld [tilespmem:s28+$0x20];
	v18 =	vpop (erf)  }
0x135: {  	s11 =	sadd.s32 $0x100, s5;
	v13 =	vadd.f32 v15, v13;
	[tilespmem:s16+$0xFFFFFF90] =	vst v6;
	v10 =	vmul.f32 v18, v10  }
0x136: {  	v19 =	vmul.f32 v2, v1;
	v15 =	vld [tilespmem:s7+$0xFFFFFFF0];
	v14 =	vmul.f32 $1.442695020e+00, v14;
	v6 =	vadd.f32 $1.000000010e-07, v16;
	[tilespmem:s11+$0x40] =	vst v18;
	v16 =	vpop (erf)  }
0x137: {  	v12 =	vmax.f32 v12, $0.0e+00;
	v13 =	vmax.f32 v13, $0.0e+00;
	v18 =	vld [tilespmem:s26+$0xFFFFFFE0];
	[tilespmem:s11+$0x0] =	vst v10;
	v9 =	vmul.f32 v16, v9  }
0x138: {  	v12 =	vadd.f32 $1.000000010e-07, v12;
	(erf) = vpow2.f32 v14;
	v13 =	vadd.f32 $1.000000010e-07, v13;
	v20 =	vld [tilespmem:s28+$0xFFFFFFE0];
	[tilespmem:s25+$0x60] =	vst v16  }
0x139: {  	v10 =	vmul.f32 $1.442695020e+00, v19;
	v19 =	vmul.f32 v6, v1;
	v21 =	vpop (erf);
	v7 =	vadd.f32 v7, v17;
	v17 =	vld [tilespmem:s3+$0x10];
	[tilespmem:s25+$0x20] =	vst v9  }
0x13a: {  	v16 =	vmul.f32 v12, v1;
	v8 =	vmul.f32 v21, v8;
	v9 =	vld [tilespmem:s14+$0x30]  }
0x13b: {  	v14 =	vmul.f32 $1.442695020e+00, v19;
	v19 =	vmul.f32 v13, v1;
	v7 =	vmax.f32 v7, $0.0e+00;
	v22 =	vld [tilespmem:s12+$0x30]  }
0x13c: {  	[tilespmem:s11+$0xFFFFFFC0] =	vst v21;
	(erf) = vpow2.f32 v10;
	v10 =	vmul.f32 $1.442695020e+00, v16;
	v16 =	vadd.f32 $1.000000010e-07, v7;
	v7 =	vld [tilespmem:s10+$0x10]  }
0x13d: {  	v11 =	vadd.f32 v15, v11;
	[tilespmem:s11+$0xFFFFFF80] =	vst v8;
	(erf) = vpow2.f32 v14;
	v8 =	vmul.f32 $1.442695020e+00, v19  }
0x13e: {  	v15 =	vld [tilespmem:s10+$0xFFFFFFD0];
	(erf) = vpow2.f32 v10;
	v10 =	vadd.f32 v20, v18;
	v14 =	vmul.f32 v16, v1  }
0x13f: {  	v18 =	vld [tilespmem:s3+$0xFFFFFFD0];
	(erf) = vpow2.f32 v8  }
0x140: {  	v8 =	vmax.f32 v10, $0.0e+00;
	v10 =	vmul.f32 $1.442695020e+00, v14;
	v9 =	vadd.f32 v22, v9  }
0x141: {  	v11 =	vmax.f32 v11, $0.0e+00;
	v14 =	vadd.f32 $1.000000010e-07, v8;
	v8 =	vadd.f32 v7, v17  }
0x142: {  	v7 =	vadd.f32 $1.000000010e-07, v11;
	(erf) = vpow2.f32 v10;
	v9 =	vmax.f32 v9, $0.0e+00  }
0x143: {  	v10 =	vmul.f32 v14, v1;
	v11 =	vmax.f32 v8, $0.0e+00;
	v8 =	vadd.f32 $1.000000010e-07, v9  }
0x144: {  	v15 =	vadd.f32 v15, v18;
	v9 =	vmul.f32 v7, v1;
	v11 =	vadd.f32 $1.000000010e-07, v11  }
0x145: {  	v10 =	vmul.f32 $1.442695020e+00, v10;
	v17 =	vmul.f32 v8, v1  }
0x146: {  	v15 =	vmax.f32 v15, $0.0e+00;
	v9 =	vmul.f32 $1.442695020e+00, v9;
	v18 =	vmul.f32 v11, v1  }
0x147: {  	v15 =	vadd.f32 $1.000000010e-07, v15;
	(erf) = vpow2.f32 v10;
	v17 =	vmul.f32 $1.442695020e+00, v17  }
0x148: {  	v19 =	vpop (erf);
	(erf) = vpow2.f32 v9;
	v18 =	vmul.f32 $1.442695020e+00, v18  }
0x149: {  	v20 =	vmul.f32 v15, v1;
	v10 =	vpop (erf);
	(erf) = vpow2.f32 v17  }
0x14a: {  	v9 =	vpop (erf);
	(erf) = vpow2.f32 v18  }
0x14b: {  	v18 =	vmul.f32 $1.442695020e+00, v20;
	_ =	sdelay $0x1  }
0x14c: {  	v4 =	vmul.f32 v19, v4;
	[tilespmem:s25+$0xFFFFFFE0] =	vst v19;
	v17 =	vpop (erf)  }
0x14d: {  	v12 =	vmul.f32 v17, v12;
	[tilespmem:s5+$0x50] =	vst v17;
	v17 =	vpop (erf)  }
0x14e: {  	[tilespmem:s25+$0xFFFFFFA0] =	vst v4;
	(erf) = vpow2.f32 v18;
	v18 =	vpop (erf)  }
0x14f: {  	[tilespmem:s5+$0x10] =	vst v12;
	v19 =	vpop (erf)  }
0x150: {  	v4 =	vmul.f32 v17, v13;
	[tilespmem:s5+$0xFFFFFFD0] =	vst v17;
	v12 =	vld [tilespmem:s6+$0x20];
	v17 =	vpop (erf)  }
0x151: {  	v13 =	vld [tilespmem:s0+$0x20];
	v50 =	vpop (erf)  }
0x152: {  	v20 =	vld [tilespmem:s14+$0xFFFFFFF0];
	v16 =	vmul.f32 v18, v16;
	[tilespmem:s16+$0x60] =	vst v18;
	v18 =	vpop (erf)  }
0x153: {  	[tilespmem:s5+$0xFFFFFF90] =	vst v4;
	v4 =	vld [tilespmem:s12+$0xFFFFFFF0];
	v11 =	vmul.f32 v18, v11  }
0x154: {  	v51 =	vld [tilespmem:s6+$0xFFFFFFE0]  }
0x155: {  	v23 =	vld [tilespmem:s0+$0xFFFFFFE0];
	[tilespmem:s16+$0x20] =	vst v16  }
0x156: {  	v16 =	vld [tilespmem:s28+$0x30];
	v12 =	vadd.f32 v13, v12;
	[tilespmem:s11+$0x50] =	vst v18  }
0x157: {  	v13 =	vld [tilespmem:s26+$0x30];
	[tilespmem:s11+$0x10] =	vst v11;
	v11 =	vpop (erf)  }
0x158: {  	v12 =	vmax.f32 v12, $0.0e+00;
	v18 =	vld [tilespmem:s3+$0x20];
	v15 =	vmul.f32 v11, v15  }
0x159: {  	v12 =	vadd.f32 $1.000000010e-07, v12;
	[tilespmem:s11+$0xFFFFFFD0] =	vst v11;
	v11 =	vld [tilespmem:s10+$0x20]  }
0x15a: {  	[tilespmem:s11+$0xFFFFFF90] =	vst v15  }
0x15b: {  	v4 =	vadd.f32 v4, v20;
	v52 =	vmul.f32 v12, v1;
	v15 =	vadd.f32 v23, v51;
	v53 =	vld [tilespmem:s3+$0xFFFFFFE0]  }
0x15c: {  	v13 =	vadd.f32 v16, v13;
	v20 =	vld [tilespmem:s10+$0xFFFFFFE0]  }
0x15d: {  	v4 =	vmax.f32 v4, $0.0e+00;
	v22 =	vmul.f32 $1.442695020e+00, v52;
	v15 =	vmax.f32 v15, $0.0e+00  }
0x15e: {  	v13 =	vmax.f32 v13, $0.0e+00;
	v15 =	vadd.f32 $1.000000010e-07, v15;
	v11 =	vadd.f32 v11, v18  }
0x15f: {  	v4 =	vadd.f32 $1.000000010e-07, v4;
	v13 =	vadd.f32 $1.000000010e-07, v13  }
0x160: {  	(erf) = vpow2.f32 v22;
	v16 =	vmul.f32 v15, v1;
	v11 =	vmax.f32 v11, $0.0e+00  }
0x161: {  	v18 =	vmul.f32 v4, v1;
	v11 =	vadd.f32 $1.000000010e-07, v11;
	v20 =	vadd.f32 v20, v53  }
0x162: {  	v54 =	vmul.f32 v13, v1;
	v16 =	vmul.f32 $1.442695020e+00, v16  }
0x163: {  	v18 =	vmul.f32 $1.442695020e+00, v18;
	v55 =	vmul.f32 v11, v1;
	v20 =	vmax.f32 v20, $0.0e+00  }
0x164: {  	(erf) = vpow2.f32 v16;
	v16 =	vmul.f32 $1.442695020e+00, v54;
	v20 =	vadd.f32 $1.000000010e-07, v20  }
0x165: {  	(erf) = vpow2.f32 v18;
	v18 =	vmul.f32 $1.442695020e+00, v55  }
0x166: {  	(erf) = vpow2.f32 v16;
	v16 =	vmul.f32 v20, v1  }
0x167: {  	(erf) = vpow2.f32 v18  }
0x168: {  	v16 =	vmul.f32 $1.442695020e+00, v16  }
0x169: {  	v14 =	vmul.f32 v19, v14;
	_ =	sdelay $0x2  }
0x16a: {  	[tilespmem:s16+$0xFFFFFFE0] =	vst v19;
	(erf) = vpow2.f32 v16;
	v16 =	vpop (erf)  }
0x16b: {  	[tilespmem:s16+$0xFFFFFFA0] =	vst v14;
	v12 =	vmul.f32 v16, v12;
	v14 =	vpop (erf)  }
0x16c: {  	[tilespmem:s5+$0x60] =	vst v16;
	v16 =	vpop (erf)  }
0x16d: {  	v19 =	vld [tilespmem:s28+$0xFFFFFFF0];
	[tilespmem:s5+$0x20] =	vst v12;
	v12 =	vmul.f32 v14, v15;
	v15 =	vpop (erf)  }
0x16e: {  	v18 =	vld [tilespmem:s26+$0xFFFFFFF0];
	[tilespmem:s5+$0xFFFFFFE0] =	vst v14;
	v14 =	vpop (erf)  }
0x16f: {  	v56 =	vld [tilespmem:s6+$0x30];
	v11 =	vmul.f32 v14, v11  }
0x170: {  	v57 =	vld [tilespmem:s0+$0x30];
	[tilespmem:s5+$0xFFFFFFA0] =	vst v12  }
0x171: {  	v12 =	vld [tilespmem:s6+$0xFFFFFFF0]  }
0x172: {  	[tilespmem:s11+$0x60] =	vst v14;
	v14 =	vld [tilespmem:s0+$0xFFFFFFF0]  }
0x173: {  	v18 =	vadd.f32 v19, v18;
	[tilespmem:s11+$0x20] =	vst v11;
	v11 =	vpop (erf)  }
0x174: {  	v24 =	vld [tilespmem:s3+$0x30];
	v20 =	vmul.f32 v11, v20  }
0x175: {  	v18 =	vmax.f32 v18, $0.0e+00;
	v19 =	vadd.f32 v57, v56;
	[tilespmem:s11+$0xFFFFFFE0] =	vst v11;
	v11 =	vld [tilespmem:s10+$0x30]  }
0x176: {  	v18 =	vadd.f32 $1.000000010e-07, v18;
	[tilespmem:s11+$0xFFFFFFA0] =	vst v20  }
0x177: {  	v19 =	vmax.f32 v19, $0.0e+00;
	v12 =	vadd.f32 v14, v12;
	v20 =	vld [tilespmem:s3+$0xFFFFFFF0]  }
0x178: {  	v14 =	vadd.f32 $1.000000010e-07, v19;
	v19 =	vmul.f32 v18, v1;
	v58 =	vld [tilespmem:s10+$0xFFFFFFF0]  }
0x179: {  	[tilespmem:s23+$0x30] =	vst v5;
	v5 =	vmul.f32 v9, v6;
	v12 =	vmax.f32 v12, $0.0e+00  }
0x17a: {  	[tilespmem:s22+$0xFFFFFFB0] =	vst v3;
	v6 =	vmul.f32 v14, v1;
	v3 =	vmul.f32 $1.442695020e+00, v19;
	v11 =	vadd.f32 v11, v24  }
0x17b: {  	v2 =	vmul.f32 v10, v2;
	v12 =	vadd.f32 $1.000000010e-07, v12  }
0x17c: {  	v6 =	vmul.f32 $1.442695020e+00, v6;
	(erf) = vpow2.f32 v3;
	v11 =	vmax.f32 v11, $0.0e+00  }
0x17d: {  	[tilespmem:s23+$0xFFFFFFF0] =	vst v10;
	v3 =	vmul.f32 v12, v1;
	v10 =	vadd.f32 $1.000000010e-07, v11;
	v11 =	vadd.f32 v58, v20  }
0x17e: {  	[tilespmem:s24+$0x70] =	vst v9  }
0x17f: {  	[tilespmem:s23+$0xFFFFFFB0] =	vst v2;
	(erf) = vpow2.f32 v6;
	v3 =	vmul.f32 $1.442695020e+00, v3;
	v6 =	vmax.f32 v11, $0.0e+00  }
0x180: {  	[tilespmem:s24+$0x30] =	vst v5;
	v2 =	vmul.f32 v17, v7;
	v5 =	vmul.f32 v10, v1;
	v6 =	vadd.f32 $1.000000010e-07, v6  }
0x181: {  	[tilespmem:s24+$0xFFFFFFF0] =	vst v17;
	v7 =	vmul.f32 v50, v8;
	(erf) = vpow2.f32 v3  }
0x182: {  	[tilespmem:s25+$0x70] =	vst v50;
	v5 =	vmul.f32 $1.442695020e+00, v5;
	v3 =	vmul.f32 v6, v1  }
0x183: {  	[tilespmem:s24+$0xFFFFFFB0] =	vst v2  }
0x184: {  	[tilespmem:s25+$0x30] =	vst v7;
	(erf) = vpow2.f32 v5;
	v2 =	vmul.f32 $1.442695020e+00, v3  }
0x185: {  	[tilespmem:s25+$0xFFFFFFF0] =	vst v16;
	v4 =	vmul.f32 v16, v4;
	v3 =	vmul.f32 v15, v13  }
0x186: {  	[tilespmem:s16+$0x70] =	vst v15;
	(erf) = vpow2.f32 v2  }
0x187: {  	[tilespmem:s25+$0xFFFFFFB0] =	vst v4  }
0x188: {  	[tilespmem:s16+$0x30] =	vst v3;
	v2 =	vpop (erf)  }
0x189: {  	v3 =	vpop (erf);
	[tilespmem:s16+$0xFFFFFFF0] =	vst v2;
	v2 =	vmul.f32 v2, v18  }
0x18a: {  	[tilespmem:s5+$0x70] =	vst v3  }
0x18b: {  	v4 =	vmul.f32 v3, v14;
	v3 =	vpop (erf);
	[tilespmem:s16+$0xFFFFFFB0] =	vst v2  }
0x18c: {  	[tilespmem:s5+$0xFFFFFFF0] =	vst v3;
	v3 =	vmul.f32 v3, v12  }
0x18d: {  	[tilespmem:s5+$0x30] =	vst v4;
	v2 =	vpop (erf)  }
0x18e: {  	[tilespmem:s5+$0xFFFFFFB0] =	vst v3;
	v4 =	vmul.f32 v2, v10  }
0x18f: {  	[tilespmem:s11+$0x70] =	vst v2;
	v2 =	vpop (erf)  }
0x190: {  	s7 =	sshll.u32 s20, $0x7;
	[tilespmem:s11+$0x30] =	vst v4;
	v3 =	vmul.f32 v2, v6  }
0x191: {  	s0 =	sand.u32 $0x3FFFFF80, s7;
	[tilespmem:s11+$0xFFFFFFF0] =	vst v2  }
0x192: {  	p1 =	sgt.u32 s8, $0x13D;
	s0 =	sadd.s32 $0x14400, s0;
	[tilespmem:s11+$0xFFFFFFB0] =	vst v3  }
0x193: {  	[spmem:s4] =	stream.indirect.scatter.add.f32 [tilespmem:s31], [sflag:$0x3], $0x80, s0, s29, $0xb8;
	[tilespmem:$0x1C610] =	vst v63  }
0x194: {  	s0 =	sadd.s32 @!p1 $0x2, s8  }
0x195: {  	s3 =	sshll.u32 @!p1 s0, $0x6  }
0x196: {  	s6 =	simm.s32 @!p1 $0x14600;
	s3 =	sand.u32 @!p1 $0x380, s3  }
0x197: {  	s5 =	simm.s32 @!p1 $0x40;
	s0 =	sshll.u32 @!p1 s0, $0x9;
	s3 =	sor.u32 @!p1 $0x14000, s3  }
0x198: {  	[tilespmem:s6], [sflag:$0x1] =	stream.indirect.gather @!p1 [hbm4b:s1+s5], $0x40, s3, s5, $0xb8;
	[tilespmem:$0x1C610] =	vst v63  }
0x199: {  	s0 =	sadd.s32 @!p1 s0, s15;
	s3 =	simm.s32 @!p1 $0x0;
	s5 =	simm.s32 @!p1 $0x16600  }
0x19a: {  	[tilespmem:s5], [sflag:$0x2] =	stream.linear.gather @!p1 [hbm4b:s0+s3], $0x1000, $0x38;
	[tilespmem:$0x1C610] =	vst v63  }
0x19b: {  	_ =	swait.ge [sflag:s2], $0x1000  }
0x19c: {  	[sflag:s2] =	ssyncset.done $0x0  }
0x19d: {  	[sflag:s2] =	ssyncadd.s32 $0xFFFFF000  }
0x19e: {  	_ =	swait.ge [sflag:s9], $0x1000  }
0x19f: {  	[sflag:s9] =	ssyncset.done $0x0  }
0x1a0: {  	s0 =	simm.s32 @!p0 $0x3;
	[sflag:s9] =	ssyncadd.s32 $0xFFFFF000  }
0x1a1: {  	_ =	swait.ge @!p0 [sflag:s0], $0x2000  }
0x1a2: {  	[sflag:s0] =	ssyncset.done @!p0 $0x0  }
0x1a3: {  	s8 =	simm.s32 $0x15670;
	[sflag:s0] =	ssyncadd.s32 @!p0 $0xFFFFE000  }
0x1a4: {  	s10 =	simm.s32 $0x17670;
	v2 =	vld [tilespmem:s8+$0xFFFFFFD0]  }
0x1a5: {  	v3 =	vld [tilespmem:s10+$0xFFFFFFD0];
	_ =	sdelay $0x4  }
0x1a6: {  	v4 =	vld [tilespmem:s10+$0xFFFFFF90];
	v2 =	vadd.f32 v3, v2  }
0x1a7: {  	v3 =	vld [tilespmem:s8+$0xFFFFFF90]  }
0x1a8: {  	v2 =	vmax.f32 v2, $0.0e+00  }
0x1a9: {  	v2 =	vadd.f32 $1.000000010e-07, v2;
	_ =	sdelay $0x1  }
0x1aa: {  	v5 =	vmul.f32 v2, v1  }
0x1ab: {  	v3 =	vadd.f32 v4, v3  }
0x1ac: {  	v4 =	vmul.f32 $1.442695020e+00, v5  }
0x1ad: {  	v3 =	vmax.f32 v3, $0.0e+00  }
0x1ae: {  	v3 =	vadd.f32 $1.000000010e-07, v3;
	(erf) = vpow2.f32 v4;
	_ =	sdelay $0x1  }
0x1af: {  	v4 =	vmul.f32 v3, v1  }
0x1b0: {  	s17 =	simm.s32 $0x176F0  }
0x1b1: {  	s11 =	simm.s32 $0x156F0;
	v6 =	vld [tilespmem:s17+$0xFFFFFFD0];
	v4 =	vmul.f32 $1.442695020e+00, v4  }
0x1b2: {  	v5 =	vld [tilespmem:s11+$0xFFFFFFD0]  }
0x1b3: {  	(erf) = vpow2.f32 v4  }
0x1b4: {  	v7 =	vld [tilespmem:s11+$0xFFFFFF90]  }
0x1b5: {  	v4 =	vld [tilespmem:s17+$0xFFFFFF90]  }
0x1b6: {  	v8 =	vpop (erf)  }
0x1b7: {  	s22 =	simm.s32 $0x1A6F0;
	v5 =	vadd.f32 v6, v5;
	v2 =	vmul.f32 v8, v2  }
0x1b8: {  	[tilespmem:s22+$0xFFFFFFD0] =	vst v8  }
0x1b9: {  	v5 =	vmax.f32 v5, $0.0e+00;
	[tilespmem:s22+$0xFFFFFF90] =	vst v2  }
0x1ba: {  	v2 =	vadd.f32 v4, v7;
	v4 =	vadd.f32 $1.000000010e-07, v5;
	v5 =	vld [tilespmem:s8+$0xFFFFFFE0]  }
0x1bb: {  	v6 =	vld [tilespmem:s10+$0xFFFFFFE0]  }
0x1bc: {  	v7 =	vpop (erf);
	v2 =	vmax.f32 v2, $0.0e+00;
	v8 =	vmul.f32 v4, v1  }
0x1bd: {  	v3 =	vmul.f32 v7, v3;
	v2 =	vadd.f32 $1.000000010e-07, v2  }
0x1be: {  	v8 =	vmul.f32 $1.442695020e+00, v8  }
0x1bf: {  	[tilespmem:s22+$0xFFFFFF10] =	vst v3;
	v3 =	vmul.f32 v2, v1  }
0x1c0: {  	[tilespmem:s22+$0xFFFFFF50] =	vst v7;
	(erf) = vpow2.f32 v8;
	v5 =	vadd.f32 v6, v5  }
0x1c1: {  	v6 =	vld [tilespmem:s8+$0xFFFFFFA0];
	v3 =	vmul.f32 $1.442695020e+00, v3  }
0x1c2: {  	s18 =	simm.s32 $0x15770;
	v7 =	vld [tilespmem:s10+$0xFFFFFFA0];
	v5 =	vmax.f32 v5, $0.0e+00  }
0x1c3: {  	s7 =	simm.s32 $0x17770;
	v8 =	vld [tilespmem:s18+$0xFFFFFFD0];
	(erf) = vpow2.f32 v3;
	v3 =	vadd.f32 $1.000000010e-07, v5  }
0x1c4: {  	v5 =	vld [tilespmem:s7+$0xFFFFFFD0]  }
0x1c5: {  	v10 =	vmul.f32 v3, v1  }
0x1c6: {  	v9 =	vld [tilespmem:s7+$0xFFFFFF90]  }
0x1c7: {  	v11 =	vld [tilespmem:s18+$0xFFFFFF90]  }
0x1c8: {  	v6 =	vadd.f32 v7, v6  }
0x1c9: {  	v7 =	vmul.f32 $1.442695020e+00, v10;
	v5 =	vadd.f32 v5, v8;
	v10 =	vpop (erf)  }
0x1ca: {  	v6 =	vmax.f32 v6, $0.0e+00;
	v4 =	vmul.f32 v10, v4  }
0x1cb: {  	s23 =	simm.s32 $0x1A7F0;
	v6 =	vadd.f32 $1.000000010e-07, v6;
	(erf) = vpow2.f32 v7;
	v5 =	vmax.f32 v5, $0.0e+00  }
0x1cc: {  	v7 =	vadd.f32 v9, v11;
	[tilespmem:s23+$0xFFFFFFD0] =	vst v10;
	v5 =	vadd.f32 $1.000000010e-07, v5  }
0x1cd: {  	v8 =	vmul.f32 v6, v1;
	[tilespmem:s23+$0xFFFFFF90] =	vst v4  }
0x1ce: {  	v7 =	vmax.f32 v7, $0.0e+00;
	v9 =	vld [tilespmem:s11+$0xFFFFFFE0];
	v11 =	vmul.f32 v5, v1;
	v4 =	vpop (erf)  }
0x1cf: {  	v7 =	vadd.f32 $1.000000010e-07, v7;
	v8 =	vmul.f32 $1.442695020e+00, v8;
	v10 =	vld [tilespmem:s17+$0xFFFFFFE0];
	v2 =	vmul.f32 v4, v2  }
0x1d0: {  	[tilespmem:s23+$0xFFFFFF50] =	vst v4;
	v4 =	vmul.f32 $1.442695020e+00, v11  }
0x1d1: {  	s14 =	simm.s32 $0x157F0;
	(erf) = vpow2.f32 v8;
	[tilespmem:s23+$0xFFFFFF10] =	vst v2;
	v2 =	vmul.f32 v7, v1  }
0x1d2: {  	(erf) = vpow2.f32 v4;
	v4 =	vld [tilespmem:s14+$0xFFFFFFD0]  }
0x1d3: {  	v8 =	vld [tilespmem:s11+$0xFFFFFFA0];
	v2 =	vmul.f32 $1.442695020e+00, v2  }
0x1d4: {  	s26 =	simm.s32 $0x177F0;
	v11 =	vld [tilespmem:s17+$0xFFFFFFA0];
	v12 =	vpop (erf);
	v9 =	vadd.f32 v10, v9  }
0x1d5: {  	v3 =	vmul.f32 v12, v3;
	(erf) = vpow2.f32 v2;
	v2 =	vld [tilespmem:s26+$0xFFFFFFD0]  }
0x1d6: {  	v10 =	vld [tilespmem:s26+$0xFFFFFF90];
	[tilespmem:s22+$0xFFFFFFE0] =	vst v12;
	v9 =	vmax.f32 v9, $0.0e+00  }
0x1d7: {  	v12 =	vld [tilespmem:s14+$0xFFFFFF90];
	[tilespmem:s22+$0xFFFFFFA0] =	vst v3;
	v3 =	vadd.f32 $1.000000010e-07, v9  }
0x1d8: {  	v9 =	vld [tilespmem:s8+$0xFFFFFFF0]  }
0x1d9: {  	v8 =	vadd.f32 v11, v8;
	v11 =	vld [tilespmem:s10+$0xFFFFFFF0];
	v13 =	vmul.f32 v3, v1  }
0x1da: {  	v2 =	vadd.f32 v2, v4;
	v4 =	vpop (erf)  }
0x1db: {  	v8 =	vmax.f32 v8, $0.0e+00;
	v13 =	vmul.f32 $1.442695020e+00, v13;
	v6 =	vmul.f32 v4, v6  }
0x1dc: {  	v10 =	vadd.f32 v10, v12;
	v8 =	vadd.f32 $1.000000010e-07, v8;
	[tilespmem:s22+$0xFFFFFF60] =	vst v4;
	v4 =	vpop (erf);
	v2 =	vmax.f32 v2, $0.0e+00  }
0x1dd: {  	(erf) = vpow2.f32 v13;
	v5 =	vmul.f32 v4, v5;
	v2 =	vadd.f32 $1.000000010e-07, v2  }
0x1de: {  	s24 =	simm.s32 $0x1A8F0;
	v14 =	vmul.f32 v8, v1;
	v9 =	vadd.f32 v11, v9;
	[tilespmem:s22+$0xFFFFFF20] =	vst v6  }
0x1df: {  	[tilespmem:s24+$0xFFFFFF90] =	vst v5;
	v5 =	vmax.f32 v10, $0.0e+00;
	v6 =	vpop (erf);
	v10 =	vmul.f32 v2, v1  }
0x1e0: {  	[tilespmem:s24+$0xFFFFFFD0] =	vst v4;
	v11 =	vld [tilespmem:s8+$0xFFFFFFB0];
	v9 =	vmax.f32 v9, $0.0e+00;
	v4 =	vmul.f32 v6, v7;
	v7 =	vmul.f32 $1.442695020e+00, v14  }
0x1e1: {  	v12 =	vld [tilespmem:s10+$0xFFFFFFB0];
	v9 =	vadd.f32 $1.000000010e-07, v9  }
0x1e2: {  	v13 =	vld [tilespmem:s18+$0xFFFFFFE0];
	v5 =	vadd.f32 $1.000000010e-07, v5;
	(erf) = vpow2.f32 v7;
	[tilespmem:s24+$0xFFFFFF10] =	vst v4;
	v4 =	vmul.f32 $1.442695020e+00, v10  }
0x1e3: {  	v7 =	vld [tilespmem:s7+$0xFFFFFFE0];
	v10 =	vmul.f32 v9, v1  }
0x1e4: {  	[tilespmem:s24+$0xFFFFFF50] =	vst v6;
	v6 =	vmul.f32 v5, v1;
	(erf) = vpow2.f32 v4  }
0x1e5: {  	v14 =	vld [tilespmem:s18+$0xFFFFFFA0];
	v4 =	vmul.f32 $1.442695020e+00, v10  }
0x1e6: {  	s28 =	simm.s32 $0x15870;
	v11 =	vadd.f32 v12, v11;
	v6 =	vmul.f32 $1.442695020e+00, v6;
	v10 =	vld [tilespmem:s7+$0xFFFFFFA0];
	v12 =	vpop (erf)  }
0x1e7: {  	s12 =	simm.s32 $0x17870;
	v3 =	vmul.f32 v12, v3;
	(erf) = vpow2.f32 v4;
	v4 =	vld [tilespmem:s28+$0xFFFFFFD0]  }
0x1e8: {  	[tilespmem:s23+$0xFFFFFFE0] =	vst v12;
	v7 =	vadd.f32 v7, v13;
	(erf) = vpow2.f32 v6;
	v6 =	vld [tilespmem:s12+$0xFFFFFFD0]  }
0x1e9: {  	v11 =	vmax.f32 v11, $0.0e+00;
	[tilespmem:s23+$0xFFFFFFA0] =	vst v3  }
0x1ea: {  	v11 =	vadd.f32 $1.000000010e-07, v11;
	v15 =	vld [tilespmem:s17+$0xFFFFFFF0];
	v7 =	vmax.f32 v7, $0.0e+00  }
0x1eb: {  	v3 =	vadd.f32 v10, v14;
	v10 =	vld [tilespmem:s11+$0xFFFFFFF0];
	v7 =	vadd.f32 $1.000000010e-07, v7;
	v14 =	vpop (erf)  }
0x1ec: {  	v16 =	vld [tilespmem:s28+$0xFFFFFF90];
	v13 =	vmul.f32 v11, v1;
	v8 =	vmul.f32 v14, v8  }
0x1ed: {  	s25 =	simm.s32 $0x1A9F0;
	v12 =	vld [tilespmem:s12+$0xFFFFFF90];
	v3 =	vmax.f32 v3, $0.0e+00;
	v17 =	vmul.f32 v7, v1;
	[tilespmem:s23+$0xFFFFFF60] =	vst v14;
	v4 =	vadd.f32 v6, v4;
	v6 =	vpop (erf)  }
0x1ee: {  	v13 =	vmul.f32 $1.442695020e+00, v13;
	v3 =	vadd.f32 $1.000000010e-07, v3;
	[tilespmem:s23+$0xFFFFFF20] =	vst v8;
	v2 =	vmul.f32 v6, v2  }
0x1ef: {  	v8 =	vmul.f32 $1.442695020e+00, v17;
	[tilespmem:s25+$0xFFFFFFD0] =	vst v6  }
0x1f0: {  	(erf) = vpow2.f32 v13;
	v6 =	vmul.f32 v3, v1;
	v13 =	vld [tilespmem:s11+$0xFFFFFFB0];
	v14 =	vpop (erf);
	[tilespmem:s25+$0xFFFFFF90] =	vst v2;
	v2 =	vadd.f32 v15, v10  }
0x1f1: {  	v4 =	vmax.f32 v4, $0.0e+00;
	v17 =	vld [tilespmem:s17+$0xFFFFFFB0];
	(erf) = vpow2.f32 v8;
	v8 =	vmul.f32 v14, v9  }
0x1f2: {  	v4 =	vadd.f32 $1.000000010e-07, v4;
	v10 =	vadd.f32 v12, v16;
	[tilespmem:s22+$0xFFFFFFF0] =	vst v14;
	v2 =	vmax.f32 v2, $0.0e+00  }
0x1f3: {  	v9 =	vpop (erf);
	v6 =	vmul.f32 $1.442695020e+00, v6;
	v12 =	vld [tilespmem:s14+$0xFFFFFFE0];
	[tilespmem:s22+$0xFFFFFFB0] =	vst v8;
	v2 =	vadd.f32 $1.000000010e-07, v2  }
0x1f4: {  	v5 =	vmul.f32 v9, v5;
	v8 =	vmax.f32 v10, $0.0e+00;
	v10 =	vmul.f32 v4, v1;
	v14 =	vld [tilespmem:s8+$0x0]  }
0x1f5: {  	(erf) = vpow2.f32 v6;
	v6 =	vld [tilespmem:s10+$0x0];
	v15 =	vmul.f32 v2, v1  }
0x1f6: {  	v8 =	vadd.f32 $1.000000010e-07, v8;
	[tilespmem:s25+$0xFFFFFF10] =	vst v5;
	v5 =	vadd.f32 v17, v13;
	v10 =	vmul.f32 $1.442695020e+00, v10;
	v13 =	vld [tilespmem:s26+$0xFFFFFFE0]  }
0x1f7: {  	[tilespmem:s25+$0xFFFFFF50] =	vst v9  }
0x1f8: {  	v16 =	vld [tilespmem:s14+$0xFFFFFFA0];
	v9 =	vmul.f32 v8, v1;
	v5 =	vmax.f32 v5, $0.0e+00;
	(erf) = vpow2.f32 v10  }
0x1f9: {  	s0 =	simm.s32 $0x178F0;
	v17 =	vld [tilespmem:s26+$0xFFFFFFA0];
	v10 =	vmul.f32 $1.442695020e+00, v15;
	v5 =	vadd.f32 $1.000000010e-07, v5;
	v15 =	vpop (erf)  }
0x1fa: {  	s6 =	simm.s32 $0x158F0;
	v9 =	vmul.f32 $1.442695020e+00, v9;
	v6 =	vadd.f32 v6, v14;
	v14 =	vld [tilespmem:s0+$0xFFFFFF90];
	v18 =	vpop (erf);
	v11 =	vmul.f32 v15, v11  }
0x1fb: {  	(erf) = vpow2.f32 v10;
	v10 =	vld [tilespmem:s6+$0xFFFFFFD0];
	v12 =	vadd.f32 v13, v12;
	v7 =	vmul.f32 v18, v7;
	[tilespmem:s24+$0xFFFFFFE0] =	vst v18  }
0x1fc: {  	v13 =	vmul.f32 v5, v1;
	(erf) = vpow2.f32 v9;
	v9 =	vld [tilespmem:s0+$0xFFFFFFD0];
	v6 =	vmax.f32 v6, $0.0e+00;
	[tilespmem:s22+$0xFFFFFF30] =	vst v11  }
0x1fd: {  	v6 =	vadd.f32 $1.000000010e-07, v6;
	v11 =	vld [tilespmem:s6+$0xFFFFFF90];
	[tilespmem:s24+$0xFFFFFFA0] =	vst v7  }
0x1fe: {  	v12 =	vmax.f32 v12, $0.0e+00;
	v13 =	vmul.f32 $1.442695020e+00, v13;
	v7 =	vadd.f32 v17, v16;
	v16 =	vld [tilespmem:s18+$0xFFFFFFF0]  }
0x1ff: {  	[tilespmem:s22+$0xFFFFFF70] =	vst v15;
	v12 =	vadd.f32 $1.000000010e-07, v12;
	v17 =	vpop (erf);
	v18 =	vmul.f32 v6, v1;
	v15 =	vld [tilespmem:s7+$0xFFFFFFF0]  }
0x200: {  	(erf) = vpow2.f32 v13;
	v3 =	vmul.f32 v17, v3;
	v7 =	vmax.f32 v7, $0.0e+00  }
0x201: {  	v13 =	vld [tilespmem:s8+$0xFFFFFFC0];
	v19 =	vmul.f32 v12, v1;
	[tilespmem:s24+$0xFFFFFF60] =	vst v17;
	v17 =	vadd.f32 $1.000000010e-07, v7;
	v7 =	vadd.f32 v9, v10;
	v9 =	vpop (erf)  }
0x202: {  	s16 =	simm.s32 $0x1AAF0;
	v10 =	vmul.f32 $1.442695020e+00, v18;
	[tilespmem:s24+$0xFFFFFF20] =	vst v3;
	v3 =	vld [tilespmem:s10+$0xFFFFFFC0];
	v4 =	vmul.f32 v9, v4  }
0x203: {  	v18 =	vmul.f32 $1.442695020e+00, v19;
	v19 =	vld [tilespmem:s18+$0xFFFFFFB0];
	[tilespmem:s16+$0xFFFFFFD0] =	vst v9;
	v11 =	vadd.f32 v14, v11;
	v7 =	vmax.f32 v7, $0.0e+00  }
0x204: {  	v9 =	vmul.f32 v17, v1;
	v20 =	vpop (erf);
	(erf) = vpow2.f32 v10;
	v10 =	vld [tilespmem:s7+$0xFFFFFFB0];
	[tilespmem:s16+$0xFFFFFF90] =	vst v4;
	v4 =	vadd.f32 v15, v16  }
0x205: {  	(erf) = vpow2.f32 v18;
	v2 =	vmul.f32 v20, v2;
	v15 =	vpop (erf);
	v14 =	vadd.f32 $1.000000010e-07, v7  }
0x206: {  	[tilespmem:s23+$0xFFFFFFF0] =	vst v20;
	v7 =	vmul.f32 v15, v8;
	v9 =	vmul.f32 $1.442695020e+00, v9;
	v4 =	vmax.f32 v4, $0.0e+00  }
0x207: {  	v8 =	vld [tilespmem:s28+$0xFFFFFFE0];
	[tilespmem:s23+$0xFFFFFFB0] =	vst v2;
	v2 =	vmax.f32 v11, $0.0e+00;
	v11 =	vmul.f32 v14, v1;
	v3 =	vadd.f32 v3, v13  }
0x208: {  	[tilespmem:s16+$0xFFFFFF50] =	vst v15;
	v4 =	vadd.f32 $1.000000010e-07, v4;
	v16 =	vld [tilespmem:s11+$0x0];
	v2 =	vadd.f32 $1.000000010e-07, v2  }
0x209: {  	[tilespmem:s16+$0xFFFFFF10] =	vst v7;
	(erf) = vpow2.f32 v9;
	v7 =	vld [tilespmem:s17+$0x0];
	v15 =	vpop (erf);
	v9 =	vadd.f32 v10, v19;
	v10 =	vmul.f32 $1.442695020e+00, v11  }
0x20a: {  	v11 =	vld [tilespmem:s12+$0xFFFFFFE0];
	v5 =	vmul.f32 v15, v5;
	v13 =	vmul.f32 v4, v1  }
0x20b: {  	v3 =	vmax.f32 v3, $0.0e+00;
	v19 =	vld [tilespmem:s28+$0xFFFFFFA0];
	v18 =	vmul.f32 v2, v1  }
0x20c: {  	v9 =	vmax.f32 v9, $0.0e+00;
	(erf) = vpow2.f32 v10;
	v10 =	vld [tilespmem:s12+$0xFFFFFFA0];
	v13 =	vmul.f32 $1.442695020e+00, v13  }
0x20d: {  	s3 =	simm.s32 $0x15970;
	[tilespmem:s23+$0xFFFFFF70] =	vst v15;
	v3 =	vadd.f32 $1.000000010e-07, v3;
	v15 =	vadd.f32 $1.000000010e-07, v9  }
0x20e: {  	v20 =	vld [tilespmem:s3+$0xFFFFFFD0];
	[tilespmem:s23+$0xFFFFFF30] =	vst v5;
	v9 =	vmul.f32 $1.442695020e+00, v18;
	v5 =	vpop (erf);
	v7 =	vadd.f32 v7, v16;
	(erf) = vpow2.f32 v13  }
0x20f: {  	v18 =	vpop (erf);
	v13 =	vld [tilespmem:s11+$0xFFFFFFC0];
	v16 =	vmul.f32 v5, v6;
	s11 =	simm.s32 $0x17970;
	v6 =	vadd.f32 v11, v8;
	v11 =	vmul.f32 v15, v1  }
0x210: {  	(erf) = vpow2.f32 v9;
	v8 =	vmul.f32 v18, v12;
	v9 =	vld [tilespmem:s11+$0xFFFFFFD0];
	v7 =	vmax.f32 v7, $0.0e+00  }
0x211: {  	v61 =	vld [tilespmem:s3+$0xFFFFFF90];
	[tilespmem:s25+$0xFFFFFFE0] =	vst v18;
	v10 =	vadd.f32 v10, v19;
	v6 =	vmax.f32 v6, $0.0e+00;
	v19 =	vadd.f32 $1.000000010e-07, v7  }
0x212: {  	v12 =	vmul.f32 v3, v1;
	v18 =	vld [tilespmem:s11+$0xFFFFFF90];
	[tilespmem:s25+$0xFFFFFFA0] =	vst v8  }
0x213: {  	v11 =	vmul.f32 $1.442695020e+00, v11;
	v8 =	vld [tilespmem:s14+$0xFFFFFFF0];
	v60 =	vmul.f32 v19, v1  }
0x214: {  	v7 =	vadd.f32 $1.000000010e-07, v6;
	v12 =	vmul.f32 $1.442695020e+00, v12;
	v10 =	vmax.f32 v10, $0.0e+00;
	v59 =	vld [tilespmem:s26+$0xFFFFFFF0];
	v6 =	vpop (erf)  }
0x215: {  	v17 =	vmul.f32 v6, v17;
	v9 =	vadd.f32 v9, v20;
	v20 =	vmul.f32 $1.442695020e+00, v60  }
0x216: {  	(erf) = vpow2.f32 v11;
	[tilespmem:s25+$0xFFFFFF60] =	vst v6;
	v6 =	vadd.f32 $1.000000010e-07, v10;
	v10 =	vmul.f32 v7, v1  }
0x217: {  	v11 =	vpop (erf);
	(erf) = vpow2.f32 v12;
	v18 =	vadd.f32 v18, v61;
	[tilespmem:s25+$0xFFFFFF20] =	vst v17;
	v17 =	vld [tilespmem:s17+$0xFFFFFFC0]  }
0x218: {  	[tilespmem:s22+$0x0] =	vst v5;
	v5 =	vmul.f32 v11, v14;
	v10 =	vmul.f32 $1.442695020e+00, v10;
	v9 =	vmax.f32 v9, $0.0e+00  }
0x219: {  	s5 =	simm.s32 $0x1ABF0;
	[tilespmem:s22+$0xFFFFFFC0] =	vst v16;
	v14 =	vmul.f32 v6, v1;
	(erf) = vpow2.f32 v20;
	v12 =	vld [tilespmem:s14+$0xFFFFFFB0];
	v8 =	vadd.f32 v59, v8;
	v20 =	vpop (erf)  }
0x21a: {  	[tilespmem:s5+$0xFFFFFFD0] =	vst v11;
	v16 =	vld [tilespmem:s26+$0xFFFFFFB0];
	v11 =	vpop (erf);
	(erf) = vpow2.f32 v10;
	v4 =	vmul.f32 v20, v4;
	v10 =	vadd.f32 $1.000000010e-07, v9  }
0x21b: {  	[tilespmem:s5+$0xFFFFFF90] =	vst v5;
	v5 =	vmax.f32 v18, $0.0e+00;
	v14 =	vmul.f32 $1.442695020e+00, v14;
	v8 =	vmax.f32 v8, $0.0e+00  }
0x21c: {  	v2 =	vmul.f32 v11, v2;
	[tilespmem:s24+$0xFFFFFFB0] =	vst v4;
	v4 =	vadd.f32 v17, v13;
	v13 =	vmul.f32 v10, v1  }
0x21d: {  	[tilespmem:s24+$0xFFFFFFF0] =	vst v20;
	v9 =	vadd.f32 $1.000000010e-07, v8;
	v8 =	vadd.f32 $1.000000010e-07, v5;
	(erf) = vpow2.f32 v14;
	v14 =	vld [tilespmem:s0+$0xFFFFFFE0]  }
0x21e: {  	v17 =	vld [tilespmem:s18+$0x0]  }
0x21f: {  	[tilespmem:s5+$0xFFFFFF10] =	vst v2;
	v2 =	vadd.f32 v16, v12;
	v5 =	vld [tilespmem:s7+$0x0];
	v20 =	vmul.f32 v8, v1  }
0x220: {  	[tilespmem:s5+$0xFFFFFF50] =	vst v11;
	v12 =	vld [tilespmem:s6+$0xFFFFFFE0];
	v16 =	vmul.f32 v9, v1;
	v11 =	vmul.f32 $1.442695020e+00, v13;
	v13 =	vpop (erf)  }
0x221: {  	s30 =	simm.s32 $0x159F0;
	v18 =	vmax.f32 v4, $0.0e+00;
	v2 =	vmax.f32 v2, $0.0e+00;
	v62 =	vmul.f32 v13, v15;
	[tilespmem:s24+$0xFFFFFF70] =	vst v13;
	v63 =	vpop (erf);
	v13 =	vld [tilespmem:s6+$0xFFFFFFA0]  }
0x222: {  	v4 =	vadd.f32 $1.000000010e-07, v2;
	(erf) = vpow2.f32 v11;
	v11 =	vmul.f32 $1.442695020e+00, v16;
	v15 =	vld [tilespmem:s0+$0xFFFFFFA0];
	[tilespmem:s22+$0xFFFFFF80] =	vst v63  }
0x223: {  	s21 =	sor.u32 $0x1, s21;
	v2 =	vadd.f32 $1.000000010e-07, v18;
	v16 =	vmul.f32 $1.442695020e+00, v20;
	v20 =	vpop (erf);
	v3 =	vmul.f32 v63, v3;
	[tilespmem:s24+$0xFFFFFF30] =	vst v62  }
0x224: {  	s8 =	sor.u32 s19, s21;
	s10 =	simm.s32 $0x17970;
	s17 =	simm.s32 $0xC;
	v17 =	vadd.f32 v5, v17;
	v18 =	vpop (erf);
	(erf) = vpow2.f32 v11;
	v5 =	vmul.f32 v20, v19;
	[tilespmem:s23+$0x0] =	vst v20;
	v11 =	vld [tilespmem:s18+$0xFFFFFFC0]  }
.LBB2_8:
0x225: {  	v19 =	vld [tilespmem:s30+$0xFFFFFFD0];
	s11 =	sadd.s32 $0x80, s11;
	(erf) = vpow2.f32 v16;
	v12 =	vadd.f32 v14, v12;
	v7 =	vmul.f32 v18, v7;
	[tilespmem:s16+$0xFFFFFFE0] =	vst v18;
	s18 =	smov.u32 s6;
	s6 =	smov.u32 s3  }
0x226: {  	v16 =	vmul.f32 v4, v1;
	v18 =	vmul.f32 v2, v1;
	s3 =	smov.u32 s30;
	v14 =	vld [tilespmem:s11+$0xFFFFFFD0];
	v17 =	vmax.f32 v17, $0.0e+00;
	[tilespmem:s23+$0xFFFFFFC0] =	vst v5  }
0x227: {  	v5 =	vld [tilespmem:s11+$0xFFFFFF90];
	v13 =	vadd.f32 v15, v13;
	v12 =	vmax.f32 v12, $0.0e+00;
	[tilespmem:s16+$0xFFFFFFA0] =	vst v7;
	v20 =	vadd.f32 $1.000000010e-07, v17  }
0x228: {  	v22 =	vmul.f32 $1.442695020e+00, v16;
	v17 =	vmul.f32 $1.442695020e+00, v18;
	v7 =	vadd.f32 $1.000000010e-07, v12;
	v12 =	vld [tilespmem:s28+$0xFFFFFFF0];
	v15 =	vpop (erf);
	[tilespmem:s22+$0xFFFFFF40] =	vst v3;
	s22 =	smov.u32 s23;
	s23 =	smov.u32 s24;
	s24 =	smov.u32 s25  }
0x229: {  	s25 =	smov.u32 s16;
	v3 =	vmax.f32 v13, $0.0e+00;
	v13 =	vmul.f32 v15, v6;
	[tilespmem:s16+$0xFFFFFF60] =	vst v15;
	v15 =	vld [tilespmem:s12+$0xFFFFFFF0];
	v18 =	vmul.f32 v20, v1;
	s16 =	smov.u32 s5  }
0x22a: {  	v21 =	vld [tilespmem:s30+$0xFFFFFF90];
	v6 =	vadd.f32 $1.000000010e-07, v3;
	v3 =	vmul.f32 v7, v1;
	(erf) = vpow2.f32 v22  }
0x22b: {  	v14 =	vadd.f32 v14, v19;
	v16 =	vpop (erf);
	[tilespmem:s25+$0xFFFFFF20] =	vst v13;
	v13 =	vld [tilespmem:s7+$0xFFFFFFC0];
	v23 =	vmul.f32 $1.442695020e+00, v18;
	(erf) = vpow2.f32 v17;
	s7 =	smov.u32 s26;
	s26 =	smov.u32 s12;
	s12 =	smov.u32 s0  }
0x22c: {  	s5 =	sadd.s32 $0x100, s5;
	s0 =	smov.u32 s10;
	s10 =	smov.u32 s11;
	v10 =	vmul.f32 v16, v10;
	v3 =	vmul.f32 $1.442695020e+00, v3;
	v17 =	vld [tilespmem:s28+$0xFFFFFFB0]  }
0x22d: {  	s17 =	sadd.s32 $0x2, s17;
	v14 =	vmax.f32 v14, $0.0e+00;
	[tilespmem:s5+$0xFFFFFFD0] =	vst v16;
	v16 =	vmul.f32 v6, v1;
	v19 =	vld [tilespmem:s26+$0xFFFFFFB0];
	v22 =	vpop (erf);
	(erf) = vpow2.f32 v23  }
0x22e: {  	p0 =	slt.u32 s17, $0x3E;
	[tilespmem:s5+$0xFFFFFF90] =	vst v10;
	v18 =	vpop (erf);
	(erf) = vpow2.f32 v3;
	v3 =	vadd.f32 v15, v12;
	v9 =	vmul.f32 v22, v9  }
0x22f: {  	v10 =	vadd.f32 $1.000000010e-07, v14;
	v5 =	vadd.f32 v5, v21;
	v8 =	vmul.f32 v18, v8;
	[tilespmem:s24+$0xFFFFFFF0] =	vst v22  }
0x230: {  	v14 =	vmul.f32 $1.442695020e+00, v16;
	v12 =	vld [tilespmem:s6+$0xFFFFFFE0];
	v3 =	vmax.f32 v3, $0.0e+00;
	[tilespmem:s24+$0xFFFFFFB0] =	vst v9;
	v11 =	vadd.f32 v13, v11  }
0x231: {  	v13 =	vmul.f32 v10, v1;
	v5 =	vmax.f32 v5, $0.0e+00;
	[tilespmem:s5+$0xFFFFFF10] =	vst v8;
	v9 =	vadd.f32 $1.000000010e-07, v3;
	v21 =	vld [tilespmem:s14+$0x0]  }
0x232: {  	v8 =	vadd.f32 $1.000000010e-07, v5;
	[tilespmem:s5+$0xFFFFFF50] =	vst v18;
	(erf) = vpow2.f32 v14;
	v3 =	vadd.f32 v19, v17;
	v5 =	vld [tilespmem:s7+$0x0]  }
.Ltmp2:
0x233: {  	v15 =	vmul.f32 $1.442695020e+00, v13;
	v11 =	vmax.f32 v11, $0.0e+00;
	v14 =	vld [tilespmem:s0+$0xFFFFFFE0];
	v16 =	vmul.f32 v9, v1;
	v17 =	vpop (erf);
	(pc) =	sbr.rel @p0 .LBB2_8-.Ltmp2, $4  }
0x234: {  	v24 =	vmul.f32 v8, v1;
	v13 =	vld [tilespmem:s6+$0xFFFFFFA0];
	v3 =	vmax.f32 v3, $0.0e+00;
	v23 =	vmul.f32 v17, v4;
	[tilespmem:s24+$0xFFFFFF70] =	vst v17;
	v17 =	vpop (erf)  }
0x235: {  	(erf) = vpow2.f32 v15;
	v15 =	vld [tilespmem:s0+$0xFFFFFFA0];
	v4 =	vadd.f32 $1.000000010e-07, v3;
	v22 =	vmul.f32 $1.442695020e+00, v16;
	[tilespmem:s22+$0xFFFFFF80] =	vst v17  }
0x236: {  	v3 =	vmul.f32 v17, v2;
	v2 =	vadd.f32 $1.000000010e-07, v11;
	v16 =	vmul.f32 $1.442695020e+00, v24;
	[tilespmem:s24+$0xFFFFFF30] =	vst v23;
	v19 =	vpop (erf)  }
0x237: {  	s30 =	sadd.s32 $0x80, s30;
	v18 =	vpop (erf);
	(erf) = vpow2.f32 v22;
	v11 =	vld [tilespmem:s14+$0xFFFFFFC0];
	v17 =	vadd.f32 v5, v21;
	v5 =	vmul.f32 v19, v20;
	[tilespmem:s23+$0x0] =	vst v19;
	s14 =	smov.u32 s28;
	s28 =	smov.u32 s18  }
0x238: {  	_ =	sdelay $0x1  }
0x239: {  	(erf) = vpow2.f32 v16  }
0x23a: {  	v7 =	vmul.f32 v18, v7  }
0x23b: {  	[tilespmem:s16+$0xFFFFFFE0] =	vst v18;
	v53 =	vpop (erf)  }
0x23c: {  	v62 =	vld [tilespmem:s7+$0xFFFFFFC0];
	[tilespmem:s16+$0xFFFFFFA0] =	vst v7;
	v6 =	vmul.f32 v53, v6  }
0x23d: {  	v54 =	vadd.f32 v14, v12;
	v57 =	vmul.f32 v4, v1;
	v55 =	vld [tilespmem:s28+$0xFFFFFFF0];
	[tilespmem:s16+$0xFFFFFF60] =	vst v53;
	v56 =	vpop (erf)  }
0x23e: {  	s11 =	sadd.s32 $0x100, s5;
	v13 =	vadd.f32 v15, v13;
	v18 =	vld [tilespmem:s12+$0xFFFFFFF0];
	[tilespmem:s16+$0xFFFFFF20] =	vst v6;
	v10 =	vmul.f32 v56, v10  }
0x23f: {  	v19 =	vmul.f32 v2, v1;
	v7 =	vmax.f32 v54, $0.0e+00;
	v16 =	vmul.f32 $1.442695020e+00, v57;
	v58 =	vld [tilespmem:s28+$0xFFFFFFB0];
	[tilespmem:s11+$0xFFFFFFD0] =	vst v56;
	v59 =	vpop (erf)  }
0x240: {  	v60 =	vadd.f32 $1.000000010e-07, v7;
	v13 =	vmax.f32 v13, $0.0e+00;
	v61 =	vld [tilespmem:s12+$0xFFFFFFB0];
	[tilespmem:s11+$0xFFFFFF90] =	vst v10;
	v9 =	vmul.f32 v59, v9  }
0x241: {  	v17 =	vmax.f32 v17, $0.0e+00;
	v19 =	vmul.f32 $1.442695020e+00, v19;
	v13 =	vadd.f32 $1.000000010e-07, v13;
	[tilespmem:s25+$0xFFFFFFF0] =	vst v59  }
0x242: {  	(erf) = vpow2.f32 v16;
	v24 =	vmul.f32 v60, v1;
	v6 =	vadd.f32 $1.000000010e-07, v17;
	v20 =	vpop (erf);
	v21 =	vld [tilespmem:s3+$0xFFFFFFE0];
	[tilespmem:s25+$0xFFFFFFB0] =	vst v9  }
0x243: {  	v27 =	vmul.f32 v13, v1;
	v12 =	vadd.f32 v18, v55;
	v8 =	vmul.f32 v20, v8;
	v25 =	vld [tilespmem:s14+$0x0]  }
0x244: {  	v63 =	vmul.f32 v6, v1;
	(erf) = vpow2.f32 v19;
	[tilespmem:s11+$0xFFFFFF50] =	vst v20;
	v26 =	vld [tilespmem:s26+$0x0]  }
0x245: {  	v10 =	vadd.f32 v62, v11;
	v12 =	vmax.f32 v12, $0.0e+00;
	v28 =	vld [tilespmem:s10+$0xFFFFFFE0];
	[tilespmem:s11+$0xFFFFFF10] =	vst v8;
	v7 =	vadd.f32 v61, v58  }
0x246: {  	v31 =	vmul.f32 $1.442695020e+00, v27;
	v14 =	vmul.f32 $1.442695020e+00, v63;
	v29 =	vadd.f32 $1.000000010e-07, v12;
	v30 =	vld [tilespmem:s3+$0xFFFFFFA0]  }
0x247: {  	v9 =	vmul.f32 $1.442695020e+00, v24;
	v10 =	vmax.f32 v10, $0.0e+00;
	v32 =	vld [tilespmem:s10+$0xFFFFFFA0];
	v7 =	vmax.f32 v7, $0.0e+00  }
0x248: {  	(erf) = vpow2.f32 v14;
	v33 =	vmul.f32 v29, v1;
	v20 =	vadd.f32 $1.000000010e-07, v7  }
0x249: {  	(erf) = vpow2.f32 v9;
	v7 =	vadd.f32 $1.000000010e-07, v10;
	v8 =	vadd.f32 v26, v25  }
0x24a: {  	(erf) = vpow2.f32 v31;
	v34 =	vmul.f32 $1.442695020e+00, v33;
	v35 =	vadd.f32 v28, v21  }
0x24b: {  	v36 =	vmul.f32 v20, v1;
	v37 =	vmul.f32 v7, v1;
	v8 =	vmax.f32 v8, $0.0e+00  }
0x24c: {  	v10 =	vmax.f32 v35, $0.0e+00;
	v12 =	vadd.f32 v32, v30;
	v8 =	vadd.f32 $1.000000010e-07, v8  }
0x24d: {  	(erf) = vpow2.f32 v34;
	v10 =	vadd.f32 $1.000000010e-07, v10;
	v38 =	vmul.f32 $1.442695020e+00, v36  }
0x24e: {  	v39 =	vmul.f32 $1.442695020e+00, v37;
	v12 =	vmax.f32 v12, $0.0e+00;
	v40 =	vmul.f32 v8, v1  }
0x24f: {  	v41 =	vmul.f32 v10, v1;
	v12 =	vadd.f32 $1.000000010e-07, v12;
	(erf) = vpow2.f32 v38  }
0x250: {  	(erf) = vpow2.f32 v39;
	v42 =	vmul.f32 $1.442695020e+00, v40  }
0x251: {  	v43 =	vmul.f32 $1.442695020e+00, v41;
	v44 =	vmul.f32 v12, v1  }
0x252: {  	v45 =	vpop (erf);
	(erf) = vpow2.f32 v42  }
0x253: {  	v18 =	vpop (erf);
	v46 =	vmul.f32 $1.442695020e+00, v44;
	(erf) = vpow2.f32 v43  }
0x254: {  	v9 =	vpop (erf)  }
0x255: {  	v47 =	vmul.f32 v45, v4;
	v48 =	vpop (erf);
	(erf) = vpow2.f32 v46  }
0x256: {  	[tilespmem:s25+$0xFFFFFF70] =	vst v45  }
0x257: {  	[tilespmem:s25+$0xFFFFFF30] =	vst v47;
	v49 =	vmul.f32 v48, v60;
	v50 =	vpop (erf)  }
0x258: {  	v51 =	vld [tilespmem:s14+$0xFFFFFFC0];
	[tilespmem:s5+$0xFFFFFFE0] =	vst v48;
	v53 =	vpop (erf)  }
0x259: {  	v23 =	vld [tilespmem:s26+$0xFFFFFFC0];
	v52 =	vmul.f32 v50, v13;
	[tilespmem:s5+$0xFFFFFFA0] =	vst v49;
	v55 =	vpop (erf)  }
0x25a: {  	[tilespmem:s5+$0xFFFFFF60] =	vst v50;
	v54 =	vld [tilespmem:s6+$0xFFFFFFF0];
	v4 =	vpop (erf)  }
0x25b: {  	v56 =	vld [tilespmem:s0+$0xFFFFFFF0];
	[tilespmem:s5+$0xFFFFFF20] =	vst v52;
	v11 =	vmul.f32 v53, v29;
	v21 =	vpop (erf)  }
0x25c: {  	v57 =	vld [tilespmem:s6+$0xFFFFFFB0];
	[tilespmem:s16+$0xFFFFFFF0] =	vst v53;
	v58 =	vpop (erf)  }
0x25d: {  	v22 =	vld [tilespmem:s0+$0xFFFFFFB0];
	[tilespmem:s16+$0xFFFFFFB0] =	vst v11;
	v10 =	vmul.f32 v58, v10  }
0x25e: {  	v11 =	vld [tilespmem:s28+$0x0];
	[tilespmem:s11+$0xFFFFFFE0] =	vst v58;
	v59 =	vpop (erf)  }
0x25f: {  	v60 =	vld [tilespmem:s12+$0x0];
	v61 =	vmul.f32 v59, v12;
	[tilespmem:s11+$0xFFFFFFA0] =	vst v10  }
0x260: {  	v16 =	vadd.f32 v56, v54;
	[tilespmem:s11+$0xFFFFFF60] =	vst v59;
	v62 =	vld [tilespmem:s3+$0xFFFFFFF0]  }
0x261: {  	v24 =	vld [tilespmem:s10+$0xFFFFFFF0];
	[tilespmem:s11+$0xFFFFFF20] =	vst v61  }
0x262: {  	v22 =	vadd.f32 v22, v57;
	v63 =	vmax.f32 v16, $0.0e+00;
	v26 =	vld [tilespmem:s3+$0xFFFFFFB0]  }
0x263: {  	v25 =	vadd.f32 v23, v51;
	v13 =	vadd.f32 $1.000000010e-07, v63;
	v27 =	vld [tilespmem:s10+$0xFFFFFFB0]  }
0x264: {  	v16 =	vmax.f32 v22, $0.0e+00;
	v11 =	vadd.f32 v60, v11  }
0x265: {  	v16 =	vadd.f32 $1.000000010e-07, v16;
	v28 =	vmul.f32 v13, v1;
	v10 =	vmax.f32 v25, $0.0e+00  }
0x266: {  	v11 =	vmax.f32 v11, $0.0e+00;
	v10 =	vadd.f32 $1.000000010e-07, v10;
	v12 =	vadd.f32 v24, v62  }
0x267: {  	v30 =	vmul.f32 v16, v1;
	v29 =	vmul.f32 $1.442695020e+00, v28;
	v11 =	vadd.f32 $1.000000010e-07, v11  }
0x268: {  	v31 =	vmul.f32 v10, v1;
	v15 =	vadd.f32 v27, v26;
	v12 =	vmax.f32 v12, $0.0e+00  }
0x269: {  	v32 =	vmul.f32 $1.442695020e+00, v30;
	(erf) = vpow2.f32 v29;
	v12 =	vadd.f32 $1.000000010e-07, v12  }
0x26a: {  	v34 =	vmul.f32 v11, v1;
	v33 =	vmul.f32 $1.442695020e+00, v31;
	v15 =	vmax.f32 v15, $0.0e+00  }
0x26b: {  	(erf) = vpow2.f32 v32;
	v15 =	vadd.f32 $1.000000010e-07, v15;
	v35 =	vmul.f32 v12, v1  }
0x26c: {  	v22 =	vmul.f32 $1.442695020e+00, v34;
	(erf) = vpow2.f32 v33  }
0x26d: {  	v36 =	vmul.f32 v15, v1;
	v17 =	vmul.f32 $1.442695020e+00, v35  }
0x26e: {  	(erf) = vpow2.f32 v22  }
0x26f: {  	v37 =	vmul.f32 $1.442695020e+00, v36;
	(erf) = vpow2.f32 v17;
	_ =	sdelay $0x1  }
0x270: {  	v38 =	vmul.f32 v55, v20;
	(erf) = vpow2.f32 v37  }
0x271: {  	[tilespmem:s16+$0xFFFFFF70] =	vst v55;
	v39 =	vpop (erf)  }
0x272: {  	[tilespmem:s16+$0xFFFFFF30] =	vst v38;
	v13 =	vmul.f32 v39, v13  }
0x273: {  	[tilespmem:s5+$0xFFFFFFF0] =	vst v39  }
0x274: {  	v42 =	vld [tilespmem:s12+$0xFFFFFFC0];
	v40 =	vpop (erf);
	[tilespmem:s5+$0xFFFFFFB0] =	vst v13  }
0x275: {  	v45 =	vld [tilespmem:s6+$0x0];
	v41 =	vpop (erf)  }
0x276: {  	v43 =	vmul.f32 v40, v16;
	v17 =	vld [tilespmem:s28+$0xFFFFFFC0];
	v44 =	vpop (erf)  }
0x277: {  	[tilespmem:s5+$0xFFFFFF70] =	vst v40;
	v47 =	vld [tilespmem:s0+$0x0];
	v46 =	vpop (erf)  }
0x278: {  	[tilespmem:s5+$0xFFFFFF30] =	vst v43;
	v12 =	vmul.f32 v46, v12  }
0x279: {  	v13 =	vld [tilespmem:s6+$0xFFFFFFC0];
	[tilespmem:s11+$0xFFFFFFF0] =	vst v46;
	v48 =	vpop (erf)  }
0x27a: {  	v49 =	vld [tilespmem:s0+$0xFFFFFFC0];
	v15 =	vmul.f32 v48, v15;
	[tilespmem:s11+$0xFFFFFFB0] =	vst v12  }
0x27b: {  	v17 =	vadd.f32 v42, v17;
	[tilespmem:s11+$0xFFFFFF70] =	vst v48;
	v50 =	vld [tilespmem:s3+$0x0]  }
0x27c: {  	v22 =	vadd.f32 v47, v45;
	[tilespmem:s11+$0xFFFFFF30] =	vst v15;
	v51 =	vld [tilespmem:s10+$0x0]  }
0x27d: {  	v17 =	vmax.f32 v17, $0.0e+00;
	v52 =	vld [tilespmem:s3+$0xFFFFFFC0]  }
0x27e: {  	v22 =	vmax.f32 v22, $0.0e+00;
	v17 =	vadd.f32 $1.000000010e-07, v17;
	v53 =	vld [tilespmem:s10+$0xFFFFFFC0]  }
0x27f: {  	v54 =	vadd.f32 $1.000000010e-07, v22;
	v12 =	vadd.f32 v49, v13  }
0x280: {  	v55 =	vmul.f32 v17, v1  }
0x281: {  	[tilespmem:s22+$0xFFFFFF40] =	vst v3;
	v2 =	vmul.f32 v18, v2;
	v57 =	vmul.f32 v54, v1;
	v12 =	vmax.f32 v12, $0.0e+00  }
0x282: {  	[tilespmem:s23+$0xFFFFFFC0] =	vst v5;
	v3 =	vmul.f32 $1.442695020e+00, v55;
	v12 =	vadd.f32 $1.000000010e-07, v12;
	v14 =	vadd.f32 v51, v50  }
0x283: {  	[tilespmem:s23+$0xFFFFFF80] =	vst v18;
	v6 =	vmul.f32 v9, v6;
	v58 =	vmul.f32 $1.442695020e+00, v57;
	v56 =	vadd.f32 v53, v52  }
0x284: {  	[tilespmem:s23+$0xFFFFFF40] =	vst v2;
	(erf) = vpow2.f32 v3;
	v3 =	vmul.f32 v12, v1;
	v14 =	vmax.f32 v14, $0.0e+00  }
0x285: {  	[tilespmem:s24+$0x0] =	vst v9;
	v2 =	vmul.f32 v4, v7;
	v14 =	vadd.f32 $1.000000010e-07, v14;
	v5 =	vmax.f32 v56, $0.0e+00  }
0x286: {  	[tilespmem:s24+$0xFFFFFFC0] =	vst v6;
	(erf) = vpow2.f32 v58;
	v3 =	vmul.f32 $1.442695020e+00, v3;
	v5 =	vadd.f32 $1.000000010e-07, v5  }
0x287: {  	[tilespmem:s24+$0xFFFFFF80] =	vst v4;
	v60 =	vmul.f32 v21, v8;
	v59 =	vmul.f32 v14, v1  }
0x288: {  	[tilespmem:s24+$0xFFFFFF40] =	vst v2;
	(erf) = vpow2.f32 v3;
	v3 =	vmul.f32 v5, v1  }
0x289: {  	[tilespmem:s25+$0x0] =	vst v21;
	v6 =	vmul.f32 $1.442695020e+00, v59  }
0x28a: {  	[tilespmem:s25+$0xFFFFFFC0] =	vst v60;
	v61 =	vmul.f32 v41, v10;
	v2 =	vmul.f32 $1.442695020e+00, v3  }
0x28b: {  	[tilespmem:s25+$0xFFFFFF80] =	vst v41;
	v3 =	vmul.f32 v44, v11;
	(erf) = vpow2.f32 v6  }
0x28c: {  	[tilespmem:s16+$0x0] =	vst v44;
	(erf) = vpow2.f32 v2  }
0x28d: {  	[tilespmem:s25+$0xFFFFFF40] =	vst v61  }
0x28e: {  	[tilespmem:s16+$0xFFFFFFC0] =	vst v3;
	v2 =	vpop (erf)  }
0x28f: {  	v3 =	vpop (erf);
	[tilespmem:s16+$0xFFFFFF80] =	vst v2;
	v2 =	vmul.f32 v2, v17  }
0x290: {  	[tilespmem:s5+$0x0] =	vst v3  }
0x291: {  	v62 =	vmul.f32 v3, v54;
	v3 =	vpop (erf);
	[tilespmem:s16+$0xFFFFFF40] =	vst v2  }
0x292: {  	[tilespmem:s5+$0xFFFFFF80] =	vst v3;
	v3 =	vmul.f32 v3, v12  }
0x293: {  	[tilespmem:s5+$0xFFFFFFC0] =	vst v62  }
0x294: {  	[tilespmem:s5+$0xFFFFFF40] =	vst v3;
	v2 =	vpop (erf)  }
0x295: {  	v63 =	vmul.f32 v2, v14;
	[tilespmem:s11+$0x0] =	vst v2;
	v2 =	vpop (erf)  }
0x296: {  	s30 =	sshll.u32 s21, $0x6;
	v3 =	vmul.f32 v2, v5;
	[tilespmem:s11+$0xFFFFFF80] =	vst v2  }
0x297: {  	s0 =	sand.u32 $0x3FFFFFC0, s30;
	[tilespmem:s11+$0xFFFFFFC0] =	vst v63  }
0x298: {  	p0 =	sgt.u32 s8, $0x13D;
	s0 =	sadd.s32 $0x14400, s0;
	[tilespmem:s11+$0xFFFFFF40] =	vst v3  }
0x299: {  	[spmem:s4] =	stream.indirect.scatter.add.f32 [tilespmem:s13], [sflag:$0x3], $0x80, s0, s29, $0xb8;
	[tilespmem:$0x1C610] =	vst v63  }
0x29a: {  	s0 =	sadd.s32 @!p0 $0x2, s8  }
0x29b: {  	s3 =	sshll.u32 @!p0 s0, $0x6  }
0x29c: {  	s20 =	sadd.s32 $0x1, s20;
	s6 =	simm.s32 @!p0 $0x15600;
	s3 =	sand.u32 @!p0 $0x3C0, s3  }
0x29d: {  	s5 =	simm.s32 @!p0 $0x40;
	s0 =	sshll.u32 @!p0 s0, $0x9;
	s3 =	sor.u32 @!p0 $0x14000, s3  }
0x29e: {  	[tilespmem:s6], [sflag:$0x1] =	stream.indirect.gather @!p0 [hbm4b:s1+s5], $0x40, s3, s5, $0xb8;
	[tilespmem:$0x1C610] =	vst v63  }
0x29f: {  	s0 =	sadd.s32 @!p0 s0, s15;
	s3 =	simm.s32 @!p0 $0x0;
	s5 =	simm.s32 @!p0 $0x17600  }
0x2a0: {  	[tilespmem:s5], [sflag:$0x2] =	stream.linear.gather @!p0 [hbm4b:s0+s3], $0x1000, $0x38;
	[tilespmem:$0x1C610] =	vst v63  }
0x2a1: {  	p0 =	sne.s32 s20, $0x4  }
.Ltmp3:
0x2a2: {  	_ = 	snop;
	(pc) =	sbr.rel @p0 .LBB2_5-.Ltmp3, $1  }
0x2a3: {  	_ =	sdelay $0x3  }
0x2a4: {  	s6 =	rddreg [dreg:$0x1b]  }
0x2a5: {  	s6 =	sadd.s32 $0x1, s6  }
0x2a6: {  	p0 =	sne.s32 s6, $0x28  }
.Ltmp4:
0x2a7: {  	_ = 	snop;
	(pc) =	sbr.rel @p0 .LBB2_4-.Ltmp4, $2  }
0x2a8: {  	_ =	sdelay $0x2  }
0x2a9: {  	s21 =	simm.s32 $0x4  }
0x2aa: {  	s0 =	simm.s32 $0x3  }
0x2ab: {  	_ =	swait.ge [sflag:s0], $0x2000  }
0x2ac: {  	[sflag:s0] =	ssyncset.done $0x0  }
0x2ad: {  	[sflag:s0] =	ssyncadd.s32 $0xFFFFE000  }
0x2ae: {  	_ =	swait.ge [sflag:s0], $0x2000  }
0x2af: {  	[sflag:s0] =	ssyncset.done $0x0  }
0x2b0: {  	[sflag:s0] =	ssyncadd.s32 $0xFFFFE000  }
0x2b1: {  	[bflag:$0x0] =	sbarrier.arrive $0xFFFF  }
0x2b2: {  	s18 =	rddreg [dreg:$0x9]  }
0x2b3: {  	s19 =	rddreg [dreg:$0xa]  }
0x2b4: {  	s22 =	simm.s32 $0x16600;
	s0 =	simm.s32 $0x0;
	s20 =	rddreg [dreg:$0xf]  }
.LBB2_12:
0x2b5: {  	s3 =	sshll.u32 s0, $0x6  }
0x2b6: {  	s3 =	sadd.s32 s19, s3  }
0x2b7: {  	s5 =	sshll.u32 s3, $0x7  }
0x2b8: {  	s5 =	sand.u32 $0x3FFFFF80, s5  }
0x2b9: {  	s5 =	sadd.s32 s5, s4  }
0x2ba: {  	[tilespmem:s31], [sflag:$0x4] =	stream.linear.gather [spmem:s5], $0x2000, $0x38;
	[tilespmem:$0x1C610] =	vst v63  }
0x2bb: {  	_ =	swait.ge [sflag:s21], $0x2000  }
0x2bc: {  	[sflag:s21] =	ssyncset.done $0x0  }
0x2bd: {  	s16 =	simm.s32 $0x18680;
	[sflag:s21] =	ssyncadd.s32 $0xFFFFE000  }
0x2be: {  	v1 =	vld [tilespmem:s16+$0x40]  }
0x2bf: {  	v2 =	vld [tilespmem:s16+$0xFFFFFFC0];
	_ =	sdelay $0x3  }
0x2c0: {  	v1 =	vadd.f32 $1.000000020e-16, v1  }
0x2c1: {  	v2 =	vadd.f32 $1.000000020e-16, v2  }
0x2c2: {  	(erf) = vrcp.f32 v1  }
0x2c3: {  	(erf) = vrcp.f32 v2;
	_ =	sdelay $0x3  }
0x2c4: {  	v1 =	vld [tilespmem:s16+$0x0]  }
0x2c5: {  	v2 =	vld [tilespmem:s16+$0xFFFFFF80]  }
0x2c6: {  	s6 =	simm.s32 $0x18780  }
0x2c7: {  	v3 =	vld [tilespmem:s6+$0x40]  }
0x2c8: {  	v5 =	vld [tilespmem:s6+$0xFFFFFFC0];
	v4 =	vpop (erf)  }
0x2c9: {  	v1 =	vmul.f32 v4, v1;
	v4 =	vpop (erf)  }
0x2ca: {  	s5 =	simm.s32 $0x16640;
	v2 =	vmul.f32 v4, v2  }
0x2cb: {  	[tilespmem:s5+$0x0] =	vst v1  }
0x2cc: {  	[tilespmem:s5+$0xFFFFFFC0] =	vst v2;
	v1 =	vld [tilespmem:s16+$0x50];
	v2 =	vadd.f32 $1.000000020e-16, v3  }
0x2cd: {  	v4 =	vadd.f32 $1.000000020e-16, v5;
	v3 =	vld [tilespmem:s16+$0xFFFFFFD0]  }
0x2ce: {  	(erf) = vrcp.f32 v2  }
0x2cf: {  	(erf) = vrcp.f32 v4;
	_ =	sdelay $0x1  }
0x2d0: {  	v1 =	vadd.f32 $1.000000020e-16, v1  }
0x2d1: {  	v2 =	vadd.f32 $1.000000020e-16, v3  }
0x2d2: {  	(erf) = vrcp.f32 v1;
	v1 =	vld [tilespmem:s6+$0x0]  }
0x2d3: {  	(erf) = vrcp.f32 v2;
	v2 =	vld [tilespmem:s6+$0xFFFFFF80];
	_ =	sdelay $0x1  }
0x2d4: {  	s8 =	simm.s32 $0x18880  }
0x2d5: {  	v7 =	vld [tilespmem:s8+$0xFFFFFFC0];
	v5 =	vpop (erf)  }
0x2d6: {  	v4 =	vld [tilespmem:s8+$0x40];
	v1 =	vmul.f32 v5, v1;
	v5 =	vpop (erf)  }
0x2d7: {  	v6 =	vld [tilespmem:s16+$0x10];
	v2 =	vmul.f32 v5, v2  }
0x2d8: {  	v3 =	vld [tilespmem:s16+$0xFFFFFF90]  }
0x2d9: {  	s7 =	simm.s32 $0x166C0  }
0x2da: {  	[tilespmem:s7+$0x0] =	vst v1  }
0x2db: {  	v4 =	vadd.f32 $1.000000020e-16, v4;
	[tilespmem:s7+$0xFFFFFFC0] =	vst v2;
	v1 =	vld [tilespmem:s6+$0x50];
	v2 =	vpop (erf)  }
0x2dc: {  	v7 =	vadd.f32 $1.000000020e-16, v7;
	v5 =	vld [tilespmem:s6+$0xFFFFFFD0];
	v2 =	vmul.f32 v2, v6;
	v6 =	vpop (erf)  }
0x2dd: {  	(erf) = vrcp.f32 v4;
	v3 =	vmul.f32 v6, v3  }
0x2de: {  	(erf) = vrcp.f32 v7;
	[tilespmem:s5+$0x10] =	vst v2  }
0x2df: {  	v2 =	vld [tilespmem:s16+$0x60];
	[tilespmem:s5+$0xFFFFFFD0] =	vst v3  }
0x2e0: {  	v1 =	vadd.f32 $1.000000020e-16, v1;
	v3 =	vld [tilespmem:s16+$0xFFFFFFE0]  }
0x2e1: {  	v4 =	vadd.f32 $1.000000020e-16, v5  }
0x2e2: {  	(erf) = vrcp.f32 v1;
	v1 =	vld [tilespmem:s8+$0x0]  }
0x2e3: {  	(erf) = vrcp.f32 v4;
	v4 =	vld [tilespmem:s8+$0xFFFFFF80]  }
0x2e4: {  	v2 =	vadd.f32 $1.000000020e-16, v2  }
0x2e5: {  	s10 =	simm.s32 $0x18980;
	v3 =	vadd.f32 $1.000000020e-16, v3  }
0x2e6: {  	v6 =	vld [tilespmem:s10+$0x40];
	v7 =	vpop (erf);
	(erf) = vrcp.f32 v2  }
0x2e7: {  	v1 =	vmul.f32 v7, v1;
	v7 =	vpop (erf);
	(erf) = vrcp.f32 v3;
	v3 =	vld [tilespmem:s10+$0xFFFFFFC0]  }
0x2e8: {  	v2 =	vld [tilespmem:s6+$0x10];
	v4 =	vmul.f32 v7, v4  }
0x2e9: {  	s12 =	simm.s32 $0x16740;
	v5 =	vld [tilespmem:s6+$0xFFFFFF90]  }
0x2ea: {  	v8 =	vld [tilespmem:s16+$0xFFFFFFA0];
	[tilespmem:s12+$0x0] =	vst v1  }
0x2eb: {  	v1 =	vld [tilespmem:s8+$0x50]  }
0x2ec: {  	v7 =	vld [tilespmem:s16+$0x20];
	[tilespmem:s12+$0xFFFFFFC0] =	vst v4;
	v4 =	vpop (erf);
	v3 =	vadd.f32 $1.000000020e-16, v3  }
0x2ed: {  	v6 =	vadd.f32 $1.000000020e-16, v6;
	v2 =	vmul.f32 v4, v2;
	v4 =	vld [tilespmem:s8+$0xFFFFFFD0]  }
0x2ee: {  	v9 =	vpop (erf)  }
0x2ef: {  	(erf) = vrcp.f32 v6;
	v5 =	vmul.f32 v9, v5  }
0x2f0: {  	[tilespmem:s7+$0x10] =	vst v2;
	v1 =	vadd.f32 $1.000000020e-16, v1;
	(erf) = vrcp.f32 v3;
	v3 =	vpop (erf)  }
0x2f1: {  	v2 =	vld [tilespmem:s6+$0x60];
	[tilespmem:s7+$0xFFFFFFD0] =	vst v5;
	v3 =	vmul.f32 v3, v7;
	v7 =	vpop (erf)  }
0x2f2: {  	v5 =	vld [tilespmem:s6+$0xFFFFFFE0];
	v4 =	vadd.f32 $1.000000020e-16, v4;
	(erf) = vrcp.f32 v1;
	v1 =	vmul.f32 v7, v8  }
0x2f3: {  	v7 =	vld [tilespmem:s10+$0x0];
	[tilespmem:s5+$0x20] =	vst v3  }
0x2f4: {  	(erf) = vrcp.f32 v4;
	[tilespmem:s5+$0xFFFFFFE0] =	vst v1;
	v1 =	vld [tilespmem:s16+$0x70]  }
0x2f5: {  	s14 =	simm.s32 $0x18A80;
	v10 =	vld [tilespmem:s10+$0xFFFFFF80]  }
0x2f6: {  	v12 =	vld [tilespmem:s14+$0xFFFFFFC0]  }
0x2f7: {  	v11 =	vld [tilespmem:s8+$0x10];
	v2 =	vadd.f32 $1.000000020e-16, v2  }
0x2f8: {  	v4 =	vadd.f32 $1.000000020e-16, v5;
	v5 =	vpop (erf);
	v3 =	vld [tilespmem:s16+$0xFFFFFFF0]  }
0x2f9: {  	v6 =	vld [tilespmem:s8+$0xFFFFFF90];
	(erf) = vrcp.f32 v2;
	v2 =	vmul.f32 v5, v7;
	v7 =	vadd.f32 $1.000000020e-16, v1  }
0x2fa: {  	v8 =	vld [tilespmem:s14+$0x40]  }
0x2fb: {  	s11 =	simm.s32 $0x167C0;
	v9 =	vld [tilespmem:s6+$0xFFFFFFA0];
	(erf) = vrcp.f32 v4;
	v5 =	vpop (erf)  }
0x2fc: {  	v13 =	vld [tilespmem:s16+$0x30];
	v5 =	vmul.f32 v5, v10;
	[tilespmem:s11+$0x0] =	vst v2;
	v10 =	vpop (erf)  }
0x2fd: {  	v2 =	vadd.f32 $1.000000020e-16, v3;
	v3 =	vld [tilespmem:s10+$0x50];
	(erf) = vrcp.f32 v7;
	v7 =	vpop (erf)  }
0x2fe: {  	[tilespmem:s11+$0xFFFFFFC0] =	vst v5;
	v5 =	vmul.f32 v10, v11;
	v10 =	vld [tilespmem:s6+$0x20];
	v6 =	vmul.f32 v7, v6  }
0x2ff: {  	v4 =	vld [tilespmem:s14+$0xFFFFFF80];
	v8 =	vadd.f32 $1.000000020e-16, v8;
	(erf) = vrcp.f32 v2  }
0x300: {  	v12 =	vadd.f32 $1.000000020e-16, v12;
	v11 =	vld [tilespmem:s10+$0xFFFFFFD0]  }
0x301: {  	v1 =	vld [tilespmem:s16+$0xFFFFFFB0];
	[tilespmem:s12+$0x10] =	vst v5;
	(erf) = vrcp.f32 v8  }
0x302: {  	v2 =	vld [tilespmem:s10+$0xFFFFFF90];
	(erf) = vrcp.f32 v12;
	[tilespmem:s12+$0xFFFFFFD0] =	vst v6;
	v6 =	vpop (erf)  }
0x303: {  	v5 =	vld [tilespmem:s8+$0x60];
	v8 =	vadd.f32 $1.000000020e-16, v3;
	v6 =	vmul.f32 v6, v10  }
0x304: {  	v7 =	vld [tilespmem:s8+$0xFFFFFFE0];
	v10 =	vpop (erf)  }
0x305: {  	v11 =	vadd.f32 $1.000000020e-16, v11;
	v3 =	vld [tilespmem:s8+$0xFFFFFFA0];
	(erf) = vrcp.f32 v8;
	v9 =	vmul.f32 v10, v9  }
0x306: {  	v10 =	vld [tilespmem:s14+$0x0];
	[tilespmem:s7+$0x20] =	vst v6  }
0x307: {  	(erf) = vrcp.f32 v11;
	[tilespmem:s7+$0xFFFFFFE0] =	vst v9;
	v8 =	vld [tilespmem:s6+$0x70];
	v6 =	vpop (erf)  }
0x308: {  	s17 =	simm.s32 $0x18B80;
	s16 =	simm.s32 $0x8;
	v11 =	vadd.f32 $1.000000020e-16, v5;
	v9 =	vld [tilespmem:s6+$0xFFFFFFF0];
	v5 =	vmul.f32 v6, v13;
	v6 =	vpop (erf)  }
.LBB2_13:
0x309: {  	v12 =	vld [tilespmem:s17+$0x40];
	v7 =	vadd.f32 $1.000000020e-16, v7;
	v1 =	vmul.f32 v6, v1  }
0x30a: {  	v6 =	vpop (erf);
	v13 =	vld [tilespmem:s10+$0x10];
	(erf) = vrcp.f32 v11;
	[tilespmem:s5+$0x30] =	vst v5  }
0x30b: {  	s16 =	sadd.s32 $0x2, s16;
	v5 =	vld [tilespmem:s17+$0xFFFFFFC0];
	v6 =	vmul.f32 v6, v10;
	v10 =	vpop (erf);
	(erf) = vrcp.f32 v7;
	[tilespmem:s5+$0xFFFFFFF0] =	vst v1;
	s5 =	smov.u32 s7;
	s7 =	smov.u32 s12  }
0x30c: {  	p0 =	slt.u32 s16, $0x3E;
	s12 =	smov.u32 s11;
	s11 =	sadd.s32 $0x80, s11;
	v7 =	vmul.f32 v10, v4;
	v4 =	vld [tilespmem:s17+$0xFFFFFF80];
	v8 =	vadd.f32 $1.000000020e-16, v8  }
0x30d: {  	[tilespmem:s11+$0x0] =	vst v6;
	v1 =	vld [tilespmem:s6+$0xFFFFFFB0];
	v6 =	vadd.f32 $1.000000020e-16, v9  }
0x30e: {  	[tilespmem:s11+$0xFFFFFFC0] =	vst v7;
	v7 =	vld [tilespmem:s14+$0x50];
	v9 =	vpop (erf);
	(erf) = vrcp.f32 v8  }
0x30f: {  	v8 =	vadd.f32 $1.000000020e-16, v12;
	v9 =	vmul.f32 v9, v13;
	v10 =	vld [tilespmem:s8+$0x20];
	(erf) = vrcp.f32 v6  }
0x310: {  	v5 =	vadd.f32 $1.000000020e-16, v5;
	v6 =	vld [tilespmem:s14+$0xFFFFFFD0];
	v11 =	vpop (erf)  }
0x311: {  	(erf) = vrcp.f32 v8;
	v11 =	vmul.f32 v11, v2;
	v2 =	vld [tilespmem:s14+$0xFFFFFF90];
	[tilespmem:s12+$0x10] =	vst v9  }
0x312: {  	(erf) = vrcp.f32 v5;
	v5 =	vld [tilespmem:s10+$0x60]  }
0x313: {  	v9 =	vadd.f32 $1.000000020e-16, v7;
	[tilespmem:s12+$0xFFFFFFD0] =	vst v11;
	v8 =	vpop (erf);
	v12 =	vld [tilespmem:s6+$0x30];
	s6 =	smov.u32 s8;
	s8 =	smov.u32 s10;
	s10 =	smov.u32 s14  }
.Ltmp5:
0x314: {  	s14 =	smov.u32 s17;
	v7 =	vld [tilespmem:s8+$0xFFFFFFE0];
	v8 =	vmul.f32 v8, v10;
	v10 =	vpop (erf);
	(pc) =	sbr.rel @p0 .LBB2_13-.Ltmp5, $4  }
0x315: {  	v11 =	vadd.f32 $1.000000020e-16, v6;
	(erf) = vrcp.f32 v9;
	v9 =	vmul.f32 v10, v3;
	v3 =	vld [tilespmem:s8+$0xFFFFFFA0]  }
0x316: {  	v10 =	vld [tilespmem:s17+$0x0];
	[tilespmem:s7+$0x20] =	vst v8  }
0x317: {  	(erf) = vrcp.f32 v11;
	[tilespmem:s7+$0xFFFFFFE0] =	vst v9;
	v8 =	vld [tilespmem:s6+$0x70];
	v6 =	vpop (erf)  }
0x318: {  	s17 =	sadd.s32 $0x100, s17;
	v11 =	vadd.f32 $1.000000020e-16, v5;
	v9 =	vld [tilespmem:s6+$0xFFFFFFF0];
	v5 =	vmul.f32 v6, v12;
	v6 =	vpop (erf)  }
0x319: {  	_ = 	snop  }
0x31a: {  	v12 =	vpop (erf)  }
0x31b: {  	v10 =	vmul.f32 v12, v10;
	v22 =	vpop (erf)  }
0x31c: {  	s16 =	sadd.s32 $0x80, s11;
	v4 =	vmul.f32 v22, v4  }
0x31d: {  	[tilespmem:s16+$0x0] =	vst v10  }
0x31e: {  	[tilespmem:s16+$0xFFFFFFC0] =	vst v4;
	v23 =	vld [tilespmem:s14+$0x50]  }
0x31f: {  	v24 =	vld [tilespmem:s14+$0xFFFFFFD0]  }
0x320: {  	v7 =	vadd.f32 $1.000000020e-16, v7  }
0x321: {  	(erf) = vrcp.f32 v11;
	v8 =	vadd.f32 $1.000000020e-16, v8  }
0x322: {  	(erf) = vrcp.f32 v7;
	v25 =	vadd.f32 $1.000000020e-16, v9  }
0x323: {  	(erf) = vrcp.f32 v8;
	v4 =	vadd.f32 $1.000000020e-16, v23  }
0x324: {  	(erf) = vrcp.f32 v25;
	v26 =	vadd.f32 $1.000000020e-16, v24  }
0x325: {  	(erf) = vrcp.f32 v4  }
0x326: {  	v27 =	vld [tilespmem:s10+$0x10];
	(erf) = vrcp.f32 v26;
	_ =	sdelay $0x1  }
0x327: {  	v29 =	vld [tilespmem:s8+$0x20];
	v28 =	vpop (erf)  }
0x328: {  	v30 =	vpop (erf)  }
0x329: {  	v32 =	vld [tilespmem:s14+$0x10];
	v31 =	vpop (erf)  }
0x32a: {  	v33 =	vld [tilespmem:s14+$0xFFFFFF90];
	v4 =	vmul.f32 v28, v27;
	v34 =	vpop (erf)  }
0x32b: {  	v2 =	vmul.f32 v30, v2;
	v35 =	vpop (erf)  }
0x32c: {  	v36 =	vmul.f32 v31, v29;
	[tilespmem:s11+$0x10] =	vst v4;
	v37 =	vpop (erf)  }
0x32d: {  	[tilespmem:s11+$0xFFFFFFD0] =	vst v2;
	v2 =	vmul.f32 v34, v3;
	v38 =	vld [tilespmem:s10+$0x60];
	v3 =	vpop (erf)  }
0x32e: {  	v39 =	vld [tilespmem:s10+$0xFFFFFFE0];
	[tilespmem:s12+$0x20] =	vst v36;
	v3 =	vmul.f32 v3, v32;
	v40 =	vpop (erf)  }
0x32f: {  	[tilespmem:s12+$0xFFFFFFE0] =	vst v2;
	v2 =	vld [tilespmem:s8+$0x70];
	v4 =	vmul.f32 v40, v33  }
0x330: {  	v41 =	vld [tilespmem:s8+$0xFFFFFFF0];
	[tilespmem:s16+$0x10] =	vst v3  }
0x331: {  	v3 =	vld [tilespmem:s14+$0x60];
	[tilespmem:s16+$0xFFFFFFD0] =	vst v4  }
0x332: {  	v42 =	vadd.f32 $1.000000020e-16, v38;
	v43 =	vld [tilespmem:s14+$0xFFFFFFE0]  }
0x333: {  	v44 =	vadd.f32 $1.000000020e-16, v39  }
0x334: {  	v2 =	vadd.f32 $1.000000020e-16, v2;
	(erf) = vrcp.f32 v42  }
0x335: {  	v45 =	vadd.f32 $1.000000020e-16, v41;
	(erf) = vrcp.f32 v44  }
0x336: {  	(erf) = vrcp.f32 v2;
	v2 =	vadd.f32 $1.000000020e-16, v3  }
0x337: {  	(erf) = vrcp.f32 v45;
	v3 =	vadd.f32 $1.000000020e-16, v43  }
0x338: {  	(erf) = vrcp.f32 v2  }
0x339: {  	(erf) = vrcp.f32 v3;
	_ =	sdelay $0x1  }
0x33a: {  	v2 =	vld [tilespmem:s10+$0x20]  }
0x33b: {  	v3 =	vld [tilespmem:s10+$0xFFFFFFA0]  }
0x33c: {  	v47 =	vld [tilespmem:s14+$0x20];
	v46 =	vpop (erf)  }
0x33d: {  	v49 =	vld [tilespmem:s14+$0xFFFFFFA0];
	v48 =	vpop (erf)  }
0x33e: {  	v50 =	vpop (erf)  }
0x33f: {  	v51 =	vpop (erf);
	v2 =	vmul.f32 v46, v2  }
0x340: {  	v3 =	vmul.f32 v48, v3;
	v52 =	vpop (erf)  }
0x341: {  	[tilespmem:s11+$0x20] =	vst v2;
	v2 =	vmul.f32 v52, v47;
	v53 =	vpop (erf)  }
0x342: {  	[tilespmem:s11+$0xFFFFFFE0] =	vst v3;
	v3 =	vld [tilespmem:s10+$0x70];
	v7 =	vmul.f32 v53, v49  }
0x343: {  	v54 =	vld [tilespmem:s10+$0xFFFFFFF0];
	[tilespmem:s16+$0x20] =	vst v2  }
0x344: {  	[tilespmem:s16+$0xFFFFFFE0] =	vst v7;
	v2 =	vld [tilespmem:s14+$0x70]  }
0x345: {  	v7 =	vld [tilespmem:s14+$0xFFFFFFF0];
	_ =	sdelay $0x1  }
0x346: {  	v3 =	vadd.f32 $1.000000020e-16, v3  }
0x347: {  	v10 =	vadd.f32 $1.000000020e-16, v54  }
0x348: {  	(erf) = vrcp.f32 v3;
	v2 =	vadd.f32 $1.000000020e-16, v2  }
0x349: {  	v3 =	vld [tilespmem:s6+$0x30];
	(erf) = vrcp.f32 v10;
	v7 =	vadd.f32 $1.000000020e-16, v7  }
0x34a: {  	v55 =	vld [tilespmem:s6+$0xFFFFFFB0];
	(erf) = vrcp.f32 v2  }
0x34b: {  	v2 =	vld [tilespmem:s8+$0x30];
	(erf) = vrcp.f32 v7  }
0x34c: {  	v56 =	vld [tilespmem:s8+$0xFFFFFFB0]  }
0x34d: {  	v1 =	vmul.f32 v6, v1;
	v57 =	vld [tilespmem:s10+$0x30]  }
0x34e: {  	[tilespmem:s5+$0x30] =	vst v5;
	v58 =	vld [tilespmem:s10+$0xFFFFFFB0];
	v3 =	vmul.f32 v35, v3  }
0x34f: {  	[tilespmem:s5+$0xFFFFFFF0] =	vst v1;
	v1 =	vmul.f32 v37, v55;
	v59 =	vld [tilespmem:s14+$0x30]  }
0x350: {  	[tilespmem:s7+$0x30] =	vst v3;
	v3 =	vld [tilespmem:s14+$0xFFFFFFB0];
	v2 =	vmul.f32 v50, v2  }
0x351: {  	[tilespmem:s7+$0xFFFFFFF0] =	vst v1;
	v1 =	vmul.f32 v51, v56;
	v60 =	vpop (erf)  }
0x352: {  	v61 =	vpop (erf);
	[tilespmem:s12+$0x30] =	vst v2;
	v2 =	vmul.f32 v60, v57  }
0x353: {  	[tilespmem:s12+$0xFFFFFFF0] =	vst v1;
	v1 =	vmul.f32 v61, v58;
	v62 =	vpop (erf)  }
0x354: {  	s3 =	sshll.u32 s3, $0x6;
	[tilespmem:s11+$0x30] =	vst v2;
	v2 =	vmul.f32 v62, v59;
	v63 =	vpop (erf)  }
0x355: {  	s0 =	sadd.s32 $0x1, s0;
	s3 =	sadd.s32 s20, s3;
	[tilespmem:s11+$0xFFFFFFF0] =	vst v1;
	v1 =	vmul.f32 v63, v3  }
0x356: {  	p0 =	sne.s32 s0, $0xA;
	s3 =	sshrl.u32 s3, $0x3;
	[tilespmem:s16+$0x30] =	vst v2  }
.Ltmp6:
0x357: {  	s30 =	simm.s32 $0x0;
	s3 =	sadd.s32 s18, s3;
	[tilespmem:s16+$0xFFFFFFF0] =	vst v1;
	(pc) =	sbr.rel @p0 .LBB2_12-.Ltmp6, $4  }
0x358: {  	[hbm4b:s3+s30] =	stream.linear.scatter [tilespmem:s22], [sflag:$0x4], $0x1000, $0x38;
	[tilespmem:$0x1C610] =	vst v63  }
0x359: {  	_ =	swait.ge [sflag:s21], $0x1000  }
0x35a: {  	[sflag:s21] =	ssyncset.done $0x0  }
0x35b: {  	[sflag:s21] =	ssyncadd.s32 $0xFFFFF000  }
0x35c: {  	s3 =	rddreg [dreg:$0x1a]  }
0x35d: {  	s0 =	rddreg [dreg:$0x10];
	s3 =	sadd.s32 $0x1, s3  }
0x35e: {  	p0 =	sne.s32 s3, s0  }
.Ltmp7:
0x35f: {  	_ = 	snop;
	(pc) =	sbr.rel @p0 .LBB2_1-.Ltmp7, $1  }
0x360: {  	_ =	sdelay $0x3  }
0x361: {  	_ =	sfence.sel $0x180000  }
0x362: {  	[bflag:$0x0] =	sbarrier.arrive $0xFFFF  }
0x363: {  	_ =	strace $0x90000047  }
0x364: {  	s0 =	stileid.u32;
	[bflag:$0x2] =	sbarrier.arrive $0xFFFF  }
0x365: {  	p0 =	sne.s32 s0, $0x0;
	s0 =	rddreg [dreg:$0x3]  }
0x366: {  	s0 =	sadd.s32 @!p0 $0x100000, s0  }
0x367: {  	[sflag:s0] =	ssyncadd.tile.s32 @!p0 $0x1;
	_ =	shalt  }
.Lfunc_end2:
_tile_overlayer_lowered:
.L_overlay_start_2:
0x368: {  	(tag) =	ssettag $0x2  }
0x369: {  	s0 =	rddreg [dreg:$0x0];
	s2 =	stileid.u32  }
0x36a: {  	s1 =	rddreg [dreg:$0x1];
	p0 =	sne.s32 s2, $0x0  }
0x36b: {  	s3 =	rddreg [dreg:$0x2];
	[bflag:$0x3] =	sbarrier.arrive $0xFFFF;
	s2 =	simm.s32 @!p0 $0x1C04  }
0x36c: {  	[timem:s3], [sflag:s2] =	dma.local @!p0 [hbm:s0], s1  }
0x36d: {  	s0 =	simm.s32 @!p0 $0x4  }
0x36e: {  	_ =	swait.ge @!p0 [sflag:s0], s1  }
0x36f: {  	s1 =	ssub.s32 @!p0 $0x0, s1;
	[sflag:s0] =	ssyncset.done @!p0 $0x0  }
0x370: {  	[sflag:s0] =	ssyncadd.s32 @!p0 s1  }
0x371: {  	[bflag:$0x3] =	sbarrier.arrive $0xFFFF  }
0x372: {  	_ =	shalt  }

</sc_bundles>
